<compile_context>
chip_gen: v7x
topology: tpu7x:2x2x1
jax: 0.10.2.dev20260603
libtpu: 0.0.44.dev20260713+nightly
codegen_flags: <defaults>
</compile_context>

<pallas_src>
import functools

import jax
import jax.numpy as jnp
from jax import lax
from jax.experimental import pallas as pl
from jax.experimental.pallas import tpu as pltpu
from jax.experimental.pallas import tpu_sc as plsc

N = 10000
NP = 10240
E = 320000
NC = 2
NS = 16
NW = NC * NS
CH = 128
RW = E // CH
NB = 4
MAXC = RW // NW + 1
NG = 20
RPT = NP // NS

_SC_PARAMS = pltpu.CompilerParams(use_tc_tiling_on_sc=False,
                                  needs_layout_passes=False)


def _worker_span(wid):
    lo = wid * RW // NW
    hi = (wid + 1) * RW // NW
    return lo, hi - lo


def _rsqrt16(d):
    i = plsc.bitcast(d, jnp.int32)
    y = plsc.bitcast(0x5F3759DF - lax.shift_right_logical(i, 1), jnp.float32)
    for _ in range(3):
        y = y * (1.5 - 0.5 * d * y * y)
    return y


def _edge_pipeline(sidx, didx, rows, gsem, ssem, g_sh, acc_sh, m):
    for b in range(NB):
        pltpu.async_copy(g_sh.at[sidx.at[b]], rows[b], gsem[b])

    def group(jj, carry):
        for b in range(NB):
            j = jj * NB + b

            @pl.when(j < m)
            def _():
                pltpu.make_async_copy(g_sh.at[sidx.at[j]], rows[b],
                                      gsem[b]).wait()
                pltpu.sync_copy(rows[b], acc_sh.at[didx.at[j]], add=True)

            @pl.when(j + NB < m)
            def _():
                pltpu.async_copy(g_sh.at[sidx.at[j + NB]], rows[b],
                                 gsem[b])
        return carry

    lax.fori_loop(0, NG, group, 0)


def _sc_degree():
    mesh = plsc.VectorSubcoreMesh(core_axis_name="c", subcore_axis_name="s")

    @functools.partial(
        pl.kernel,
        mesh=mesh,
        out_type=jax.ShapeDtypeStruct((NC, NP, 16), jnp.float32),
        compiler_params=_SC_PARAMS,
        scratch_types=[
            pltpu.VMEM((MAXC, CH), jnp.int32),
            pltpu.VMEM((CH, 16), jnp.float32),
            [pltpu.SemaphoreType.DMA for _ in range(NB)],
            pltpu.VMEM_SHARED((NP, 16), jnp.float32),
        ],
    )
    def k(ones_hbm, edges_hbm, zero_hbm, out_hbm, didx, ones_v, ssem, acc_sh):
        c = lax.axis_index("c")
        s = lax.axis_index("s")
        lo, m = _worker_span(c * NS + s)
        sl = pl.ds(s * RPT, RPT)
        stage = [
            pltpu.async_copy(edges_hbm.at[1, pl.ds(lo, MAXC)], didx, ssem[0]),
            pltpu.async_copy(ones_hbm, ones_v, ssem[1]),
            pltpu.async_copy(zero_hbm.at[sl], acc_sh.at[sl], ssem[2]),
        ]
        for d_ in stage:
            d_.wait()
        plsc.subcore_barrier()

        def group(jj, carry):
            for b in range(NB):
                j = jj * NB + b

                @pl.when(jj > 0)
                def _():
                    pltpu.make_async_copy(ones_v, acc_sh.at[didx.at[j]],
                                          ssem[b]).wait()

                @pl.when(j < m)
                def _():
                    pltpu.async_copy(ones_v, acc_sh.at[didx.at[j]], ssem[b],
                                     add=True)
            return carry

        lax.fori_loop(0, NG, group, 0)
        for b in range(NB):

            @pl.when((NG - 1) * NB + b < m)
            def _():
                pltpu.make_async_copy(ones_v, acc_sh.at[didx.at[b]],
                                      ssem[b]).wait()

        plsc.subcore_barrier()
        pltpu.sync_copy(acc_sh.at[sl], out_hbm.at[c, sl])

    return k


def _sc_layer1():
    F = 16
    mesh = plsc.VectorSubcoreMesh(core_axis_name="c", subcore_axis_name="s")

    @functools.partial(
        pl.kernel,
        mesh=mesh,
        out_type=(jax.ShapeDtypeStruct((NC, NP, F), jnp.float32),
                  jax.ShapeDtypeStruct((NP, F), jnp.float32),
                  jax.ShapeDtypeStruct((NP, F), jnp.float32)),
        compiler_params=_SC_PARAMS,
        scratch_types=[
            pltpu.VMEM((MAXC, CH), jnp.int32),
            pltpu.VMEM((MAXC, CH), jnp.int32),
            [pltpu.VMEM((CH, F), jnp.float32) for _ in range(NB)],
            [pltpu.SemaphoreType.DMA for _ in range(NB)],
            [pltpu.SemaphoreType.DMA for _ in range(NB)],
            pltpu.VMEM((RPT, F), jnp.float32),
            pltpu.VMEM((RPT, F), jnp.float32),
            pltpu.VMEM((RPT, F), jnp.float32),
            pltpu.VMEM((RPT, F), jnp.float32),
            pltpu.VMEM_SHARED((NP, F), jnp.float32),
            pltpu.VMEM_SHARED((NP, F), jnp.float32),
        ],
    )
    def k(degp_hbm, h1_hbm, edges_hbm, zero_hbm,
          out_hbm, g1_hbm, dinv_hbm,
          sidx, didx, rows, gsem, ssem, da_v, db_v, gg_v, dv_v, acc_sh, g_sh):
        c = lax.axis_index("c")
        s = lax.axis_index("s")
        lo, m = _worker_span(c * NS + s)
        sl = pl.ds(s * RPT, RPT)
        stage = [
            pltpu.async_copy(edges_hbm.at[0, pl.ds(lo, MAXC)], sidx, gsem[0]),
            pltpu.async_copy(edges_hbm.at[1, pl.ds(lo, MAXC)], didx, gsem[1]),
            pltpu.async_copy(zero_hbm.at[sl], acc_sh.at[sl], gsem[2]),
            pltpu.async_copy(degp_hbm.at[0, sl], da_v, gsem[3]),
            pltpu.async_copy(degp_hbm.at[1, sl], db_v, ssem[0]),
            pltpu.async_copy(h1_hbm.at[sl], gg_v, ssem[1]),
        ]
        for d_ in stage:
            d_.wait()

        def prep(r2, carry):
            for u in range(2):
                r = r2 * 2 + u
                d = da_v[r] + db_v[r] + 1.0
                y = _rsqrt16(d)
                dv_v[r] = y
                gg_v[r] = y * gg_v[r]
            return carry

        lax.fori_loop(0, RPT // 2, prep, 0)
        pltpu.sync_copy(gg_v, g_sh.at[sl])

        @pl.when(c == 0)
        def _():
            pltpu.sync_copy(gg_v, g1_hbm.at[sl])
            pltpu.sync_copy(dv_v, dinv_hbm.at[sl])

        plsc.subcore_barrier()
        _edge_pipeline(sidx, didx, rows, gsem, ssem, g_sh, acc_sh, m)
        plsc.subcore_barrier()
        pltpu.sync_copy(acc_sh.at[sl], out_hbm.at[c, sl])

    return k


def _sc_layer2():
    F = 16
    mesh = plsc.VectorSubcoreMesh(core_axis_name="c", subcore_axis_name="s")

    @functools.partial(
        pl.kernel,
        mesh=mesh,
        out_type=(jax.ShapeDtypeStruct((NC, NP, F), jnp.float32),
                  jax.ShapeDtypeStruct((NP, F), jnp.float32)),
        compiler_params=_SC_PARAMS,
        scratch_types=[
            pltpu.VMEM((MAXC, CH), jnp.int32),
            pltpu.VMEM((MAXC, CH), jnp.int32),
            [pltpu.VMEM((CH, F), jnp.float32) for _ in range(NB)],
            [pltpu.SemaphoreType.DMA for _ in range(NB)],
            [pltpu.SemaphoreType.DMA for _ in range(NB)],
            pltpu.VMEM((RPT, F), jnp.float32),
            pltpu.VMEM((RPT, F), jnp.float32),
            pltpu.VMEM((RPT, F), jnp.float32),
            pltpu.VMEM((RPT, F), jnp.float32),
            pltpu.VMEM((F,), jnp.float32),
            pltpu.VMEM_SHARED((NP, F), jnp.float32),
            pltpu.VMEM_SHARED((NP, F), jnp.float32),
        ],
    )
    def k(p1p_hbm, g1_hbm, dinv_hbm, b1_hbm, edges_hbm, zero_hbm,
          out_hbm, g2_hbm, sidx, didx, rows, gsem, ssem,
          pa_v, pb_v, gg_v, dv_v, b1_v, acc_sh, g_sh):
        c = lax.axis_index("c")
        s = lax.axis_index("s")
        lo, m = _worker_span(c * NS + s)
        sl = pl.ds(s * RPT, RPT)
        stage = [
            pltpu.async_copy(edges_hbm.at[0, pl.ds(lo, MAXC)], sidx, gsem[0]),
            pltpu.async_copy(edges_hbm.at[1, pl.ds(lo, MAXC)], didx, gsem[1]),
            pltpu.async_copy(zero_hbm.at[sl], acc_sh.at[sl], gsem[2]),
            pltpu.async_copy(p1p_hbm.at[0, sl], pa_v, gsem[3]),
            pltpu.async_copy(p1p_hbm.at[1, sl], pb_v, ssem[0]),
            pltpu.async_copy(g1_hbm.at[sl], gg_v, ssem[1]),
            pltpu.async_copy(dinv_hbm.at[sl], dv_v, ssem[2]),
            pltpu.async_copy(b1_hbm, b1_v, ssem[3]),
        ]
        for d_ in stage:
            d_.wait()
        b1r = b1_v[...]

        def combine(r2, carry):
            for u in range(2):
                r = r2 * 2 + u
                dv = dv_v[r]
                z = jnp.maximum(dv * (pa_v[r] + pb_v[r] + gg_v[r]) + b1r, 0.0)
                gg_v[r] = dv * z
            return carry

        lax.fori_loop(0, RPT // 2, combine, 0)
        pltpu.sync_copy(gg_v, g_sh.at[sl])

        @pl.when(c == 0)
        def _():
            pltpu.sync_copy(gg_v, g2_hbm.at[sl])

        plsc.subcore_barrier()
        _edge_pipeline(sidx, didx, rows, gsem, ssem, g_sh, acc_sh, m)
        plsc.subcore_barrier()
        pltpu.sync_copy(acc_sh.at[sl], out_hbm.at[c, sl])

    return k


def _sc_scatter(F):
    mesh = plsc.VectorSubcoreMesh(core_axis_name="c", subcore_axis_name="s")

    @functools.partial(
        pl.kernel,
        mesh=mesh,
        out_type=jax.ShapeDtypeStruct((NC, NP, F), jnp.float32),
        compiler_params=_SC_PARAMS,
        scratch_types=[
            pltpu.VMEM((MAXC, CH), jnp.int32),
            pltpu.VMEM((MAXC, CH), jnp.int32),
            [pltpu.VMEM((CH, F), jnp.float32) for _ in range(NB)],
            [pltpu.SemaphoreType.DMA for _ in range(NB)],
            [pltpu.SemaphoreType.DMA for _ in range(NB)],
            pltpu.VMEM_SHARED((NP, F), jnp.float32),
            pltpu.VMEM_SHARED((NP, F), jnp.float32),
        ],
    )
    def k(g_hbm, edges_hbm, zero_hbm, out_hbm,
          sidx, didx, rows, gsem, ssem, acc_sh, g_sh):
        c = lax.axis_index("c")
        s = lax.axis_index("s")
        lo, m = _worker_span(c * NS + s)
        sl = pl.ds(s * RPT, RPT)
        stage = [
            pltpu.async_copy(edges_hbm.at[0, pl.ds(lo, MAXC)], sidx, gsem[0]),
            pltpu.async_copy(edges_hbm.at[1, pl.ds(lo, MAXC)], didx, gsem[1]),
            pltpu.async_copy(zero_hbm.at[sl], acc_sh.at[sl], gsem[2]),
            pltpu.async_copy(g_hbm.at[sl], g_sh.at[sl], gsem[3]),
        ]
        for d_ in stage:
            d_.wait()
        plsc.subcore_barrier()
        _edge_pipeline(sidx, didx, rows, gsem, ssem, g_sh, acc_sh, m)
        plsc.subcore_barrier()
        pltpu.sync_copy(acc_sh.at[sl], out_hbm.at[c, sl])

    return k


def _tc_h1(x8, w1e):
    def body(x_ref, w_ref, h_ref):
        h = jnp.dot(x_ref[...], w_ref[...], preferred_element_type=jnp.float32)
        h_ref[...] = jnp.concatenate(
            [h, jnp.zeros(((NP - N) // 8, 128), jnp.float32)], axis=0)

    return pl.pallas_call(
        body,
        out_shape=jax.ShapeDtypeStruct((NP // 8, 128), jnp.float32),
    )(x8, w1e)


def _tc_mid3(pp, g, dinv16p, rep, b, w2e, w3e):
    def body(pp_ref, g_ref, d16_ref, rep_ref, b_ref, w2_ref, w3_ref, out_ref):
        h2 = jnp.dot(pp_ref[0] + pp_ref[1] + g_ref[...], w2_ref[...],
                     preferred_element_type=jnp.float32)
        d32 = jnp.dot(d16_ref[...], rep_ref[...],
                      preferred_element_type=jnp.float32)
        z = jnp.maximum(d32 * h2 + b_ref[...], 0.0)
        out_ref[...] = d16_ref[...] * jnp.dot(
            z, w3_ref[...], preferred_element_type=jnp.float32)

    return pl.pallas_call(
        body,
        out_shape=jax.ShapeDtypeStruct((NP // 8, 128), jnp.float32),
    )(pp, g, dinv16p, rep, b, w2e, w3e)


def _tc_final(pp, g, dinv16p, b, wce, bce):
    def body(pp_ref, g_ref, d16_ref, b_ref, wc_ref, bc_ref, out_ref):
        z = jnp.maximum(
            d16_ref[...] * (pp_ref[0] + pp_ref[1] + g_ref[...]) + b_ref[...],
            0.0)
        out_ref[...] = jnp.dot(z, wc_ref[...],
                               preferred_element_type=jnp.float32) + bc_ref[...]

    return pl.pallas_call(
        body,
        out_shape=jax.ShapeDtypeStruct((NP // 8, 24), jnp.float32),
    )(pp, g, dinv16p, b, wce, bce)


def kernel(x, edge_index, W1, b1, W2, b2, W3, b3, Wc, bc):
    edges = edge_index.astype(jnp.int32).reshape(2, RW, CH)

    zeros16 = jnp.zeros((NP, 16), jnp.float32)
    ones16 = jnp.ones((CH, 16), jnp.float32)

    eye8 = jnp.eye(8, dtype=jnp.float32)
    h1p = _tc_h1(x.reshape(N // 8, 1024), jnp.kron(eye8, W1))
    degp = _sc_degree()(ones16, edges, zeros16)
    p1, g1, dinv = _sc_layer1()(degp, h1p.reshape(NP, 16), edges, zeros16)
    p2, g2 = _sc_layer2()(p1, g1, dinv, b1, edges, zeros16)
    rep = jnp.kron(eye8, jnp.ones((16, 32), jnp.float32) / 16.0)
    g3p = _tc_mid3(p2.reshape(NC, NP // 8, 128), g2.reshape(NP // 8, 128),
                   dinv.reshape(NP // 8, 128), rep,
                   jnp.tile(b2, 8).reshape(1, 256),
                   jnp.kron(eye8, W2), jnp.kron(eye8, W3))
    p3 = _sc_scatter(16)(g3p.reshape(NP, 16), edges, zeros16)
    outp = _tc_final(p3.reshape(NC, NP // 8, 128), g3p,
                     dinv.reshape(NP // 8, 128),
                     jnp.tile(b3, 8).reshape(1, 128),
                     jnp.kron(eye8, Wc), jnp.tile(bc, 8).reshape(1, 24))
    return outp.reshape(NP, 3)[:N]

# --- scband reference (transcript-rebuilt; emitter-appended) ---
"""Pipeline reference for scband-color-gnnsmall-37108517437616 (READ-ONLY COPY).

The authoritative reference and input builder live on the scoring server;
editing this copy changes nothing except your own understanding.
"""

import jax, jax.numpy as jnp
import numpy as np

N_NODES = 10000
N_EDGES = 320000
F_IN = 128


def gcn_conv(x, src, dst, W, b):
    N = x.shape[0]
    deg = jnp.zeros((N,), x.dtype).at[dst].add(1.0)
    dinv = jnp.where(deg > 0, 1.0 / jnp.sqrt(deg), 0.0)
    norm = dinv[src] * dinv[dst]
    h = x @ W
    msg = h[src] * norm[:, None]
    out = jnp.zeros((N, W.shape[1]), x.dtype).at[dst].add(msg)
    return out + b


def setup_inputs(seed: int = 0):
    key = jax.random.key(seed)
    ks = jax.random.split(key, 12)
    x = jax.random.normal(ks[0], (N_NODES, F_IN), jnp.float32)
    edge_index = jax.random.randint(ks[1], (2, N_EDGES), 0, N_NODES, dtype=jnp.int32)

    def glorot(k, fan_in, fan_out):
        s = jnp.sqrt(6.0 / (fan_in + fan_out))
        return jax.random.uniform(k, (fan_in, fan_out), jnp.float32, -s, s)

    return {
        "x": x,
        "edge_index": edge_index,
        "W1": glorot(ks[2], F_IN, 16), "b1": jnp.zeros((16,), jnp.float32),
        "W2": glorot(ks[3], 16, 32), "b2": jnp.zeros((32,), jnp.float32),
        "W3": glorot(ks[4], 32, 16), "b3": jnp.zeros((16,), jnp.float32),
        "Wc": glorot(ks[5], 16, 3), "bc": jnp.zeros((3,), jnp.float32),
    }


def reference(x, edge_index, W1, b1, W2, b2, W3, b3, Wc, bc):
    N = x.shape[0]
    loops = jnp.arange(N, dtype=edge_index.dtype)
    src = jnp.concatenate([edge_index[0], loops])
    dst = jnp.concatenate([edge_index[1], loops])
    h = gcn_conv(x, src, dst, W1, b1)
    h = jax.nn.relu(h)
    h = gcn_conv(h, src, dst, W2, b2)
    h = jax.nn.relu(h)
    h = gcn_conv(h, src, dst, W3, b3)
    h = jax.nn.relu(h)
    out = h @ Wc + bc
    return out

if __name__ == "__main__":
    import jax
    _d = setup_inputs()
    print(jax.jit(kernel)(*tuple(_d.values())))

</pallas_src>

<mosaic_0001>
#map = affine_map<(d0, d1) -> (0, 0, 0)>
#map1 = affine_map<(d0, d1) -> (0, 0)>
#map2 = affine_map<(d0, d1) -> (0)>
module attributes {stable_mosaic.version = 14 : i64} {
  func.func @k(%arg0: i32, %arg1: i32, %arg2: memref<2x10240x16xf32, #tpu.memory_space<hbm>>, %arg3: memref<10240x16xf32, #tpu.memory_space<hbm>>, %arg4: memref<10240x16xf32, #tpu.memory_space<hbm>>, %arg5: memref<16xf32, #tpu.memory_space<hbm>>, %arg6: memref<2x2500x128xi32, #tpu.memory_space<hbm>>, %arg7: memref<10240x16xf32, #tpu.memory_space<hbm>>, %arg8: memref<2x10240x16xf32, #tpu.memory_space<hbm>>, %arg9: memref<10240x16xf32, #tpu.memory_space<hbm>>, %arg10: memref<79x128xi32, #tpu.memory_space<vmem>>, %arg11: memref<79x128xi32, #tpu.memory_space<vmem>>, %arg12: memref<128x16xf32, #tpu.memory_space<vmem>>, %arg13: memref<128x16xf32, #tpu.memory_space<vmem>>, %arg14: memref<128x16xf32, #tpu.memory_space<vmem>>, %arg15: memref<128x16xf32, #tpu.memory_space<vmem>>, %arg16: memref<!tpu.dma_semaphore, #tpu.memory_space<semaphore_mem>>, %arg17: memref<!tpu.dma_semaphore, #tpu.memory_space<semaphore_mem>>, %arg18: memref<!tpu.dma_semaphore, #tpu.memory_space<semaphore_mem>>, %arg19: memref<!tpu.dma_semaphore, #tpu.memory_space<semaphore_mem>>, %arg20: memref<!tpu.dma_semaphore, #tpu.memory_space<semaphore_mem>>, %arg21: memref<!tpu.dma_semaphore, #tpu.memory_space<semaphore_mem>>, %arg22: memref<!tpu.dma_semaphore, #tpu.memory_space<semaphore_mem>>, %arg23: memref<!tpu.dma_semaphore, #tpu.memory_space<semaphore_mem>>, %arg24: memref<640x16xf32, #tpu.memory_space<vmem>>, %arg25: memref<640x16xf32, #tpu.memory_space<vmem>>, %arg26: memref<640x16xf32, #tpu.memory_space<vmem>>, %arg27: memref<640x16xf32, #tpu.memory_space<vmem>>, %arg28: memref<16xf32, #tpu.memory_space<vmem>>, %arg29: memref<10240x16xf32, #tpu.memory_space<vmem_shared>>, %arg30: memref<10240x16xf32, #tpu.memory_space<vmem_shared>>) attributes {dimension_semantics = [#tpu.dimension_semantics<core_parallel>, #tpu.dimension_semantics<subcore_parallel>], iteration_bounds = array<i64: 2, 16>, scalar_prefetch = 0 : i64, scratch_operands = 21 : i64, tpu.core_type = #tpu.core_type<sc_vector_subcore>, window_params = [{transform_indices = #map}, {transform_indices = #map1}, {transform_indices = #map1}, {transform_indices = #map2}, {transform_indices = #map}, {transform_indices = #map1}, {transform_indices = #map}, {transform_indices = #map1}]} {
    %mul3A = arith.constant 16 : i32
    %mul3A_0 = arith.muli %arg0, %mul3A : i32
    %add3A = arith.addi %mul3A_0, %arg1 : i32
    %mul3A_1 = arith.constant 2500 : i32
    %mul3A_2 = arith.muli %add3A, %mul3A_1 : i32
    %jit3A = arith.constant 32 : i32
    %div3A = arith.divsi %mul3A_2, %jit3A : i32
    %sign3A = arith.constant 0 : i32
    %sign3A_3 = arith.cmpi sgt, %mul3A_2, %sign3A : i32
    %sign3A_4 = arith.extui %sign3A_3 : i1 to i32
    %sign3A_5 = arith.constant 0 : i32
    %sign3A_6 = arith.cmpi slt, %mul3A_2, %sign3A_5 : i32
    %sign3A_7 = arith.extui %sign3A_6 : i1 to i32
    %sign3A_8 = arith.subi %sign3A_4, %sign3A_7 : i32
    %sign3A_9 = arith.constant 0 : i32
    %sign3A_10 = arith.cmpi sgt, %jit3A, %sign3A_9 : i32
    %sign3A_11 = arith.extui %sign3A_10 : i1 to i32
    %sign3A_12 = arith.constant 0 : i32
    %sign3A_13 = arith.cmpi slt, %jit3A, %sign3A_12 : i32
    %sign3A_14 = arith.extui %sign3A_13 : i1 to i32
    %sign3A_15 = arith.subi %sign3A_11, %sign3A_14 : i32
    %ne3A = arith.cmpi ne, %sign3A_8, %sign3A_15 : i32
    %rem3A = arith.remsi %mul3A_2, %jit3A : i32
    %ne3A_16 = arith.constant 0 : i32
    %ne3A_17 = arith.cmpi ne, %rem3A, %ne3A_16 : i32
    %and3A = arith.andi %ne3A, %ne3A_17 : i1
    %sub3A = arith.constant 1 : i32
    %sub3A_18 = arith.subi %div3A, %sub3A : i32
    %select_n3A = arith.select %and3A, %sub3A_18, %div3A : i32
    %add3A_19 = arith.constant 1 : i32
    %add3A_20 = arith.addi %add3A, %add3A_19 : i32
    %mul3A_21 = arith.constant 2500 : i32
    %mul3A_22 = arith.muli %add3A_20, %mul3A_21 : i32
    %jit3A_23 = arith.constant 32 : i32
    %div3A_24 = arith.divsi %mul3A_22, %jit3A_23 : i32
    %sign3A_25 = arith.constant 0 : i32
    %sign3A_26 = arith.cmpi sgt, %mul3A_22, %sign3A_25 : i32
    %sign3A_27 = arith.extui %sign3A_26 : i1 to i32
    %sign3A_28 = arith.constant 0 : i32
    %sign3A_29 = arith.cmpi slt, %mul3A_22, %sign3A_28 : i32
    %sign3A_30 = arith.extui %sign3A_29 : i1 to i32
    %sign3A_31 = arith.subi %sign3A_27, %sign3A_30 : i32
    %sign3A_32 = arith.constant 0 : i32
    %sign3A_33 = arith.cmpi sgt, %jit3A_23, %sign3A_32 : i32
    %sign3A_34 = arith.extui %sign3A_33 : i1 to i32
    %sign3A_35 = arith.constant 0 : i32
    %sign3A_36 = arith.cmpi slt, %jit3A_23, %sign3A_35 : i32
    %sign3A_37 = arith.extui %sign3A_36 : i1 to i32
    %sign3A_38 = arith.subi %sign3A_34, %sign3A_37 : i32
    %ne3A_39 = arith.cmpi ne, %sign3A_31, %sign3A_38 : i32
    %rem3A_40 = arith.remsi %mul3A_22, %jit3A_23 : i32
    %ne3A_41 = arith.constant 0 : i32
    %ne3A_42 = arith.cmpi ne, %rem3A_40, %ne3A_41 : i32
    %and3A_43 = arith.andi %ne3A_39, %ne3A_42 : i1
    %sub3A_44 = arith.constant 1 : i32
    %sub3A_45 = arith.subi %div3A_24, %sub3A_44 : i32
    %select_n3A_46 = arith.select %and3A_43, %sub3A_45, %div3A_24 : i32
    %sub3A_47 = arith.subi %select_n3A_46, %select_n3A : i32
    %mul3A_48 = arith.constant 640 : i32
    %mul3A_49 = arith.muli %arg1, %mul3A_48 : i32
    %dma_start3A = arith.constant 0 : i32
    %dma_start3A_50 = arith.constant 0 : i32
    %dma_start3A_51 = tpu.memref_slice %arg6[%dma_start3A, %select_n3A, %dma_start3A_50] : memref<2x2500x128xi32, #tpu.memory_space<hbm>> -> memref<1x79x128xi32, #tpu.memory_space<hbm>>
    %dma_start3A_52 = tpu.memref_squeeze %dma_start3A_51 : memref<1x79x128xi32, #tpu.memory_space<hbm>> -> memref<79x128xi32, #tpu.memory_space<hbm>>
    %dma_start3A_53 = arith.constant 0 : i32
    %dma_start3A_54 = tpu.memref_slice %arg6[%dma_start3A, %select_n3A, %dma_start3A_53] : memref<2x2500x128xi32, #tpu.memory_space<hbm>> -> memref<1x79x128xi32, #tpu.memory_space<hbm>>
    %dma_start3A_55 = tpu.memref_squeeze %dma_start3A_54 : memref<1x79x128xi32, #tpu.memory_space<hbm>> -> memref<79x128xi32, #tpu.memory_space<hbm>>
    tpu.enqueue_dma source(%dma_start3A_55 : memref<79x128xi32, #tpu.memory_space<hbm>>) target(%arg10 : memref<79x128xi32, #tpu.memory_space<vmem>>) target_semaphore(%arg16 : memref<!tpu.dma_semaphore, #tpu.memory_space<semaphore_mem>>)
    %dma_start3A_56 = arith.constant 1 : i32
    %dma_start3A_57 = arith.constant 0 : i32
    %dma_start3A_58 = tpu.memref_slice %arg6[%dma_start3A_56, %select_n3A, %dma_start3A_57] : memref<2x2500x128xi32, #tpu.memory_space<hbm>> -> memref<1x79x128xi32, #tpu.memory_space<hbm>>
    %dma_start3A_59 = tpu.memref_squeeze %dma_start3A_58 : memref<1x79x128xi32, #tpu.memory_space<hbm>> -> memref<79x128xi32, #tpu.memory_space<hbm>>
    %dma_start3A_60 = arith.constant 0 : i32
    %dma_start3A_61 = tpu.memref_slice %arg6[%dma_start3A_56, %select_n3A, %dma_start3A_60] : memref<2x2500x128xi32, #tpu.memory_space<hbm>> -> memref<1x79x128xi32, #tpu.memory_space<hbm>>
    %dma_start3A_62 = tpu.memref_squeeze %dma_start3A_61 : memref<1x79x128xi32, #tpu.memory_space<hbm>> -> memref<79x128xi32, #tpu.memory_space<hbm>>
    tpu.enqueue_dma source(%dma_start3A_62 : memref<79x128xi32, #tpu.memory_space<hbm>>) target(%arg11 : memref<79x128xi32, #tpu.memory_space<vmem>>) target_semaphore(%arg17 : memref<!tpu.dma_semaphore, #tpu.memory_space<semaphore_mem>>)
    %dma_start3A_63 = arith.constant 0 : i32
    %dma_start3A_64 = tpu.memref_slice %arg29[%mul3A_49, %dma_start3A_63] : memref<10240x16xf32, #tpu.memory_space<vmem_shared>> -> memref<640x16xf32, #tpu.memory_space<vmem_shared>>
    %dma_start3A_65 = arith.constant 0 : i32
    %dma_start3A_66 = tpu.memref_slice %arg7[%mul3A_49, %dma_start3A_65] : memref<10240x16xf32, #tpu.memory_space<hbm>> -> memref<640x16xf32, #tpu.memory_space<hbm>>
    tpu.enqueue_dma source(%dma_start3A_66 : memref<640x16xf32, #tpu.memory_space<hbm>>) target(%dma_start3A_64 : memref<640x16xf32, #tpu.memory_space<vmem_shared>>) target_semaphore(%arg18 : memref<!tpu.dma_semaphore, #tpu.memory_space<semaphore_mem>>)
    %dma_start3A_67 = arith.constant 0 : i32
    %dma_start3A_68 = arith.constant 0 : i32
    %dma_start3A_69 = tpu.memref_slice %arg2[%dma_start3A_67, %mul3A_49, %dma_start3A_68] : memref<2x10240x16xf32, #tpu.memory_space<hbm>> -> memref<1x640x16xf32, #tpu.memory_space<hbm>>
    %dma_start3A_70 = tpu.memref_squeeze %dma_start3A_69 : memref<1x640x16xf32, #tpu.memory_space<hbm>> -> memref<640x16xf32, #tpu.memory_space<hbm>>
    %dma_start3A_71 = arith.constant 0 : i32
    %dma_start3A_72 = tpu.memref_slice %arg2[%dma_start3A_67, %mul3A_49, %dma_start3A_71] : memref<2x10240x16xf32, #tpu.memory_space<hbm>> -> memref<1x640x16xf32, #tpu.memory_space<hbm>>
    %dma_start3A_73 = tpu.memref_squeeze %dma_start3A_72 : memref<1x640x16xf32, #tpu.memory_space<hbm>> -> memref<640x16xf32, #tpu.memory_space<hbm>>
    tpu.enqueue_dma source(%dma_start3A_73 : memref<640x16xf32, #tpu.memory_space<hbm>>) target(%arg24 : memref<640x16xf32, #tpu.memory_space<vmem>>) target_semaphore(%arg19 : memref<!tpu.dma_semaphore, #tpu.memory_space<semaphore_mem>>)
    %dma_start3A_74 = arith.constant 1 : i32
    %dma_start3A_75 = arith.constant 0 : i32
    %dma_start3A_76 = tpu.memref_slice %arg2[%dma_start3A_74, %mul3A_49, %dma_start3A_75] : memref<2x10240x16xf32, #tpu.memory_space<hbm>> -> memref<1x640x16xf32, #tpu.memory_space<hbm>>
    %dma_start3A_77 = tpu.memref_squeeze %dma_start3A_76 : memref<1x640x16xf32, #tpu.memory_space<hbm>> -> memref<640x16xf32, #tpu.memory_space<hbm>>
    %dma_start3A_78 = arith.constant 0 : i32
    %dma_start3A_79 = tpu.memref_slice %arg2[%dma_start3A_74, %mul3A_49, %dma_start3A_78] : memref<2x10240x16xf32, #tpu.memory_space<hbm>> -> memref<1x640x16xf32, #tpu.memory_space<hbm>>
    %dma_start3A_80 = tpu.memref_squeeze %dma_start3A_79 : memref<1x640x16xf32, #tpu.memory_space<hbm>> -> memref<640x16xf32, #tpu.memory_space<hbm>>
    tpu.enqueue_dma source(%dma_start3A_80 : memref<640x16xf32, #tpu.memory_space<hbm>>) target(%arg25 : memref<640x16xf32, #tpu.memory_space<vmem>>) target_semaphore(%arg20 : memref<!tpu.dma_semaphore, #tpu.memory_space<semaphore_mem>>)
    %dma_start3A_81 = arith.constant 0 : i32
    %dma_start3A_82 = tpu.memref_slice %arg3[%mul3A_49, %dma_start3A_81] : memref<10240x16xf32, #tpu.memory_space<hbm>> -> memref<640x16xf32, #tpu.memory_space<hbm>>
    %dma_start3A_83 = arith.constant 0 : i32
    %dma_start3A_84 = tpu.memref_slice %arg3[%mul3A_49, %dma_start3A_83] : memref<10240x16xf32, #tpu.memory_space<hbm>> -> memref<640x16xf32, #tpu.memory_space<hbm>>
    tpu.enqueue_dma source(%dma_start3A_84 : memref<640x16xf32, #tpu.memory_space<hbm>>) target(%arg26 : memref<640x16xf32, #tpu.memory_space<vmem>>) target_semaphore(%arg21 : memref<!tpu.dma_semaphore, #tpu.memory_space<semaphore_mem>>)
    %dma_start3A_85 = arith.constant 0 : i32
    %dma_start3A_86 = tpu.memref_slice %arg4[%mul3A_49, %dma_start3A_85] : memref<10240x16xf32, #tpu.memory_space<hbm>> -> memref<640x16xf32, #tpu.memory_space<hbm>>
    %dma_start3A_87 = arith.constant 0 : i32
    %dma_start3A_88 = tpu.memref_slice %arg4[%mul3A_49, %dma_start3A_87] : memref<10240x16xf32, #tpu.memory_space<hbm>> -> memref<640x16xf32, #tpu.memory_space<hbm>>
    tpu.enqueue_dma source(%dma_start3A_88 : memref<640x16xf32, #tpu.memory_space<hbm>>) target(%arg27 : memref<640x16xf32, #tpu.memory_space<vmem>>) target_semaphore(%arg22 : memref<!tpu.dma_semaphore, #tpu.memory_space<semaphore_mem>>)
    tpu.enqueue_dma source(%arg5 : memref<16xf32, #tpu.memory_space<hbm>>) target(%arg28 : memref<16xf32, #tpu.memory_space<vmem>>) target_semaphore(%arg23 : memref<!tpu.dma_semaphore, #tpu.memory_space<semaphore_mem>>)
    %dma_wait3A = arith.constant 0 : i32
    %dma_wait3A_89 = arith.constant 0 : i32
    %dma_wait3A_90 = tpu.memref_slice %arg6[%dma_wait3A, %select_n3A, %dma_wait3A_89] : memref<2x2500x128xi32, #tpu.memory_space<hbm>> -> memref<1x79x128xi32, #tpu.memory_space<hbm>>
    %dma_wait3A_91 = tpu.memref_squeeze %dma_wait3A_90 : memref<1x79x128xi32, #tpu.memory_space<hbm>> -> memref<79x128xi32, #tpu.memory_space<hbm>>
    %dma_wait3A_92 = arith.constant 0 : i32
    %dma_wait3A_93 = tpu.memref_slice %arg6[%dma_wait3A, %select_n3A, %dma_wait3A_92] : memref<2x2500x128xi32, #tpu.memory_space<hbm>> -> memref<1x79x128xi32, #tpu.memory_space<hbm>>
    %dma_wait3A_94 = tpu.memref_squeeze %dma_wait3A_93 : memref<1x79x128xi32, #tpu.memory_space<hbm>> -> memref<79x128xi32, #tpu.memory_space<hbm>>
    tpu.wait_dma2 semaphore(%arg16 : memref<!tpu.dma_semaphore, #tpu.memory_space<semaphore_mem>>) src(%dma_wait3A_94 : memref<79x128xi32, #tpu.memory_space<hbm>>) dst(%arg10 : memref<79x128xi32, #tpu.memory_space<vmem>>)
    %dma_wait3A_95 = arith.constant 1 : i32
    %dma_wait3A_96 = arith.constant 0 : i32
    %dma_wait3A_97 = tpu.memref_slice %arg6[%dma_wait3A_95, %select_n3A, %dma_wait3A_96] : memref<2x2500x128xi32, #tpu.memory_space<hbm>> -> memref<1x79x128xi32, #tpu.memory_space<hbm>>
    %dma_wait3A_98 = tpu.memref_squeeze %dma_wait3A_97 : memref<1x79x128xi32, #tpu.memory_space<hbm>> -> memref<79x128xi32, #tpu.memory_space<hbm>>
    %dma_wait3A_99 = arith.constant 0 : i32
    %dma_wait3A_100 = tpu.memref_slice %arg6[%dma_wait3A_95, %select_n3A, %dma_wait3A_99] : memref<2x2500x128xi32, #tpu.memory_space<hbm>> -> memref<1x79x128xi32, #tpu.memory_space<hbm>>
    %dma_wait3A_101 = tpu.memref_squeeze %dma_wait3A_100 : memref<1x79x128xi32, #tpu.memory_space<hbm>> -> memref<79x128xi32, #tpu.memory_space<hbm>>
    tpu.wait_dma2 semaphore(%arg17 : memref<!tpu.dma_semaphore, #tpu.memory_space<semaphore_mem>>) src(%dma_wait3A_101 : memref<79x128xi32, #tpu.memory_space<hbm>>) dst(%arg11 : memref<79x128xi32, #tpu.memory_space<vmem>>)
    %dma_wait3A_102 = arith.constant 0 : i32
    %dma_wait3A_103 = tpu.memref_slice %arg29[%mul3A_49, %dma_wait3A_102] : memref<10240x16xf32, #tpu.memory_space<vmem_shared>> -> memref<640x16xf32, #tpu.memory_space<vmem_shared>>
    %dma_wait3A_104 = arith.constant 0 : i32
    %dma_wait3A_105 = tpu.memref_slice %arg7[%mul3A_49, %dma_wait3A_104] : memref<10240x16xf32, #tpu.memory_space<hbm>> -> memref<640x16xf32, #tpu.memory_space<hbm>>
    tpu.wait_dma2 semaphore(%arg18 : memref<!tpu.dma_semaphore, #tpu.memory_space<semaphore_mem>>) src(%dma_wait3A_105 : memref<640x16xf32, #tpu.memory_space<hbm>>) dst(%dma_wait3A_103 : memref<640x16xf32, #tpu.memory_space<vmem_shared>>)
    %dma_wait3A_106 = arith.constant 0 : i32
    %dma_wait3A_107 = arith.constant 0 : i32
    %dma_wait3A_108 = tpu.memref_slice %arg2[%dma_wait3A_106, %mul3A_49, %dma_wait3A_107] : memref<2x10240x16xf32, #tpu.memory_space<hbm>> -> memref<1x640x16xf32, #tpu.memory_space<hbm>>
    %dma_wait3A_109 = tpu.memref_squeeze %dma_wait3A_108 : memref<1x640x16xf32, #tpu.memory_space<hbm>> -> memref<640x16xf32, #tpu.memory_space<hbm>>
    %dma_wait3A_110 = arith.constant 0 : i32
    %dma_wait3A_111 = tpu.memref_slice %arg2[%dma_wait3A_106, %mul3A_49, %dma_wait3A_110] : memref<2x10240x16xf32, #tpu.memory_space<hbm>> -> memref<1x640x16xf32, #tpu.memory_space<hbm>>
    %dma_wait3A_112 = tpu.memref_squeeze %dma_wait3A_111 : memref<1x640x16xf32, #tpu.memory_space<hbm>> -> memref<640x16xf32, #tpu.memory_space<hbm>>
    tpu.wait_dma2 semaphore(%arg19 : memref<!tpu.dma_semaphore, #tpu.memory_space<semaphore_mem>>) src(%dma_wait3A_112 : memref<640x16xf32, #tpu.memory_space<hbm>>) dst(%arg24 : memref<640x16xf32, #tpu.memory_space<vmem>>)
    %dma_wait3A_113 = arith.constant 1 : i32
    %dma_wait3A_114 = arith.constant 0 : i32
    %dma_wait3A_115 = tpu.memref_slice %arg2[%dma_wait3A_113, %mul3A_49, %dma_wait3A_114] : memref<2x10240x16xf32, #tpu.memory_space<hbm>> -> memref<1x640x16xf32, #tpu.memory_space<hbm>>
    %dma_wait3A_116 = tpu.memref_squeeze %dma_wait3A_115 : memref<1x640x16xf32, #tpu.memory_space<hbm>> -> memref<640x16xf32, #tpu.memory_space<hbm>>
    %dma_wait3A_117 = arith.constant 0 : i32
    %dma_wait3A_118 = tpu.memref_slice %arg2[%dma_wait3A_113, %mul3A_49, %dma_wait3A_117] : memref<2x10240x16xf32, #tpu.memory_space<hbm>> -> memref<1x640x16xf32, #tpu.memory_space<hbm>>
    %dma_wait3A_119 = tpu.memref_squeeze %dma_wait3A_118 : memref<1x640x16xf32, #tpu.memory_space<hbm>> -> memref<640x16xf32, #tpu.memory_space<hbm>>
    tpu.wait_dma2 semaphore(%arg20 : memref<!tpu.dma_semaphore, #tpu.memory_space<semaphore_mem>>) src(%dma_wait3A_119 : memref<640x16xf32, #tpu.memory_space<hbm>>) dst(%arg25 : memref<640x16xf32, #tpu.memory_space<vmem>>)
    %dma_wait3A_120 = arith.constant 0 : i32
    %dma_wait3A_121 = tpu.memref_slice %arg3[%mul3A_49, %dma_wait3A_120] : memref<10240x16xf32, #tpu.memory_space<hbm>> -> memref<640x16xf32, #tpu.memory_space<hbm>>
    %dma_wait3A_122 = arith.constant 0 : i32
    %dma_wait3A_123 = tpu.memref_slice %arg3[%mul3A_49, %dma_wait3A_122] : memref<10240x16xf32, #tpu.memory_space<hbm>> -> memref<640x16xf32, #tpu.memory_space<hbm>>
    tpu.wait_dma2 semaphore(%arg21 : memref<!tpu.dma_semaphore, #tpu.memory_space<semaphore_mem>>) src(%dma_wait3A_123 : memref<640x16xf32, #tpu.memory_space<hbm>>) dst(%arg26 : memref<640x16xf32, #tpu.memory_space<vmem>>)
    %dma_wait3A_124 = arith.constant 0 : i32
    %dma_wait3A_125 = tpu.memref_slice %arg4[%mul3A_49, %dma_wait3A_124] : memref<10240x16xf32, #tpu.memory_space<hbm>> -> memref<640x16xf32, #tpu.memory_space<hbm>>
    %dma_wait3A_126 = arith.constant 0 : i32
    %dma_wait3A_127 = tpu.memref_slice %arg4[%mul3A_49, %dma_wait3A_126] : memref<10240x16xf32, #tpu.memory_space<hbm>> -> memref<640x16xf32, #tpu.memory_space<hbm>>
    tpu.wait_dma2 semaphore(%arg22 : memref<!tpu.dma_semaphore, #tpu.memory_space<semaphore_mem>>) src(%dma_wait3A_127 : memref<640x16xf32, #tpu.memory_space<hbm>>) dst(%arg27 : memref<640x16xf32, #tpu.memory_space<vmem>>)
    tpu.wait_dma2 semaphore(%arg23 : memref<!tpu.dma_semaphore, #tpu.memory_space<semaphore_mem>>) src(%arg5 : memref<16xf32, #tpu.memory_space<hbm>>) dst(%arg28 : memref<16xf32, #tpu.memory_space<vmem>>)
    %get3A = arith.constant 0 : index
    %get3A_128 = tpu.vector_load %arg28[%get3A] {strides = array<i32>} : memref<16xf32, #tpu.memory_space<vmem>>, vector<16xf32>,
    %scan3A = arith.constant 0 : i32
    %scan3A_129 = arith.constant 0 : i32
    %scan3A_130 = arith.constant 320 : i32
    %scan3A_131 = arith.addi %scan3A_129, %scan3A_130 : i32
    %scan3A_132 = arith.constant 1 : i32
    scf.for %scan3A_171 = %scan3A_129 to %scan3A_131 step %scan3A_132  : i32 {
      %mul3A_172 = arith.constant 2 : i32
      %mul3A_173 = arith.muli %scan3A_171, %mul3A_172 : i32
      %add3A_174 = arith.constant 0 : i32
      %add3A_175 = arith.addi %mul3A_173, %add3A_174 : i32
      %get3A_176 = arith.index_cast %add3A_175 : i32 to index
      %get3A_177 = arith.constant 0 : index
      %get3A_178 = tpu.vector_load %arg27[%get3A_176, %get3A_177] {strides = array<i32>} : memref<640x16xf32, #tpu.memory_space<vmem>>, vector<16xf32>,
      %get3A_179 = arith.index_cast %add3A_175 : i32 to index
      %get3A_180 = arith.constant 0 : index
      %get3A_181 = tpu.vector_load %arg24[%get3A_179, %get3A_180] {strides = array<i32>} : memref<640x16xf32, #tpu.memory_space<vmem>>, vector<16xf32>,
      %get3A_182 = arith.index_cast %add3A_175 : i32 to index
      %get3A_183 = arith.constant 0 : index
      %get3A_184 = tpu.vector_load %arg25[%get3A_182, %get3A_183] {strides = array<i32>} : memref<640x16xf32, #tpu.memory_space<vmem>>, vector<16xf32>,
      %add3A_185 = arith.addf %get3A_181, %get3A_184 : vector<16xf32>
      %get3A_186 = arith.index_cast %add3A_175 : i32 to index
      %get3A_187 = arith.constant 0 : index
      %get3A_188 = tpu.vector_load %arg26[%get3A_186, %get3A_187] {strides = array<i32>} : memref<640x16xf32, #tpu.memory_space<vmem>>, vector<16xf32>,
      %add3A_189 = arith.addf %add3A_185, %get3A_188 : vector<16xf32>
      %mul3A_190 = arith.mulf %get3A_178, %add3A_189 : vector<16xf32>
      %add3A_191 = arith.addf %mul3A_190, %get3A_128 : vector<16xf32>
      %max3A = arith.constant 0.000000e+00 : f32
      %max3A_192 = vector.broadcast %max3A : f32 to vector<16xf32>
      %max3A_193 = arith.maximumf %add3A_191, %max3A_192 : vector<16xf32>
      %mul3A_194 = arith.mulf %get3A_178, %max3A_193 : vector<16xf32>
      %swap3A = arith.index_cast %add3A_175 : i32 to index
      %swap3A_195 = arith.constant 0 : index
      %swap3A_196 = tpu.vector_load %arg26[%swap3A, %swap3A_195] {strides = array<i32>} : memref<640x16xf32, #tpu.memory_space<vmem>>, vector<16xf32>,
      tpu.vector_store %arg26[%swap3A, %swap3A_195], %mul3A_194 {strides = array<i32>} : memref<640x16xf32, #tpu.memory_space<vmem>>, vector<16xf32>,
      %mul3A_197 = arith.constant 2 : i32
      %mul3A_198 = arith.muli %scan3A_171, %mul3A_197 : i32
      %add3A_199 = arith.constant 1 : i32
      %add3A_200 = arith.addi %mul3A_198, %add3A_199 : i32
      %get3A_201 = arith.index_cast %add3A_200 : i32 to index
      %get3A_202 = arith.constant 0 : index
      %get3A_203 = tpu.vector_load %arg27[%get3A_201, %get3A_202] {strides = array<i32>} : memref<640x16xf32, #tpu.memory_space<vmem>>, vector<16xf32>,
      %get3A_204 = arith.index_cast %add3A_200 : i32 to index
      %get3A_205 = arith.constant 0 : index
      %get3A_206 = tpu.vector_load %arg24[%get3A_204, %get3A_205] {strides = array<i32>} : memref<640x16xf32, #tpu.memory_space<vmem>>, vector<16xf32>,
      %get3A_207 = arith.index_cast %add3A_200 : i32 to index
      %get3A_208 = arith.constant 0 : index
      %get3A_209 = tpu.vector_load %arg25[%get3A_207, %get3A_208] {strides = array<i32>} : memref<640x16xf32, #tpu.memory_space<vmem>>, vector<16xf32>,
      %add3A_210 = arith.addf %get3A_206, %get3A_209 : vector<16xf32>
      %get3A_211 = arith.index_cast %add3A_200 : i32 to index
      %get3A_212 = arith.constant 0 : index
      %get3A_213 = tpu.vector_load %arg26[%get3A_211, %get3A_212] {strides = array<i32>} : memref<640x16xf32, #tpu.memory_space<vmem>>, vector<16xf32>,
      %add3A_214 = arith.addf %add3A_210, %get3A_213 : vector<16xf32>
      %mul3A_215 = arith.mulf %get3A_203, %add3A_214 : vector<16xf32>
      %add3A_216 = arith.addf %mul3A_215, %get3A_128 : vector<16xf32>
      %max3A_217 = arith.constant 0.000000e+00 : f32
      %max3A_218 = vector.broadcast %max3A_217 : f32 to vector<16xf32>
      %max3A_219 = arith.maximumf %add3A_216, %max3A_218 : vector<16xf32>
      %mul3A_220 = arith.mulf %get3A_203, %max3A_219 : vector<16xf32>
      %swap3A_221 = arith.index_cast %add3A_200 : i32 to index
      %swap3A_222 = arith.constant 0 : index
      %swap3A_223 = tpu.vector_load %arg26[%swap3A_221, %swap3A_222] {strides = array<i32>} : memref<640x16xf32, #tpu.memory_space<vmem>>, vector<16xf32>,
      tpu.vector_store %arg26[%swap3A_221, %swap3A_222], %mul3A_220 {strides = array<i32>} : memref<640x16xf32, #tpu.memory_space<vmem>>, vector<16xf32>,
    }
    %scan3A_133 = arith.constant 320 : i32
    "tpu.region"() ({
      %run_scoped3A = tpu.sem_alloc : memref<!tpu.dma_semaphore, #tpu.memory_space<semaphore_mem>>
      %dma_start3A_171 = arith.constant 0 : i32
      %dma_start3A_172 = tpu.memref_slice %arg30[%mul3A_49, %dma_start3A_171] : memref<10240x16xf32, #tpu.memory_space<vmem_shared>> -> memref<640x16xf32, #tpu.memory_space<vmem_shared>>
      %dma_start3A_173 = arith.constant 0 : i32
      %dma_start3A_174 = tpu.memref_slice %arg30[%mul3A_49, %dma_start3A_173] : memref<10240x16xf32, #tpu.memory_space<vmem_shared>> -> memref<640x16xf32, #tpu.memory_space<vmem_shared>>
      tpu.enqueue_dma source(%arg26 : memref<640x16xf32, #tpu.memory_space<vmem>>) target(%dma_start3A_174 : memref<640x16xf32, #tpu.memory_space<vmem_shared>>) target_semaphore(%run_scoped3A : memref<!tpu.dma_semaphore, #tpu.memory_space<semaphore_mem>>)
      %dma_wait3A_175 = arith.constant 0 : i32
      %dma_wait3A_176 = tpu.memref_slice %arg30[%mul3A_49, %dma_wait3A_175] : memref<10240x16xf32, #tpu.memory_space<vmem_shared>> -> memref<640x16xf32, #tpu.memory_space<vmem_shared>>
      %dma_wait3A_177 = arith.constant 0 : i32
      %dma_wait3A_178 = tpu.memref_slice %arg30[%mul3A_49, %dma_wait3A_177] : memref<10240x16xf32, #tpu.memory_space<vmem_shared>> -> memref<640x16xf32, #tpu.memory_space<vmem_shared>>
      tpu.wait_dma2 semaphore(%run_scoped3A : memref<!tpu.dma_semaphore, #tpu.memory_space<semaphore_mem>>) src(%arg26 : memref<640x16xf32, #tpu.memory_space<vmem>>) dst(%dma_wait3A_178 : memref<640x16xf32, #tpu.memory_space<vmem_shared>>)
      tpu.yield
    }) : () -> ()
    %eq3A = arith.constant 0 : i32
    %eq3A_134 = arith.cmpi eq, %arg0, %eq3A : i32
    %convert_element_type3A = arith.extui %eq3A_134 : i1 to i32
    %cond3A = arith.constant 0 : i32
    %cond3A_135 = arith.cmpi ne, %convert_element_type3A, %cond3A : i32
    scf.if %cond3A_135 {
      "tpu.region"() ({
        %run_scoped3A = tpu.sem_alloc : memref<!tpu.dma_semaphore, #tpu.memory_space<semaphore_mem>>
        %dma_start3A_171 = arith.constant 0 : i32
        %dma_start3A_172 = tpu.memref_slice %arg9[%mul3A_49, %dma_start3A_171] : memref<10240x16xf32, #tpu.memory_space<hbm>> -> memref<640x16xf32, #tpu.memory_space<hbm>>
        %dma_start3A_173 = arith.constant 0 : i32
        %dma_start3A_174 = tpu.memref_slice %arg9[%mul3A_49, %dma_start3A_173] : memref<10240x16xf32, #tpu.memory_space<hbm>> -> memref<640x16xf32, #tpu.memory_space<hbm>>
        tpu.enqueue_dma source(%arg26 : memref<640x16xf32, #tpu.memory_space<vmem>>) target(%dma_start3A_174 : memref<640x16xf32, #tpu.memory_space<hbm>>) target_semaphore(%run_scoped3A : memref<!tpu.dma_semaphore, #tpu.memory_space<semaphore_mem>>)
        %dma_wait3A_175 = arith.constant 0 : i32
        %dma_wait3A_176 = tpu.memref_slice %arg9[%mul3A_49, %dma_wait3A_175] : memref<10240x16xf32, #tpu.memory_space<hbm>> -> memref<640x16xf32, #tpu.memory_space<hbm>>
        %dma_wait3A_177 = arith.constant 0 : i32
        %dma_wait3A_178 = tpu.memref_slice %arg9[%mul3A_49, %dma_wait3A_177] : memref<10240x16xf32, #tpu.memory_space<hbm>> -> memref<640x16xf32, #tpu.memory_space<hbm>>
        tpu.wait_dma2 semaphore(%run_scoped3A : memref<!tpu.dma_semaphore, #tpu.memory_space<semaphore_mem>>) src(%arg26 : memref<640x16xf32, #tpu.memory_space<vmem>>) dst(%dma_wait3A_178 : memref<640x16xf32, #tpu.memory_space<hbm>>)
        tpu.yield
      }) : () -> ()
    } else {
    }
    %barrier3A = arith.constant 0 : index
    tpu.barrier barrier_id(%barrier3A)
    %dma_start3A_136 = arith.constant 0 : i32
    %dma_start3A_137 = arith.constant 0 : i32
    %dma_start3A_138 = tpu.memref_slice %arg10[%dma_start3A_136, %dma_start3A_137] : memref<79x128xi32, #tpu.memory_space<vmem>> -> memref<1x128xi32, #tpu.memory_space<vmem>>
    %dma_start3A_139 = tpu.memref_squeeze %dma_start3A_138 : memref<1x128xi32, #tpu.memory_space<vmem>> -> memref<128xi32, #tpu.memory_space<vmem>>
    %dma_start3A_140 = arith.constant 0 : i32
    %dma_start3A_141 = arith.constant 0 : i32
    %dma_start3A_142 = tpu.memref_slice %arg30[%dma_start3A_140, %dma_start3A_141] : memref<10240x16xf32, #tpu.memory_space<vmem_shared>> -> memref<10240x16xf32, #tpu.memory_space<vmem_shared>>
    tpu.enqueue_indirect_dma source(%dma_start3A_142 : memref<10240x16xf32, #tpu.memory_space<vmem_shared>>) target(%arg12 : memref<128x16xf32, #tpu.memory_space<vmem>>) offsets(%dma_start3A_139 : memref<128xi32, #tpu.memory_space<vmem>>) semaphore(%arg16 : memref<!tpu.dma_semaphore, #tpu.memory_space<semaphore_mem>>)
    %dma_start3A_143 = arith.constant 1 : i32
    %dma_start3A_144 = arith.constant 0 : i32
    %dma_start3A_145 = tpu.memref_slice %arg10[%dma_start3A_143, %dma_start3A_144] : memref<79x128xi32, #tpu.memory_space<vmem>> -> memref<1x128xi32, #tpu.memory_space<vmem>>
    %dma_start3A_146 = tpu.memref_squeeze %dma_start3A_145 : memref<1x128xi32, #tpu.memory_space<vmem>> -> memref<128xi32, #tpu.memory_space<vmem>>
    %dma_start3A_147 = arith.constant 0 : i32
    %dma_start3A_148 = arith.constant 0 : i32
    %dma_start3A_149 = tpu.memref_slice %arg30[%dma_start3A_147, %dma_start3A_148] : memref<10240x16xf32, #tpu.memory_space<vmem_shared>> -> memref<10240x16xf32, #tpu.memory_space<vmem_shared>>
    tpu.enqueue_indirect_dma source(%dma_start3A_149 : memref<10240x16xf32, #tpu.memory_space<vmem_shared>>) target(%arg13 : memref<128x16xf32, #tpu.memory_space<vmem>>) offsets(%dma_start3A_146 : memref<128xi32, #tpu.memory_space<vmem>>) semaphore(%arg17 : memref<!tpu.dma_semaphore, #tpu.memory_space<semaphore_mem>>)
    %dma_start3A_150 = arith.constant 2 : i32
    %dma_start3A_151 = arith.constant 0 : i32
    %dma_start3A_152 = tpu.memref_slice %arg10[%dma_start3A_150, %dma_start3A_151] : memref<79x128xi32, #tpu.memory_space<vmem>> -> memref<1x128xi32, #tpu.memory_space<vmem>>
    %dma_start3A_153 = tpu.memref_squeeze %dma_start3A_152 : memref<1x128xi32, #tpu.memory_space<vmem>> -> memref<128xi32, #tpu.memory_space<vmem>>
    %dma_start3A_154 = arith.constant 0 : i32
    %dma_start3A_155 = arith.constant 0 : i32
    %dma_start3A_156 = tpu.memref_slice %arg30[%dma_start3A_154, %dma_start3A_155] : memref<10240x16xf32, #tpu.memory_space<vmem_shared>> -> memref<10240x16xf32, #tpu.memory_space<vmem_shared>>
    tpu.enqueue_indirect_dma source(%dma_start3A_156 : memref<10240x16xf32, #tpu.memory_space<vmem_shared>>) target(%arg14 : memref<128x16xf32, #tpu.memory_space<vmem>>) offsets(%dma_start3A_153 : memref<128xi32, #tpu.memory_space<vmem>>) semaphore(%arg18 : memref<!tpu.dma_semaphore, #tpu.memory_space<semaphore_mem>>)
    %dma_start3A_157 = arith.constant 3 : i32
    %dma_start3A_158 = arith.constant 0 : i32
    %dma_start3A_159 = tpu.memref_slice %arg10[%dma_start3A_157, %dma_start3A_158] : memref<79x128xi32, #tpu.memory_space<vmem>> -> memref<1x128xi32, #tpu.memory_space<vmem>>
    %dma_start3A_160 = tpu.memref_squeeze %dma_start3A_159 : memref<1x128xi32, #tpu.memory_space<vmem>> -> memref<128xi32, #tpu.memory_space<vmem>>
    %dma_start3A_161 = arith.constant 0 : i32
    %dma_start3A_162 = arith.constant 0 : i32
    %dma_start3A_163 = tpu.memref_slice %arg30[%dma_start3A_161, %dma_start3A_162] : memref<10240x16xf32, #tpu.memory_space<vmem_shared>> -> memref<10240x16xf32, #tpu.memory_space<vmem_shared>>
    tpu.enqueue_indirect_dma source(%dma_start3A_163 : memref<10240x16xf32, #tpu.memory_space<vmem_shared>>) target(%arg15 : memref<128x16xf32, #tpu.memory_space<vmem>>) offsets(%dma_start3A_160 : memref<128xi32, #tpu.memory_space<vmem>>) semaphore(%arg19 : memref<!tpu.dma_semaphore, #tpu.memory_space<semaphore_mem>>)
    %scan3A_164 = arith.constant 0 : i32
    %scan3A_165 = arith.constant 0 : i32
    %scan3A_166 = arith.constant 20 : i32
    %scan3A_167 = arith.addi %scan3A_165, %scan3A_166 : i32
    %scan3A_168 = arith.constant 1 : i32
    scf.for %scan3A_171 = %scan3A_165 to %scan3A_167 step %scan3A_168  : i32 {
      %mul3A_172 = arith.constant 4 : i32
      %mul3A_173 = arith.muli %scan3A_171, %mul3A_172 : i32
      %add3A_174 = arith.constant 0 : i32
      %add3A_175 = arith.addi %mul3A_173, %add3A_174 : i32
      %lt3A = arith.cmpi slt, %add3A_175, %sub3A_47 : i32
      %convert_element_type3A_176 = arith.extui %lt3A : i1 to i32
      %cond3A_177 = arith.constant 0 : i32
      %cond3A_178 = arith.cmpi ne, %convert_element_type3A_176, %cond3A_177 : i32
      scf.if %cond3A_178 {
        %dma_wait3A_227 = arith.constant 0 : i32
        %dma_wait3A_228 = tpu.memref_slice %arg10[%add3A_175, %dma_wait3A_227] : memref<79x128xi32, #tpu.memory_space<vmem>> -> memref<1x128xi32, #tpu.memory_space<vmem>>
        %dma_wait3A_229 = tpu.memref_squeeze %dma_wait3A_228 : memref<1x128xi32, #tpu.memory_space<vmem>> -> memref<128xi32, #tpu.memory_space<vmem>>
        %dma_wait3A_230 = arith.constant 0 : i32
        %dma_wait3A_231 = arith.constant 0 : i32
        %dma_wait3A_232 = tpu.memref_slice %arg30[%dma_wait3A_230, %dma_wait3A_231] : memref<10240x16xf32, #tpu.memory_space<vmem_shared>> -> memref<10240x16xf32, #tpu.memory_space<vmem_shared>>
        tpu.wait_indirect_dma semaphore(%arg16 : memref<!tpu.dma_semaphore, #tpu.memory_space<semaphore_mem>>) src(%dma_wait3A_232 : memref<10240x16xf32, #tpu.memory_space<vmem_shared>>) dst(%arg12 : memref<128x16xf32, #tpu.memory_space<vmem>>)
        "tpu.region"() ({
          %run_scoped3A = tpu.sem_alloc : memref<!tpu.dma_semaphore, #tpu.memory_space<semaphore_mem>>
          %dma_start3A_233 = arith.constant 0 : i32
          %dma_start3A_234 = tpu.memref_slice %arg11[%add3A_175, %dma_start3A_233] : memref<79x128xi32, #tpu.memory_space<vmem>> -> memref<1x128xi32, #tpu.memory_space<vmem>>
          %dma_start3A_235 = tpu.memref_squeeze %dma_start3A_234 : memref<1x128xi32, #tpu.memory_space<vmem>> -> memref<128xi32, #tpu.memory_space<vmem>>
          %dma_start3A_236 = arith.constant 0 : i32
          %dma_start3A_237 = arith.constant 0 : i32
          %dma_start3A_238 = tpu.memref_slice %arg29[%dma_start3A_236, %dma_start3A_237] : memref<10240x16xf32, #tpu.memory_space<vmem_shared>> -> memref<10240x16xf32, #tpu.memory_space<vmem_shared>>
          tpu.enqueue_indirect_dma source(%arg12 : memref<128x16xf32, #tpu.memory_space<vmem>>) target(%dma_start3A_238 : memref<10240x16xf32, #tpu.memory_space<vmem_shared>>) offsets(%dma_start3A_235 : memref<128xi32, #tpu.memory_space<vmem>>) semaphore(%run_scoped3A : memref<!tpu.dma_semaphore, #tpu.memory_space<semaphore_mem>>) {add = true}
          %dma_wait3A_239 = arith.constant 0 : i32
          %dma_wait3A_240 = tpu.memref_slice %arg11[%add3A_175, %dma_wait3A_239] : memref<79x128xi32, #tpu.memory_space<vmem>> -> memref<1x128xi32, #tpu.memory_space<vmem>>
          %dma_wait3A_241 = tpu.memref_squeeze %dma_wait3A_240 : memref<1x128xi32, #tpu.memory_space<vmem>> -> memref<128xi32, #tpu.memory_space<vmem>>
          %dma_wait3A_242 = arith.constant 0 : i32
          %dma_wait3A_243 = arith.constant 0 : i32
          %dma_wait3A_244 = tpu.memref_slice %arg29[%dma_wait3A_242, %dma_wait3A_243] : memref<10240x16xf32, #tpu.memory_space<vmem_shared>> -> memref<10240x16xf32, #tpu.memory_space<vmem_shared>>
          tpu.wait_indirect_dma semaphore(%run_scoped3A : memref<!tpu.dma_semaphore, #tpu.memory_space<semaphore_mem>>) src(%arg12 : memref<128x16xf32, #tpu.memory_space<vmem>>) dst(%dma_wait3A_244 : memref<10240x16xf32, #tpu.memory_space<vmem_shared>>)
          tpu.yield
        }) : () -> ()
      } else {
      }
      %add3A_179 = arith.constant 4 : i32
      %add3A_180 = arith.addi %add3A_175, %add3A_179 : i32
      %lt3A_181 = arith.cmpi slt, %add3A_180, %sub3A_47 : i32
      %convert_element_type3A_182 = arith.extui %lt3A_181 : i1 to i32
      %cond3A_183 = arith.constant 0 : i32
      %cond3A_184 = arith.cmpi ne, %convert_element_type3A_182, %cond3A_183 : i32
      scf.if %cond3A_184 {
        %add3A_227 = arith.constant 4 : i32
        %add3A_228 = arith.addi %add3A_175, %add3A_227 : i32
        %dma_start3A_229 = arith.constant 0 : i32
        %dma_start3A_230 = tpu.memref_slice %arg10[%add3A_228, %dma_start3A_229] : memref<79x128xi32, #tpu.memory_space<vmem>> -> memref<1x128xi32, #tpu.memory_space<vmem>>
        %dma_start3A_231 = tpu.memref_squeeze %dma_start3A_230 : memref<1x128xi32, #tpu.memory_space<vmem>> -> memref<128xi32, #tpu.memory_space<vmem>>
        %dma_start3A_232 = arith.constant 0 : i32
        %dma_start3A_233 = arith.constant 0 : i32
        %dma_start3A_234 = tpu.memref_slice %arg30[%dma_start3A_232, %dma_start3A_233] : memref<10240x16xf32, #tpu.memory_space<vmem_shared>> -> memref<10240x16xf32, #tpu.memory_space<vmem_shared>>
        tpu.enqueue_indirect_dma source(%dma_start3A_234 : memref<10240x16xf32, #tpu.memory_space<vmem_shared>>) target(%arg12 : memref<128x16xf32, #tpu.memory_space<vmem>>) offsets(%dma_start3A_231 : memref<128xi32, #tpu.memory_space<vmem>>) semaphore(%arg16 : memref<!tpu.dma_semaphore, #tpu.memory_space<semaphore_mem>>)
      } else {
      }
      %mul3A_185 = arith.constant 4 : i32
      %mul3A_186 = arith.muli %scan3A_171, %mul3A_185 : i32
      %add3A_187 = arith.constant 1 : i32
      %add3A_188 = arith.addi %mul3A_186, %add3A_187 : i32
      %lt3A_189 = arith.cmpi slt, %add3A_188, %sub3A_47 : i32
      %convert_element_type3A_190 = arith.extui %lt3A_189 : i1 to i32
      %cond3A_191 = arith.constant 0 : i32
      %cond3A_192 = arith.cmpi ne, %convert_element_type3A_190, %cond3A_191 : i32
      scf.if %cond3A_192 {
        %dma_wait3A_227 = arith.constant 0 : i32
        %dma_wait3A_228 = tpu.memref_slice %arg10[%add3A_188, %dma_wait3A_227] : memref<79x128xi32, #tpu.memory_space<vmem>> -> memref<1x128xi32, #tpu.memory_space<vmem>>
        %dma_wait3A_229 = tpu.memref_squeeze %dma_wait3A_228 : memref<1x128xi32, #tpu.memory_space<vmem>> -> memref<128xi32, #tpu.memory_space<vmem>>
        %dma_wait3A_230 = arith.constant 0 : i32
        %dma_wait3A_231 = arith.constant 0 : i32
        %dma_wait3A_232 = tpu.memref_slice %arg30[%dma_wait3A_230, %dma_wait3A_231] : memref<10240x16xf32, #tpu.memory_space<vmem_shared>> -> memref<10240x16xf32, #tpu.memory_space<vmem_shared>>
        tpu.wait_indirect_dma semaphore(%arg17 : memref<!tpu.dma_semaphore, #tpu.memory_space<semaphore_mem>>) src(%dma_wait3A_232 : memref<10240x16xf32, #tpu.memory_space<vmem_shared>>) dst(%arg13 : memref<128x16xf32, #tpu.memory_space<vmem>>)
        "tpu.region"() ({
          %run_scoped3A = tpu.sem_alloc : memref<!tpu.dma_semaphore, #tpu.memory_space<semaphore_mem>>
          %dma_start3A_233 = arith.constant 0 : i32
          %dma_start3A_234 = tpu.memref_slice %arg11[%add3A_188, %dma_start3A_233] : memref<79x128xi32, #tpu.memory_space<vmem>> -> memref<1x128xi32, #tpu.memory_space<vmem>>
          %dma_start3A_235 = tpu.memref_squeeze %dma_start3A_234 : memref<1x128xi32, #tpu.memory_space<vmem>> -> memref<128xi32, #tpu.memory_space<vmem>>
          %dma_start3A_236 = arith.constant 0 : i32
          %dma_start3A_237 = arith.constant 0 : i32
          %dma_start3A_238 = tpu.memref_slice %arg29[%dma_start3A_236, %dma_start3A_237] : memref<10240x16xf32, #tpu.memory_space<vmem_shared>> -> memref<10240x16xf32, #tpu.memory_space<vmem_shared>>
          tpu.enqueue_indirect_dma source(%arg13 : memref<128x16xf32, #tpu.memory_space<vmem>>) target(%dma_start3A_238 : memref<10240x16xf32, #tpu.memory_space<vmem_shared>>) offsets(%dma_start3A_235 : memref<128xi32, #tpu.memory_space<vmem>>) semaphore(%run_scoped3A : memref<!tpu.dma_semaphore, #tpu.memory_space<semaphore_mem>>) {add = true}
          %dma_wait3A_239 = arith.constant 0 : i32
          %dma_wait3A_240 = tpu.memref_slice %arg11[%add3A_188, %dma_wait3A_239] : memref<79x128xi32, #tpu.memory_space<vmem>> -> memref<1x128xi32, #tpu.memory_space<vmem>>
          %dma_wait3A_241 = tpu.memref_squeeze %dma_wait3A_240 : memref<1x128xi32, #tpu.memory_space<vmem>> -> memref<128xi32, #tpu.memory_space<vmem>>
          %dma_wait3A_242 = arith.constant 0 : i32
          %dma_wait3A_243 = arith.constant 0 : i32
          %dma_wait3A_244 = tpu.memref_slice %arg29[%dma_wait3A_242, %dma_wait3A_243] : memref<10240x16xf32, #tpu.memory_space<vmem_shared>> -> memref<10240x16xf32, #tpu.memory_space<vmem_shared>>
          tpu.wait_indirect_dma semaphore(%run_scoped3A : memref<!tpu.dma_semaphore, #tpu.memory_space<semaphore_mem>>) src(%arg13 : memref<128x16xf32, #tpu.memory_space<vmem>>) dst(%dma_wait3A_244 : memref<10240x16xf32, #tpu.memory_space<vmem_shared>>)
          tpu.yield
        }) : () -> ()
      } else {
      }
      %add3A_193 = arith.constant 4 : i32
      %add3A_194 = arith.addi %add3A_188, %add3A_193 : i32
      %lt3A_195 = arith.cmpi slt, %add3A_194, %sub3A_47 : i32
      %convert_element_type3A_196 = arith.extui %lt3A_195 : i1 to i32
      %cond3A_197 = arith.constant 0 : i32
      %cond3A_198 = arith.cmpi ne, %convert_element_type3A_196, %cond3A_197 : i32
      scf.if %cond3A_198 {
        %add3A_227 = arith.constant 4 : i32
        %add3A_228 = arith.addi %add3A_188, %add3A_227 : i32
        %dma_start3A_229 = arith.constant 0 : i32
        %dma_start3A_230 = tpu.memref_slice %arg10[%add3A_228, %dma_start3A_229] : memref<79x128xi32, #tpu.memory_space<vmem>> -> memref<1x128xi32, #tpu.memory_space<vmem>>
        %dma_start3A_231 = tpu.memref_squeeze %dma_start3A_230 : memref<1x128xi32, #tpu.memory_space<vmem>> -> memref<128xi32, #tpu.memory_space<vmem>>
        %dma_start3A_232 = arith.constant 0 : i32
        %dma_start3A_233 = arith.constant 0 : i32
        %dma_start3A_234 = tpu.memref_slice %arg30[%dma_start3A_232, %dma_start3A_233] : memref<10240x16xf32, #tpu.memory_space<vmem_shared>> -> memref<10240x16xf32, #tpu.memory_space<vmem_shared>>
        tpu.enqueue_indirect_dma source(%dma_start3A_234 : memref<10240x16xf32, #tpu.memory_space<vmem_shared>>) target(%arg13 : memref<128x16xf32, #tpu.memory_space<vmem>>) offsets(%dma_start3A_231 : memref<128xi32, #tpu.memory_space<vmem>>) semaphore(%arg17 : memref<!tpu.dma_semaphore, #tpu.memory_space<semaphore_mem>>)
      } else {
      }
      %mul3A_199 = arith.constant 4 : i32
      %mul3A_200 = arith.muli %scan3A_171, %mul3A_199 : i32
      %add3A_201 = arith.constant 2 : i32
      %add3A_202 = arith.addi %mul3A_200, %add3A_201 : i32
      %lt3A_203 = arith.cmpi slt, %add3A_202, %sub3A_47 : i32
      %convert_element_type3A_204 = arith.extui %lt3A_203 : i1 to i32
      %cond3A_205 = arith.constant 0 : i32
      %cond3A_206 = arith.cmpi ne, %convert_element_type3A_204, %cond3A_205 : i32
      scf.if %cond3A_206 {
        %dma_wait3A_227 = arith.constant 0 : i32
        %dma_wait3A_228 = tpu.memref_slice %arg10[%add3A_202, %dma_wait3A_227] : memref<79x128xi32, #tpu.memory_space<vmem>> -> memref<1x128xi32, #tpu.memory_space<vmem>>
        %dma_wait3A_229 = tpu.memref_squeeze %dma_wait3A_228 : memref<1x128xi32, #tpu.memory_space<vmem>> -> memref<128xi32, #tpu.memory_space<vmem>>
        %dma_wait3A_230 = arith.constant 0 : i32
        %dma_wait3A_231 = arith.constant 0 : i32
        %dma_wait3A_232 = tpu.memref_slice %arg30[%dma_wait3A_230, %dma_wait3A_231] : memref<10240x16xf32, #tpu.memory_space<vmem_shared>> -> memref<10240x16xf32, #tpu.memory_space<vmem_shared>>
        tpu.wait_indirect_dma semaphore(%arg18 : memref<!tpu.dma_semaphore, #tpu.memory_space<semaphore_mem>>) src(%dma_wait3A_232 : memref<10240x16xf32, #tpu.memory_space<vmem_shared>>) dst(%arg14 : memref<128x16xf32, #tpu.memory_space<vmem>>)
        "tpu.region"() ({
          %run_scoped3A = tpu.sem_alloc : memref<!tpu.dma_semaphore, #tpu.memory_space<semaphore_mem>>
          %dma_start3A_233 = arith.constant 0 : i32
          %dma_start3A_234 = tpu.memref_slice %arg11[%add3A_202, %dma_start3A_233] : memref<79x128xi32, #tpu.memory_space<vmem>> -> memref<1x128xi32, #tpu.memory_space<vmem>>
          %dma_start3A_235 = tpu.memref_squeeze %dma_start3A_234 : memref<1x128xi32, #tpu.memory_space<vmem>> -> memref<128xi32, #tpu.memory_space<vmem>>
          %dma_start3A_236 = arith.constant 0 : i32
          %dma_start3A_237 = arith.constant 0 : i32
          %dma_start3A_238 = tpu.memref_slice %arg29[%dma_start3A_236, %dma_start3A_237] : memref<10240x16xf32, #tpu.memory_space<vmem_shared>> -> memref<10240x16xf32, #tpu.memory_space<vmem_shared>>
          tpu.enqueue_indirect_dma source(%arg14 : memref<128x16xf32, #tpu.memory_space<vmem>>) target(%dma_start3A_238 : memref<10240x16xf32, #tpu.memory_space<vmem_shared>>) offsets(%dma_start3A_235 : memref<128xi32, #tpu.memory_space<vmem>>) semaphore(%run_scoped3A : memref<!tpu.dma_semaphore, #tpu.memory_space<semaphore_mem>>) {add = true}
          %dma_wait3A_239 = arith.constant 0 : i32
          %dma_wait3A_240 = tpu.memref_slice %arg11[%add3A_202, %dma_wait3A_239] : memref<79x128xi32, #tpu.memory_space<vmem>> -> memref<1x128xi32, #tpu.memory_space<vmem>>
          %dma_wait3A_241 = tpu.memref_squeeze %dma_wait3A_240 : memref<1x128xi32, #tpu.memory_space<vmem>> -> memref<128xi32, #tpu.memory_space<vmem>>
          %dma_wait3A_242 = arith.constant 0 : i32
          %dma_wait3A_243 = arith.constant 0 : i32
          %dma_wait3A_244 = tpu.memref_slice %arg29[%dma_wait3A_242, %dma_wait3A_243] : memref<10240x16xf32, #tpu.memory_space<vmem_shared>> -> memref<10240x16xf32, #tpu.memory_space<vmem_shared>>
          tpu.wait_indirect_dma semaphore(%run_scoped3A : memref<!tpu.dma_semaphore, #tpu.memory_space<semaphore_mem>>) src(%arg14 : memref<128x16xf32, #tpu.memory_space<vmem>>) dst(%dma_wait3A_244 : memref<10240x16xf32, #tpu.memory_space<vmem_shared>>)
          tpu.yield
        }) : () -> ()
      } else {
      }
      %add3A_207 = arith.constant 4 : i32
      %add3A_208 = arith.addi %add3A_202, %add3A_207 : i32
      %lt3A_209 = arith.cmpi slt, %add3A_208, %sub3A_47 : i32
      %convert_element_type3A_210 = arith.extui %lt3A_209 : i1 to i32
      %cond3A_211 = arith.constant 0 : i32
      %cond3A_212 = arith.cmpi ne, %convert_element_type3A_210, %cond3A_211 : i32
      scf.if %cond3A_212 {
        %add3A_227 = arith.constant 4 : i32
        %add3A_228 = arith.addi %add3A_202, %add3A_227 : i32
        %dma_start3A_229 = arith.constant 0 : i32
        %dma_start3A_230 = tpu.memref_slice %arg10[%add3A_228, %dma_start3A_229] : memref<79x128xi32, #tpu.memory_space<vmem>> -> memref<1x128xi32, #tpu.memory_space<vmem>>
        %dma_start3A_231 = tpu.memref_squeeze %dma_start3A_230 : memref<1x128xi32, #tpu.memory_space<vmem>> -> memref<128xi32, #tpu.memory_space<vmem>>
        %dma_start3A_232 = arith.constant 0 : i32
        %dma_start3A_233 = arith.constant 0 : i32
        %dma_start3A_234 = tpu.memref_slice %arg30[%dma_start3A_232, %dma_start3A_233] : memref<10240x16xf32, #tpu.memory_space<vmem_shared>> -> memref<10240x16xf32, #tpu.memory_space<vmem_shared>>
        tpu.enqueue_indirect_dma source(%dma_start3A_234 : memref<10240x16xf32, #tpu.memory_space<vmem_shared>>) target(%arg14 : memref<128x16xf32, #tpu.memory_space<vmem>>) offsets(%dma_start3A_231 : memref<128xi32, #tpu.memory_space<vmem>>) semaphore(%arg18 : memref<!tpu.dma_semaphore, #tpu.memory_space<semaphore_mem>>)
      } else {
      }
      %mul3A_213 = arith.constant 4 : i32
      %mul3A_214 = arith.muli %scan3A_171, %mul3A_213 : i32
      %add3A_215 = arith.constant 3 : i32
      %add3A_216 = arith.addi %mul3A_214, %add3A_215 : i32
      %lt3A_217 = arith.cmpi slt, %add3A_216, %sub3A_47 : i32
      %convert_element_type3A_218 = arith.extui %lt3A_217 : i1 to i32
      %cond3A_219 = arith.constant 0 : i32
      %cond3A_220 = arith.cmpi ne, %convert_element_type3A_218, %cond3A_219 : i32
      scf.if %cond3A_220 {
        %dma_wait3A_227 = arith.constant 0 : i32
        %dma_wait3A_228 = tpu.memref_slice %arg10[%add3A_216, %dma_wait3A_227] : memref<79x128xi32, #tpu.memory_space<vmem>> -> memref<1x128xi32, #tpu.memory_space<vmem>>
        %dma_wait3A_229 = tpu.memref_squeeze %dma_wait3A_228 : memref<1x128xi32, #tpu.memory_space<vmem>> -> memref<128xi32, #tpu.memory_space<vmem>>
        %dma_wait3A_230 = arith.constant 0 : i32
        %dma_wait3A_231 = arith.constant 0 : i32
        %dma_wait3A_232 = tpu.memref_slice %arg30[%dma_wait3A_230, %dma_wait3A_231] : memref<10240x16xf32, #tpu.memory_space<vmem_shared>> -> memref<10240x16xf32, #tpu.memory_space<vmem_shared>>
        tpu.wait_indirect_dma semaphore(%arg19 : memref<!tpu.dma_semaphore, #tpu.memory_space<semaphore_mem>>) src(%dma_wait3A_232 : memref<10240x16xf32, #tpu.memory_space<vmem_shared>>) dst(%arg15 : memref<128x16xf32, #tpu.memory_space<vmem>>)
        "tpu.region"() ({
          %run_scoped3A = tpu.sem_alloc : memref<!tpu.dma_semaphore, #tpu.memory_space<semaphore_mem>>
          %dma_start3A_233 = arith.constant 0 : i32
          %dma_start3A_234 = tpu.memref_slice %arg11[%add3A_216, %dma_start3A_233] : memref<79x128xi32, #tpu.memory_space<vmem>> -> memref<1x128xi32, #tpu.memory_space<vmem>>
          %dma_start3A_235 = tpu.memref_squeeze %dma_start3A_234 : memref<1x128xi32, #tpu.memory_space<vmem>> -> memref<128xi32, #tpu.memory_space<vmem>>
          %dma_start3A_236 = arith.constant 0 : i32
          %dma_start3A_237 = arith.constant 0 : i32
          %dma_start3A_238 = tpu.memref_slice %arg29[%dma_start3A_236, %dma_start3A_237] : memref<10240x16xf32, #tpu.memory_space<vmem_shared>> -> memref<10240x16xf32, #tpu.memory_space<vmem_shared>>
          tpu.enqueue_indirect_dma source(%arg15 : memref<128x16xf32, #tpu.memory_space<vmem>>) target(%dma_start3A_238 : memref<10240x16xf32, #tpu.memory_space<vmem_shared>>) offsets(%dma_start3A_235 : memref<128xi32, #tpu.memory_space<vmem>>) semaphore(%run_scoped3A : memref<!tpu.dma_semaphore, #tpu.memory_space<semaphore_mem>>) {add = true}
          %dma_wait3A_239 = arith.constant 0 : i32
          %dma_wait3A_240 = tpu.memref_slice %arg11[%add3A_216, %dma_wait3A_239] : memref<79x128xi32, #tpu.memory_space<vmem>> -> memref<1x128xi32, #tpu.memory_space<vmem>>
          %dma_wait3A_241 = tpu.memref_squeeze %dma_wait3A_240 : memref<1x128xi32, #tpu.memory_space<vmem>> -> memref<128xi32, #tpu.memory_space<vmem>>
          %dma_wait3A_242 = arith.constant 0 : i32
          %dma_wait3A_243 = arith.constant 0 : i32
          %dma_wait3A_244 = tpu.memref_slice %arg29[%dma_wait3A_242, %dma_wait3A_243] : memref<10240x16xf32, #tpu.memory_space<vmem_shared>> -> memref<10240x16xf32, #tpu.memory_space<vmem_shared>>
          tpu.wait_indirect_dma semaphore(%run_scoped3A : memref<!tpu.dma_semaphore, #tpu.memory_space<semaphore_mem>>) src(%arg15 : memref<128x16xf32, #tpu.memory_space<vmem>>) dst(%dma_wait3A_244 : memref<10240x16xf32, #tpu.memory_space<vmem_shared>>)
          tpu.yield
        }) : () -> ()
      } else {
      }
      %add3A_221 = arith.constant 4 : i32
      %add3A_222 = arith.addi %add3A_216, %add3A_221 : i32
      %lt3A_223 = arith.cmpi slt, %add3A_222, %sub3A_47 : i32
      %convert_element_type3A_224 = arith.extui %lt3A_223 : i1 to i32
      %cond3A_225 = arith.constant 0 : i32
      %cond3A_226 = arith.cmpi ne, %convert_element_type3A_224, %cond3A_225 : i32
      scf.if %cond3A_226 {
        %add3A_227 = arith.constant 4 : i32
        %add3A_228 = arith.addi %add3A_216, %add3A_227 : i32
        %dma_start3A_229 = arith.constant 0 : i32
        %dma_start3A_230 = tpu.memref_slice %arg10[%add3A_228, %dma_start3A_229] : memref<79x128xi32, #tpu.memory_space<vmem>> -> memref<1x128xi32, #tpu.memory_space<vmem>>
        %dma_start3A_231 = tpu.memref_squeeze %dma_start3A_230 : memref<1x128xi32, #tpu.memory_space<vmem>> -> memref<128xi32, #tpu.memory_space<vmem>>
        %dma_start3A_232 = arith.constant 0 : i32
        %dma_start3A_233 = arith.constant 0 : i32
        %dma_start3A_234 = tpu.memref_slice %arg30[%dma_start3A_232, %dma_start3A_233] : memref<10240x16xf32, #tpu.memory_space<vmem_shared>> -> memref<10240x16xf32, #tpu.memory_space<vmem_shared>>
        tpu.enqueue_indirect_dma source(%dma_start3A_234 : memref<10240x16xf32, #tpu.memory_space<vmem_shared>>) target(%arg15 : memref<128x16xf32, #tpu.memory_space<vmem>>) offsets(%dma_start3A_231 : memref<128xi32, #tpu.memory_space<vmem>>) semaphore(%arg19 : memref<!tpu.dma_semaphore, #tpu.memory_space<semaphore_mem>>)
      } else {
      }
    }
    %scan3A_169 = arith.constant 20 : i32
    %barrier3A_170 = arith.constant 0 : index
    tpu.barrier barrier_id(%barrier3A_170)
    "tpu.region"() ({
      %run_scoped3A = tpu.sem_alloc : memref<!tpu.dma_semaphore, #tpu.memory_space<semaphore_mem>>
      %dma_start3A_171 = arith.constant 0 : i32
      %dma_start3A_172 = tpu.memref_slice %arg8[%arg0, %mul3A_49, %dma_start3A_171] : memref<2x10240x16xf32, #tpu.memory_space<hbm>> -> memref<1x640x16xf32, #tpu.memory_space<hbm>>
      %dma_start3A_173 = tpu.memref_squeeze %dma_start3A_172 : memref<1x640x16xf32, #tpu.memory_space<hbm>> -> memref<640x16xf32, #tpu.memory_space<hbm>>
      %dma_start3A_174 = arith.constant 0 : i32
      %dma_start3A_175 = tpu.memref_slice %arg29[%mul3A_49, %dma_start3A_174] : memref<10240x16xf32, #tpu.memory_space<vmem_shared>> -> memref<640x16xf32, #tpu.memory_space<vmem_shared>>
      tpu.enqueue_dma source(%dma_start3A_175 : memref<640x16xf32, #tpu.memory_space<vmem_shared>>) target(%dma_start3A_173 : memref<640x16xf32, #tpu.memory_space<hbm>>) target_semaphore(%run_scoped3A : memref<!tpu.dma_semaphore, #tpu.memory_space<semaphore_mem>>)
      %dma_wait3A_176 = arith.constant 0 : i32
      %dma_wait3A_177 = tpu.memref_slice %arg8[%arg0, %mul3A_49, %dma_wait3A_176] : memref<2x10240x16xf32, #tpu.memory_space<hbm>> -> memref<1x640x16xf32, #tpu.memory_space<hbm>>
      %dma_wait3A_178 = tpu.memref_squeeze %dma_wait3A_177 : memref<1x640x16xf32, #tpu.memory_space<hbm>> -> memref<640x16xf32, #tpu.memory_space<hbm>>
      %dma_wait3A_179 = arith.constant 0 : i32
      %dma_wait3A_180 = tpu.memref_slice %arg29[%mul3A_49, %dma_wait3A_179] : memref<10240x16xf32, #tpu.memory_space<vmem_shared>> -> memref<640x16xf32, #tpu.memory_space<vmem_shared>>
      tpu.wait_dma2 semaphore(%run_scoped3A : memref<!tpu.dma_semaphore, #tpu.memory_space<semaphore_mem>>) src(%dma_wait3A_180 : memref<640x16xf32, #tpu.memory_space<vmem_shared>>) dst(%dma_wait3A_178 : memref<640x16xf32, #tpu.memory_space<hbm>>)
      tpu.yield
    }) : () -> ()
    return
  }
}

#map = affine_map<(d0, d1) -> (0, 0)>
#map1 = affine_map<(d0, d1) -> (0, 0, 0)>
module attributes {stable_mosaic.version = 14 : i64} {
  func.func @k(%arg0: i32, %arg1: i32, %arg2: memref<128x16xf32, #tpu.memory_space<hbm>>, %arg3: memref<2x2500x128xi32, #tpu.memory_space<hbm>>, %arg4: memref<10240x16xf32, #tpu.memory_space<hbm>>, %arg5: memref<2x10240x16xf32, #tpu.memory_space<hbm>>, %arg6: memref<79x128xi32, #tpu.memory_space<vmem>>, %arg7: memref<128x16xf32, #tpu.memory_space<vmem>>, %arg8: memref<!tpu.dma_semaphore, #tpu.memory_space<semaphore_mem>>, %arg9: memref<!tpu.dma_semaphore, #tpu.memory_space<semaphore_mem>>, %arg10: memref<!tpu.dma_semaphore, #tpu.memory_space<semaphore_mem>>, %arg11: memref<!tpu.dma_semaphore, #tpu.memory_space<semaphore_mem>>, %arg12: memref<10240x16xf32, #tpu.memory_space<vmem_shared>>) attributes {dimension_semantics = [#tpu.dimension_semantics<core_parallel>, #tpu.dimension_semantics<subcore_parallel>], iteration_bounds = array<i64: 2, 16>, scalar_prefetch = 0 : i64, scratch_operands = 7 : i64, tpu.core_type = #tpu.core_type<sc_vector_subcore>, window_params = [{transform_indices = #map}, {transform_indices = #map1}, {transform_indices = #map}, {transform_indices = #map1}]} {
    %mul3A = arith.constant 16 : i32
    %mul3A_0 = arith.muli %arg0, %mul3A : i32
    %add3A = arith.addi %mul3A_0, %arg1 : i32
    %mul3A_1 = arith.constant 2500 : i32
    %mul3A_2 = arith.muli %add3A, %mul3A_1 : i32
    %jit3A = arith.constant 32 : i32
    %div3A = arith.divsi %mul3A_2, %jit3A : i32
    %sign3A = arith.constant 0 : i32
    %sign3A_3 = arith.cmpi sgt, %mul3A_2, %sign3A : i32
    %sign3A_4 = arith.extui %sign3A_3 : i1 to i32
    %sign3A_5 = arith.constant 0 : i32
    %sign3A_6 = arith.cmpi slt, %mul3A_2, %sign3A_5 : i32
    %sign3A_7 = arith.extui %sign3A_6 : i1 to i32
    %sign3A_8 = arith.subi %sign3A_4, %sign3A_7 : i32
    %sign3A_9 = arith.constant 0 : i32
    %sign3A_10 = arith.cmpi sgt, %jit3A, %sign3A_9 : i32
    %sign3A_11 = arith.extui %sign3A_10 : i1 to i32
    %sign3A_12 = arith.constant 0 : i32
    %sign3A_13 = arith.cmpi slt, %jit3A, %sign3A_12 : i32
    %sign3A_14 = arith.extui %sign3A_13 : i1 to i32
    %sign3A_15 = arith.subi %sign3A_11, %sign3A_14 : i32
    %ne3A = arith.cmpi ne, %sign3A_8, %sign3A_15 : i32
    %rem3A = arith.remsi %mul3A_2, %jit3A : i32
    %ne3A_16 = arith.constant 0 : i32
    %ne3A_17 = arith.cmpi ne, %rem3A, %ne3A_16 : i32
    %and3A = arith.andi %ne3A, %ne3A_17 : i1
    %sub3A = arith.constant 1 : i32
    %sub3A_18 = arith.subi %div3A, %sub3A : i32
    %select_n3A = arith.select %and3A, %sub3A_18, %div3A : i32
    %add3A_19 = arith.constant 1 : i32
    %add3A_20 = arith.addi %add3A, %add3A_19 : i32
    %mul3A_21 = arith.constant 2500 : i32
    %mul3A_22 = arith.muli %add3A_20, %mul3A_21 : i32
    %jit3A_23 = arith.constant 32 : i32
    %div3A_24 = arith.divsi %mul3A_22, %jit3A_23 : i32
    %sign3A_25 = arith.constant 0 : i32
    %sign3A_26 = arith.cmpi sgt, %mul3A_22, %sign3A_25 : i32
    %sign3A_27 = arith.extui %sign3A_26 : i1 to i32
    %sign3A_28 = arith.constant 0 : i32
    %sign3A_29 = arith.cmpi slt, %mul3A_22, %sign3A_28 : i32
    %sign3A_30 = arith.extui %sign3A_29 : i1 to i32
    %sign3A_31 = arith.subi %sign3A_27, %sign3A_30 : i32
    %sign3A_32 = arith.constant 0 : i32
    %sign3A_33 = arith.cmpi sgt, %jit3A_23, %sign3A_32 : i32
    %sign3A_34 = arith.extui %sign3A_33 : i1 to i32
    %sign3A_35 = arith.constant 0 : i32
    %sign3A_36 = arith.cmpi slt, %jit3A_23, %sign3A_35 : i32
    %sign3A_37 = arith.extui %sign3A_36 : i1 to i32
    %sign3A_38 = arith.subi %sign3A_34, %sign3A_37 : i32
    %ne3A_39 = arith.cmpi ne, %sign3A_31, %sign3A_38 : i32
    %rem3A_40 = arith.remsi %mul3A_22, %jit3A_23 : i32
    %ne3A_41 = arith.constant 0 : i32
    %ne3A_42 = arith.cmpi ne, %rem3A_40, %ne3A_41 : i32
    %and3A_43 = arith.andi %ne3A_39, %ne3A_42 : i1
    %sub3A_44 = arith.constant 1 : i32
    %sub3A_45 = arith.subi %div3A_24, %sub3A_44 : i32
    %select_n3A_46 = arith.select %and3A_43, %sub3A_45, %div3A_24 : i32
    %sub3A_47 = arith.subi %select_n3A_46, %select_n3A : i32
    %mul3A_48 = arith.constant 640 : i32
    %mul3A_49 = arith.muli %arg1, %mul3A_48 : i32
    %dma_start3A = arith.constant 1 : i32
    %dma_start3A_50 = arith.constant 0 : i32
    %dma_start3A_51 = tpu.memref_slice %arg3[%dma_start3A, %select_n3A, %dma_start3A_50] : memref<2x2500x128xi32, #tpu.memory_space<hbm>> -> memref<1x79x128xi32, #tpu.memory_space<hbm>>
    %dma_start3A_52 = tpu.memref_squeeze %dma_start3A_51 : memref<1x79x128xi32, #tpu.memory_space<hbm>> -> memref<79x128xi32, #tpu.memory_space<hbm>>
    %dma_start3A_53 = arith.constant 0 : i32
    %dma_start3A_54 = tpu.memref_slice %arg3[%dma_start3A, %select_n3A, %dma_start3A_53] : memref<2x2500x128xi32, #tpu.memory_space<hbm>> -> memref<1x79x128xi32, #tpu.memory_space<hbm>>
    %dma_start3A_55 = tpu.memref_squeeze %dma_start3A_54 : memref<1x79x128xi32, #tpu.memory_space<hbm>> -> memref<79x128xi32, #tpu.memory_space<hbm>>
    tpu.enqueue_dma source(%dma_start3A_55 : memref<79x128xi32, #tpu.memory_space<hbm>>) target(%arg6 : memref<79x128xi32, #tpu.memory_space<vmem>>) target_semaphore(%arg8 : memref<!tpu.dma_semaphore, #tpu.memory_space<semaphore_mem>>)
    tpu.enqueue_dma source(%arg2 : memref<128x16xf32, #tpu.memory_space<hbm>>) target(%arg7 : memref<128x16xf32, #tpu.memory_space<vmem>>) target_semaphore(%arg9 : memref<!tpu.dma_semaphore, #tpu.memory_space<semaphore_mem>>)
    %dma_start3A_56 = arith.constant 0 : i32
    %dma_start3A_57 = tpu.memref_slice %arg12[%mul3A_49, %dma_start3A_56] : memref<10240x16xf32, #tpu.memory_space<vmem_shared>> -> memref<640x16xf32, #tpu.memory_space<vmem_shared>>
    %dma_start3A_58 = arith.constant 0 : i32
    %dma_start3A_59 = tpu.memref_slice %arg4[%mul3A_49, %dma_start3A_58] : memref<10240x16xf32, #tpu.memory_space<hbm>> -> memref<640x16xf32, #tpu.memory_space<hbm>>
    tpu.enqueue_dma source(%dma_start3A_59 : memref<640x16xf32, #tpu.memory_space<hbm>>) target(%dma_start3A_57 : memref<640x16xf32, #tpu.memory_space<vmem_shared>>) target_semaphore(%arg10 : memref<!tpu.dma_semaphore, #tpu.memory_space<semaphore_mem>>)
    %dma_wait3A = arith.constant 1 : i32
    %dma_wait3A_60 = arith.constant 0 : i32
    %dma_wait3A_61 = tpu.memref_slice %arg3[%dma_wait3A, %select_n3A, %dma_wait3A_60] : memref<2x2500x128xi32, #tpu.memory_space<hbm>> -> memref<1x79x128xi32, #tpu.memory_space<hbm>>
    %dma_wait3A_62 = tpu.memref_squeeze %dma_wait3A_61 : memref<1x79x128xi32, #tpu.memory_space<hbm>> -> memref<79x128xi32, #tpu.memory_space<hbm>>
    %dma_wait3A_63 = arith.constant 0 : i32
    %dma_wait3A_64 = tpu.memref_slice %arg3[%dma_wait3A, %select_n3A, %dma_wait3A_63] : memref<2x2500x128xi32, #tpu.memory_space<hbm>> -> memref<1x79x128xi32, #tpu.memory_space<hbm>>
    %dma_wait3A_65 = tpu.memref_squeeze %dma_wait3A_64 : memref<1x79x128xi32, #tpu.memory_space<hbm>> -> memref<79x128xi32, #tpu.memory_space<hbm>>
    tpu.wait_dma2 semaphore(%arg8 : memref<!tpu.dma_semaphore, #tpu.memory_space<semaphore_mem>>) src(%dma_wait3A_65 : memref<79x128xi32, #tpu.memory_space<hbm>>) dst(%arg6 : memref<79x128xi32, #tpu.memory_space<vmem>>)
    tpu.wait_dma2 semaphore(%arg9 : memref<!tpu.dma_semaphore, #tpu.memory_space<semaphore_mem>>) src(%arg2 : memref<128x16xf32, #tpu.memory_space<hbm>>) dst(%arg7 : memref<128x16xf32, #tpu.memory_space<vmem>>)
    %dma_wait3A_66 = arith.constant 0 : i32
    %dma_wait3A_67 = tpu.memref_slice %arg12[%mul3A_49, %dma_wait3A_66] : memref<10240x16xf32, #tpu.memory_space<vmem_shared>> -> memref<640x16xf32, #tpu.memory_space<vmem_shared>>
    %dma_wait3A_68 = arith.constant 0 : i32
    %dma_wait3A_69 = tpu.memref_slice %arg4[%mul3A_49, %dma_wait3A_68] : memref<10240x16xf32, #tpu.memory_space<hbm>> -> memref<640x16xf32, #tpu.memory_space<hbm>>
    tpu.wait_dma2 semaphore(%arg10 : memref<!tpu.dma_semaphore, #tpu.memory_space<semaphore_mem>>) src(%dma_wait3A_69 : memref<640x16xf32, #tpu.memory_space<hbm>>) dst(%dma_wait3A_67 : memref<640x16xf32, #tpu.memory_space<vmem_shared>>)
    %barrier3A = arith.constant 0 : index
    tpu.barrier barrier_id(%barrier3A)
    %scan3A = arith.constant 0 : i32
    %scan3A_70 = arith.constant 0 : i32
    %scan3A_71 = arith.constant 20 : i32
    %scan3A_72 = arith.addi %scan3A_70, %scan3A_71 : i32
    %scan3A_73 = arith.constant 1 : i32
    scf.for %scan3A_93 = %scan3A_70 to %scan3A_72 step %scan3A_73  : i32 {
      %mul3A_94 = arith.constant 4 : i32
      %mul3A_95 = arith.muli %scan3A_93, %mul3A_94 : i32
      %add3A_96 = arith.constant 0 : i32
      %add3A_97 = arith.addi %mul3A_95, %add3A_96 : i32
      %gt3A_98 = arith.constant 0 : i32
      %gt3A_99 = arith.cmpi sgt, %scan3A_93, %gt3A_98 : i32
      %convert_element_type3A_100 = arith.extui %gt3A_99 : i1 to i32
      %cond3A_101 = arith.constant 0 : i32
      %cond3A_102 = arith.cmpi ne, %convert_element_type3A_100, %cond3A_101 : i32
      scf.if %cond3A_102 {
        %dma_wait3A_145 = arith.constant 0 : i32
        %dma_wait3A_146 = tpu.memref_slice %arg6[%add3A_97, %dma_wait3A_145] : memref<79x128xi32, #tpu.memory_space<vmem>> -> memref<1x128xi32, #tpu.memory_space<vmem>>
        %dma_wait3A_147 = tpu.memref_squeeze %dma_wait3A_146 : memref<1x128xi32, #tpu.memory_space<vmem>> -> memref<128xi32, #tpu.memory_space<vmem>>
        %dma_wait3A_148 = arith.constant 0 : i32
        %dma_wait3A_149 = arith.constant 0 : i32
        %dma_wait3A_150 = tpu.memref_slice %arg12[%dma_wait3A_148, %dma_wait3A_149] : memref<10240x16xf32, #tpu.memory_space<vmem_shared>> -> memref<10240x16xf32, #tpu.memory_space<vmem_shared>>
        tpu.wait_indirect_dma semaphore(%arg8 : memref<!tpu.dma_semaphore, #tpu.memory_space<semaphore_mem>>) src(%arg7 : memref<128x16xf32, #tpu.memory_space<vmem>>) dst(%dma_wait3A_150 : memref<10240x16xf32, #tpu.memory_space<vmem_shared>>)
      } else {
      }
      %lt3A = arith.cmpi slt, %add3A_97, %sub3A_47 : i32
      %convert_element_type3A_103 = arith.extui %lt3A : i1 to i32
      %cond3A_104 = arith.constant 0 : i32
      %cond3A_105 = arith.cmpi ne, %convert_element_type3A_103, %cond3A_104 : i32
      scf.if %cond3A_105 {
        %dma_start3A_145 = arith.constant 0 : i32
        %dma_start3A_146 = tpu.memref_slice %arg6[%add3A_97, %dma_start3A_145] : memref<79x128xi32, #tpu.memory_space<vmem>> -> memref<1x128xi32, #tpu.memory_space<vmem>>
        %dma_start3A_147 = tpu.memref_squeeze %dma_start3A_146 : memref<1x128xi32, #tpu.memory_space<vmem>> -> memref<128xi32, #tpu.memory_space<vmem>>
        %dma_start3A_148 = arith.constant 0 : i32
        %dma_start3A_149 = arith.constant 0 : i32
        %dma_start3A_150 = tpu.memref_slice %arg12[%dma_start3A_148, %dma_start3A_149] : memref<10240x16xf32, #tpu.memory_space<vmem_shared>> -> memref<10240x16xf32, #tpu.memory_space<vmem_shared>>
        tpu.enqueue_indirect_dma source(%arg7 : memref<128x16xf32, #tpu.memory_space<vmem>>) target(%dma_start3A_150 : memref<10240x16xf32, #tpu.memory_space<vmem_shared>>) offsets(%dma_start3A_147 : memref<128xi32, #tpu.memory_space<vmem>>) semaphore(%arg8 : memref<!tpu.dma_semaphore, #tpu.memory_space<semaphore_mem>>) {add = true}
      } else {
      }
      %mul3A_106 = arith.constant 4 : i32
      %mul3A_107 = arith.muli %scan3A_93, %mul3A_106 : i32
      %add3A_108 = arith.constant 1 : i32
      %add3A_109 = arith.addi %mul3A_107, %add3A_108 : i32
      %gt3A_110 = arith.constant 0 : i32
      %gt3A_111 = arith.cmpi sgt, %scan3A_93, %gt3A_110 : i32
      %convert_element_type3A_112 = arith.extui %gt3A_111 : i1 to i32
      %cond3A_113 = arith.constant 0 : i32
      %cond3A_114 = arith.cmpi ne, %convert_element_type3A_112, %cond3A_113 : i32
      scf.if %cond3A_114 {
        %dma_wait3A_145 = arith.constant 0 : i32
        %dma_wait3A_146 = tpu.memref_slice %arg6[%add3A_109, %dma_wait3A_145] : memref<79x128xi32, #tpu.memory_space<vmem>> -> memref<1x128xi32, #tpu.memory_space<vmem>>
        %dma_wait3A_147 = tpu.memref_squeeze %dma_wait3A_146 : memref<1x128xi32, #tpu.memory_space<vmem>> -> memref<128xi32, #tpu.memory_space<vmem>>
        %dma_wait3A_148 = arith.constant 0 : i32
        %dma_wait3A_149 = arith.constant 0 : i32
        %dma_wait3A_150 = tpu.memref_slice %arg12[%dma_wait3A_148, %dma_wait3A_149] : memref<10240x16xf32, #tpu.memory_space<vmem_shared>> -> memref<10240x16xf32, #tpu.memory_space<vmem_shared>>
        tpu.wait_indirect_dma semaphore(%arg9 : memref<!tpu.dma_semaphore, #tpu.memory_space<semaphore_mem>>) src(%arg7 : memref<128x16xf32, #tpu.memory_space<vmem>>) dst(%dma_wait3A_150 : memref<10240x16xf32, #tpu.memory_space<vmem_shared>>)
      } else {
      }
      %lt3A_115 = arith.cmpi slt, %add3A_109, %sub3A_47 : i32
      %convert_element_type3A_116 = arith.extui %lt3A_115 : i1 to i32
      %cond3A_117 = arith.constant 0 : i32
      %cond3A_118 = arith.cmpi ne, %convert_element_type3A_116, %cond3A_117 : i32
      scf.if %cond3A_118 {
        %dma_start3A_145 = arith.constant 0 : i32
        %dma_start3A_146 = tpu.memref_slice %arg6[%add3A_109, %dma_start3A_145] : memref<79x128xi32, #tpu.memory_space<vmem>> -> memref<1x128xi32, #tpu.memory_space<vmem>>
        %dma_start3A_147 = tpu.memref_squeeze %dma_start3A_146 : memref<1x128xi32, #tpu.memory_space<vmem>> -> memref<128xi32, #tpu.memory_space<vmem>>
        %dma_start3A_148 = arith.constant 0 : i32
        %dma_start3A_149 = arith.constant 0 : i32
        %dma_start3A_150 = tpu.memref_slice %arg12[%dma_start3A_148, %dma_start3A_149] : memref<10240x16xf32, #tpu.memory_space<vmem_shared>> -> memref<10240x16xf32, #tpu.memory_space<vmem_shared>>
        tpu.enqueue_indirect_dma source(%arg7 : memref<128x16xf32, #tpu.memory_space<vmem>>) target(%dma_start3A_150 : memref<10240x16xf32, #tpu.memory_space<vmem_shared>>) offsets(%dma_start3A_147 : memref<128xi32, #tpu.memory_space<vmem>>) semaphore(%arg9 : memref<!tpu.dma_semaphore, #tpu.memory_space<semaphore_mem>>) {add = true}
      } else {
      }
      %mul3A_119 = arith.constant 4 : i32
      %mul3A_120 = arith.muli %scan3A_93, %mul3A_119 : i32
      %add3A_121 = arith.constant 2 : i32
      %add3A_122 = arith.addi %mul3A_120, %add3A_121 : i32
      %gt3A_123 = arith.constant 0 : i32
      %gt3A_124 = arith.cmpi sgt, %scan3A_93, %gt3A_123 : i32
      %convert_element_type3A_125 = arith.extui %gt3A_124 : i1 to i32
      %cond3A_126 = arith.constant 0 : i32
      %cond3A_127 = arith.cmpi ne, %convert_element_type3A_125, %cond3A_126 : i32
      scf.if %cond3A_127 {
        %dma_wait3A_145 = arith.constant 0 : i32
        %dma_wait3A_146 = tpu.memref_slice %arg6[%add3A_122, %dma_wait3A_145] : memref<79x128xi32, #tpu.memory_space<vmem>> -> memref<1x128xi32, #tpu.memory_space<vmem>>
        %dma_wait3A_147 = tpu.memref_squeeze %dma_wait3A_146 : memref<1x128xi32, #tpu.memory_space<vmem>> -> memref<128xi32, #tpu.memory_space<vmem>>
        %dma_wait3A_148 = arith.constant 0 : i32
        %dma_wait3A_149 = arith.constant 0 : i32
        %dma_wait3A_150 = tpu.memref_slice %arg12[%dma_wait3A_148, %dma_wait3A_149] : memref<10240x16xf32, #tpu.memory_space<vmem_shared>> -> memref<10240x16xf32, #tpu.memory_space<vmem_shared>>
        tpu.wait_indirect_dma semaphore(%arg10 : memref<!tpu.dma_semaphore, #tpu.memory_space<semaphore_mem>>) src(%arg7 : memref<128x16xf32, #tpu.memory_space<vmem>>) dst(%dma_wait3A_150 : memref<10240x16xf32, #tpu.memory_space<vmem_shared>>)
      } else {
      }
      %lt3A_128 = arith.cmpi slt, %add3A_122, %sub3A_47 : i32
      %convert_element_type3A_129 = arith.extui %lt3A_128 : i1 to i32
      %cond3A_130 = arith.constant 0 : i32
      %cond3A_131 = arith.cmpi ne, %convert_element_type3A_129, %cond3A_130 : i32
      scf.if %cond3A_131 {
        %dma_start3A_145 = arith.constant 0 : i32
        %dma_start3A_146 = tpu.memref_slice %arg6[%add3A_122, %dma_start3A_145] : memref<79x128xi32, #tpu.memory_space<vmem>> -> memref<1x128xi32, #tpu.memory_space<vmem>>
        %dma_start3A_147 = tpu.memref_squeeze %dma_start3A_146 : memref<1x128xi32, #tpu.memory_space<vmem>> -> memref<128xi32, #tpu.memory_space<vmem>>
        %dma_start3A_148 = arith.constant 0 : i32
        %dma_start3A_149 = arith.constant 0 : i32
        %dma_start3A_150 = tpu.memref_slice %arg12[%dma_start3A_148, %dma_start3A_149] : memref<10240x16xf32, #tpu.memory_space<vmem_shared>> -> memref<10240x16xf32, #tpu.memory_space<vmem_shared>>
        tpu.enqueue_indirect_dma source(%arg7 : memref<128x16xf32, #tpu.memory_space<vmem>>) target(%dma_start3A_150 : memref<10240x16xf32, #tpu.memory_space<vmem_shared>>) offsets(%dma_start3A_147 : memref<128xi32, #tpu.memory_space<vmem>>) semaphore(%arg10 : memref<!tpu.dma_semaphore, #tpu.memory_space<semaphore_mem>>) {add = true}
      } else {
      }
      %mul3A_132 = arith.constant 4 : i32
      %mul3A_133 = arith.muli %scan3A_93, %mul3A_132 : i32
      %add3A_134 = arith.constant 3 : i32
      %add3A_135 = arith.addi %mul3A_133, %add3A_134 : i32
      %gt3A_136 = arith.constant 0 : i32
      %gt3A_137 = arith.cmpi sgt, %scan3A_93, %gt3A_136 : i32
      %convert_element_type3A_138 = arith.extui %gt3A_137 : i1 to i32
      %cond3A_139 = arith.constant 0 : i32
      %cond3A_140 = arith.cmpi ne, %convert_element_type3A_138, %cond3A_139 : i32
      scf.if %cond3A_140 {
        %dma_wait3A_145 = arith.constant 0 : i32
        %dma_wait3A_146 = tpu.memref_slice %arg6[%add3A_135, %dma_wait3A_145] : memref<79x128xi32, #tpu.memory_space<vmem>> -> memref<1x128xi32, #tpu.memory_space<vmem>>
        %dma_wait3A_147 = tpu.memref_squeeze %dma_wait3A_146 : memref<1x128xi32, #tpu.memory_space<vmem>> -> memref<128xi32, #tpu.memory_space<vmem>>
        %dma_wait3A_148 = arith.constant 0 : i32
        %dma_wait3A_149 = arith.constant 0 : i32
        %dma_wait3A_150 = tpu.memref_slice %arg12[%dma_wait3A_148, %dma_wait3A_149] : memref<10240x16xf32, #tpu.memory_space<vmem_shared>> -> memref<10240x16xf32, #tpu.memory_space<vmem_shared>>
        tpu.wait_indirect_dma semaphore(%arg11 : memref<!tpu.dma_semaphore, #tpu.memory_space<semaphore_mem>>) src(%arg7 : memref<128x16xf32, #tpu.memory_space<vmem>>) dst(%dma_wait3A_150 : memref<10240x16xf32, #tpu.memory_space<vmem_shared>>)
      } else {
      }
      %lt3A_141 = arith.cmpi slt, %add3A_135, %sub3A_47 : i32
      %convert_element_type3A_142 = arith.extui %lt3A_141 : i1 to i32
      %cond3A_143 = arith.constant 0 : i32
      %cond3A_144 = arith.cmpi ne, %convert_element_type3A_142, %cond3A_143 : i32
      scf.if %cond3A_144 {
        %dma_start3A_145 = arith.constant 0 : i32
        %dma_start3A_146 = tpu.memref_slice %arg6[%add3A_135, %dma_start3A_145] : memref<79x128xi32, #tpu.memory_space<vmem>> -> memref<1x128xi32, #tpu.memory_space<vmem>>
        %dma_start3A_147 = tpu.memref_squeeze %dma_start3A_146 : memref<1x128xi32, #tpu.memory_space<vmem>> -> memref<128xi32, #tpu.memory_space<vmem>>
        %dma_start3A_148 = arith.constant 0 : i32
        %dma_start3A_149 = arith.constant 0 : i32
        %dma_start3A_150 = tpu.memref_slice %arg12[%dma_start3A_148, %dma_start3A_149] : memref<10240x16xf32, #tpu.memory_space<vmem_shared>> -> memref<10240x16xf32, #tpu.memory_space<vmem_shared>>
        tpu.enqueue_indirect_dma source(%arg7 : memref<128x16xf32, #tpu.memory_space<vmem>>) target(%dma_start3A_150 : memref<10240x16xf32, #tpu.memory_space<vmem_shared>>) offsets(%dma_start3A_147 : memref<128xi32, #tpu.memory_space<vmem>>) semaphore(%arg11 : memref<!tpu.dma_semaphore, #tpu.memory_space<semaphore_mem>>) {add = true}
      } else {
      }
    }
    %scan3A_74 = arith.constant 20 : i32
    %gt3A = arith.constant 76 : i32
    %gt3A_75 = arith.cmpi sgt, %sub3A_47, %gt3A : i32
    %convert_element_type3A = arith.extui %gt3A_75 : i1 to i32
    %cond3A = arith.constant 0 : i32
    %cond3A_76 = arith.cmpi ne, %convert_element_type3A, %cond3A : i32
    scf.if %cond3A_76 {
      %dma_wait3A_93 = arith.constant 0 : i32
      %dma_wait3A_94 = arith.constant 0 : i32
      %dma_wait3A_95 = tpu.memref_slice %arg6[%dma_wait3A_93, %dma_wait3A_94] : memref<79x128xi32, #tpu.memory_space<vmem>> -> memref<1x128xi32, #tpu.memory_space<vmem>>
      %dma_wait3A_96 = tpu.memref_squeeze %dma_wait3A_95 : memref<1x128xi32, #tpu.memory_space<vmem>> -> memref<128xi32, #tpu.memory_space<vmem>>
      %dma_wait3A_97 = arith.constant 0 : i32
      %dma_wait3A_98 = arith.constant 0 : i32
      %dma_wait3A_99 = tpu.memref_slice %arg12[%dma_wait3A_97, %dma_wait3A_98] : memref<10240x16xf32, #tpu.memory_space<vmem_shared>> -> memref<10240x16xf32, #tpu.memory_space<vmem_shared>>
      tpu.wait_indirect_dma semaphore(%arg8 : memref<!tpu.dma_semaphore, #tpu.memory_space<semaphore_mem>>) src(%arg7 : memref<128x16xf32, #tpu.memory_space<vmem>>) dst(%dma_wait3A_99 : memref<10240x16xf32, #tpu.memory_space<vmem_shared>>)
    } else {
    }
    %gt3A_77 = arith.constant 77 : i32
    %gt3A_78 = arith.cmpi sgt, %sub3A_47, %gt3A_77 : i32
    %convert_element_type3A_79 = arith.extui %gt3A_78 : i1 to i32
    %cond3A_80 = arith.constant 0 : i32
    %cond3A_81 = arith.cmpi ne, %convert_element_type3A_79, %cond3A_80 : i32
    scf.if %cond3A_81 {
      %dma_wait3A_93 = arith.constant 1 : i32
      %dma_wait3A_94 = arith.constant 0 : i32
      %dma_wait3A_95 = tpu.memref_slice %arg6[%dma_wait3A_93, %dma_wait3A_94] : memref<79x128xi32, #tpu.memory_space<vmem>> -> memref<1x128xi32, #tpu.memory_space<vmem>>
      %dma_wait3A_96 = tpu.memref_squeeze %dma_wait3A_95 : memref<1x128xi32, #tpu.memory_space<vmem>> -> memref<128xi32, #tpu.memory_space<vmem>>
      %dma_wait3A_97 = arith.constant 0 : i32
      %dma_wait3A_98 = arith.constant 0 : i32
      %dma_wait3A_99 = tpu.memref_slice %arg12[%dma_wait3A_97, %dma_wait3A_98] : memref<10240x16xf32, #tpu.memory_space<vmem_shared>> -> memref<10240x16xf32, #tpu.memory_space<vmem_shared>>
      tpu.wait_indirect_dma semaphore(%arg9 : memref<!tpu.dma_semaphore, #tpu.memory_space<semaphore_mem>>) src(%arg7 : memref<128x16xf32, #tpu.memory_space<vmem>>) dst(%dma_wait3A_99 : memref<10240x16xf32, #tpu.memory_space<vmem_shared>>)
    } else {
    }
    %gt3A_82 = arith.constant 78 : i32
    %gt3A_83 = arith.cmpi sgt, %sub3A_47, %gt3A_82 : i32
    %convert_element_type3A_84 = arith.extui %gt3A_83 : i1 to i32
    %cond3A_85 = arith.constant 0 : i32
    %cond3A_86 = arith.cmpi ne, %convert_element_type3A_84, %cond3A_85 : i32
    scf.if %cond3A_86 {
      %dma_wait3A_93 = arith.constant 2 : i32
      %dma_wait3A_94 = arith.constant 0 : i32
      %dma_wait3A_95 = tpu.memref_slice %arg6[%dma_wait3A_93, %dma_wait3A_94] : memref<79x128xi32, #tpu.memory_space<vmem>> -> memref<1x128xi32, #tpu.memory_space<vmem>>
      %dma_wait3A_96 = tpu.memref_squeeze %dma_wait3A_95 : memref<1x128xi32, #tpu.memory_space<vmem>> -> memref<128xi32, #tpu.memory_space<vmem>>
      %dma_wait3A_97 = arith.constant 0 : i32
      %dma_wait3A_98 = arith.constant 0 : i32
      %dma_wait3A_99 = tpu.memref_slice %arg12[%dma_wait3A_97, %dma_wait3A_98] : memref<10240x16xf32, #tpu.memory_space<vmem_shared>> -> memref<10240x16xf32, #tpu.memory_space<vmem_shared>>
      tpu.wait_indirect_dma semaphore(%arg10 : memref<!tpu.dma_semaphore, #tpu.memory_space<semaphore_mem>>) src(%arg7 : memref<128x16xf32, #tpu.memory_space<vmem>>) dst(%dma_wait3A_99 : memref<10240x16xf32, #tpu.memory_space<vmem_shared>>)
    } else {
    }
    %gt3A_87 = arith.constant 79 : i32
    %gt3A_88 = arith.cmpi sgt, %sub3A_47, %gt3A_87 : i32
    %convert_element_type3A_89 = arith.extui %gt3A_88 : i1 to i32
    %cond3A_90 = arith.constant 0 : i32
    %cond3A_91 = arith.cmpi ne, %convert_element_type3A_89, %cond3A_90 : i32
    scf.if %cond3A_91 {
      %dma_wait3A_93 = arith.constant 3 : i32
      %dma_wait3A_94 = arith.constant 0 : i32
      %dma_wait3A_95 = tpu.memref_slice %arg6[%dma_wait3A_93, %dma_wait3A_94] : memref<79x128xi32, #tpu.memory_space<vmem>> -> memref<1x128xi32, #tpu.memory_space<vmem>>
      %dma_wait3A_96 = tpu.memref_squeeze %dma_wait3A_95 : memref<1x128xi32, #tpu.memory_space<vmem>> -> memref<128xi32, #tpu.memory_space<vmem>>
      %dma_wait3A_97 = arith.constant 0 : i32
      %dma_wait3A_98 = arith.constant 0 : i32
      %dma_wait3A_99 = tpu.memref_slice %arg12[%dma_wait3A_97, %dma_wait3A_98] : memref<10240x16xf32, #tpu.memory_space<vmem_shared>> -> memref<10240x16xf32, #tpu.memory_space<vmem_shared>>
      tpu.wait_indirect_dma semaphore(%arg11 : memref<!tpu.dma_semaphore, #tpu.memory_space<semaphore_mem>>) src(%arg7 : memref<128x16xf32, #tpu.memory_space<vmem>>) dst(%dma_wait3A_99 : memref<10240x16xf32, #tpu.memory_space<vmem_shared>>)
    } else {
    }
    %barrier3A_92 = arith.constant 0 : index
    tpu.barrier barrier_id(%barrier3A_92)
    "tpu.region"() ({
      %run_scoped3A = tpu.sem_alloc : memref<!tpu.dma_semaphore, #tpu.memory_space<semaphore_mem>>
      %dma_start3A_93 = arith.constant 0 : i32
      %dma_start3A_94 = tpu.memref_slice %arg5[%arg0, %mul3A_49, %dma_start3A_93] : memref<2x10240x16xf32, #tpu.memory_space<hbm>> -> memref<1x640x16xf32, #tpu.memory_space<hbm>>
      %dma_start3A_95 = tpu.memref_squeeze %dma_start3A_94 : memref<1x640x16xf32, #tpu.memory_space<hbm>> -> memref<640x16xf32, #tpu.memory_space<hbm>>
      %dma_start3A_96 = arith.constant 0 : i32
      %dma_start3A_97 = tpu.memref_slice %arg12[%mul3A_49, %dma_start3A_96] : memref<10240x16xf32, #tpu.memory_space<vmem_shared>> -> memref<640x16xf32, #tpu.memory_space<vmem_shared>>
      tpu.enqueue_dma source(%dma_start3A_97 : memref<640x16xf32, #tpu.memory_space<vmem_shared>>) target(%dma_start3A_95 : memref<640x16xf32, #tpu.memory_space<hbm>>) target_semaphore(%run_scoped3A : memref<!tpu.dma_semaphore, #tpu.memory_space<semaphore_mem>>)
      %dma_wait3A_98 = arith.constant 0 : i32
      %dma_wait3A_99 = tpu.memref_slice %arg5[%arg0, %mul3A_49, %dma_wait3A_98] : memref<2x10240x16xf32, #tpu.memory_space<hbm>> -> memref<1x640x16xf32, #tpu.memory_space<hbm>>
      %dma_wait3A_100 = tpu.memref_squeeze %dma_wait3A_99 : memref<1x640x16xf32, #tpu.memory_space<hbm>> -> memref<640x16xf32, #tpu.memory_space<hbm>>
      %dma_wait3A_101 = arith.constant 0 : i32
      %dma_wait3A_102 = tpu.memref_slice %arg12[%mul3A_49, %dma_wait3A_101] : memref<10240x16xf32, #tpu.memory_space<vmem_shared>> -> memref<640x16xf32, #tpu.memory_space<vmem_shared>>
      tpu.wait_dma2 semaphore(%run_scoped3A : memref<!tpu.dma_semaphore, #tpu.memory_space<semaphore_mem>>) src(%dma_wait3A_102 : memref<640x16xf32, #tpu.memory_space<vmem_shared>>) dst(%dma_wait3A_100 : memref<640x16xf32, #tpu.memory_space<hbm>>)
      tpu.yield
    }) : () -> ()
    return
  }
}

#map = affine_map<(d0, d1) -> (0, 0, 0)>
#map1 = affine_map<(d0, d1) -> (0, 0)>
module attributes {stable_mosaic.version = 14 : i64} {
  func.func @k(%arg0: i32, %arg1: i32, %arg2: memref<2x10240x16xf32, #tpu.memory_space<hbm>>, %arg3: memref<10240x16xf32, #tpu.memory_space<hbm>>, %arg4: memref<2x2500x128xi32, #tpu.memory_space<hbm>>, %arg5: memref<10240x16xf32, #tpu.memory_space<hbm>>, %arg6: memref<2x10240x16xf32, #tpu.memory_space<hbm>>, %arg7: memref<10240x16xf32, #tpu.memory_space<hbm>>, %arg8: memref<10240x16xf32, #tpu.memory_space<hbm>>, %arg9: memref<79x128xi32, #tpu.memory_space<vmem>>, %arg10: memref<79x128xi32, #tpu.memory_space<vmem>>, %arg11: memref<128x16xf32, #tpu.memory_space<vmem>>, %arg12: memref<128x16xf32, #tpu.memory_space<vmem>>, %arg13: memref<128x16xf32, #tpu.memory_space<vmem>>, %arg14: memref<128x16xf32, #tpu.memory_space<vmem>>, %arg15: memref<!tpu.dma_semaphore, #tpu.memory_space<semaphore_mem>>, %arg16: memref<!tpu.dma_semaphore, #tpu.memory_space<semaphore_mem>>, %arg17: memref<!tpu.dma_semaphore, #tpu.memory_space<semaphore_mem>>, %arg18: memref<!tpu.dma_semaphore, #tpu.memory_space<semaphore_mem>>, %arg19: memref<!tpu.dma_semaphore, #tpu.memory_space<semaphore_mem>>, %arg20: memref<!tpu.dma_semaphore, #tpu.memory_space<semaphore_mem>>, %arg21: memref<!tpu.dma_semaphore, #tpu.memory_space<semaphore_mem>>, %arg22: memref<!tpu.dma_semaphore, #tpu.memory_space<semaphore_mem>>, %arg23: memref<640x16xf32, #tpu.memory_space<vmem>>, %arg24: memref<640x16xf32, #tpu.memory_space<vmem>>, %arg25: memref<640x16xf32, #tpu.memory_space<vmem>>, %arg26: memref<640x16xf32, #tpu.memory_space<vmem>>, %arg27: memref<10240x16xf32, #tpu.memory_space<vmem_shared>>, %arg28: memref<10240x16xf32, #tpu.memory_space<vmem_shared>>) attributes {dimension_semantics = [#tpu.dimension_semantics<core_parallel>, #tpu.dimension_semantics<subcore_parallel>], iteration_bounds = array<i64: 2, 16>, scalar_prefetch = 0 : i64, scratch_operands = 20 : i64, tpu.core_type = #tpu.core_type<sc_vector_subcore>, window_params = [{transform_indices = #map}, {transform_indices = #map1}, {transform_indices = #map}, {transform_indices = #map1}, {transform_indices = #map}, {transform_indices = #map1}, {transform_indices = #map1}]} {
    %mul3A = arith.constant 16 : i32
    %mul3A_0 = arith.muli %arg0, %mul3A : i32
    %add3A = arith.addi %mul3A_0, %arg1 : i32
    %mul3A_1 = arith.constant 2500 : i32
    %mul3A_2 = arith.muli %add3A, %mul3A_1 : i32
    %jit3A = arith.constant 32 : i32
    %div3A = arith.divsi %mul3A_2, %jit3A : i32
    %sign3A = arith.constant 0 : i32
    %sign3A_3 = arith.cmpi sgt, %mul3A_2, %sign3A : i32
    %sign3A_4 = arith.extui %sign3A_3 : i1 to i32
    %sign3A_5 = arith.constant 0 : i32
    %sign3A_6 = arith.cmpi slt, %mul3A_2, %sign3A_5 : i32
    %sign3A_7 = arith.extui %sign3A_6 : i1 to i32
    %sign3A_8 = arith.subi %sign3A_4, %sign3A_7 : i32
    %sign3A_9 = arith.constant 0 : i32
    %sign3A_10 = arith.cmpi sgt, %jit3A, %sign3A_9 : i32
    %sign3A_11 = arith.extui %sign3A_10 : i1 to i32
    %sign3A_12 = arith.constant 0 : i32
    %sign3A_13 = arith.cmpi slt, %jit3A, %sign3A_12 : i32
    %sign3A_14 = arith.extui %sign3A_13 : i1 to i32
    %sign3A_15 = arith.subi %sign3A_11, %sign3A_14 : i32
    %ne3A = arith.cmpi ne, %sign3A_8, %sign3A_15 : i32
    %rem3A = arith.remsi %mul3A_2, %jit3A : i32
    %ne3A_16 = arith.constant 0 : i32
    %ne3A_17 = arith.cmpi ne, %rem3A, %ne3A_16 : i32
    %and3A = arith.andi %ne3A, %ne3A_17 : i1
    %sub3A = arith.constant 1 : i32
    %sub3A_18 = arith.subi %div3A, %sub3A : i32
    %select_n3A = arith.select %and3A, %sub3A_18, %div3A : i32
    %add3A_19 = arith.constant 1 : i32
    %add3A_20 = arith.addi %add3A, %add3A_19 : i32
    %mul3A_21 = arith.constant 2500 : i32
    %mul3A_22 = arith.muli %add3A_20, %mul3A_21 : i32
    %jit3A_23 = arith.constant 32 : i32
    %div3A_24 = arith.divsi %mul3A_22, %jit3A_23 : i32
    %sign3A_25 = arith.constant 0 : i32
    %sign3A_26 = arith.cmpi sgt, %mul3A_22, %sign3A_25 : i32
    %sign3A_27 = arith.extui %sign3A_26 : i1 to i32
    %sign3A_28 = arith.constant 0 : i32
    %sign3A_29 = arith.cmpi slt, %mul3A_22, %sign3A_28 : i32
    %sign3A_30 = arith.extui %sign3A_29 : i1 to i32
    %sign3A_31 = arith.subi %sign3A_27, %sign3A_30 : i32
    %sign3A_32 = arith.constant 0 : i32
    %sign3A_33 = arith.cmpi sgt, %jit3A_23, %sign3A_32 : i32
    %sign3A_34 = arith.extui %sign3A_33 : i1 to i32
    %sign3A_35 = arith.constant 0 : i32
    %sign3A_36 = arith.cmpi slt, %jit3A_23, %sign3A_35 : i32
    %sign3A_37 = arith.extui %sign3A_36 : i1 to i32
    %sign3A_38 = arith.subi %sign3A_34, %sign3A_37 : i32
    %ne3A_39 = arith.cmpi ne, %sign3A_31, %sign3A_38 : i32
    %rem3A_40 = arith.remsi %mul3A_22, %jit3A_23 : i32
    %ne3A_41 = arith.constant 0 : i32
    %ne3A_42 = arith.cmpi ne, %rem3A_40, %ne3A_41 : i32
    %and3A_43 = arith.andi %ne3A_39, %ne3A_42 : i1
    %sub3A_44 = arith.constant 1 : i32
    %sub3A_45 = arith.subi %div3A_24, %sub3A_44 : i32
    %select_n3A_46 = arith.select %and3A_43, %sub3A_45, %div3A_24 : i32
    %sub3A_47 = arith.subi %select_n3A_46, %select_n3A : i32
    %mul3A_48 = arith.constant 640 : i32
    %mul3A_49 = arith.muli %arg1, %mul3A_48 : i32
    %dma_start3A = arith.constant 0 : i32
    %dma_start3A_50 = arith.constant 0 : i32
    %dma_start3A_51 = tpu.memref_slice %arg4[%dma_start3A, %select_n3A, %dma_start3A_50] : memref<2x2500x128xi32, #tpu.memory_space<hbm>> -> memref<1x79x128xi32, #tpu.memory_space<hbm>>
    %dma_start3A_52 = tpu.memref_squeeze %dma_start3A_51 : memref<1x79x128xi32, #tpu.memory_space<hbm>> -> memref<79x128xi32, #tpu.memory_space<hbm>>
    %dma_start3A_53 = arith.constant 0 : i32
    %dma_start3A_54 = tpu.memref_slice %arg4[%dma_start3A, %select_n3A, %dma_start3A_53] : memref<2x2500x128xi32, #tpu.memory_space<hbm>> -> memref<1x79x128xi32, #tpu.memory_space<hbm>>
    %dma_start3A_55 = tpu.memref_squeeze %dma_start3A_54 : memref<1x79x128xi32, #tpu.memory_space<hbm>> -> memref<79x128xi32, #tpu.memory_space<hbm>>
    tpu.enqueue_dma source(%dma_start3A_55 : memref<79x128xi32, #tpu.memory_space<hbm>>) target(%arg9 : memref<79x128xi32, #tpu.memory_space<vmem>>) target_semaphore(%arg15 : memref<!tpu.dma_semaphore, #tpu.memory_space<semaphore_mem>>)
    %dma_start3A_56 = arith.constant 1 : i32
    %dma_start3A_57 = arith.constant 0 : i32
    %dma_start3A_58 = tpu.memref_slice %arg4[%dma_start3A_56, %select_n3A, %dma_start3A_57] : memref<2x2500x128xi32, #tpu.memory_space<hbm>> -> memref<1x79x128xi32, #tpu.memory_space<hbm>>
    %dma_start3A_59 = tpu.memref_squeeze %dma_start3A_58 : memref<1x79x128xi32, #tpu.memory_space<hbm>> -> memref<79x128xi32, #tpu.memory_space<hbm>>
    %dma_start3A_60 = arith.constant 0 : i32
    %dma_start3A_61 = tpu.memref_slice %arg4[%dma_start3A_56, %select_n3A, %dma_start3A_60] : memref<2x2500x128xi32, #tpu.memory_space<hbm>> -> memref<1x79x128xi32, #tpu.memory_space<hbm>>
    %dma_start3A_62 = tpu.memref_squeeze %dma_start3A_61 : memref<1x79x128xi32, #tpu.memory_space<hbm>> -> memref<79x128xi32, #tpu.memory_space<hbm>>
    tpu.enqueue_dma source(%dma_start3A_62 : memref<79x128xi32, #tpu.memory_space<hbm>>) target(%arg10 : memref<79x128xi32, #tpu.memory_space<vmem>>) target_semaphore(%arg16 : memref<!tpu.dma_semaphore, #tpu.memory_space<semaphore_mem>>)
    %dma_start3A_63 = arith.constant 0 : i32
    %dma_start3A_64 = tpu.memref_slice %arg27[%mul3A_49, %dma_start3A_63] : memref<10240x16xf32, #tpu.memory_space<vmem_shared>> -> memref<640x16xf32, #tpu.memory_space<vmem_shared>>
    %dma_start3A_65 = arith.constant 0 : i32
    %dma_start3A_66 = tpu.memref_slice %arg5[%mul3A_49, %dma_start3A_65] : memref<10240x16xf32, #tpu.memory_space<hbm>> -> memref<640x16xf32, #tpu.memory_space<hbm>>
    tpu.enqueue_dma source(%dma_start3A_66 : memref<640x16xf32, #tpu.memory_space<hbm>>) target(%dma_start3A_64 : memref<640x16xf32, #tpu.memory_space<vmem_shared>>) target_semaphore(%arg17 : memref<!tpu.dma_semaphore, #tpu.memory_space<semaphore_mem>>)
    %dma_start3A_67 = arith.constant 0 : i32
    %dma_start3A_68 = arith.constant 0 : i32
    %dma_start3A_69 = tpu.memref_slice %arg2[%dma_start3A_67, %mul3A_49, %dma_start3A_68] : memref<2x10240x16xf32, #tpu.memory_space<hbm>> -> memref<1x640x16xf32, #tpu.memory_space<hbm>>
    %dma_start3A_70 = tpu.memref_squeeze %dma_start3A_69 : memref<1x640x16xf32, #tpu.memory_space<hbm>> -> memref<640x16xf32, #tpu.memory_space<hbm>>
    %dma_start3A_71 = arith.constant 0 : i32
    %dma_start3A_72 = tpu.memref_slice %arg2[%dma_start3A_67, %mul3A_49, %dma_start3A_71] : memref<2x10240x16xf32, #tpu.memory_space<hbm>> -> memref<1x640x16xf32, #tpu.memory_space<hbm>>
    %dma_start3A_73 = tpu.memref_squeeze %dma_start3A_72 : memref<1x640x16xf32, #tpu.memory_space<hbm>> -> memref<640x16xf32, #tpu.memory_space<hbm>>
    tpu.enqueue_dma source(%dma_start3A_73 : memref<640x16xf32, #tpu.memory_space<hbm>>) target(%arg23 : memref<640x16xf32, #tpu.memory_space<vmem>>) target_semaphore(%arg18 : memref<!tpu.dma_semaphore, #tpu.memory_space<semaphore_mem>>)
    %dma_start3A_74 = arith.constant 1 : i32
    %dma_start3A_75 = arith.constant 0 : i32
    %dma_start3A_76 = tpu.memref_slice %arg2[%dma_start3A_74, %mul3A_49, %dma_start3A_75] : memref<2x10240x16xf32, #tpu.memory_space<hbm>> -> memref<1x640x16xf32, #tpu.memory_space<hbm>>
    %dma_start3A_77 = tpu.memref_squeeze %dma_start3A_76 : memref<1x640x16xf32, #tpu.memory_space<hbm>> -> memref<640x16xf32, #tpu.memory_space<hbm>>
    %dma_start3A_78 = arith.constant 0 : i32
    %dma_start3A_79 = tpu.memref_slice %arg2[%dma_start3A_74, %mul3A_49, %dma_start3A_78] : memref<2x10240x16xf32, #tpu.memory_space<hbm>> -> memref<1x640x16xf32, #tpu.memory_space<hbm>>
    %dma_start3A_80 = tpu.memref_squeeze %dma_start3A_79 : memref<1x640x16xf32, #tpu.memory_space<hbm>> -> memref<640x16xf32, #tpu.memory_space<hbm>>
    tpu.enqueue_dma source(%dma_start3A_80 : memref<640x16xf32, #tpu.memory_space<hbm>>) target(%arg24 : memref<640x16xf32, #tpu.memory_space<vmem>>) target_semaphore(%arg19 : memref<!tpu.dma_semaphore, #tpu.memory_space<semaphore_mem>>)
    %dma_start3A_81 = arith.constant 0 : i32
    %dma_start3A_82 = tpu.memref_slice %arg3[%mul3A_49, %dma_start3A_81] : memref<10240x16xf32, #tpu.memory_space<hbm>> -> memref<640x16xf32, #tpu.memory_space<hbm>>
    %dma_start3A_83 = arith.constant 0 : i32
    %dma_start3A_84 = tpu.memref_slice %arg3[%mul3A_49, %dma_start3A_83] : memref<10240x16xf32, #tpu.memory_space<hbm>> -> memref<640x16xf32, #tpu.memory_space<hbm>>
    tpu.enqueue_dma source(%dma_start3A_84 : memref<640x16xf32, #tpu.memory_space<hbm>>) target(%arg25 : memref<640x16xf32, #tpu.memory_space<vmem>>) target_semaphore(%arg20 : memref<!tpu.dma_semaphore, #tpu.memory_space<semaphore_mem>>)
    %dma_wait3A = arith.constant 0 : i32
    %dma_wait3A_85 = arith.constant 0 : i32
    %dma_wait3A_86 = tpu.memref_slice %arg4[%dma_wait3A, %select_n3A, %dma_wait3A_85] : memref<2x2500x128xi32, #tpu.memory_space<hbm>> -> memref<1x79x128xi32, #tpu.memory_space<hbm>>
    %dma_wait3A_87 = tpu.memref_squeeze %dma_wait3A_86 : memref<1x79x128xi32, #tpu.memory_space<hbm>> -> memref<79x128xi32, #tpu.memory_space<hbm>>
    %dma_wait3A_88 = arith.constant 0 : i32
    %dma_wait3A_89 = tpu.memref_slice %arg4[%dma_wait3A, %select_n3A, %dma_wait3A_88] : memref<2x2500x128xi32, #tpu.memory_space<hbm>> -> memref<1x79x128xi32, #tpu.memory_space<hbm>>
    %dma_wait3A_90 = tpu.memref_squeeze %dma_wait3A_89 : memref<1x79x128xi32, #tpu.memory_space<hbm>> -> memref<79x128xi32, #tpu.memory_space<hbm>>
    tpu.wait_dma2 semaphore(%arg15 : memref<!tpu.dma_semaphore, #tpu.memory_space<semaphore_mem>>) src(%dma_wait3A_90 : memref<79x128xi32, #tpu.memory_space<hbm>>) dst(%arg9 : memref<79x128xi32, #tpu.memory_space<vmem>>)
    %dma_wait3A_91 = arith.constant 1 : i32
    %dma_wait3A_92 = arith.constant 0 : i32
    %dma_wait3A_93 = tpu.memref_slice %arg4[%dma_wait3A_91, %select_n3A, %dma_wait3A_92] : memref<2x2500x128xi32, #tpu.memory_space<hbm>> -> memref<1x79x128xi32, #tpu.memory_space<hbm>>
    %dma_wait3A_94 = tpu.memref_squeeze %dma_wait3A_93 : memref<1x79x128xi32, #tpu.memory_space<hbm>> -> memref<79x128xi32, #tpu.memory_space<hbm>>
    %dma_wait3A_95 = arith.constant 0 : i32
    %dma_wait3A_96 = tpu.memref_slice %arg4[%dma_wait3A_91, %select_n3A, %dma_wait3A_95] : memref<2x2500x128xi32, #tpu.memory_space<hbm>> -> memref<1x79x128xi32, #tpu.memory_space<hbm>>
    %dma_wait3A_97 = tpu.memref_squeeze %dma_wait3A_96 : memref<1x79x128xi32, #tpu.memory_space<hbm>> -> memref<79x128xi32, #tpu.memory_space<hbm>>
    tpu.wait_dma2 semaphore(%arg16 : memref<!tpu.dma_semaphore, #tpu.memory_space<semaphore_mem>>) src(%dma_wait3A_97 : memref<79x128xi32, #tpu.memory_space<hbm>>) dst(%arg10 : memref<79x128xi32, #tpu.memory_space<vmem>>)
    %dma_wait3A_98 = arith.constant 0 : i32
    %dma_wait3A_99 = tpu.memref_slice %arg27[%mul3A_49, %dma_wait3A_98] : memref<10240x16xf32, #tpu.memory_space<vmem_shared>> -> memref<640x16xf32, #tpu.memory_space<vmem_shared>>
    %dma_wait3A_100 = arith.constant 0 : i32
    %dma_wait3A_101 = tpu.memref_slice %arg5[%mul3A_49, %dma_wait3A_100] : memref<10240x16xf32, #tpu.memory_space<hbm>> -> memref<640x16xf32, #tpu.memory_space<hbm>>
    tpu.wait_dma2 semaphore(%arg17 : memref<!tpu.dma_semaphore, #tpu.memory_space<semaphore_mem>>) src(%dma_wait3A_101 : memref<640x16xf32, #tpu.memory_space<hbm>>) dst(%dma_wait3A_99 : memref<640x16xf32, #tpu.memory_space<vmem_shared>>)
    %dma_wait3A_102 = arith.constant 0 : i32
    %dma_wait3A_103 = arith.constant 0 : i32
    %dma_wait3A_104 = tpu.memref_slice %arg2[%dma_wait3A_102, %mul3A_49, %dma_wait3A_103] : memref<2x10240x16xf32, #tpu.memory_space<hbm>> -> memref<1x640x16xf32, #tpu.memory_space<hbm>>
    %dma_wait3A_105 = tpu.memref_squeeze %dma_wait3A_104 : memref<1x640x16xf32, #tpu.memory_space<hbm>> -> memref<640x16xf32, #tpu.memory_space<hbm>>
    %dma_wait3A_106 = arith.constant 0 : i32
    %dma_wait3A_107 = tpu.memref_slice %arg2[%dma_wait3A_102, %mul3A_49, %dma_wait3A_106] : memref<2x10240x16xf32, #tpu.memory_space<hbm>> -> memref<1x640x16xf32, #tpu.memory_space<hbm>>
    %dma_wait3A_108 = tpu.memref_squeeze %dma_wait3A_107 : memref<1x640x16xf32, #tpu.memory_space<hbm>> -> memref<640x16xf32, #tpu.memory_space<hbm>>
    tpu.wait_dma2 semaphore(%arg18 : memref<!tpu.dma_semaphore, #tpu.memory_space<semaphore_mem>>) src(%dma_wait3A_108 : memref<640x16xf32, #tpu.memory_space<hbm>>) dst(%arg23 : memref<640x16xf32, #tpu.memory_space<vmem>>)
    %dma_wait3A_109 = arith.constant 1 : i32
    %dma_wait3A_110 = arith.constant 0 : i32
    %dma_wait3A_111 = tpu.memref_slice %arg2[%dma_wait3A_109, %mul3A_49, %dma_wait3A_110] : memref<2x10240x16xf32, #tpu.memory_space<hbm>> -> memref<1x640x16xf32, #tpu.memory_space<hbm>>
    %dma_wait3A_112 = tpu.memref_squeeze %dma_wait3A_111 : memref<1x640x16xf32, #tpu.memory_space<hbm>> -> memref<640x16xf32, #tpu.memory_space<hbm>>
    %dma_wait3A_113 = arith.constant 0 : i32
    %dma_wait3A_114 = tpu.memref_slice %arg2[%dma_wait3A_109, %mul3A_49, %dma_wait3A_113] : memref<2x10240x16xf32, #tpu.memory_space<hbm>> -> memref<1x640x16xf32, #tpu.memory_space<hbm>>
    %dma_wait3A_115 = tpu.memref_squeeze %dma_wait3A_114 : memref<1x640x16xf32, #tpu.memory_space<hbm>> -> memref<640x16xf32, #tpu.memory_space<hbm>>
    tpu.wait_dma2 semaphore(%arg19 : memref<!tpu.dma_semaphore, #tpu.memory_space<semaphore_mem>>) src(%dma_wait3A_115 : memref<640x16xf32, #tpu.memory_space<hbm>>) dst(%arg24 : memref<640x16xf32, #tpu.memory_space<vmem>>)
    %dma_wait3A_116 = arith.constant 0 : i32
    %dma_wait3A_117 = tpu.memref_slice %arg3[%mul3A_49, %dma_wait3A_116] : memref<10240x16xf32, #tpu.memory_space<hbm>> -> memref<640x16xf32, #tpu.memory_space<hbm>>
    %dma_wait3A_118 = arith.constant 0 : i32
    %dma_wait3A_119 = tpu.memref_slice %arg3[%mul3A_49, %dma_wait3A_118] : memref<10240x16xf32, #tpu.memory_space<hbm>> -> memref<640x16xf32, #tpu.memory_space<hbm>>
    tpu.wait_dma2 semaphore(%arg20 : memref<!tpu.dma_semaphore, #tpu.memory_space<semaphore_mem>>) src(%dma_wait3A_119 : memref<640x16xf32, #tpu.memory_space<hbm>>) dst(%arg25 : memref<640x16xf32, #tpu.memory_space<vmem>>)
    %scan3A = arith.constant 0 : i32
    %scan3A_120 = arith.constant 0 : i32
    %scan3A_121 = arith.constant 320 : i32
    %scan3A_122 = arith.addi %scan3A_120, %scan3A_121 : i32
    %scan3A_123 = arith.constant 1 : i32
    scf.for %scan3A_162 = %scan3A_120 to %scan3A_122 step %scan3A_123  : i32 {
      %mul3A_163 = arith.constant 2 : i32
      %mul3A_164 = arith.muli %scan3A_162, %mul3A_163 : i32
      %add3A_165 = arith.constant 0 : i32
      %add3A_166 = arith.addi %mul3A_164, %add3A_165 : i32
      %get3A = arith.index_cast %add3A_166 : i32 to index
      %get3A_167 = arith.constant 0 : index
      %get3A_168 = tpu.vector_load %arg23[%get3A, %get3A_167] {strides = array<i32>} : memref<640x16xf32, #tpu.memory_space<vmem>>, vector<16xf32>,
      %get3A_169 = arith.index_cast %add3A_166 : i32 to index
      %get3A_170 = arith.constant 0 : index
      %get3A_171 = tpu.vector_load %arg24[%get3A_169, %get3A_170] {strides = array<i32>} : memref<640x16xf32, #tpu.memory_space<vmem>>, vector<16xf32>,
      %add3A_172 = arith.addf %get3A_168, %get3A_171 : vector<16xf32>
      %add3A_173 = arith.constant 1.000000e+00 : f32
      %add3A_174 = vector.broadcast %add3A_173 : f32 to vector<16xf32>
      %add3A_175 = arith.addf %add3A_172, %add3A_174 : vector<16xf32>
      %bitcast3A = vector.bitcast %add3A_175 : vector<16xf32> to vector<16xi32>
      %shift_right_logical3A = arith.constant 1 : i32
      %shift_right_logical3A_176 = vector.broadcast %shift_right_logical3A : i32 to vector<16xi32>
      %shift_right_logical3A_177 = arith.shrui %bitcast3A, %shift_right_logical3A_176 : vector<16xi32>
      %sub3A_178 = arith.constant 1597463007 : i32
      %sub3A_179 = vector.broadcast %sub3A_178 : i32 to vector<16xi32>
      %sub3A_180 = arith.subi %sub3A_179, %shift_right_logical3A_177 : vector<16xi32>
      %bitcast3A_181 = vector.bitcast %sub3A_180 : vector<16xi32> to vector<16xf32>
      %mul3A_182 = arith.constant 5.000000e-01 : f32
      %mul3A_183 = vector.broadcast %mul3A_182 : f32 to vector<16xf32>
      %mul3A_184 = arith.mulf %mul3A_183, %add3A_175 : vector<16xf32>
      %mul3A_185 = arith.mulf %mul3A_184, %bitcast3A_181 : vector<16xf32>
      %mul3A_186 = arith.mulf %mul3A_185, %bitcast3A_181 : vector<16xf32>
      %sub3A_187 = arith.constant 1.500000e+00 : f32
      %sub3A_188 = vector.broadcast %sub3A_187 : f32 to vector<16xf32>
      %sub3A_189 = arith.subf %sub3A_188, %mul3A_186 : vector<16xf32>
      %mul3A_190 = arith.mulf %bitcast3A_181, %sub3A_189 : vector<16xf32>
      %mul3A_191 = arith.constant 5.000000e-01 : f32
      %mul3A_192 = vector.broadcast %mul3A_191 : f32 to vector<16xf32>
      %mul3A_193 = arith.mulf %mul3A_192, %add3A_175 : vector<16xf32>
      %mul3A_194 = arith.mulf %mul3A_193, %mul3A_190 : vector<16xf32>
      %mul3A_195 = arith.mulf %mul3A_194, %mul3A_190 : vector<16xf32>
      %sub3A_196 = arith.constant 1.500000e+00 : f32
      %sub3A_197 = vector.broadcast %sub3A_196 : f32 to vector<16xf32>
      %sub3A_198 = arith.subf %sub3A_197, %mul3A_195 : vector<16xf32>
      %mul3A_199 = arith.mulf %mul3A_190, %sub3A_198 : vector<16xf32>
      %mul3A_200 = arith.constant 5.000000e-01 : f32
      %mul3A_201 = vector.broadcast %mul3A_200 : f32 to vector<16xf32>
      %mul3A_202 = arith.mulf %mul3A_201, %add3A_175 : vector<16xf32>
      %mul3A_203 = arith.mulf %mul3A_202, %mul3A_199 : vector<16xf32>
      %mul3A_204 = arith.mulf %mul3A_203, %mul3A_199 : vector<16xf32>
      %sub3A_205 = arith.constant 1.500000e+00 : f32
      %sub3A_206 = vector.broadcast %sub3A_205 : f32 to vector<16xf32>
      %sub3A_207 = arith.subf %sub3A_206, %mul3A_204 : vector<16xf32>
      %mul3A_208 = arith.mulf %mul3A_199, %sub3A_207 : vector<16xf32>
      %swap3A = arith.index_cast %add3A_166 : i32 to index
      %swap3A_209 = arith.constant 0 : index
      %swap3A_210 = tpu.vector_load %arg26[%swap3A, %swap3A_209] {strides = array<i32>} : memref<640x16xf32, #tpu.memory_space<vmem>>, vector<16xf32>,
      tpu.vector_store %arg26[%swap3A, %swap3A_209], %mul3A_208 {strides = array<i32>} : memref<640x16xf32, #tpu.memory_space<vmem>>, vector<16xf32>,
      %get3A_211 = arith.index_cast %add3A_166 : i32 to index
      %get3A_212 = arith.constant 0 : index
      %get3A_213 = tpu.vector_load %arg25[%get3A_211, %get3A_212] {strides = array<i32>} : memref<640x16xf32, #tpu.memory_space<vmem>>, vector<16xf32>,
      %mul3A_214 = arith.mulf %mul3A_208, %get3A_213 : vector<16xf32>
      %swap3A_215 = arith.index_cast %add3A_166 : i32 to index
      %swap3A_216 = arith.constant 0 : index
      %swap3A_217 = tpu.vector_load %arg25[%swap3A_215, %swap3A_216] {strides = array<i32>} : memref<640x16xf32, #tpu.memory_space<vmem>>, vector<16xf32>,
      tpu.vector_store %arg25[%swap3A_215, %swap3A_216], %mul3A_214 {strides = array<i32>} : memref<640x16xf32, #tpu.memory_space<vmem>>, vector<16xf32>,
      %mul3A_218 = arith.constant 2 : i32
      %mul3A_219 = arith.muli %scan3A_162, %mul3A_218 : i32
      %add3A_220 = arith.constant 1 : i32
      %add3A_221 = arith.addi %mul3A_219, %add3A_220 : i32
      %get3A_222 = arith.index_cast %add3A_221 : i32 to index
      %get3A_223 = arith.constant 0 : index
      %get3A_224 = tpu.vector_load %arg23[%get3A_222, %get3A_223] {strides = array<i32>} : memref<640x16xf32, #tpu.memory_space<vmem>>, vector<16xf32>,
      %get3A_225 = arith.index_cast %add3A_221 : i32 to index
      %get3A_226 = arith.constant 0 : index
      %get3A_227 = tpu.vector_load %arg24[%get3A_225, %get3A_226] {strides = array<i32>} : memref<640x16xf32, #tpu.memory_space<vmem>>, vector<16xf32>,
      %add3A_228 = arith.addf %get3A_224, %get3A_227 : vector<16xf32>
      %add3A_229 = arith.constant 1.000000e+00 : f32
      %add3A_230 = vector.broadcast %add3A_229 : f32 to vector<16xf32>
      %add3A_231 = arith.addf %add3A_228, %add3A_230 : vector<16xf32>
      %bitcast3A_232 = vector.bitcast %add3A_231 : vector<16xf32> to vector<16xi32>
      %shift_right_logical3A_233 = arith.constant 1 : i32
      %shift_right_logical3A_234 = vector.broadcast %shift_right_logical3A_233 : i32 to vector<16xi32>
      %shift_right_logical3A_235 = arith.shrui %bitcast3A_232, %shift_right_logical3A_234 : vector<16xi32>
      %sub3A_236 = arith.constant 1597463007 : i32
      %sub3A_237 = vector.broadcast %sub3A_236 : i32 to vector<16xi32>
      %sub3A_238 = arith.subi %sub3A_237, %shift_right_logical3A_235 : vector<16xi32>
      %bitcast3A_239 = vector.bitcast %sub3A_238 : vector<16xi32> to vector<16xf32>
      %mul3A_240 = arith.constant 5.000000e-01 : f32
      %mul3A_241 = vector.broadcast %mul3A_240 : f32 to vector<16xf32>
      %mul3A_242 = arith.mulf %mul3A_241, %add3A_231 : vector<16xf32>
      %mul3A_243 = arith.mulf %mul3A_242, %bitcast3A_239 : vector<16xf32>
      %mul3A_244 = arith.mulf %mul3A_243, %bitcast3A_239 : vector<16xf32>
      %sub3A_245 = arith.constant 1.500000e+00 : f32
      %sub3A_246 = vector.broadcast %sub3A_245 : f32 to vector<16xf32>
      %sub3A_247 = arith.subf %sub3A_246, %mul3A_244 : vector<16xf32>
      %mul3A_248 = arith.mulf %bitcast3A_239, %sub3A_247 : vector<16xf32>
      %mul3A_249 = arith.constant 5.000000e-01 : f32
      %mul3A_250 = vector.broadcast %mul3A_249 : f32 to vector<16xf32>
      %mul3A_251 = arith.mulf %mul3A_250, %add3A_231 : vector<16xf32>
      %mul3A_252 = arith.mulf %mul3A_251, %mul3A_248 : vector<16xf32>
      %mul3A_253 = arith.mulf %mul3A_252, %mul3A_248 : vector<16xf32>
      %sub3A_254 = arith.constant 1.500000e+00 : f32
      %sub3A_255 = vector.broadcast %sub3A_254 : f32 to vector<16xf32>
      %sub3A_256 = arith.subf %sub3A_255, %mul3A_253 : vector<16xf32>
      %mul3A_257 = arith.mulf %mul3A_248, %sub3A_256 : vector<16xf32>
      %mul3A_258 = arith.constant 5.000000e-01 : f32
      %mul3A_259 = vector.broadcast %mul3A_258 : f32 to vector<16xf32>
      %mul3A_260 = arith.mulf %mul3A_259, %add3A_231 : vector<16xf32>
      %mul3A_261 = arith.mulf %mul3A_260, %mul3A_257 : vector<16xf32>
      %mul3A_262 = arith.mulf %mul3A_261, %mul3A_257 : vector<16xf32>
      %sub3A_263 = arith.constant 1.500000e+00 : f32
      %sub3A_264 = vector.broadcast %sub3A_263 : f32 to vector<16xf32>
      %sub3A_265 = arith.subf %sub3A_264, %mul3A_262 : vector<16xf32>
      %mul3A_266 = arith.mulf %mul3A_257, %sub3A_265 : vector<16xf32>
      %swap3A_267 = arith.index_cast %add3A_221 : i32 to index
      %swap3A_268 = arith.constant 0 : index
      %swap3A_269 = tpu.vector_load %arg26[%swap3A_267, %swap3A_268] {strides = array<i32>} : memref<640x16xf32, #tpu.memory_space<vmem>>, vector<16xf32>,
      tpu.vector_store %arg26[%swap3A_267, %swap3A_268], %mul3A_266 {strides = array<i32>} : memref<640x16xf32, #tpu.memory_space<vmem>>, vector<16xf32>,
      %get3A_270 = arith.index_cast %add3A_221 : i32 to index
      %get3A_271 = arith.constant 0 : index
      %get3A_272 = tpu.vector_load %arg25[%get3A_270, %get3A_271] {strides = array<i32>} : memref<640x16xf32, #tpu.memory_space<vmem>>, vector<16xf32>,
      %mul3A_273 = arith.mulf %mul3A_266, %get3A_272 : vector<16xf32>
      %swap3A_274 = arith.index_cast %add3A_221 : i32 to index
      %swap3A_275 = arith.constant 0 : index
      %swap3A_276 = tpu.vector_load %arg25[%swap3A_274, %swap3A_275] {strides = array<i32>} : memref<640x16xf32, #tpu.memory_space<vmem>>, vector<16xf32>,
      tpu.vector_store %arg25[%swap3A_274, %swap3A_275], %mul3A_273 {strides = array<i32>} : memref<640x16xf32, #tpu.memory_space<vmem>>, vector<16xf32>,
    }
    %scan3A_124 = arith.constant 320 : i32
    "tpu.region"() ({
      %run_scoped3A = tpu.sem_alloc : memref<!tpu.dma_semaphore, #tpu.memory_space<semaphore_mem>>
      %dma_start3A_162 = arith.constant 0 : i32
      %dma_start3A_163 = tpu.memref_slice %arg28[%mul3A_49, %dma_start3A_162] : memref<10240x16xf32, #tpu.memory_space<vmem_shared>> -> memref<640x16xf32, #tpu.memory_space<vmem_shared>>
      %dma_start3A_164 = arith.constant 0 : i32
      %dma_start3A_165 = tpu.memref_slice %arg28[%mul3A_49, %dma_start3A_164] : memref<10240x16xf32, #tpu.memory_space<vmem_shared>> -> memref<640x16xf32, #tpu.memory_space<vmem_shared>>
      tpu.enqueue_dma source(%arg25 : memref<640x16xf32, #tpu.memory_space<vmem>>) target(%dma_start3A_165 : memref<640x16xf32, #tpu.memory_space<vmem_shared>>) target_semaphore(%run_scoped3A : memref<!tpu.dma_semaphore, #tpu.memory_space<semaphore_mem>>)
      %dma_wait3A_166 = arith.constant 0 : i32
      %dma_wait3A_167 = tpu.memref_slice %arg28[%mul3A_49, %dma_wait3A_166] : memref<10240x16xf32, #tpu.memory_space<vmem_shared>> -> memref<640x16xf32, #tpu.memory_space<vmem_shared>>
      %dma_wait3A_168 = arith.constant 0 : i32
      %dma_wait3A_169 = tpu.memref_slice %arg28[%mul3A_49, %dma_wait3A_168] : memref<10240x16xf32, #tpu.memory_space<vmem_shared>> -> memref<640x16xf32, #tpu.memory_space<vmem_shared>>
      tpu.wait_dma2 semaphore(%run_scoped3A : memref<!tpu.dma_semaphore, #tpu.memory_space<semaphore_mem>>) src(%arg25 : memref<640x16xf32, #tpu.memory_space<vmem>>) dst(%dma_wait3A_169 : memref<640x16xf32, #tpu.memory_space<vmem_shared>>)
      tpu.yield
    }) : () -> ()
    %eq3A = arith.constant 0 : i32
    %eq3A_125 = arith.cmpi eq, %arg0, %eq3A : i32
    %convert_element_type3A = arith.extui %eq3A_125 : i1 to i32
    %cond3A = arith.constant 0 : i32
    %cond3A_126 = arith.cmpi ne, %convert_element_type3A, %cond3A : i32
    scf.if %cond3A_126 {
      "tpu.region"() ({
        %run_scoped3A = tpu.sem_alloc : memref<!tpu.dma_semaphore, #tpu.memory_space<semaphore_mem>>
        %dma_start3A_162 = arith.constant 0 : i32
        %dma_start3A_163 = tpu.memref_slice %arg7[%mul3A_49, %dma_start3A_162] : memref<10240x16xf32, #tpu.memory_space<hbm>> -> memref<640x16xf32, #tpu.memory_space<hbm>>
        %dma_start3A_164 = arith.constant 0 : i32
        %dma_start3A_165 = tpu.memref_slice %arg7[%mul3A_49, %dma_start3A_164] : memref<10240x16xf32, #tpu.memory_space<hbm>> -> memref<640x16xf32, #tpu.memory_space<hbm>>
        tpu.enqueue_dma source(%arg25 : memref<640x16xf32, #tpu.memory_space<vmem>>) target(%dma_start3A_165 : memref<640x16xf32, #tpu.memory_space<hbm>>) target_semaphore(%run_scoped3A : memref<!tpu.dma_semaphore, #tpu.memory_space<semaphore_mem>>)
        %dma_wait3A_166 = arith.constant 0 : i32
        %dma_wait3A_167 = tpu.memref_slice %arg7[%mul3A_49, %dma_wait3A_166] : memref<10240x16xf32, #tpu.memory_space<hbm>> -> memref<640x16xf32, #tpu.memory_space<hbm>>
        %dma_wait3A_168 = arith.constant 0 : i32
        %dma_wait3A_169 = tpu.memref_slice %arg7[%mul3A_49, %dma_wait3A_168] : memref<10240x16xf32, #tpu.memory_space<hbm>> -> memref<640x16xf32, #tpu.memory_space<hbm>>
        tpu.wait_dma2 semaphore(%run_scoped3A : memref<!tpu.dma_semaphore, #tpu.memory_space<semaphore_mem>>) src(%arg25 : memref<640x16xf32, #tpu.memory_space<vmem>>) dst(%dma_wait3A_169 : memref<640x16xf32, #tpu.memory_space<hbm>>)
        tpu.yield
      }) : () -> ()
      "tpu.region"() ({
        %run_scoped3A = tpu.sem_alloc : memref<!tpu.dma_semaphore, #tpu.memory_space<semaphore_mem>>
        %dma_start3A_162 = arith.constant 0 : i32
        %dma_start3A_163 = tpu.memref_slice %arg8[%mul3A_49, %dma_start3A_162] : memref<10240x16xf32, #tpu.memory_space<hbm>> -> memref<640x16xf32, #tpu.memory_space<hbm>>
        %dma_start3A_164 = arith.constant 0 : i32
        %dma_start3A_165 = tpu.memref_slice %arg8[%mul3A_49, %dma_start3A_164] : memref<10240x16xf32, #tpu.memory_space<hbm>> -> memref<640x16xf32, #tpu.memory_space<hbm>>
        tpu.enqueue_dma source(%arg26 : memref<640x16xf32, #tpu.memory_space<vmem>>) target(%dma_start3A_165 : memref<640x16xf32, #tpu.memory_space<hbm>>) target_semaphore(%run_scoped3A : memref<!tpu.dma_semaphore, #tpu.memory_space<semaphore_mem>>)
        %dma_wait3A_166 = arith.constant 0 : i32
        %dma_wait3A_167 = tpu.memref_slice %arg8[%mul3A_49, %dma_wait3A_166] : memref<10240x16xf32, #tpu.memory_space<hbm>> -> memref<640x16xf32, #tpu.memory_space<hbm>>
        %dma_wait3A_168 = arith.constant 0 : i32
        %dma_wait3A_169 = tpu.memref_slice %arg8[%mul3A_49, %dma_wait3A_168] : memref<10240x16xf32, #tpu.memory_space<hbm>> -> memref<640x16xf32, #tpu.memory_space<hbm>>
        tpu.wait_dma2 semaphore(%run_scoped3A : memref<!tpu.dma_semaphore, #tpu.memory_space<semaphore_mem>>) src(%arg26 : memref<640x16xf32, #tpu.memory_space<vmem>>) dst(%dma_wait3A_169 : memref<640x16xf32, #tpu.memory_space<hbm>>)
        tpu.yield
      }) : () -> ()
    } else {
    }
    %barrier3A = arith.constant 0 : index
    tpu.barrier barrier_id(%barrier3A)
    %dma_start3A_127 = arith.constant 0 : i32
    %dma_start3A_128 = arith.constant 0 : i32
    %dma_start3A_129 = tpu.memref_slice %arg9[%dma_start3A_127, %dma_start3A_128] : memref<79x128xi32, #tpu.memory_space<vmem>> -> memref<1x128xi32, #tpu.memory_space<vmem>>
    %dma_start3A_130 = tpu.memref_squeeze %dma_start3A_129 : memref<1x128xi32, #tpu.memory_space<vmem>> -> memref<128xi32, #tpu.memory_space<vmem>>
    %dma_start3A_131 = arith.constant 0 : i32
    %dma_start3A_132 = arith.constant 0 : i32
    %dma_start3A_133 = tpu.memref_slice %arg28[%dma_start3A_131, %dma_start3A_132] : memref<10240x16xf32, #tpu.memory_space<vmem_shared>> -> memref<10240x16xf32, #tpu.memory_space<vmem_shared>>
    tpu.enqueue_indirect_dma source(%dma_start3A_133 : memref<10240x16xf32, #tpu.memory_space<vmem_shared>>) target(%arg11 : memref<128x16xf32, #tpu.memory_space<vmem>>) offsets(%dma_start3A_130 : memref<128xi32, #tpu.memory_space<vmem>>) semaphore(%arg15 : memref<!tpu.dma_semaphore, #tpu.memory_space<semaphore_mem>>)
    %dma_start3A_134 = arith.constant 1 : i32
    %dma_start3A_135 = arith.constant 0 : i32
    %dma_start3A_136 = tpu.memref_slice %arg9[%dma_start3A_134, %dma_start3A_135] : memref<79x128xi32, #tpu.memory_space<vmem>> -> memref<1x128xi32, #tpu.memory_space<vmem>>
    %dma_start3A_137 = tpu.memref_squeeze %dma_start3A_136 : memref<1x128xi32, #tpu.memory_space<vmem>> -> memref<128xi32, #tpu.memory_space<vmem>>
    %dma_start3A_138 = arith.constant 0 : i32
    %dma_start3A_139 = arith.constant 0 : i32
    %dma_start3A_140 = tpu.memref_slice %arg28[%dma_start3A_138, %dma_start3A_139] : memref<10240x16xf32, #tpu.memory_space<vmem_shared>> -> memref<10240x16xf32, #tpu.memory_space<vmem_shared>>
    tpu.enqueue_indirect_dma source(%dma_start3A_140 : memref<10240x16xf32, #tpu.memory_space<vmem_shared>>) target(%arg12 : memref<128x16xf32, #tpu.memory_space<vmem>>) offsets(%dma_start3A_137 : memref<128xi32, #tpu.memory_space<vmem>>) semaphore(%arg16 : memref<!tpu.dma_semaphore, #tpu.memory_space<semaphore_mem>>)
    %dma_start3A_141 = arith.constant 2 : i32
    %dma_start3A_142 = arith.constant 0 : i32
    %dma_start3A_143 = tpu.memref_slice %arg9[%dma_start3A_141, %dma_start3A_142] : memref<79x128xi32, #tpu.memory_space<vmem>> -> memref<1x128xi32, #tpu.memory_space<vmem>>
    %dma_start3A_144 = tpu.memref_squeeze %dma_start3A_143 : memref<1x128xi32, #tpu.memory_space<vmem>> -> memref<128xi32, #tpu.memory_space<vmem>>
    %dma_start3A_145 = arith.constant 0 : i32
    %dma_start3A_146 = arith.constant 0 : i32
    %dma_start3A_147 = tpu.memref_slice %arg28[%dma_start3A_145, %dma_start3A_146] : memref<10240x16xf32, #tpu.memory_space<vmem_shared>> -> memref<10240x16xf32, #tpu.memory_space<vmem_shared>>
    tpu.enqueue_indirect_dma source(%dma_start3A_147 : memref<10240x16xf32, #tpu.memory_space<vmem_shared>>) target(%arg13 : memref<128x16xf32, #tpu.memory_space<vmem>>) offsets(%dma_start3A_144 : memref<128xi32, #tpu.memory_space<vmem>>) semaphore(%arg17 : memref<!tpu.dma_semaphore, #tpu.memory_space<semaphore_mem>>)
    %dma_start3A_148 = arith.constant 3 : i32
    %dma_start3A_149 = arith.constant 0 : i32
    %dma_start3A_150 = tpu.memref_slice %arg9[%dma_start3A_148, %dma_start3A_149] : memref<79x128xi32, #tpu.memory_space<vmem>> -> memref<1x128xi32, #tpu.memory_space<vmem>>
    %dma_start3A_151 = tpu.memref_squeeze %dma_start3A_150 : memref<1x128xi32, #tpu.memory_space<vmem>> -> memref<128xi32, #tpu.memory_space<vmem>>
    %dma_start3A_152 = arith.constant 0 : i32
    %dma_start3A_153 = arith.constant 0 : i32
    %dma_start3A_154 = tpu.memref_slice %arg28[%dma_start3A_152, %dma_start3A_153] : memref<10240x16xf32, #tpu.memory_space<vmem_shared>> -> memref<10240x16xf32, #tpu.memory_space<vmem_shared>>
    tpu.enqueue_indirect_dma source(%dma_start3A_154 : memref<10240x16xf32, #tpu.memory_space<vmem_shared>>) target(%arg14 : memref<128x16xf32, #tpu.memory_space<vmem>>) offsets(%dma_start3A_151 : memref<128xi32, #tpu.memory_space<vmem>>) semaphore(%arg18 : memref<!tpu.dma_semaphore, #tpu.memory_space<semaphore_mem>>)
    %scan3A_155 = arith.constant 0 : i32
    %scan3A_156 = arith.constant 0 : i32
    %scan3A_157 = arith.constant 20 : i32
    %scan3A_158 = arith.addi %scan3A_156, %scan3A_157 : i32
    %scan3A_159 = arith.constant 1 : i32
    scf.for %scan3A_162 = %scan3A_156 to %scan3A_158 step %scan3A_159  : i32 {
      %mul3A_163 = arith.constant 4 : i32
      %mul3A_164 = arith.muli %scan3A_162, %mul3A_163 : i32
      %add3A_165 = arith.constant 0 : i32
      %add3A_166 = arith.addi %mul3A_164, %add3A_165 : i32
      %lt3A = arith.cmpi slt, %add3A_166, %sub3A_47 : i32
      %convert_element_type3A_167 = arith.extui %lt3A : i1 to i32
      %cond3A_168 = arith.constant 0 : i32
      %cond3A_169 = arith.cmpi ne, %convert_element_type3A_167, %cond3A_168 : i32
      scf.if %cond3A_169 {
        %dma_wait3A_218 = arith.constant 0 : i32
        %dma_wait3A_219 = tpu.memref_slice %arg9[%add3A_166, %dma_wait3A_218] : memref<79x128xi32, #tpu.memory_space<vmem>> -> memref<1x128xi32, #tpu.memory_space<vmem>>
        %dma_wait3A_220 = tpu.memref_squeeze %dma_wait3A_219 : memref<1x128xi32, #tpu.memory_space<vmem>> -> memref<128xi32, #tpu.memory_space<vmem>>
        %dma_wait3A_221 = arith.constant 0 : i32
        %dma_wait3A_222 = arith.constant 0 : i32
        %dma_wait3A_223 = tpu.memref_slice %arg28[%dma_wait3A_221, %dma_wait3A_222] : memref<10240x16xf32, #tpu.memory_space<vmem_shared>> -> memref<10240x16xf32, #tpu.memory_space<vmem_shared>>
        tpu.wait_indirect_dma semaphore(%arg15 : memref<!tpu.dma_semaphore, #tpu.memory_space<semaphore_mem>>) src(%dma_wait3A_223 : memref<10240x16xf32, #tpu.memory_space<vmem_shared>>) dst(%arg11 : memref<128x16xf32, #tpu.memory_space<vmem>>)
        "tpu.region"() ({
          %run_scoped3A = tpu.sem_alloc : memref<!tpu.dma_semaphore, #tpu.memory_space<semaphore_mem>>
          %dma_start3A_224 = arith.constant 0 : i32
          %dma_start3A_225 = tpu.memref_slice %arg10[%add3A_166, %dma_start3A_224] : memref<79x128xi32, #tpu.memory_space<vmem>> -> memref<1x128xi32, #tpu.memory_space<vmem>>
          %dma_start3A_226 = tpu.memref_squeeze %dma_start3A_225 : memref<1x128xi32, #tpu.memory_space<vmem>> -> memref<128xi32, #tpu.memory_space<vmem>>
          %dma_start3A_227 = arith.constant 0 : i32
          %dma_start3A_228 = arith.constant 0 : i32
          %dma_start3A_229 = tpu.memref_slice %arg27[%dma_start3A_227, %dma_start3A_228] : memref<10240x16xf32, #tpu.memory_space<vmem_shared>> -> memref<10240x16xf32, #tpu.memory_space<vmem_shared>>
          tpu.enqueue_indirect_dma source(%arg11 : memref<128x16xf32, #tpu.memory_space<vmem>>) target(%dma_start3A_229 : memref<10240x16xf32, #tpu.memory_space<vmem_shared>>) offsets(%dma_start3A_226 : memref<128xi32, #tpu.memory_space<vmem>>) semaphore(%run_scoped3A : memref<!tpu.dma_semaphore, #tpu.memory_space<semaphore_mem>>) {add = true}
          %dma_wait3A_230 = arith.constant 0 : i32
          %dma_wait3A_231 = tpu.memref_slice %arg10[%add3A_166, %dma_wait3A_230] : memref<79x128xi32, #tpu.memory_space<vmem>> -> memref<1x128xi32, #tpu.memory_space<vmem>>
          %dma_wait3A_232 = tpu.memref_squeeze %dma_wait3A_231 : memref<1x128xi32, #tpu.memory_space<vmem>> -> memref<128xi32, #tpu.memory_space<vmem>>
          %dma_wait3A_233 = arith.constant 0 : i32
          %dma_wait3A_234 = arith.constant 0 : i32
          %dma_wait3A_235 = tpu.memref_slice %arg27[%dma_wait3A_233, %dma_wait3A_234] : memref<10240x16xf32, #tpu.memory_space<vmem_shared>> -> memref<10240x16xf32, #tpu.memory_space<vmem_shared>>
          tpu.wait_indirect_dma semaphore(%run_scoped3A : memref<!tpu.dma_semaphore, #tpu.memory_space<semaphore_mem>>) src(%arg11 : memref<128x16xf32, #tpu.memory_space<vmem>>) dst(%dma_wait3A_235 : memref<10240x16xf32, #tpu.memory_space<vmem_shared>>)
          tpu.yield
        }) : () -> ()
      } else {
      }
      %add3A_170 = arith.constant 4 : i32
      %add3A_171 = arith.addi %add3A_166, %add3A_170 : i32
      %lt3A_172 = arith.cmpi slt, %add3A_171, %sub3A_47 : i32
      %convert_element_type3A_173 = arith.extui %lt3A_172 : i1 to i32
      %cond3A_174 = arith.constant 0 : i32
      %cond3A_175 = arith.cmpi ne, %convert_element_type3A_173, %cond3A_174 : i32
      scf.if %cond3A_175 {
        %add3A_218 = arith.constant 4 : i32
        %add3A_219 = arith.addi %add3A_166, %add3A_218 : i32
        %dma_start3A_220 = arith.constant 0 : i32
        %dma_start3A_221 = tpu.memref_slice %arg9[%add3A_219, %dma_start3A_220] : memref<79x128xi32, #tpu.memory_space<vmem>> -> memref<1x128xi32, #tpu.memory_space<vmem>>
        %dma_start3A_222 = tpu.memref_squeeze %dma_start3A_221 : memref<1x128xi32, #tpu.memory_space<vmem>> -> memref<128xi32, #tpu.memory_space<vmem>>
        %dma_start3A_223 = arith.constant 0 : i32
        %dma_start3A_224 = arith.constant 0 : i32
        %dma_start3A_225 = tpu.memref_slice %arg28[%dma_start3A_223, %dma_start3A_224] : memref<10240x16xf32, #tpu.memory_space<vmem_shared>> -> memref<10240x16xf32, #tpu.memory_space<vmem_shared>>
        tpu.enqueue_indirect_dma source(%dma_start3A_225 : memref<10240x16xf32, #tpu.memory_space<vmem_shared>>) target(%arg11 : memref<128x16xf32, #tpu.memory_space<vmem>>) offsets(%dma_start3A_222 : memref<128xi32, #tpu.memory_space<vmem>>) semaphore(%arg15 : memref<!tpu.dma_semaphore, #tpu.memory_space<semaphore_mem>>)
      } else {
      }
      %mul3A_176 = arith.constant 4 : i32
      %mul3A_177 = arith.muli %scan3A_162, %mul3A_176 : i32
      %add3A_178 = arith.constant 1 : i32
      %add3A_179 = arith.addi %mul3A_177, %add3A_178 : i32
      %lt3A_180 = arith.cmpi slt, %add3A_179, %sub3A_47 : i32
      %convert_element_type3A_181 = arith.extui %lt3A_180 : i1 to i32
      %cond3A_182 = arith.constant 0 : i32
      %cond3A_183 = arith.cmpi ne, %convert_element_type3A_181, %cond3A_182 : i32
      scf.if %cond3A_183 {
        %dma_wait3A_218 = arith.constant 0 : i32
        %dma_wait3A_219 = tpu.memref_slice %arg9[%add3A_179, %dma_wait3A_218] : memref<79x128xi32, #tpu.memory_space<vmem>> -> memref<1x128xi32, #tpu.memory_space<vmem>>
        %dma_wait3A_220 = tpu.memref_squeeze %dma_wait3A_219 : memref<1x128xi32, #tpu.memory_space<vmem>> -> memref<128xi32, #tpu.memory_space<vmem>>
        %dma_wait3A_221 = arith.constant 0 : i32
        %dma_wait3A_222 = arith.constant 0 : i32
        %dma_wait3A_223 = tpu.memref_slice %arg28[%dma_wait3A_221, %dma_wait3A_222] : memref<10240x16xf32, #tpu.memory_space<vmem_shared>> -> memref<10240x16xf32, #tpu.memory_space<vmem_shared>>
        tpu.wait_indirect_dma semaphore(%arg16 : memref<!tpu.dma_semaphore, #tpu.memory_space<semaphore_mem>>) src(%dma_wait3A_223 : memref<10240x16xf32, #tpu.memory_space<vmem_shared>>) dst(%arg12 : memref<128x16xf32, #tpu.memory_space<vmem>>)
        "tpu.region"() ({
          %run_scoped3A = tpu.sem_alloc : memref<!tpu.dma_semaphore, #tpu.memory_space<semaphore_mem>>
          %dma_start3A_224 = arith.constant 0 : i32
          %dma_start3A_225 = tpu.memref_slice %arg10[%add3A_179, %dma_start3A_224] : memref<79x128xi32, #tpu.memory_space<vmem>> -> memref<1x128xi32, #tpu.memory_space<vmem>>
          %dma_start3A_226 = tpu.memref_squeeze %dma_start3A_225 : memref<1x128xi32, #tpu.memory_space<vmem>> -> memref<128xi32, #tpu.memory_space<vmem>>
          %dma_start3A_227 = arith.constant 0 : i32
          %dma_start3A_228 = arith.constant 0 : i32
          %dma_start3A_229 = tpu.memref_slice %arg27[%dma_start3A_227, %dma_start3A_228] : memref<10240x16xf32, #tpu.memory_space<vmem_shared>> -> memref<10240x16xf32, #tpu.memory_space<vmem_shared>>
          tpu.enqueue_indirect_dma source(%arg12 : memref<128x16xf32, #tpu.memory_space<vmem>>) target(%dma_start3A_229 : memref<10240x16xf32, #tpu.memory_space<vmem_shared>>) offsets(%dma_start3A_226 : memref<128xi32, #tpu.memory_space<vmem>>) semaphore(%run_scoped3A : memref<!tpu.dma_semaphore, #tpu.memory_space<semaphore_mem>>) {add = true}
          %dma_wait3A_230 = arith.constant 0 : i32
          %dma_wait3A_231 = tpu.memref_slice %arg10[%add3A_179, %dma_wait3A_230] : memref<79x128xi32, #tpu.memory_space<vmem>> -> memref<1x128xi32, #tpu.memory_space<vmem>>
          %dma_wait3A_232 = tpu.memref_squeeze %dma_wait3A_231 : memref<1x128xi32, #tpu.memory_space<vmem>> -> memref<128xi32, #tpu.memory_space<vmem>>
          %dma_wait3A_233 = arith.constant 0 : i32
          %dma_wait3A_234 = arith.constant 0 : i32
          %dma_wait3A_235 = tpu.memref_slice %arg27[%dma_wait3A_233, %dma_wait3A_234] : memref<10240x16xf32, #tpu.memory_space<vmem_shared>> -> memref<10240x16xf32, #tpu.memory_space<vmem_shared>>
          tpu.wait_indirect_dma semaphore(%run_scoped3A : memref<!tpu.dma_semaphore, #tpu.memory_space<semaphore_mem>>) src(%arg12 : memref<128x16xf32, #tpu.memory_space<vmem>>) dst(%dma_wait3A_235 : memref<10240x16xf32, #tpu.memory_space<vmem_shared>>)
          tpu.yield
        }) : () -> ()
      } else {
      }
      %add3A_184 = arith.constant 4 : i32
      %add3A_185 = arith.addi %add3A_179, %add3A_184 : i32
      %lt3A_186 = arith.cmpi slt, %add3A_185, %sub3A_47 : i32
      %convert_element_type3A_187 = arith.extui %lt3A_186 : i1 to i32
      %cond3A_188 = arith.constant 0 : i32
      %cond3A_189 = arith.cmpi ne, %convert_element_type3A_187, %cond3A_188 : i32
      scf.if %cond3A_189 {
        %add3A_218 = arith.constant 4 : i32
        %add3A_219 = arith.addi %add3A_179, %add3A_218 : i32
        %dma_start3A_220 = arith.constant 0 : i32
        %dma_start3A_221 = tpu.memref_slice %arg9[%add3A_219, %dma_start3A_220] : memref<79x128xi32, #tpu.memory_space<vmem>> -> memref<1x128xi32, #tpu.memory_space<vmem>>
        %dma_start3A_222 = tpu.memref_squeeze %dma_start3A_221 : memref<1x128xi32, #tpu.memory_space<vmem>> -> memref<128xi32, #tpu.memory_space<vmem>>
        %dma_start3A_223 = arith.constant 0 : i32
        %dma_start3A_224 = arith.constant 0 : i32
        %dma_start3A_225 = tpu.memref_slice %arg28[%dma_start3A_223, %dma_start3A_224] : memref<10240x16xf32, #tpu.memory_space<vmem_shared>> -> memref<10240x16xf32, #tpu.memory_space<vmem_shared>>
        tpu.enqueue_indirect_dma source(%dma_start3A_225 : memref<10240x16xf32, #tpu.memory_space<vmem_shared>>) target(%arg12 : memref<128x16xf32, #tpu.memory_space<vmem>>) offsets(%dma_start3A_222 : memref<128xi32, #tpu.memory_space<vmem>>) semaphore(%arg16 : memref<!tpu.dma_semaphore, #tpu.memory_space<semaphore_mem>>)
      } else {
      }
      %mul3A_190 = arith.constant 4 : i32
      %mul3A_191 = arith.muli %scan3A_162, %mul3A_190 : i32
      %add3A_192 = arith.constant 2 : i32
      %add3A_193 = arith.addi %mul3A_191, %add3A_192 : i32
      %lt3A_194 = arith.cmpi slt, %add3A_193, %sub3A_47 : i32
      %convert_element_type3A_195 = arith.extui %lt3A_194 : i1 to i32
      %cond3A_196 = arith.constant 0 : i32
      %cond3A_197 = arith.cmpi ne, %convert_element_type3A_195, %cond3A_196 : i32
      scf.if %cond3A_197 {
        %dma_wait3A_218 = arith.constant 0 : i32
        %dma_wait3A_219 = tpu.memref_slice %arg9[%add3A_193, %dma_wait3A_218] : memref<79x128xi32, #tpu.memory_space<vmem>> -> memref<1x128xi32, #tpu.memory_space<vmem>>
        %dma_wait3A_220 = tpu.memref_squeeze %dma_wait3A_219 : memref<1x128xi32, #tpu.memory_space<vmem>> -> memref<128xi32, #tpu.memory_space<vmem>>
        %dma_wait3A_221 = arith.constant 0 : i32
        %dma_wait3A_222 = arith.constant 0 : i32
        %dma_wait3A_223 = tpu.memref_slice %arg28[%dma_wait3A_221, %dma_wait3A_222] : memref<10240x16xf32, #tpu.memory_space<vmem_shared>> -> memref<10240x16xf32, #tpu.memory_space<vmem_shared>>
        tpu.wait_indirect_dma semaphore(%arg17 : memref<!tpu.dma_semaphore, #tpu.memory_space<semaphore_mem>>) src(%dma_wait3A_223 : memref<10240x16xf32, #tpu.memory_space<vmem_shared>>) dst(%arg13 : memref<128x16xf32, #tpu.memory_space<vmem>>)
        "tpu.region"() ({
          %run_scoped3A = tpu.sem_alloc : memref<!tpu.dma_semaphore, #tpu.memory_space<semaphore_mem>>
          %dma_start3A_224 = arith.constant 0 : i32
          %dma_start3A_225 = tpu.memref_slice %arg10[%add3A_193, %dma_start3A_224] : memref<79x128xi32, #tpu.memory_space<vmem>> -> memref<1x128xi32, #tpu.memory_space<vmem>>
          %dma_start3A_226 = tpu.memref_squeeze %dma_start3A_225 : memref<1x128xi32, #tpu.memory_space<vmem>> -> memref<128xi32, #tpu.memory_space<vmem>>
          %dma_start3A_227 = arith.constant 0 : i32
          %dma_start3A_228 = arith.constant 0 : i32
          %dma_start3A_229 = tpu.memref_slice %arg27[%dma_start3A_227, %dma_start3A_228] : memref<10240x16xf32, #tpu.memory_space<vmem_shared>> -> memref<10240x16xf32, #tpu.memory_space<vmem_shared>>
          tpu.enqueue_indirect_dma source(%arg13 : memref<128x16xf32, #tpu.memory_space<vmem>>) target(%dma_start3A_229 : memref<10240x16xf32, #tpu.memory_space<vmem_shared>>) offsets(%dma_start3A_226 : memref<128xi32, #tpu.memory_space<vmem>>) semaphore(%run_scoped3A : memref<!tpu.dma_semaphore, #tpu.memory_space<semaphore_mem>>) {add = true}
          %dma_wait3A_230 = arith.constant 0 : i32
          %dma_wait3A_231 = tpu.memref_slice %arg10[%add3A_193, %dma_wait3A_230] : memref<79x128xi32, #tpu.memory_space<vmem>> -> memref<1x128xi32, #tpu.memory_space<vmem>>
          %dma_wait3A_232 = tpu.memref_squeeze %dma_wait3A_231 : memref<1x128xi32, #tpu.memory_space<vmem>> -> memref<128xi32, #tpu.memory_space<vmem>>
          %dma_wait3A_233 = arith.constant 0 : i32
          %dma_wait3A_234 = arith.constant 0 : i32
          %dma_wait3A_235 = tpu.memref_slice %arg27[%dma_wait3A_233, %dma_wait3A_234] : memref<10240x16xf32, #tpu.memory_space<vmem_shared>> -> memref<10240x16xf32, #tpu.memory_space<vmem_shared>>
          tpu.wait_indirect_dma semaphore(%run_scoped3A : memref<!tpu.dma_semaphore, #tpu.memory_space<semaphore_mem>>) src(%arg13 : memref<128x16xf32, #tpu.memory_space<vmem>>) dst(%dma_wait3A_235 : memref<10240x16xf32, #tpu.memory_space<vmem_shared>>)
          tpu.yield
        }) : () -> ()
      } else {
      }
      %add3A_198 = arith.constant 4 : i32
      %add3A_199 = arith.addi %add3A_193, %add3A_198 : i32
      %lt3A_200 = arith.cmpi slt, %add3A_199, %sub3A_47 : i32
      %convert_element_type3A_201 = arith.extui %lt3A_200 : i1 to i32
      %cond3A_202 = arith.constant 0 : i32
      %cond3A_203 = arith.cmpi ne, %convert_element_type3A_201, %cond3A_202 : i32
      scf.if %cond3A_203 {
        %add3A_218 = arith.constant 4 : i32
        %add3A_219 = arith.addi %add3A_193, %add3A_218 : i32
        %dma_start3A_220 = arith.constant 0 : i32
        %dma_start3A_221 = tpu.memref_slice %arg9[%add3A_219, %dma_start3A_220] : memref<79x128xi32, #tpu.memory_space<vmem>> -> memref<1x128xi32, #tpu.memory_space<vmem>>
        %dma_start3A_222 = tpu.memref_squeeze %dma_start3A_221 : memref<1x128xi32, #tpu.memory_space<vmem>> -> memref<128xi32, #tpu.memory_space<vmem>>
        %dma_start3A_223 = arith.constant 0 : i32
        %dma_start3A_224 = arith.constant 0 : i32
        %dma_start3A_225 = tpu.memref_slice %arg28[%dma_start3A_223, %dma_start3A_224] : memref<10240x16xf32, #tpu.memory_space<vmem_shared>> -> memref<10240x16xf32, #tpu.memory_space<vmem_shared>>
        tpu.enqueue_indirect_dma source(%dma_start3A_225 : memref<10240x16xf32, #tpu.memory_space<vmem_shared>>) target(%arg13 : memref<128x16xf32, #tpu.memory_space<vmem>>) offsets(%dma_start3A_222 : memref<128xi32, #tpu.memory_space<vmem>>) semaphore(%arg17 : memref<!tpu.dma_semaphore, #tpu.memory_space<semaphore_mem>>)
      } else {
      }
      %mul3A_204 = arith.constant 4 : i32
      %mul3A_205 = arith.muli %scan3A_162, %mul3A_204 : i32
      %add3A_206 = arith.constant 3 : i32
      %add3A_207 = arith.addi %mul3A_205, %add3A_206 : i32
      %lt3A_208 = arith.cmpi slt, %add3A_207, %sub3A_47 : i32
      %convert_element_type3A_209 = arith.extui %lt3A_208 : i1 to i32
      %cond3A_210 = arith.constant 0 : i32
      %cond3A_211 = arith.cmpi ne, %convert_element_type3A_209, %cond3A_210 : i32
      scf.if %cond3A_211 {
        %dma_wait3A_218 = arith.constant 0 : i32
        %dma_wait3A_219 = tpu.memref_slice %arg9[%add3A_207, %dma_wait3A_218] : memref<79x128xi32, #tpu.memory_space<vmem>> -> memref<1x128xi32, #tpu.memory_space<vmem>>
        %dma_wait3A_220 = tpu.memref_squeeze %dma_wait3A_219 : memref<1x128xi32, #tpu.memory_space<vmem>> -> memref<128xi32, #tpu.memory_space<vmem>>
        %dma_wait3A_221 = arith.constant 0 : i32
        %dma_wait3A_222 = arith.constant 0 : i32
        %dma_wait3A_223 = tpu.memref_slice %arg28[%dma_wait3A_221, %dma_wait3A_222] : memref<10240x16xf32, #tpu.memory_space<vmem_shared>> -> memref<10240x16xf32, #tpu.memory_space<vmem_shared>>
        tpu.wait_indirect_dma semaphore(%arg18 : memref<!tpu.dma_semaphore, #tpu.memory_space<semaphore_mem>>) src(%dma_wait3A_223 : memref<10240x16xf32, #tpu.memory_space<vmem_shared>>) dst(%arg14 : memref<128x16xf32, #tpu.memory_space<vmem>>)
        "tpu.region"() ({
          %run_scoped3A = tpu.sem_alloc : memref<!tpu.dma_semaphore, #tpu.memory_space<semaphore_mem>>
          %dma_start3A_224 = arith.constant 0 : i32
          %dma_start3A_225 = tpu.memref_slice %arg10[%add3A_207, %dma_start3A_224] : memref<79x128xi32, #tpu.memory_space<vmem>> -> memref<1x128xi32, #tpu.memory_space<vmem>>
          %dma_start3A_226 = tpu.memref_squeeze %dma_start3A_225 : memref<1x128xi32, #tpu.memory_space<vmem>> -> memref<128xi32, #tpu.memory_space<vmem>>
          %dma_start3A_227 = arith.constant 0 : i32
          %dma_start3A_228 = arith.constant 0 : i32
          %dma_start3A_229 = tpu.memref_slice %arg27[%dma_start3A_227, %dma_start3A_228] : memref<10240x16xf32, #tpu.memory_space<vmem_shared>> -> memref<10240x16xf32, #tpu.memory_space<vmem_shared>>
          tpu.enqueue_indirect_dma source(%arg14 : memref<128x16xf32, #tpu.memory_space<vmem>>) target(%dma_start3A_229 : memref<10240x16xf32, #tpu.memory_space<vmem_shared>>) offsets(%dma_start3A_226 : memref<128xi32, #tpu.memory_space<vmem>>) semaphore(%run_scoped3A : memref<!tpu.dma_semaphore, #tpu.memory_space<semaphore_mem>>) {add = true}
          %dma_wait3A_230 = arith.constant 0 : i32
          %dma_wait3A_231 = tpu.memref_slice %arg10[%add3A_207, %dma_wait3A_230] : memref<79x128xi32, #tpu.memory_space<vmem>> -> memref<1x128xi32, #tpu.memory_space<vmem>>
          %dma_wait3A_232 = tpu.memref_squeeze %dma_wait3A_231 : memref<1x128xi32, #tpu.memory_space<vmem>> -> memref<128xi32, #tpu.memory_space<vmem>>
          %dma_wait3A_233 = arith.constant 0 : i32
          %dma_wait3A_234 = arith.constant 0 : i32
          %dma_wait3A_235 = tpu.memref_slice %arg27[%dma_wait3A_233, %dma_wait3A_234] : memref<10240x16xf32, #tpu.memory_space<vmem_shared>> -> memref<10240x16xf32, #tpu.memory_space<vmem_shared>>
          tpu.wait_indirect_dma semaphore(%run_scoped3A : memref<!tpu.dma_semaphore, #tpu.memory_space<semaphore_mem>>) src(%arg14 : memref<128x16xf32, #tpu.memory_space<vmem>>) dst(%dma_wait3A_235 : memref<10240x16xf32, #tpu.memory_space<vmem_shared>>)
          tpu.yield
        }) : () -> ()
      } else {
      }
      %add3A_212 = arith.constant 4 : i32
      %add3A_213 = arith.addi %add3A_207, %add3A_212 : i32
      %lt3A_214 = arith.cmpi slt, %add3A_213, %sub3A_47 : i32
      %convert_element_type3A_215 = arith.extui %lt3A_214 : i1 to i32
      %cond3A_216 = arith.constant 0 : i32
      %cond3A_217 = arith.cmpi ne, %convert_element_type3A_215, %cond3A_216 : i32
      scf.if %cond3A_217 {
        %add3A_218 = arith.constant 4 : i32
        %add3A_219 = arith.addi %add3A_207, %add3A_218 : i32
        %dma_start3A_220 = arith.constant 0 : i32
        %dma_start3A_221 = tpu.memref_slice %arg9[%add3A_219, %dma_start3A_220] : memref<79x128xi32, #tpu.memory_space<vmem>> -> memref<1x128xi32, #tpu.memory_space<vmem>>
        %dma_start3A_222 = tpu.memref_squeeze %dma_start3A_221 : memref<1x128xi32, #tpu.memory_space<vmem>> -> memref<128xi32, #tpu.memory_space<vmem>>
        %dma_start3A_223 = arith.constant 0 : i32
        %dma_start3A_224 = arith.constant 0 : i32
        %dma_start3A_225 = tpu.memref_slice %arg28[%dma_start3A_223, %dma_start3A_224] : memref<10240x16xf32, #tpu.memory_space<vmem_shared>> -> memref<10240x16xf32, #tpu.memory_space<vmem_shared>>
        tpu.enqueue_indirect_dma source(%dma_start3A_225 : memref<10240x16xf32, #tpu.memory_space<vmem_shared>>) target(%arg14 : memref<128x16xf32, #tpu.memory_space<vmem>>) offsets(%dma_start3A_222 : memref<128xi32, #tpu.memory_space<vmem>>) semaphore(%arg18 : memref<!tpu.dma_semaphore, #tpu.memory_space<semaphore_mem>>)
      } else {
      }
    }
    %scan3A_160 = arith.constant 20 : i32
    %barrier3A_161 = arith.constant 0 : index
    tpu.barrier barrier_id(%barrier3A_161)
    "tpu.region"() ({
      %run_scoped3A = tpu.sem_alloc : memref<!tpu.dma_semaphore, #tpu.memory_space<semaphore_mem>>
      %dma_start3A_162 = arith.constant 0 : i32
      %dma_start3A_163 = tpu.memref_slice %arg6[%arg0, %mul3A_49, %dma_start3A_162] : memref<2x10240x16xf32, #tpu.memory_space<hbm>> -> memref<1x640x16xf32, #tpu.memory_space<hbm>>
      %dma_start3A_164 = tpu.memref_squeeze %dma_start3A_163 : memref<1x640x16xf32, #tpu.memory_space<hbm>> -> memref<640x16xf32, #tpu.memory_space<hbm>>
      %dma_start3A_165 = arith.constant 0 : i32
      %dma_start3A_166 = tpu.memref_slice %arg27[%mul3A_49, %dma_start3A_165] : memref<10240x16xf32, #tpu.memory_space<vmem_shared>> -> memref<640x16xf32, #tpu.memory_space<vmem_shared>>
      tpu.enqueue_dma source(%dma_start3A_166 : memref<640x16xf32, #tpu.memory_space<vmem_shared>>) target(%dma_start3A_164 : memref<640x16xf32, #tpu.memory_space<hbm>>) target_semaphore(%run_scoped3A : memref<!tpu.dma_semaphore, #tpu.memory_space<semaphore_mem>>)
      %dma_wait3A_167 = arith.constant 0 : i32
      %dma_wait3A_168 = tpu.memref_slice %arg6[%arg0, %mul3A_49, %dma_wait3A_167] : memref<2x10240x16xf32, #tpu.memory_space<hbm>> -> memref<1x640x16xf32, #tpu.memory_space<hbm>>
      %dma_wait3A_169 = tpu.memref_squeeze %dma_wait3A_168 : memref<1x640x16xf32, #tpu.memory_space<hbm>> -> memref<640x16xf32, #tpu.memory_space<hbm>>
      %dma_wait3A_170 = arith.constant 0 : i32
      %dma_wait3A_171 = tpu.memref_slice %arg27[%mul3A_49, %dma_wait3A_170] : memref<10240x16xf32, #tpu.memory_space<vmem_shared>> -> memref<640x16xf32, #tpu.memory_space<vmem_shared>>
      tpu.wait_dma2 semaphore(%run_scoped3A : memref<!tpu.dma_semaphore, #tpu.memory_space<semaphore_mem>>) src(%dma_wait3A_171 : memref<640x16xf32, #tpu.memory_space<vmem_shared>>) dst(%dma_wait3A_169 : memref<640x16xf32, #tpu.memory_space<hbm>>)
      tpu.yield
    }) : () -> ()
    return
  }
}

#map = affine_map<(d0, d1) -> (0, 0)>
#map1 = affine_map<(d0, d1) -> (0, 0, 0)>
module attributes {stable_mosaic.version = 14 : i64} {
  func.func @k(%arg0: i32, %arg1: i32, %arg2: memref<10240x16xf32, #tpu.memory_space<hbm>>, %arg3: memref<2x2500x128xi32, #tpu.memory_space<hbm>>, %arg4: memref<10240x16xf32, #tpu.memory_space<hbm>>, %arg5: memref<2x10240x16xf32, #tpu.memory_space<hbm>>, %arg6: memref<79x128xi32, #tpu.memory_space<vmem>>, %arg7: memref<79x128xi32, #tpu.memory_space<vmem>>, %arg8: memref<128x16xf32, #tpu.memory_space<vmem>>, %arg9: memref<128x16xf32, #tpu.memory_space<vmem>>, %arg10: memref<128x16xf32, #tpu.memory_space<vmem>>, %arg11: memref<128x16xf32, #tpu.memory_space<vmem>>, %arg12: memref<!tpu.dma_semaphore, #tpu.memory_space<semaphore_mem>>, %arg13: memref<!tpu.dma_semaphore, #tpu.memory_space<semaphore_mem>>, %arg14: memref<!tpu.dma_semaphore, #tpu.memory_space<semaphore_mem>>, %arg15: memref<!tpu.dma_semaphore, #tpu.memory_space<semaphore_mem>>, %arg16: memref<!tpu.dma_semaphore, #tpu.memory_space<semaphore_mem>>, %arg17: memref<!tpu.dma_semaphore, #tpu.memory_space<semaphore_mem>>, %arg18: memref<!tpu.dma_semaphore, #tpu.memory_space<semaphore_mem>>, %arg19: memref<!tpu.dma_semaphore, #tpu.memory_space<semaphore_mem>>, %arg20: memref<10240x16xf32, #tpu.memory_space<vmem_shared>>, %arg21: memref<10240x16xf32, #tpu.memory_space<vmem_shared>>) attributes {dimension_semantics = [#tpu.dimension_semantics<core_parallel>, #tpu.dimension_semantics<subcore_parallel>], iteration_bounds = array<i64: 2, 16>, scalar_prefetch = 0 : i64, scratch_operands = 16 : i64, tpu.core_type = #tpu.core_type<sc_vector_subcore>, window_params = [{transform_indices = #map}, {transform_indices = #map1}, {transform_indices = #map}, {transform_indices = #map1}]} {
    %mul3A = arith.constant 16 : i32
    %mul3A_0 = arith.muli %arg0, %mul3A : i32
    %add3A = arith.addi %mul3A_0, %arg1 : i32
    %mul3A_1 = arith.constant 2500 : i32
    %mul3A_2 = arith.muli %add3A, %mul3A_1 : i32
    %jit3A = arith.constant 32 : i32
    %div3A = arith.divsi %mul3A_2, %jit3A : i32
    %sign3A = arith.constant 0 : i32
    %sign3A_3 = arith.cmpi sgt, %mul3A_2, %sign3A : i32
    %sign3A_4 = arith.extui %sign3A_3 : i1 to i32
    %sign3A_5 = arith.constant 0 : i32
    %sign3A_6 = arith.cmpi slt, %mul3A_2, %sign3A_5 : i32
    %sign3A_7 = arith.extui %sign3A_6 : i1 to i32
    %sign3A_8 = arith.subi %sign3A_4, %sign3A_7 : i32
    %sign3A_9 = arith.constant 0 : i32
    %sign3A_10 = arith.cmpi sgt, %jit3A, %sign3A_9 : i32
    %sign3A_11 = arith.extui %sign3A_10 : i1 to i32
    %sign3A_12 = arith.constant 0 : i32
    %sign3A_13 = arith.cmpi slt, %jit3A, %sign3A_12 : i32
    %sign3A_14 = arith.extui %sign3A_13 : i1 to i32
    %sign3A_15 = arith.subi %sign3A_11, %sign3A_14 : i32
    %ne3A = arith.cmpi ne, %sign3A_8, %sign3A_15 : i32
    %rem3A = arith.remsi %mul3A_2, %jit3A : i32
    %ne3A_16 = arith.constant 0 : i32
    %ne3A_17 = arith.cmpi ne, %rem3A, %ne3A_16 : i32
    %and3A = arith.andi %ne3A, %ne3A_17 : i1
    %sub3A = arith.constant 1 : i32
    %sub3A_18 = arith.subi %div3A, %sub3A : i32
    %select_n3A = arith.select %and3A, %sub3A_18, %div3A : i32
    %add3A_19 = arith.constant 1 : i32
    %add3A_20 = arith.addi %add3A, %add3A_19 : i32
    %mul3A_21 = arith.constant 2500 : i32
    %mul3A_22 = arith.muli %add3A_20, %mul3A_21 : i32
    %jit3A_23 = arith.constant 32 : i32
    %div3A_24 = arith.divsi %mul3A_22, %jit3A_23 : i32
    %sign3A_25 = arith.constant 0 : i32
    %sign3A_26 = arith.cmpi sgt, %mul3A_22, %sign3A_25 : i32
    %sign3A_27 = arith.extui %sign3A_26 : i1 to i32
    %sign3A_28 = arith.constant 0 : i32
    %sign3A_29 = arith.cmpi slt, %mul3A_22, %sign3A_28 : i32
    %sign3A_30 = arith.extui %sign3A_29 : i1 to i32
    %sign3A_31 = arith.subi %sign3A_27, %sign3A_30 : i32
    %sign3A_32 = arith.constant 0 : i32
    %sign3A_33 = arith.cmpi sgt, %jit3A_23, %sign3A_32 : i32
    %sign3A_34 = arith.extui %sign3A_33 : i1 to i32
    %sign3A_35 = arith.constant 0 : i32
    %sign3A_36 = arith.cmpi slt, %jit3A_23, %sign3A_35 : i32
    %sign3A_37 = arith.extui %sign3A_36 : i1 to i32
    %sign3A_38 = arith.subi %sign3A_34, %sign3A_37 : i32
    %ne3A_39 = arith.cmpi ne, %sign3A_31, %sign3A_38 : i32
    %rem3A_40 = arith.remsi %mul3A_22, %jit3A_23 : i32
    %ne3A_41 = arith.constant 0 : i32
    %ne3A_42 = arith.cmpi ne, %rem3A_40, %ne3A_41 : i32
    %and3A_43 = arith.andi %ne3A_39, %ne3A_42 : i1
    %sub3A_44 = arith.constant 1 : i32
    %sub3A_45 = arith.subi %div3A_24, %sub3A_44 : i32
    %select_n3A_46 = arith.select %and3A_43, %sub3A_45, %div3A_24 : i32
    %sub3A_47 = arith.subi %select_n3A_46, %select_n3A : i32
    %mul3A_48 = arith.constant 640 : i32
    %mul3A_49 = arith.muli %arg1, %mul3A_48 : i32
    %dma_start3A = arith.constant 0 : i32
    %dma_start3A_50 = arith.constant 0 : i32
    %dma_start3A_51 = tpu.memref_slice %arg3[%dma_start3A, %select_n3A, %dma_start3A_50] : memref<2x2500x128xi32, #tpu.memory_space<hbm>> -> memref<1x79x128xi32, #tpu.memory_space<hbm>>
    %dma_start3A_52 = tpu.memref_squeeze %dma_start3A_51 : memref<1x79x128xi32, #tpu.memory_space<hbm>> -> memref<79x128xi32, #tpu.memory_space<hbm>>
    %dma_start3A_53 = arith.constant 0 : i32
    %dma_start3A_54 = tpu.memref_slice %arg3[%dma_start3A, %select_n3A, %dma_start3A_53] : memref<2x2500x128xi32, #tpu.memory_space<hbm>> -> memref<1x79x128xi32, #tpu.memory_space<hbm>>
    %dma_start3A_55 = tpu.memref_squeeze %dma_start3A_54 : memref<1x79x128xi32, #tpu.memory_space<hbm>> -> memref<79x128xi32, #tpu.memory_space<hbm>>
    tpu.enqueue_dma source(%dma_start3A_55 : memref<79x128xi32, #tpu.memory_space<hbm>>) target(%arg6 : memref<79x128xi32, #tpu.memory_space<vmem>>) target_semaphore(%arg12 : memref<!tpu.dma_semaphore, #tpu.memory_space<semaphore_mem>>)
    %dma_start3A_56 = arith.constant 1 : i32
    %dma_start3A_57 = arith.constant 0 : i32
    %dma_start3A_58 = tpu.memref_slice %arg3[%dma_start3A_56, %select_n3A, %dma_start3A_57] : memref<2x2500x128xi32, #tpu.memory_space<hbm>> -> memref<1x79x128xi32, #tpu.memory_space<hbm>>
    %dma_start3A_59 = tpu.memref_squeeze %dma_start3A_58 : memref<1x79x128xi32, #tpu.memory_space<hbm>> -> memref<79x128xi32, #tpu.memory_space<hbm>>
    %dma_start3A_60 = arith.constant 0 : i32
    %dma_start3A_61 = tpu.memref_slice %arg3[%dma_start3A_56, %select_n3A, %dma_start3A_60] : memref<2x2500x128xi32, #tpu.memory_space<hbm>> -> memref<1x79x128xi32, #tpu.memory_space<hbm>>
    %dma_start3A_62 = tpu.memref_squeeze %dma_start3A_61 : memref<1x79x128xi32, #tpu.memory_space<hbm>> -> memref<79x128xi32, #tpu.memory_space<hbm>>
    tpu.enqueue_dma source(%dma_start3A_62 : memref<79x128xi32, #tpu.memory_space<hbm>>) target(%arg7 : memref<79x128xi32, #tpu.memory_space<vmem>>) target_semaphore(%arg13 : memref<!tpu.dma_semaphore, #tpu.memory_space<semaphore_mem>>)
    %dma_start3A_63 = arith.constant 0 : i32
    %dma_start3A_64 = tpu.memref_slice %arg20[%mul3A_49, %dma_start3A_63] : memref<10240x16xf32, #tpu.memory_space<vmem_shared>> -> memref<640x16xf32, #tpu.memory_space<vmem_shared>>
    %dma_start3A_65 = arith.constant 0 : i32
    %dma_start3A_66 = tpu.memref_slice %arg4[%mul3A_49, %dma_start3A_65] : memref<10240x16xf32, #tpu.memory_space<hbm>> -> memref<640x16xf32, #tpu.memory_space<hbm>>
    tpu.enqueue_dma source(%dma_start3A_66 : memref<640x16xf32, #tpu.memory_space<hbm>>) target(%dma_start3A_64 : memref<640x16xf32, #tpu.memory_space<vmem_shared>>) target_semaphore(%arg14 : memref<!tpu.dma_semaphore, #tpu.memory_space<semaphore_mem>>)
    %dma_start3A_67 = arith.constant 0 : i32
    %dma_start3A_68 = tpu.memref_slice %arg21[%mul3A_49, %dma_start3A_67] : memref<10240x16xf32, #tpu.memory_space<vmem_shared>> -> memref<640x16xf32, #tpu.memory_space<vmem_shared>>
    %dma_start3A_69 = arith.constant 0 : i32
    %dma_start3A_70 = tpu.memref_slice %arg2[%mul3A_49, %dma_start3A_69] : memref<10240x16xf32, #tpu.memory_space<hbm>> -> memref<640x16xf32, #tpu.memory_space<hbm>>
    tpu.enqueue_dma source(%dma_start3A_70 : memref<640x16xf32, #tpu.memory_space<hbm>>) target(%dma_start3A_68 : memref<640x16xf32, #tpu.memory_space<vmem_shared>>) target_semaphore(%arg15 : memref<!tpu.dma_semaphore, #tpu.memory_space<semaphore_mem>>)
    %dma_wait3A = arith.constant 0 : i32
    %dma_wait3A_71 = arith.constant 0 : i32
    %dma_wait3A_72 = tpu.memref_slice %arg3[%dma_wait3A, %select_n3A, %dma_wait3A_71] : memref<2x2500x128xi32, #tpu.memory_space<hbm>> -> memref<1x79x128xi32, #tpu.memory_space<hbm>>
    %dma_wait3A_73 = tpu.memref_squeeze %dma_wait3A_72 : memref<1x79x128xi32, #tpu.memory_space<hbm>> -> memref<79x128xi32, #tpu.memory_space<hbm>>
    %dma_wait3A_74 = arith.constant 0 : i32
    %dma_wait3A_75 = tpu.memref_slice %arg3[%dma_wait3A, %select_n3A, %dma_wait3A_74] : memref<2x2500x128xi32, #tpu.memory_space<hbm>> -> memref<1x79x128xi32, #tpu.memory_space<hbm>>
    %dma_wait3A_76 = tpu.memref_squeeze %dma_wait3A_75 : memref<1x79x128xi32, #tpu.memory_space<hbm>> -> memref<79x128xi32, #tpu.memory_space<hbm>>
    tpu.wait_dma2 semaphore(%arg12 : memref<!tpu.dma_semaphore, #tpu.memory_space<semaphore_mem>>) src(%dma_wait3A_76 : memref<79x128xi32, #tpu.memory_space<hbm>>) dst(%arg6 : memref<79x128xi32, #tpu.memory_space<vmem>>)
    %dma_wait3A_77 = arith.constant 1 : i32
    %dma_wait3A_78 = arith.constant 0 : i32
    %dma_wait3A_79 = tpu.memref_slice %arg3[%dma_wait3A_77, %select_n3A, %dma_wait3A_78] : memref<2x2500x128xi32, #tpu.memory_space<hbm>> -> memref<1x79x128xi32, #tpu.memory_space<hbm>>
    %dma_wait3A_80 = tpu.memref_squeeze %dma_wait3A_79 : memref<1x79x128xi32, #tpu.memory_space<hbm>> -> memref<79x128xi32, #tpu.memory_space<hbm>>
    %dma_wait3A_81 = arith.constant 0 : i32
    %dma_wait3A_82 = tpu.memref_slice %arg3[%dma_wait3A_77, %select_n3A, %dma_wait3A_81] : memref<2x2500x128xi32, #tpu.memory_space<hbm>> -> memref<1x79x128xi32, #tpu.memory_space<hbm>>
    %dma_wait3A_83 = tpu.memref_squeeze %dma_wait3A_82 : memref<1x79x128xi32, #tpu.memory_space<hbm>> -> memref<79x128xi32, #tpu.memory_space<hbm>>
    tpu.wait_dma2 semaphore(%arg13 : memref<!tpu.dma_semaphore, #tpu.memory_space<semaphore_mem>>) src(%dma_wait3A_83 : memref<79x128xi32, #tpu.memory_space<hbm>>) dst(%arg7 : memref<79x128xi32, #tpu.memory_space<vmem>>)
    %dma_wait3A_84 = arith.constant 0 : i32
    %dma_wait3A_85 = tpu.memref_slice %arg20[%mul3A_49, %dma_wait3A_84] : memref<10240x16xf32, #tpu.memory_space<vmem_shared>> -> memref<640x16xf32, #tpu.memory_space<vmem_shared>>
    %dma_wait3A_86 = arith.constant 0 : i32
    %dma_wait3A_87 = tpu.memref_slice %arg4[%mul3A_49, %dma_wait3A_86] : memref<10240x16xf32, #tpu.memory_space<hbm>> -> memref<640x16xf32, #tpu.memory_space<hbm>>
    tpu.wait_dma2 semaphore(%arg14 : memref<!tpu.dma_semaphore, #tpu.memory_space<semaphore_mem>>) src(%dma_wait3A_87 : memref<640x16xf32, #tpu.memory_space<hbm>>) dst(%dma_wait3A_85 : memref<640x16xf32, #tpu.memory_space<vmem_shared>>)
    %dma_wait3A_88 = arith.constant 0 : i32
    %dma_wait3A_89 = tpu.memref_slice %arg21[%mul3A_49, %dma_wait3A_88] : memref<10240x16xf32, #tpu.memory_space<vmem_shared>> -> memref<640x16xf32, #tpu.memory_space<vmem_shared>>
    %dma_wait3A_90 = arith.constant 0 : i32
    %dma_wait3A_91 = tpu.memref_slice %arg2[%mul3A_49, %dma_wait3A_90] : memref<10240x16xf32, #tpu.memory_space<hbm>> -> memref<640x16xf32, #tpu.memory_space<hbm>>
    tpu.wait_dma2 semaphore(%arg15 : memref<!tpu.dma_semaphore, #tpu.memory_space<semaphore_mem>>) src(%dma_wait3A_91 : memref<640x16xf32, #tpu.memory_space<hbm>>) dst(%dma_wait3A_89 : memref<640x16xf32, #tpu.memory_space<vmem_shared>>)
    %barrier3A = arith.constant 0 : index
    tpu.barrier barrier_id(%barrier3A)
    %dma_start3A_92 = arith.constant 0 : i32
    %dma_start3A_93 = arith.constant 0 : i32
    %dma_start3A_94 = tpu.memref_slice %arg6[%dma_start3A_92, %dma_start3A_93] : memref<79x128xi32, #tpu.memory_space<vmem>> -> memref<1x128xi32, #tpu.memory_space<vmem>>
    %dma_start3A_95 = tpu.memref_squeeze %dma_start3A_94 : memref<1x128xi32, #tpu.memory_space<vmem>> -> memref<128xi32, #tpu.memory_space<vmem>>
    %dma_start3A_96 = arith.constant 0 : i32
    %dma_start3A_97 = arith.constant 0 : i32
    %dma_start3A_98 = tpu.memref_slice %arg21[%dma_start3A_96, %dma_start3A_97] : memref<10240x16xf32, #tpu.memory_space<vmem_shared>> -> memref<10240x16xf32, #tpu.memory_space<vmem_shared>>
    tpu.enqueue_indirect_dma source(%dma_start3A_98 : memref<10240x16xf32, #tpu.memory_space<vmem_shared>>) target(%arg8 : memref<128x16xf32, #tpu.memory_space<vmem>>) offsets(%dma_start3A_95 : memref<128xi32, #tpu.memory_space<vmem>>) semaphore(%arg12 : memref<!tpu.dma_semaphore, #tpu.memory_space<semaphore_mem>>)
    %dma_start3A_99 = arith.constant 1 : i32
    %dma_start3A_100 = arith.constant 0 : i32
    %dma_start3A_101 = tpu.memref_slice %arg6[%dma_start3A_99, %dma_start3A_100] : memref<79x128xi32, #tpu.memory_space<vmem>> -> memref<1x128xi32, #tpu.memory_space<vmem>>
    %dma_start3A_102 = tpu.memref_squeeze %dma_start3A_101 : memref<1x128xi32, #tpu.memory_space<vmem>> -> memref<128xi32, #tpu.memory_space<vmem>>
    %dma_start3A_103 = arith.constant 0 : i32
    %dma_start3A_104 = arith.constant 0 : i32
    %dma_start3A_105 = tpu.memref_slice %arg21[%dma_start3A_103, %dma_start3A_104] : memref<10240x16xf32, #tpu.memory_space<vmem_shared>> -> memref<10240x16xf32, #tpu.memory_space<vmem_shared>>
    tpu.enqueue_indirect_dma source(%dma_start3A_105 : memref<10240x16xf32, #tpu.memory_space<vmem_shared>>) target(%arg9 : memref<128x16xf32, #tpu.memory_space<vmem>>) offsets(%dma_start3A_102 : memref<128xi32, #tpu.memory_space<vmem>>) semaphore(%arg13 : memref<!tpu.dma_semaphore, #tpu.memory_space<semaphore_mem>>)
    %dma_start3A_106 = arith.constant 2 : i32
    %dma_start3A_107 = arith.constant 0 : i32
    %dma_start3A_108 = tpu.memref_slice %arg6[%dma_start3A_106, %dma_start3A_107] : memref<79x128xi32, #tpu.memory_space<vmem>> -> memref<1x128xi32, #tpu.memory_space<vmem>>
    %dma_start3A_109 = tpu.memref_squeeze %dma_start3A_108 : memref<1x128xi32, #tpu.memory_space<vmem>> -> memref<128xi32, #tpu.memory_space<vmem>>
    %dma_start3A_110 = arith.constant 0 : i32
    %dma_start3A_111 = arith.constant 0 : i32
    %dma_start3A_112 = tpu.memref_slice %arg21[%dma_start3A_110, %dma_start3A_111] : memref<10240x16xf32, #tpu.memory_space<vmem_shared>> -> memref<10240x16xf32, #tpu.memory_space<vmem_shared>>
    tpu.enqueue_indirect_dma source(%dma_start3A_112 : memref<10240x16xf32, #tpu.memory_space<vmem_shared>>) target(%arg10 : memref<128x16xf32, #tpu.memory_space<vmem>>) offsets(%dma_start3A_109 : memref<128xi32, #tpu.memory_space<vmem>>) semaphore(%arg14 : memref<!tpu.dma_semaphore, #tpu.memory_space<semaphore_mem>>)
    %dma_start3A_113 = arith.constant 3 : i32
    %dma_start3A_114 = arith.constant 0 : i32
    %dma_start3A_115 = tpu.memref_slice %arg6[%dma_start3A_113, %dma_start3A_114] : memref<79x128xi32, #tpu.memory_space<vmem>> -> memref<1x128xi32, #tpu.memory_space<vmem>>
    %dma_start3A_116 = tpu.memref_squeeze %dma_start3A_115 : memref<1x128xi32, #tpu.memory_space<vmem>> -> memref<128xi32, #tpu.memory_space<vmem>>
    %dma_start3A_117 = arith.constant 0 : i32
    %dma_start3A_118 = arith.constant 0 : i32
    %dma_start3A_119 = tpu.memref_slice %arg21[%dma_start3A_117, %dma_start3A_118] : memref<10240x16xf32, #tpu.memory_space<vmem_shared>> -> memref<10240x16xf32, #tpu.memory_space<vmem_shared>>
    tpu.enqueue_indirect_dma source(%dma_start3A_119 : memref<10240x16xf32, #tpu.memory_space<vmem_shared>>) target(%arg11 : memref<128x16xf32, #tpu.memory_space<vmem>>) offsets(%dma_start3A_116 : memref<128xi32, #tpu.memory_space<vmem>>) semaphore(%arg15 : memref<!tpu.dma_semaphore, #tpu.memory_space<semaphore_mem>>)
    %scan3A = arith.constant 0 : i32
    %scan3A_120 = arith.constant 0 : i32
    %scan3A_121 = arith.constant 20 : i32
    %scan3A_122 = arith.addi %scan3A_120, %scan3A_121 : i32
    %scan3A_123 = arith.constant 1 : i32
    scf.for %scan3A_126 = %scan3A_120 to %scan3A_122 step %scan3A_123  : i32 {
      %mul3A_127 = arith.constant 4 : i32
      %mul3A_128 = arith.muli %scan3A_126, %mul3A_127 : i32
      %add3A_129 = arith.constant 0 : i32
      %add3A_130 = arith.addi %mul3A_128, %add3A_129 : i32
      %lt3A = arith.cmpi slt, %add3A_130, %sub3A_47 : i32
      %convert_element_type3A = arith.extui %lt3A : i1 to i32
      %cond3A = arith.constant 0 : i32
      %cond3A_131 = arith.cmpi ne, %convert_element_type3A, %cond3A : i32
      scf.if %cond3A_131 {
        %dma_wait3A_180 = arith.constant 0 : i32
        %dma_wait3A_181 = tpu.memref_slice %arg6[%add3A_130, %dma_wait3A_180] : memref<79x128xi32, #tpu.memory_space<vmem>> -> memref<1x128xi32, #tpu.memory_space<vmem>>
        %dma_wait3A_182 = tpu.memref_squeeze %dma_wait3A_181 : memref<1x128xi32, #tpu.memory_space<vmem>> -> memref<128xi32, #tpu.memory_space<vmem>>
        %dma_wait3A_183 = arith.constant 0 : i32
        %dma_wait3A_184 = arith.constant 0 : i32
        %dma_wait3A_185 = tpu.memref_slice %arg21[%dma_wait3A_183, %dma_wait3A_184] : memref<10240x16xf32, #tpu.memory_space<vmem_shared>> -> memref<10240x16xf32, #tpu.memory_space<vmem_shared>>
        tpu.wait_indirect_dma semaphore(%arg12 : memref<!tpu.dma_semaphore, #tpu.memory_space<semaphore_mem>>) src(%dma_wait3A_185 : memref<10240x16xf32, #tpu.memory_space<vmem_shared>>) dst(%arg8 : memref<128x16xf32, #tpu.memory_space<vmem>>)
        "tpu.region"() ({
          %run_scoped3A = tpu.sem_alloc : memref<!tpu.dma_semaphore, #tpu.memory_space<semaphore_mem>>
          %dma_start3A_186 = arith.constant 0 : i32
          %dma_start3A_187 = tpu.memref_slice %arg7[%add3A_130, %dma_start3A_186] : memref<79x128xi32, #tpu.memory_space<vmem>> -> memref<1x128xi32, #tpu.memory_space<vmem>>
          %dma_start3A_188 = tpu.memref_squeeze %dma_start3A_187 : memref<1x128xi32, #tpu.memory_space<vmem>> -> memref<128xi32, #tpu.memory_space<vmem>>
          %dma_start3A_189 = arith.constant 0 : i32
          %dma_start3A_190 = arith.constant 0 : i32
          %dma_start3A_191 = tpu.memref_slice %arg20[%dma_start3A_189, %dma_start3A_190] : memref<10240x16xf32, #tpu.memory_space<vmem_shared>> -> memref<10240x16xf32, #tpu.memory_space<vmem_shared>>
          tpu.enqueue_indirect_dma source(%arg8 : memref<128x16xf32, #tpu.memory_space<vmem>>) target(%dma_start3A_191 : memref<10240x16xf32, #tpu.memory_space<vmem_shared>>) offsets(%dma_start3A_188 : memref<128xi32, #tpu.memory_space<vmem>>) semaphore(%run_scoped3A : memref<!tpu.dma_semaphore, #tpu.memory_space<semaphore_mem>>) {add = true}
          %dma_wait3A_192 = arith.constant 0 : i32
          %dma_wait3A_193 = tpu.memref_slice %arg7[%add3A_130, %dma_wait3A_192] : memref<79x128xi32, #tpu.memory_space<vmem>> -> memref<1x128xi32, #tpu.memory_space<vmem>>
          %dma_wait3A_194 = tpu.memref_squeeze %dma_wait3A_193 : memref<1x128xi32, #tpu.memory_space<vmem>> -> memref<128xi32, #tpu.memory_space<vmem>>
          %dma_wait3A_195 = arith.constant 0 : i32
          %dma_wait3A_196 = arith.constant 0 : i32
          %dma_wait3A_197 = tpu.memref_slice %arg20[%dma_wait3A_195, %dma_wait3A_196] : memref<10240x16xf32, #tpu.memory_space<vmem_shared>> -> memref<10240x16xf32, #tpu.memory_space<vmem_shared>>
          tpu.wait_indirect_dma semaphore(%run_scoped3A : memref<!tpu.dma_semaphore, #tpu.memory_space<semaphore_mem>>) src(%arg8 : memref<128x16xf32, #tpu.memory_space<vmem>>) dst(%dma_wait3A_197 : memref<10240x16xf32, #tpu.memory_space<vmem_shared>>)
          tpu.yield
        }) : () -> ()
      } else {
      }
      %add3A_132 = arith.constant 4 : i32
      %add3A_133 = arith.addi %add3A_130, %add3A_132 : i32
      %lt3A_134 = arith.cmpi slt, %add3A_133, %sub3A_47 : i32
      %convert_element_type3A_135 = arith.extui %lt3A_134 : i1 to i32
      %cond3A_136 = arith.constant 0 : i32
      %cond3A_137 = arith.cmpi ne, %convert_element_type3A_135, %cond3A_136 : i32
      scf.if %cond3A_137 {
        %add3A_180 = arith.constant 4 : i32
        %add3A_181 = arith.addi %add3A_130, %add3A_180 : i32
        %dma_start3A_182 = arith.constant 0 : i32
        %dma_start3A_183 = tpu.memref_slice %arg6[%add3A_181, %dma_start3A_182] : memref<79x128xi32, #tpu.memory_space<vmem>> -> memref<1x128xi32, #tpu.memory_space<vmem>>
        %dma_start3A_184 = tpu.memref_squeeze %dma_start3A_183 : memref<1x128xi32, #tpu.memory_space<vmem>> -> memref<128xi32, #tpu.memory_space<vmem>>
        %dma_start3A_185 = arith.constant 0 : i32
        %dma_start3A_186 = arith.constant 0 : i32
        %dma_start3A_187 = tpu.memref_slice %arg21[%dma_start3A_185, %dma_start3A_186] : memref<10240x16xf32, #tpu.memory_space<vmem_shared>> -> memref<10240x16xf32, #tpu.memory_space<vmem_shared>>
        tpu.enqueue_indirect_dma source(%dma_start3A_187 : memref<10240x16xf32, #tpu.memory_space<vmem_shared>>) target(%arg8 : memref<128x16xf32, #tpu.memory_space<vmem>>) offsets(%dma_start3A_184 : memref<128xi32, #tpu.memory_space<vmem>>) semaphore(%arg12 : memref<!tpu.dma_semaphore, #tpu.memory_space<semaphore_mem>>)
      } else {
      }
      %mul3A_138 = arith.constant 4 : i32
      %mul3A_139 = arith.muli %scan3A_126, %mul3A_138 : i32
      %add3A_140 = arith.constant 1 : i32
      %add3A_141 = arith.addi %mul3A_139, %add3A_140 : i32
      %lt3A_142 = arith.cmpi slt, %add3A_141, %sub3A_47 : i32
      %convert_element_type3A_143 = arith.extui %lt3A_142 : i1 to i32
      %cond3A_144 = arith.constant 0 : i32
      %cond3A_145 = arith.cmpi ne, %convert_element_type3A_143, %cond3A_144 : i32
      scf.if %cond3A_145 {
        %dma_wait3A_180 = arith.constant 0 : i32
        %dma_wait3A_181 = tpu.memref_slice %arg6[%add3A_141, %dma_wait3A_180] : memref<79x128xi32, #tpu.memory_space<vmem>> -> memref<1x128xi32, #tpu.memory_space<vmem>>
        %dma_wait3A_182 = tpu.memref_squeeze %dma_wait3A_181 : memref<1x128xi32, #tpu.memory_space<vmem>> -> memref<128xi32, #tpu.memory_space<vmem>>
        %dma_wait3A_183 = arith.constant 0 : i32
        %dma_wait3A_184 = arith.constant 0 : i32
        %dma_wait3A_185 = tpu.memref_slice %arg21[%dma_wait3A_183, %dma_wait3A_184] : memref<10240x16xf32, #tpu.memory_space<vmem_shared>> -> memref<10240x16xf32, #tpu.memory_space<vmem_shared>>
        tpu.wait_indirect_dma semaphore(%arg13 : memref<!tpu.dma_semaphore, #tpu.memory_space<semaphore_mem>>) src(%dma_wait3A_185 : memref<10240x16xf32, #tpu.memory_space<vmem_shared>>) dst(%arg9 : memref<128x16xf32, #tpu.memory_space<vmem>>)
        "tpu.region"() ({
          %run_scoped3A = tpu.sem_alloc : memref<!tpu.dma_semaphore, #tpu.memory_space<semaphore_mem>>
          %dma_start3A_186 = arith.constant 0 : i32
          %dma_start3A_187 = tpu.memref_slice %arg7[%add3A_141, %dma_start3A_186] : memref<79x128xi32, #tpu.memory_space<vmem>> -> memref<1x128xi32, #tpu.memory_space<vmem>>
          %dma_start3A_188 = tpu.memref_squeeze %dma_start3A_187 : memref<1x128xi32, #tpu.memory_space<vmem>> -> memref<128xi32, #tpu.memory_space<vmem>>
          %dma_start3A_189 = arith.constant 0 : i32
          %dma_start3A_190 = arith.constant 0 : i32
          %dma_start3A_191 = tpu.memref_slice %arg20[%dma_start3A_189, %dma_start3A_190] : memref<10240x16xf32, #tpu.memory_space<vmem_shared>> -> memref<10240x16xf32, #tpu.memory_space<vmem_shared>>
          tpu.enqueue_indirect_dma source(%arg9 : memref<128x16xf32, #tpu.memory_space<vmem>>) target(%dma_start3A_191 : memref<10240x16xf32, #tpu.memory_space<vmem_shared>>) offsets(%dma_start3A_188 : memref<128xi32, #tpu.memory_space<vmem>>) semaphore(%run_scoped3A : memref<!tpu.dma_semaphore, #tpu.memory_space<semaphore_mem>>) {add = true}
          %dma_wait3A_192 = arith.constant 0 : i32
          %dma_wait3A_193 = tpu.memref_slice %arg7[%add3A_141, %dma_wait3A_192] : memref<79x128xi32, #tpu.memory_space<vmem>> -> memref<1x128xi32, #tpu.memory_space<vmem>>
          %dma_wait3A_194 = tpu.memref_squeeze %dma_wait3A_193 : memref<1x128xi32, #tpu.memory_space<vmem>> -> memref<128xi32, #tpu.memory_space<vmem>>
          %dma_wait3A_195 = arith.constant 0 : i32
          %dma_wait3A_196 = arith.constant 0 : i32
          %dma_wait3A_197 = tpu.memref_slice %arg20[%dma_wait3A_195, %dma_wait3A_196] : memref<10240x16xf32, #tpu.memory_space<vmem_shared>> -> memref<10240x16xf32, #tpu.memory_space<vmem_shared>>
          tpu.wait_indirect_dma semaphore(%run_scoped3A : memref<!tpu.dma_semaphore, #tpu.memory_space<semaphore_mem>>) src(%arg9 : memref<128x16xf32, #tpu.memory_space<vmem>>) dst(%dma_wait3A_197 : memref<10240x16xf32, #tpu.memory_space<vmem_shared>>)
          tpu.yield
        }) : () -> ()
      } else {
      }
      %add3A_146 = arith.constant 4 : i32
      %add3A_147 = arith.addi %add3A_141, %add3A_146 : i32
      %lt3A_148 = arith.cmpi slt, %add3A_147, %sub3A_47 : i32
      %convert_element_type3A_149 = arith.extui %lt3A_148 : i1 to i32
      %cond3A_150 = arith.constant 0 : i32
      %cond3A_151 = arith.cmpi ne, %convert_element_type3A_149, %cond3A_150 : i32
      scf.if %cond3A_151 {
        %add3A_180 = arith.constant 4 : i32
        %add3A_181 = arith.addi %add3A_141, %add3A_180 : i32
        %dma_start3A_182 = arith.constant 0 : i32
        %dma_start3A_183 = tpu.memref_slice %arg6[%add3A_181, %dma_start3A_182] : memref<79x128xi32, #tpu.memory_space<vmem>> -> memref<1x128xi32, #tpu.memory_space<vmem>>
        %dma_start3A_184 = tpu.memref_squeeze %dma_start3A_183 : memref<1x128xi32, #tpu.memory_space<vmem>> -> memref<128xi32, #tpu.memory_space<vmem>>
        %dma_start3A_185 = arith.constant 0 : i32
        %dma_start3A_186 = arith.constant 0 : i32
        %dma_start3A_187 = tpu.memref_slice %arg21[%dma_start3A_185, %dma_start3A_186] : memref<10240x16xf32, #tpu.memory_space<vmem_shared>> -> memref<10240x16xf32, #tpu.memory_space<vmem_shared>>
        tpu.enqueue_indirect_dma source(%dma_start3A_187 : memref<10240x16xf32, #tpu.memory_space<vmem_shared>>) target(%arg9 : memref<128x16xf32, #tpu.memory_space<vmem>>) offsets(%dma_start3A_184 : memref<128xi32, #tpu.memory_space<vmem>>) semaphore(%arg13 : memref<!tpu.dma_semaphore, #tpu.memory_space<semaphore_mem>>)
      } else {
      }
      %mul3A_152 = arith.constant 4 : i32
      %mul3A_153 = arith.muli %scan3A_126, %mul3A_152 : i32
      %add3A_154 = arith.constant 2 : i32
      %add3A_155 = arith.addi %mul3A_153, %add3A_154 : i32
      %lt3A_156 = arith.cmpi slt, %add3A_155, %sub3A_47 : i32
      %convert_element_type3A_157 = arith.extui %lt3A_156 : i1 to i32
      %cond3A_158 = arith.constant 0 : i32
      %cond3A_159 = arith.cmpi ne, %convert_element_type3A_157, %cond3A_158 : i32
      scf.if %cond3A_159 {
        %dma_wait3A_180 = arith.constant 0 : i32
        %dma_wait3A_181 = tpu.memref_slice %arg6[%add3A_155, %dma_wait3A_180] : memref<79x128xi32, #tpu.memory_space<vmem>> -> memref<1x128xi32, #tpu.memory_space<vmem>>
        %dma_wait3A_182 = tpu.memref_squeeze %dma_wait3A_181 : memref<1x128xi32, #tpu.memory_space<vmem>> -> memref<128xi32, #tpu.memory_space<vmem>>
        %dma_wait3A_183 = arith.constant 0 : i32
        %dma_wait3A_184 = arith.constant 0 : i32
        %dma_wait3A_185 = tpu.memref_slice %arg21[%dma_wait3A_183, %dma_wait3A_184] : memref<10240x16xf32, #tpu.memory_space<vmem_shared>> -> memref<10240x16xf32, #tpu.memory_space<vmem_shared>>
        tpu.wait_indirect_dma semaphore(%arg14 : memref<!tpu.dma_semaphore, #tpu.memory_space<semaphore_mem>>) src(%dma_wait3A_185 : memref<10240x16xf32, #tpu.memory_space<vmem_shared>>) dst(%arg10 : memref<128x16xf32, #tpu.memory_space<vmem>>)
        "tpu.region"() ({
          %run_scoped3A = tpu.sem_alloc : memref<!tpu.dma_semaphore, #tpu.memory_space<semaphore_mem>>
          %dma_start3A_186 = arith.constant 0 : i32
          %dma_start3A_187 = tpu.memref_slice %arg7[%add3A_155, %dma_start3A_186] : memref<79x128xi32, #tpu.memory_space<vmem>> -> memref<1x128xi32, #tpu.memory_space<vmem>>
          %dma_start3A_188 = tpu.memref_squeeze %dma_start3A_187 : memref<1x128xi32, #tpu.memory_space<vmem>> -> memref<128xi32, #tpu.memory_space<vmem>>
          %dma_start3A_189 = arith.constant 0 : i32
          %dma_start3A_190 = arith.constant 0 : i32
          %dma_start3A_191 = tpu.memref_slice %arg20[%dma_start3A_189, %dma_start3A_190] : memref<10240x16xf32, #tpu.memory_space<vmem_shared>> -> memref<10240x16xf32, #tpu.memory_space<vmem_shared>>
          tpu.enqueue_indirect_dma source(%arg10 : memref<128x16xf32, #tpu.memory_space<vmem>>) target(%dma_start3A_191 : memref<10240x16xf32, #tpu.memory_space<vmem_shared>>) offsets(%dma_start3A_188 : memref<128xi32, #tpu.memory_space<vmem>>) semaphore(%run_scoped3A : memref<!tpu.dma_semaphore, #tpu.memory_space<semaphore_mem>>) {add = true}
          %dma_wait3A_192 = arith.constant 0 : i32
          %dma_wait3A_193 = tpu.memref_slice %arg7[%add3A_155, %dma_wait3A_192] : memref<79x128xi32, #tpu.memory_space<vmem>> -> memref<1x128xi32, #tpu.memory_space<vmem>>
          %dma_wait3A_194 = tpu.memref_squeeze %dma_wait3A_193 : memref<1x128xi32, #tpu.memory_space<vmem>> -> memref<128xi32, #tpu.memory_space<vmem>>
          %dma_wait3A_195 = arith.constant 0 : i32
          %dma_wait3A_196 = arith.constant 0 : i32
          %dma_wait3A_197 = tpu.memref_slice %arg20[%dma_wait3A_195, %dma_wait3A_196] : memref<10240x16xf32, #tpu.memory_space<vmem_shared>> -> memref<10240x16xf32, #tpu.memory_space<vmem_shared>>
          tpu.wait_indirect_dma semaphore(%run_scoped3A : memref<!tpu.dma_semaphore, #tpu.memory_space<semaphore_mem>>) src(%arg10 : memref<128x16xf32, #tpu.memory_space<vmem>>) dst(%dma_wait3A_197 : memref<10240x16xf32, #tpu.memory_space<vmem_shared>>)
          tpu.yield
        }) : () -> ()
      } else {
      }
      %add3A_160 = arith.constant 4 : i32
      %add3A_161 = arith.addi %add3A_155, %add3A_160 : i32
      %lt3A_162 = arith.cmpi slt, %add3A_161, %sub3A_47 : i32
      %convert_element_type3A_163 = arith.extui %lt3A_162 : i1 to i32
      %cond3A_164 = arith.constant 0 : i32
      %cond3A_165 = arith.cmpi ne, %convert_element_type3A_163, %cond3A_164 : i32
      scf.if %cond3A_165 {
        %add3A_180 = arith.constant 4 : i32
        %add3A_181 = arith.addi %add3A_155, %add3A_180 : i32
        %dma_start3A_182 = arith.constant 0 : i32
        %dma_start3A_183 = tpu.memref_slice %arg6[%add3A_181, %dma_start3A_182] : memref<79x128xi32, #tpu.memory_space<vmem>> -> memref<1x128xi32, #tpu.memory_space<vmem>>
        %dma_start3A_184 = tpu.memref_squeeze %dma_start3A_183 : memref<1x128xi32, #tpu.memory_space<vmem>> -> memref<128xi32, #tpu.memory_space<vmem>>
        %dma_start3A_185 = arith.constant 0 : i32
        %dma_start3A_186 = arith.constant 0 : i32
        %dma_start3A_187 = tpu.memref_slice %arg21[%dma_start3A_185, %dma_start3A_186] : memref<10240x16xf32, #tpu.memory_space<vmem_shared>> -> memref<10240x16xf32, #tpu.memory_space<vmem_shared>>
        tpu.enqueue_indirect_dma source(%dma_start3A_187 : memref<10240x16xf32, #tpu.memory_space<vmem_shared>>) target(%arg10 : memref<128x16xf32, #tpu.memory_space<vmem>>) offsets(%dma_start3A_184 : memref<128xi32, #tpu.memory_space<vmem>>) semaphore(%arg14 : memref<!tpu.dma_semaphore, #tpu.memory_space<semaphore_mem>>)
      } else {
      }
      %mul3A_166 = arith.constant 4 : i32
      %mul3A_167 = arith.muli %scan3A_126, %mul3A_166 : i32
      %add3A_168 = arith.constant 3 : i32
      %add3A_169 = arith.addi %mul3A_167, %add3A_168 : i32
      %lt3A_170 = arith.cmpi slt, %add3A_169, %sub3A_47 : i32
      %convert_element_type3A_171 = arith.extui %lt3A_170 : i1 to i32
      %cond3A_172 = arith.constant 0 : i32
      %cond3A_173 = arith.cmpi ne, %convert_element_type3A_171, %cond3A_172 : i32
      scf.if %cond3A_173 {
        %dma_wait3A_180 = arith.constant 0 : i32
        %dma_wait3A_181 = tpu.memref_slice %arg6[%add3A_169, %dma_wait3A_180] : memref<79x128xi32, #tpu.memory_space<vmem>> -> memref<1x128xi32, #tpu.memory_space<vmem>>
        %dma_wait3A_182 = tpu.memref_squeeze %dma_wait3A_181 : memref<1x128xi32, #tpu.memory_space<vmem>> -> memref<128xi32, #tpu.memory_space<vmem>>
        %dma_wait3A_183 = arith.constant 0 : i32
        %dma_wait3A_184 = arith.constant 0 : i32
        %dma_wait3A_185 = tpu.memref_slice %arg21[%dma_wait3A_183, %dma_wait3A_184] : memref<10240x16xf32, #tpu.memory_space<vmem_shared>> -> memref<10240x16xf32, #tpu.memory_space<vmem_shared>>
        tpu.wait_indirect_dma semaphore(%arg15 : memref<!tpu.dma_semaphore, #tpu.memory_space<semaphore_mem>>) src(%dma_wait3A_185 : memref<10240x16xf32, #tpu.memory_space<vmem_shared>>) dst(%arg11 : memref<128x16xf32, #tpu.memory_space<vmem>>)
        "tpu.region"() ({
          %run_scoped3A = tpu.sem_alloc : memref<!tpu.dma_semaphore, #tpu.memory_space<semaphore_mem>>
          %dma_start3A_186 = arith.constant 0 : i32
          %dma_start3A_187 = tpu.memref_slice %arg7[%add3A_169, %dma_start3A_186] : memref<79x128xi32, #tpu.memory_space<vmem>> -> memref<1x128xi32, #tpu.memory_space<vmem>>
          %dma_start3A_188 = tpu.memref_squeeze %dma_start3A_187 : memref<1x128xi32, #tpu.memory_space<vmem>> -> memref<128xi32, #tpu.memory_space<vmem>>
          %dma_start3A_189 = arith.constant 0 : i32
          %dma_start3A_190 = arith.constant 0 : i32
          %dma_start3A_191 = tpu.memref_slice %arg20[%dma_start3A_189, %dma_start3A_190] : memref<10240x16xf32, #tpu.memory_space<vmem_shared>> -> memref<10240x16xf32, #tpu.memory_space<vmem_shared>>
          tpu.enqueue_indirect_dma source(%arg11 : memref<128x16xf32, #tpu.memory_space<vmem>>) target(%dma_start3A_191 : memref<10240x16xf32, #tpu.memory_space<vmem_shared>>) offsets(%dma_start3A_188 : memref<128xi32, #tpu.memory_space<vmem>>) semaphore(%run_scoped3A : memref<!tpu.dma_semaphore, #tpu.memory_space<semaphore_mem>>) {add = true}
          %dma_wait3A_192 = arith.constant 0 : i32
          %dma_wait3A_193 = tpu.memref_slice %arg7[%add3A_169, %dma_wait3A_192] : memref<79x128xi32, #tpu.memory_space<vmem>> -> memref<1x128xi32, #tpu.memory_space<vmem>>
          %dma_wait3A_194 = tpu.memref_squeeze %dma_wait3A_193 : memref<1x128xi32, #tpu.memory_space<vmem>> -> memref<128xi32, #tpu.memory_space<vmem>>
          %dma_wait3A_195 = arith.constant 0 : i32
          %dma_wait3A_196 = arith.constant 0 : i32
          %dma_wait3A_197 = tpu.memref_slice %arg20[%dma_wait3A_195, %dma_wait3A_196] : memref<10240x16xf32, #tpu.memory_space<vmem_shared>> -> memref<10240x16xf32, #tpu.memory_space<vmem_shared>>
          tpu.wait_indirect_dma semaphore(%run_scoped3A : memref<!tpu.dma_semaphore, #tpu.memory_space<semaphore_mem>>) src(%arg11 : memref<128x16xf32, #tpu.memory_space<vmem>>) dst(%dma_wait3A_197 : memref<10240x16xf32, #tpu.memory_space<vmem_shared>>)
          tpu.yield
        }) : () -> ()
      } else {
      }
      %add3A_174 = arith.constant 4 : i32
      %add3A_175 = arith.addi %add3A_169, %add3A_174 : i32
      %lt3A_176 = arith.cmpi slt, %add3A_175, %sub3A_47 : i32
      %convert_element_type3A_177 = arith.extui %lt3A_176 : i1 to i32
      %cond3A_178 = arith.constant 0 : i32
      %cond3A_179 = arith.cmpi ne, %convert_element_type3A_177, %cond3A_178 : i32
      scf.if %cond3A_179 {
        %add3A_180 = arith.constant 4 : i32
        %add3A_181 = arith.addi %add3A_169, %add3A_180 : i32
        %dma_start3A_182 = arith.constant 0 : i32
        %dma_start3A_183 = tpu.memref_slice %arg6[%add3A_181, %dma_start3A_182] : memref<79x128xi32, #tpu.memory_space<vmem>> -> memref<1x128xi32, #tpu.memory_space<vmem>>
        %dma_start3A_184 = tpu.memref_squeeze %dma_start3A_183 : memref<1x128xi32, #tpu.memory_space<vmem>> -> memref<128xi32, #tpu.memory_space<vmem>>
        %dma_start3A_185 = arith.constant 0 : i32
        %dma_start3A_186 = arith.constant 0 : i32
        %dma_start3A_187 = tpu.memref_slice %arg21[%dma_start3A_185, %dma_start3A_186] : memref<10240x16xf32, #tpu.memory_space<vmem_shared>> -> memref<10240x16xf32, #tpu.memory_space<vmem_shared>>
        tpu.enqueue_indirect_dma source(%dma_start3A_187 : memref<10240x16xf32, #tpu.memory_space<vmem_shared>>) target(%arg11 : memref<128x16xf32, #tpu.memory_space<vmem>>) offsets(%dma_start3A_184 : memref<128xi32, #tpu.memory_space<vmem>>) semaphore(%arg15 : memref<!tpu.dma_semaphore, #tpu.memory_space<semaphore_mem>>)
      } else {
      }
    }
    %scan3A_124 = arith.constant 20 : i32
    %barrier3A_125 = arith.constant 0 : index
    tpu.barrier barrier_id(%barrier3A_125)
    "tpu.region"() ({
      %run_scoped3A = tpu.sem_alloc : memref<!tpu.dma_semaphore, #tpu.memory_space<semaphore_mem>>
      %dma_start3A_126 = arith.constant 0 : i32
      %dma_start3A_127 = tpu.memref_slice %arg5[%arg0, %mul3A_49, %dma_start3A_126] : memref<2x10240x16xf32, #tpu.memory_space<hbm>> -> memref<1x640x16xf32, #tpu.memory_space<hbm>>
      %dma_start3A_128 = tpu.memref_squeeze %dma_start3A_127 : memref<1x640x16xf32, #tpu.memory_space<hbm>> -> memref<640x16xf32, #tpu.memory_space<hbm>>
      %dma_start3A_129 = arith.constant 0 : i32
      %dma_start3A_130 = tpu.memref_slice %arg20[%mul3A_49, %dma_start3A_129] : memref<10240x16xf32, #tpu.memory_space<vmem_shared>> -> memref<640x16xf32, #tpu.memory_space<vmem_shared>>
      tpu.enqueue_dma source(%dma_start3A_130 : memref<640x16xf32, #tpu.memory_space<vmem_shared>>) target(%dma_start3A_128 : memref<640x16xf32, #tpu.memory_space<hbm>>) target_semaphore(%run_scoped3A : memref<!tpu.dma_semaphore, #tpu.memory_space<semaphore_mem>>)
      %dma_wait3A_131 = arith.constant 0 : i32
      %dma_wait3A_132 = tpu.memref_slice %arg5[%arg0, %mul3A_49, %dma_wait3A_131] : memref<2x10240x16xf32, #tpu.memory_space<hbm>> -> memref<1x640x16xf32, #tpu.memory_space<hbm>>
      %dma_wait3A_133 = tpu.memref_squeeze %dma_wait3A_132 : memref<1x640x16xf32, #tpu.memory_space<hbm>> -> memref<640x16xf32, #tpu.memory_space<hbm>>
      %dma_wait3A_134 = arith.constant 0 : i32
      %dma_wait3A_135 = tpu.memref_slice %arg20[%mul3A_49, %dma_wait3A_134] : memref<10240x16xf32, #tpu.memory_space<vmem_shared>> -> memref<640x16xf32, #tpu.memory_space<vmem_shared>>
      tpu.wait_dma2 semaphore(%run_scoped3A : memref<!tpu.dma_semaphore, #tpu.memory_space<semaphore_mem>>) src(%dma_wait3A_135 : memref<640x16xf32, #tpu.memory_space<vmem_shared>>) dst(%dma_wait3A_133 : memref<640x16xf32, #tpu.memory_space<hbm>>)
      tpu.yield
    }) : () -> ()
    return
  }
}

module attributes {stable_mosaic.version = 14 : i64} {
  func.func @body(%arg0: memref<1250x1024xf32, #tpu.memory_space<vmem>>, %arg1: memref<1024x128xf32, #tpu.memory_space<vmem>>, %arg2: memref<1280x128xf32, #tpu.memory_space<vmem>>) attributes {dimension_semantics = [], scalar_prefetch = 0 : i64, scratch_operands = 0 : i64, tpu.core_type = #tpu.core_type<tc>} {
    %get3A = arith.constant 0 : index
    %get3A_0 = arith.constant 0 : index
    %get3A_1 = vector.load %arg0[%get3A, %get3A_0] : memref<1250x1024xf32, #tpu.memory_space<vmem>>, vector<1250x1024xf32>
    %get3A_2 = arith.constant 0 : index
    %get3A_3 = arith.constant 0 : index
    %get3A_4 = vector.load %arg1[%get3A_2, %get3A_3] : memref<1024x128xf32, #tpu.memory_space<vmem>>, vector<1024x128xf32>
    %dot_general3A = arith.constant dense<0.000000e+00> : vector<1250x128xf32>
    %dot_general3A_5 = tpu.matmul %get3A_1, %get3A_4, %dot_general3A {dimension_numbers = #tpu.dot_dimension_numbers<[1], [0], [0], [1], [0, 0, 1, 1], [], []>, transpose_lhs_hint = false} : vector<1250x1024xf32>, vector<1024x128xf32>, vector<1250x128xf32> -> vector<1250x128xf32>
    %broadcast_in_dim3A = arith.constant 0.000000e+00 : f32
    %broadcast_in_dim3A_6 = vector.broadcast %broadcast_in_dim3A : f32 to vector<30x128xf32>
    %concatenate3A = tpu.concatenate %dot_general3A_5, %broadcast_in_dim3A_6 in 0 : vector<1250x128xf32>, vector<30x128xf32> -> vector<1280x128xf32>
    %swap3A = arith.constant 0 : index
    %swap3A_7 = arith.constant 0 : index
    %swap3A_8 = vector.load %arg2[%swap3A, %swap3A_7] : memref<1280x128xf32, #tpu.memory_space<vmem>>, vector<1280x128xf32>
    tpu.vector_store %arg2[%swap3A, %swap3A_7], %concatenate3A {strides = array<i32>} : memref<1280x128xf32, #tpu.memory_space<vmem>>, vector<1280x128xf32>,
    return
  }
}

module attributes {stable_mosaic.version = 14 : i64} {
  func.func @body(%arg0: memref<2x1280x128xf32, #tpu.memory_space<vmem>>, %arg1: memref<1280x128xf32, #tpu.memory_space<vmem>>, %arg2: memref<1280x128xf32, #tpu.memory_space<vmem>>, %arg3: memref<128x256xf32, #tpu.memory_space<vmem>>, %arg4: memref<1x256xf32, #tpu.memory_space<vmem>>, %arg5: memref<128x256xf32, #tpu.memory_space<vmem>>, %arg6: memref<256x128xf32, #tpu.memory_space<vmem>>, %arg7: memref<1280x128xf32, #tpu.memory_space<vmem>>) attributes {dimension_semantics = [], scalar_prefetch = 0 : i64, scratch_operands = 0 : i64, tpu.core_type = #tpu.core_type<tc>} {
    %get3A = arith.constant 0 : index
    %get3A_0 = arith.constant 0 : index
    %get3A_1 = arith.constant 0 : index
    %get3A_2 = vector.load %arg0[%get3A, %get3A_0, %get3A_1] : memref<2x1280x128xf32, #tpu.memory_space<vmem>>, vector<1x1280x128xf32>
    %get3A_3 = vector.shape_cast %get3A_2 : vector<1x1280x128xf32> to vector<1280x128xf32>
    %get3A_4 = arith.constant 1 : index
    %get3A_5 = arith.constant 0 : index
    %get3A_6 = arith.constant 0 : index
    %get3A_7 = vector.load %arg0[%get3A_4, %get3A_5, %get3A_6] : memref<2x1280x128xf32, #tpu.memory_space<vmem>>, vector<1x1280x128xf32>
    %get3A_8 = vector.shape_cast %get3A_7 : vector<1x1280x128xf32> to vector<1280x128xf32>
    %add3A = arith.addf %get3A_3, %get3A_8 : vector<1280x128xf32>
    %get3A_9 = arith.constant 0 : index
    %get3A_10 = arith.constant 0 : index
    %get3A_11 = vector.load %arg1[%get3A_9, %get3A_10] : memref<1280x128xf32, #tpu.memory_space<vmem>>, vector<1280x128xf32>
    %add3A_12 = arith.addf %add3A, %get3A_11 : vector<1280x128xf32>
    %get3A_13 = arith.constant 0 : index
    %get3A_14 = arith.constant 0 : index
    %get3A_15 = vector.load %arg5[%get3A_13, %get3A_14] : memref<128x256xf32, #tpu.memory_space<vmem>>, vector<128x256xf32>
    %dot_general3A = arith.constant dense<0.000000e+00> : vector<1280x256xf32>
    %dot_general3A_16 = tpu.matmul %add3A_12, %get3A_15, %dot_general3A {dimension_numbers = #tpu.dot_dimension_numbers<[1], [0], [0], [1], [0, 0, 1, 1], [], []>, transpose_lhs_hint = false} : vector<1280x128xf32>, vector<128x256xf32>, vector<1280x256xf32> -> vector<1280x256xf32>
    %get3A_17 = arith.constant 0 : index
    %get3A_18 = arith.constant 0 : index
    %get3A_19 = vector.load %arg2[%get3A_17, %get3A_18] : memref<1280x128xf32, #tpu.memory_space<vmem>>, vector<1280x128xf32>
    %get3A_20 = arith.constant 0 : index
    %get3A_21 = arith.constant 0 : index
    %get3A_22 = vector.load %arg3[%get3A_20, %get3A_21] : memref<128x256xf32, #tpu.memory_space<vmem>>, vector<128x256xf32>
    %dot_general3A_23 = arith.constant dense<0.000000e+00> : vector<1280x256xf32>
    %dot_general3A_24 = tpu.matmul %get3A_19, %get3A_22, %dot_general3A_23 {dimension_numbers = #tpu.dot_dimension_numbers<[1], [0], [0], [1], [0, 0, 1, 1], [], []>, transpose_lhs_hint = false} : vector<1280x128xf32>, vector<128x256xf32>, vector<1280x256xf32> -> vector<1280x256xf32>
    %mul3A = arith.mulf %dot_general3A_24, %dot_general3A_16 : vector<1280x256xf32>
    %get3A_25 = arith.constant 0 : index
    %get3A_26 = arith.constant 0 : index
    %get3A_27 = vector.load %arg4[%get3A_25, %get3A_26] : memref<1x256xf32, #tpu.memory_space<vmem>>, vector<1x256xf32>
    %add3A_28 = vector.broadcast %get3A_27 : vector<1x256xf32> to vector<1280x256xf32>
    %add3A_29 = arith.addf %mul3A, %add3A_28 : vector<1280x256xf32>
    %max3A = arith.constant 0.000000e+00 : f32
    %max3A_30 = vector.broadcast %max3A : f32 to vector<1280x256xf32>
    %max3A_31 = arith.maximumf %add3A_29, %max3A_30 : vector<1280x256xf32>
    %get3A_32 = arith.constant 0 : index
    %get3A_33 = arith.constant 0 : index
    %get3A_34 = vector.load %arg2[%get3A_32, %get3A_33] : memref<1280x128xf32, #tpu.memory_space<vmem>>, vector<1280x128xf32>
    %get3A_35 = arith.constant 0 : index
    %get3A_36 = arith.constant 0 : index
    %get3A_37 = vector.load %arg6[%get3A_35, %get3A_36] : memref<256x128xf32, #tpu.memory_space<vmem>>, vector<256x128xf32>
    %dot_general3A_38 = arith.constant dense<0.000000e+00> : vector<1280x128xf32>
    %dot_general3A_39 = tpu.matmul %max3A_31, %get3A_37, %dot_general3A_38 {dimension_numbers = #tpu.dot_dimension_numbers<[1], [0], [0], [1], [0, 0, 1, 1], [], []>, transpose_lhs_hint = false} : vector<1280x256xf32>, vector<256x128xf32>, vector<1280x128xf32> -> vector<1280x128xf32>
    %mul3A_40 = arith.mulf %get3A_34, %dot_general3A_39 : vector<1280x128xf32>
    %swap3A = arith.constant 0 : index
    %swap3A_41 = arith.constant 0 : index
    %swap3A_42 = vector.load %arg7[%swap3A, %swap3A_41] : memref<1280x128xf32, #tpu.memory_space<vmem>>, vector<1280x128xf32>
    tpu.vector_store %arg7[%swap3A, %swap3A_41], %mul3A_40 {strides = array<i32>} : memref<1280x128xf32, #tpu.memory_space<vmem>>, vector<1280x128xf32>,
    return
  }
}

module attributes {stable_mosaic.version = 14 : i64} {
  func.func @body(%arg0: memref<2x1280x128xf32, #tpu.memory_space<vmem>>, %arg1: memref<1280x128xf32, #tpu.memory_space<vmem>>, %arg2: memref<1280x128xf32, #tpu.memory_space<vmem>>, %arg3: memref<1x128xf32, #tpu.memory_space<vmem>>, %arg4: memref<128x24xf32, #tpu.memory_space<vmem>>, %arg5: memref<1x24xf32, #tpu.memory_space<vmem>>, %arg6: memref<1280x24xf32, #tpu.memory_space<vmem>>) attributes {dimension_semantics = [], scalar_prefetch = 0 : i64, scratch_operands = 0 : i64, tpu.core_type = #tpu.core_type<tc>} {
    %get3A = arith.constant 0 : index
    %get3A_0 = arith.constant 0 : index
    %get3A_1 = vector.load %arg2[%get3A, %get3A_0] : memref<1280x128xf32, #tpu.memory_space<vmem>>, vector<1280x128xf32>
    %get3A_2 = arith.constant 0 : index
    %get3A_3 = arith.constant 0 : index
    %get3A_4 = arith.constant 0 : index
    %get3A_5 = vector.load %arg0[%get3A_2, %get3A_3, %get3A_4] : memref<2x1280x128xf32, #tpu.memory_space<vmem>>, vector<1x1280x128xf32>
    %get3A_6 = vector.shape_cast %get3A_5 : vector<1x1280x128xf32> to vector<1280x128xf32>
    %get3A_7 = arith.constant 1 : index
    %get3A_8 = arith.constant 0 : index
    %get3A_9 = arith.constant 0 : index
    %get3A_10 = vector.load %arg0[%get3A_7, %get3A_8, %get3A_9] : memref<2x1280x128xf32, #tpu.memory_space<vmem>>, vector<1x1280x128xf32>
    %get3A_11 = vector.shape_cast %get3A_10 : vector<1x1280x128xf32> to vector<1280x128xf32>
    %add3A = arith.addf %get3A_6, %get3A_11 : vector<1280x128xf32>
    %get3A_12 = arith.constant 0 : index
    %get3A_13 = arith.constant 0 : index
    %get3A_14 = vector.load %arg1[%get3A_12, %get3A_13] : memref<1280x128xf32, #tpu.memory_space<vmem>>, vector<1280x128xf32>
    %add3A_15 = arith.addf %add3A, %get3A_14 : vector<1280x128xf32>
    %mul3A = arith.mulf %get3A_1, %add3A_15 : vector<1280x128xf32>
    %get3A_16 = arith.constant 0 : index
    %get3A_17 = arith.constant 0 : index
    %get3A_18 = vector.load %arg3[%get3A_16, %get3A_17] : memref<1x128xf32, #tpu.memory_space<vmem>>, vector<1x128xf32>
    %add3A_19 = vector.broadcast %get3A_18 : vector<1x128xf32> to vector<1280x128xf32>
    %add3A_20 = arith.addf %mul3A, %add3A_19 : vector<1280x128xf32>
    %max3A = arith.constant 0.000000e+00 : f32
    %max3A_21 = vector.broadcast %max3A : f32 to vector<1280x128xf32>
    %max3A_22 = arith.maximumf %add3A_20, %max3A_21 : vector<1280x128xf32>
    %get3A_23 = arith.constant 0 : index
    %get3A_24 = arith.constant 0 : index
    %get3A_25 = vector.load %arg4[%get3A_23, %get3A_24] : memref<128x24xf32, #tpu.memory_space<vmem>>, vector<128x24xf32>
    %dot_general3A = arith.constant dense<0.000000e+00> : vector<1280x24xf32>
    %dot_general3A_26 = tpu.matmul %max3A_22, %get3A_25, %dot_general3A {dimension_numbers = #tpu.dot_dimension_numbers<[1], [0], [0], [1], [0, 0, 1, 1], [], []>, transpose_lhs_hint = false} : vector<1280x128xf32>, vector<128x24xf32>, vector<1280x24xf32> -> vector<1280x24xf32>
    %get3A_27 = arith.constant 0 : index
    %get3A_28 = arith.constant 0 : index
    %get3A_29 = vector.load %arg5[%get3A_27, %get3A_28] : memref<1x24xf32, #tpu.memory_space<vmem>>, vector<1x24xf32>
    %add3A_30 = vector.broadcast %get3A_29 : vector<1x24xf32> to vector<1280x24xf32>
    %add3A_31 = arith.addf %dot_general3A_26, %add3A_30 : vector<1280x24xf32>
    %swap3A = arith.constant 0 : index
    %swap3A_32 = arith.constant 0 : index
    %swap3A_33 = vector.load %arg6[%swap3A, %swap3A_32] : memref<1280x24xf32, #tpu.memory_space<vmem>>, vector<1280x24xf32>
    tpu.vector_store %arg6[%swap3A, %swap3A_32], %add3A_31 {strides = array<i32>} : memref<1280x24xf32, #tpu.memory_space<vmem>>, vector<1280x24xf32>,
    return
  }
}

</mosaic_0001>

<sc_bundles>
// kernel: kernel.12.cloned.1.call-start
scs
__scs_entry_jumppad:
0x0: {  	(pc) =	sbr.rel $0x88, $3  }
0x1: {  	(tag) =	ssettag $0x0;
	lr =	simm.s32 $0x1  }
0x2: {  	[smem:$0x3F97] =	sst lr;
	_ =	strace $0xD0000000  }
0x3: {  	_ = 	snop  }
0x4: {  	_ = 	snop  }
0x5: {  	_ = 	snop  }
0x6: {  	_ = 	snop  }
0x7: {  	_ = 	snop  }
__scs_overlays_trampoline_lowered:
0x8: {  	[smem:$0x3FA6] =	sst s0  }
0x9: {  	[smem:$0x3FA7] =	sst s1  }
0xa: {  	[smem:$0x3FA8] =	sst s2  }
0xb: {  	[smem:$0x3FA9] =	sst s3  }
0xc: {  	[smem:$0x3FAA] =	sst s4  }
0xd: {  	[smem:$0x3FAB] =	sst s5  }
0xe: {  	[smem:$0x3FAC] =	sst s6  }
0xf: {  	[smem:$0x3FAD] =	sst s7  }
0x10: {  	[smem:$0x3FAE] =	sst s8  }
0x11: {  	[smem:$0x3FAF] =	sst s9;
	s0 =	simm.s32 @!p0 $0x0  }
0x12: {  	s1 =	sld [smem:$0x3F95];
	s0 =	simm.s32 @p0 $0x1  }
0x13: {  	[smem:$0x3FB0] =	sst s0;
	s0 =	simm.s32 @!p1 $0x0  }
0x14: {  	s2 =	sld [smem:$0x3F94];
	s0 =	simm.s32 @p1 $0x1  }
0x15: {  	[smem:$0x3FB1] =	sst s0;
	s0 =	simm.s32 @!p2 $0x0  }
0x16: {  	s3 =	sld [smem:$0x3FDB];
	s0 =	simm.s32 @p2 $0x1  }
0x17: {  	s4 =	simm.s32 $0x1BF5;
	[smem:$0x3FB3] =	sst s0  }
0x18: {  	s0 =	sld [smem:$0x3F96];
	_ =	swait.ge [sflag:s4], $0x0  }
0x19: {  	s7 =	sld [smem:$0x3F97]  }
0x1a: {  	s8 =	sadd.s32 $0xFFFFE003, lr  }
0x1b: {  	s9 =	sadd.s32 $0xFFFFFEF7, lr;
	s5 =	simm.s32 $0xFFFFFFFF;
	p2 =	slt.u32 s8, $0xFFFFF086  }
0x1c: {  	p1 =	slt.u32 s9, $0xF7A;
	s5 =	simm.s32 @!p2 $0x0  }
0x1d: {  	s5 =	simm.s32 @p1 $0x1;
	p0 =	seq.s32 s7, s2  }
0x1e: {  	s7 =	smul.u32 @!p0 $0xF7A, s2;
	p2 =	seq.s32 @!p0 s5, $0x0  }
0x1f: {  	s9 =	smul.u32 $0xF7A, s1;
	s8 =	simm.s32 @!p0 $0x1BF5;
	p2 =	por !p2, p0  }
0x20: {  	[sflag:s8] =	ssyncset.s32 @!p0 $0xFFFFF086;
	s6 =	sadd.s32 @!p0 s3, s7;
	s7 =	simm.s32 @!p0 $0x108  }
0x21: {  	s3 =	sadd.s32 s3, s9;
	s6 =	sadd.s32 @!p0 $0x88, s6;
	s7 =	simm.s32 @p2 $0x1082  }
0x22: {  	[simem:s7], [sflag:s8] =	dma.local @!p0 [hbm:s6], $0xF7A  }
0x23: {  	s9 =	sor.u32 $0xD0000000, s2;
	s6 =	simm.s32 $0x108;
	_ =	swait.ge @!p0 [sflag:s8], $0x0  }
0x24: {  	s3 =	sadd.s32 $0x88, s3;
	s6 =	simm.s32 @!p1 $0x1082;
	[sflag:s4] =	ssyncset.s32 $0xFFFFF086  }
0x25: {  	[simem:s6], [sflag:s4] =	dma.local [hbm:s3], $0xF7A  }
0x26: {  	[smem:$0x3F97] =	sst s1;
	(tag) =	ssettag s2;
	_ =	strace s9  }
0x27: {  	s1 =	sld [smem:$0x3FA7]  }
0x28: {  	s2 =	sld [smem:$0x3FA8]  }
0x29: {  	s4 =	sld [smem:$0x3FAA]  }
0x2a: {  	p0 =	seq.s32 s5, $0x0;
	s5 =	sld [smem:$0x3FAB]  }
0x2b: {  	s6 =	sld [smem:$0x3FAC]  }
0x2c: {  	s7 =	sld [smem:$0x3FAD]  }
0x2d: {  	s3 =	simm.s32 $0x108;
	s8 =	sld [smem:$0x3FAE]  }
0x2e: {  	s3 =	simm.s32 @!p0 $0x1082;
	s9 =	sld [smem:$0x3FAF]  }
0x2f: {  	lr =	sadd.s32 s0, s3;
	s0 =	sld [smem:$0x3FA6]  }
0x30: {  	s3 =	sld [smem:$0x3FA9]  }
0x31: {  	[smem:$0x3FB2] =	sst s10  }
0x32: {  	s10 =	sld [smem:$0x3FB0];
	_ =	sdelay $0x3  }
0x33: {  	p0 =	seq.s32 s10, $0x1;
	s10 =	sld [smem:$0x3FB2];
	_ =	sdelay $0x3  }
0x34: {  	[smem:$0x3FB2] =	sst s10  }
0x35: {  	s10 =	sld [smem:$0x3FB1];
	_ =	sdelay $0x3  }
0x36: {  	p1 =	seq.s32 s10, $0x1;
	s10 =	sld [smem:$0x3FB2];
	_ =	sdelay $0x3  }
0x37: {  	[smem:$0x3FB2] =	sst s10  }
0x38: {  	s10 =	sld [smem:$0x3FB3]  }
0x39: {  	_ = 	snop;
	(pc) =	sbr.ind lr, $3  }
0x3a: {  	_ = 	snop  }
0x3b: {  	_ = 	snop  }
0x3c: {  	p2 =	seq.s32 s10, $0x1;
	s10 =	sld [smem:$0x3FB2]  }
0x3d: {  	_ =	shalt  }
0x3e: {  	_ =	shalt  }
0x3f: {  	_ =	shalt  }
0x40: {  	_ =	shalt  }
0x41: {  	_ =	shalt  }
0x42: {  	_ =	shalt  }
0x43: {  	_ =	shalt  }
0x44: {  	_ =	shalt  }
0x45: {  	_ =	shalt  }
0x46: {  	_ =	shalt  }
0x47: {  	_ =	shalt  }
0x48: {  	_ =	shalt  }
0x49: {  	_ =	shalt  }
0x4a: {  	_ =	shalt  }
0x4b: {  	_ =	shalt  }
0x4c: {  	_ =	shalt  }
0x4d: {  	_ =	shalt  }
0x4e: {  	_ =	shalt  }
0x4f: {  	_ =	shalt  }
0x50: {  	_ =	shalt  }
0x51: {  	_ =	shalt  }
0x52: {  	_ =	shalt  }
0x53: {  	_ =	shalt  }
0x54: {  	_ =	shalt  }
0x55: {  	_ =	shalt  }
0x56: {  	_ =	shalt  }
0x57: {  	_ =	shalt  }
0x58: {  	_ =	shalt  }
0x59: {  	_ =	shalt  }
0x5a: {  	_ =	shalt  }
0x5b: {  	_ =	shalt  }
0x5c: {  	_ =	shalt  }
0x5d: {  	_ =	shalt  }
0x5e: {  	_ =	shalt  }
0x5f: {  	_ =	shalt  }
0x60: {  	_ =	shalt  }
0x61: {  	_ =	shalt  }
0x62: {  	_ =	shalt  }
0x63: {  	_ =	shalt  }
0x64: {  	_ =	shalt  }
0x65: {  	_ =	shalt  }
0x66: {  	_ =	shalt  }
0x67: {  	_ =	shalt  }
0x68: {  	_ =	shalt  }
0x69: {  	_ =	shalt  }
0x6a: {  	_ =	shalt  }
0x6b: {  	_ =	shalt  }
0x6c: {  	_ =	shalt  }
0x6d: {  	_ =	shalt  }
0x6e: {  	_ =	shalt  }
0x6f: {  	_ =	shalt  }
0x70: {  	_ =	shalt  }
0x71: {  	_ =	shalt  }
0x72: {  	_ =	shalt  }
0x73: {  	_ =	shalt  }
0x74: {  	_ =	shalt  }
0x75: {  	_ =	shalt  }
0x76: {  	_ =	shalt  }
0x77: {  	_ =	shalt  }
0x78: {  	_ =	shalt  }
0x79: {  	_ =	shalt  }
0x7a: {  	_ =	shalt  }
0x7b: {  	_ =	shalt  }
0x7c: {  	_ =	shalt  }
0x7d: {  	_ =	shalt  }
0x7e: {  	_ =	shalt  }
0x7f: {  	_ =	shalt  }
0x80: {  	_ =	shalt  }
0x81: {  	_ =	shalt  }
0x82: {  	_ =	shalt  }
0x83: {  	_ =	shalt  }
0x84: {  	_ =	shalt  }
0x85: {  	_ =	shalt  }
0x86: {  	_ =	shalt  }
0x87: {  	_ =	shalt  }
.Lfunc_end0:
.L_simem_size_0:
called_computation.1_lowered:
.L_overlay_start_0:
0x88: {  	s2 =	sld [smem:$0x3FD9]  }
0x89: {  	s3 =	sld [smem:$0x3FFE];
	_ =	sdelay $0x1  }
0x8a: {  	s1 =	srdreg.scid  }
0x8b: {  	s0 =	sand.u32 $0x1, s1  }
0x8c: {  	s16 =	sshll.u32 s0, $0xA;
	s2 =	sadd.s32 s3, s2  }
0x8d: {  	s2 =	sadd.s32 s2, s16  }
0x8e: {  	[smem:$0x3FBE] =	sst s2  }
0x8f: {  	_ = 	snop  }
0x90: {  	(tm) =	ssettm $0x1  }
0x91: {  	s17 =	sld [smem:$0x3FFB];
	_ =	sdelay $0x3  }
0x92: {  	_ =	strace s17  }
0x93: {  	s2 =	sld [smem:$0x3FFC];
	_ =	sdelay $0x3  }
0x94: {  	_ =	strace s2  }
0x95: {  	s2 =	sld [smem:$0x3FFD];
	_ =	sdelay $0x3  }
0x96: {  	_ =	strace s2  }
0x97: {  	_ =	strace $0x8FFFFFFF  }
0x98: {  	s18 =	sld [smem:$0x3FDB];
	_ =	sdelay $0x1  }
0x99: {  	s19 =	simm.s32 $_scs_section_size  }
0x9a: {  	s4 =	simm.s32 $_size__tile_overlayer_lowered;
	s5 =	simm.s32 $_tile_overlayer_lowered  }
0x9b: {  	s22 =	simm.s32 $0x1BFF;
	s21 =	sshll.u32 s5, $0x1;
	s2 =	sadd.s32 s19, s18  }
0x9c: {  	s6 =	simm.s32 $0x0;
	s20 =	sshll.u32 s4, $0x1;
	s4 =	sadd.s32 s21, s2  }
0x9d: {  	[timem:s6], [sflag:s22] =	dma.local [hbm:s4], s20  }
0x9e: {  	_ =	swait.ge [sflag:s22], s20  }
0x9f: {  	s3 =	ssub.s32 $0x0, s20;
	[sflag:s22] =	ssyncset.done $0x0  }
0xa0: {  	[sflag:s22] =	ssyncadd.s32 s3;
	_ =	sdelay $0x1  }
0xa1: {  	s23 =	simm.s32 $0x1B8B  }
0xa2: {  	_ =	swait.ge [sflag:s23], $0x1  }
0xa3: {  	[sflag:s23] =	ssyncset.done $0x0  }
0xa4: {  	s25 =	simm.s32 $0x1B8E;
	s24 =	sld [smem:$0x3FFE];
	[sflag:s23] =	ssyncadd.s32 $0xFFFFFFFF  }
0xa5: {  	s26 =	simm.s32 $execute0_lowered;
	[smem:$0x3FD2] =	sst s25  }
0xa6: {  	s4 =	sshll.u32 s26, $0x1;
	_ =	strace $0x80000049;
	[dreg:$0x1] =	wrdreg $0xFFFFFFFF  }
0xa7: {  	s28 =	simm.s32 $_size_execute0_lowered;
	s2 =	sadd.s32 s2, s4;
	[dreg:$0x0] =	wrdreg $0x0  }
0xa8: {  	s4 =	sshll.u32 s28, $0x1;
	[dreg:$0x2] =	wrdreg s2  }
0xa9: {  	[dreg:$0x3] =	wrdreg s4  }
0xaa: {  	[dreg:$0x4] =	wrdreg $0xC0  }
0xab: {  	_ =	task [dreg:s6], $0x5FFFF  }
0xac: {  	[dreg:$0x1] =	wrdreg $0xFFFFFFFF  }
0xad: {  	[dreg:$0x0] =	wrdreg $0x60  }
0xae: {  	[dreg:$0x2] =	wrdreg s24  }
0xaf: {  	[dreg:$0x3] =	wrdreg $0x10F000  }
0xb0: {  	[dreg:$0x4] =	wrdreg $0x137000  }
0xb1: {  	[dreg:$0x5] =	wrdreg $0x9  }
0xb2: {  	_ =	task.clear_ibuf [dreg:s6], $0x6FFFF;
	_ =	strace $0x90000049  }
0xb3: {  	s29 =	simm.s32 $0x9;
	_ =	strace $0x8000004B  }
0xb4: {  	_ =	swait.ge [sflag:s29], $0x1  }
0xb5: {  	[sflag:s29] =	ssyncadd.s32 $0xFFFFFFFF  }
0xb6: {  	_ =	strace $0x9000004B  }
0xb7: {  	_ =	sfence  }
0xb8: {  	s30 =	sld [smem:$0x0];
	_ =	sdelay $0x2  }
0xb9: {  	s31 =	sshll.u32 s1, $0xD;
	s1 =	sshrl.u32 s1, $0x2  }
0xba: {  	s3 =	sand.u32 $0x4000, s31;
	s1 =	sadd.s32 s1, s30  }
0xbb: {  	s0 =	sor.u32 s3, s0;
	s1 =	sshll.u32 s1, $0x11  }
0xbc: {  	s0 =	sor.u32 s1, s0  }
0xbd: {  	s0 =	sadd.s32 $0x8F2B, s0  }
0xbe: {  	[sflag:s0] =	ssyncadd.remote.s32 $0x1  }
0xbf: {  	_ =	sfence.sel $0xFFFF  }
0xc0: {  	[dreg:$0x0] =	wrdreg $0xFFFFFFFF;
	(pc) =	sbr.abs _section_cstart, $3  }
0xc1: {  	[dreg:$0x1] =	wrdreg $0xFFFFFFFF  }
0xc2: {  	_ =	task.clear_ibuf [dreg:s6], $0x2FFFF;
	_ =	strace $0x9FFFFFFF  }
0xc3: {  	(tm) =	ssettm $0x7FFFFFFF  }
tec
execute0_lowered:
.L_overlay_start_1:
0x0: {  	(tag) =	ssettag $0x1  }
0x1: {  	s0 =	srdreg.scid;
	s5 =	rddreg [dreg:$0x0]  }
0x2: {  	s13 =	stileid.u32;
	s2 =	rddreg [dreg:$0x1]  }
0x3: {  	s3 =	rddreg [dreg:$0x2];
	s4 =	simm.s32 $0x0;
	s28 =	simm.s32 $0x4  }
0x4: {  	s29 =	simm.s32 $0x5;
	s30 =	simm.s32 $0x6;
	s31 =	simm.s32 $0x7  }
0x5: {  	s0 =	sand.u32 $0x1, s0;
	s6 =	smul.u32 $0x2800, s13;
	[smem:$0x7FF] =	sst s4  }
0x6: {  	s1 =	sshll.u32 s0, $0x4;
	s7 =	smul.u32 $0x28000, s0;
	_ =	strace $0x8000004A  }
0x7: {  	s10 =	ssub.s32 $0x2, s0;
	p0 =	sne.s32 s0, $0x0;
	s1 =	sor.u32 s13, s1  }
0x8: {  	s11 =	sshrl.u32 s6, $0x3;
	s12 =	sshrl.u32 s10, $0x1;
	s21 =	sadd.s32 s6, s2  }
0x9: {  	s14 =	sadd.s32 s6, s3;
	s1 =	smul.u32 $0x9C4, s1;
	s7 =	sadd.s32 s6, s7  }
0xa: {  	s16 =	sadd.s32 s11, s5;
	s10 =	ssub.s32 s10, s12;
	s7 =	sshrl.u32 s7, $0x3  }
0xb: {  	s22 =	sadd.s32 $0x17600, s16;
	s24 =	sadd.s32 $0x1C600, s16;
	s25 =	sadd.s32 $0x21600, s16  }
0xc: {  	s26 =	sadd.s32 $0x26600, s16;
	s15 =	sadd.s32 $0x35600, s16;
	[dreg:$0x6] =	wrdreg s22  }
0xd: {  	s16 =	sadd.s32 $0x3A600, s16;
	s18 =	smax.u32 s10, $0x1;
	[dreg:$0x8] =	wrdreg s24  }
0xe: {  	s8 =	sshrl.u32 s1, $0x5;
	s7 =	sadd.s32 s7, s5;
	[dreg:$0x9] =	wrdreg s25  }
0xf: {  	s1 =	sadd.s32 $0x9C4, s1;
	[dreg:$0xa] =	wrdreg s26;
	s24 =	simm.s32 $0x1  }
0x10: {  	s25 =	simm.s32 $0x2;
	s26 =	simm.s32 $0x3;
	s9 =	sshll.u32 s8, $0x4  }
0x11: {  	s1 =	sshrl.u32 s1, $0x5;
	s17 =	sadd.s32 $0x2B600, s7;
	s9 =	sadd.s32 s9, s5  }
0x12: {  	s5 =	ssub.s32 s1, s8;
	s1 =	simm.s32 $0x80;
	s19 =	sadd.s32 $0x3C00, s9  }
0x13: {  	s20 =	sadd.s32 $0xD840, s9;
	s9 =	sshll.u32 s13, $0x6;
	[dreg:$0x4] =	wrdreg s19  }
0x14: {  	[dreg:$0x5] =	wrdreg s20;
	s23 =	sor.u32 $0x1C03, s9;
	s20 =	sshrl.u32 s21, $0x3  }
0x15: {  	s21 =	simm.s32 $0x0;
	[dreg:$0x7] =	wrdreg s23;
	s23 =	simm.s32 $0xBF00  }
.LBB2_1:
0x16: {  	s0 =	rddreg [dreg:$0x4]  }
0x17: {  	s8 =	rddreg [dreg:$0x5]  }
0x18: {  	s10 =	rddreg [dreg:$0x6]  }
0x19: {  	[tilespmem:s4], [sflag:$0x1] =	stream.linear.gather [hbm4b:s0+s4], $0x2780, $0x38;
	[tilespmem:$0x15F00] =	vst v63  }
0x1a: {  	s6 =	simm.s32 $0x2780;
	s11 =	rddreg [dreg:$0x7]  }
0x1b: {  	[tilespmem:s6], [sflag:$0x2] =	stream.linear.gather [hbm4b:s8+s4], $0x2780, $0x38;
	[tilespmem:$0x15F00] =	vst v63  }
0x1c: {  	[spmem:s20], [sflag:s11] =	dma.local [hbm:s10], $0x500  }
0x1d: {  	s12 =	simm.s32 $0x6F00;
	s0 =	rddreg [dreg:$0x8]  }
0x1e: {  	[tilespmem:s12], [sflag:$0x4] =	stream.linear.gather [hbm4b:s0+s4], $0x2800, $0x38;
	[tilespmem:$0x15F00] =	vst v63  }
0x1f: {  	s19 =	simm.s32 $0x9700;
	s13 =	rddreg [dreg:$0x9]  }
0x20: {  	[tilespmem:s19], [sflag:$0x5] =	stream.linear.gather [hbm4b:s13+s4], $0x2800, $0x38;
	[tilespmem:$0x15F00] =	vst v63  }
0x21: {  	s22 =	rddreg [dreg:$0xa]  }
0x22: {  	[tilespmem:s23], [sflag:$0x6] =	stream.linear.gather [hbm4b:s22+s4], $0x2800, $0x38;
	[tilespmem:$0x15F00] =	vst v63  }
0x23: {  	_ =	swait.ge [sflag:s24], $0x2780  }
0x24: {  	[sflag:s24] =	ssyncset.done $0x0  }
0x25: {  	[sflag:s24] =	ssyncadd.s32 $0xFFFFD880  }
0x26: {  	_ =	swait.ge [sflag:s25], $0x2780  }
0x27: {  	[sflag:s25] =	ssyncset.done $0x0  }
0x28: {  	[sflag:s25] =	ssyncadd.s32 $0xFFFFD880  }
0x29: {  	_ =	swait.ge [sflag:s26], $0x500  }
0x2a: {  	[sflag:s26] =	ssyncset.done $0x0  }
0x2b: {  	[sflag:s26] =	ssyncadd.s32 $0xFFFFFB00  }
0x2c: {  	_ =	swait.ge [sflag:s28], $0x2800  }
0x2d: {  	[sflag:s28] =	ssyncset.done $0x0  }
0x2e: {  	[sflag:s28] =	ssyncadd.s32 $0xFFFFD800  }
0x2f: {  	_ =	swait.ge [sflag:s29], $0x2800  }
0x30: {  	[sflag:s29] =	ssyncset.done $0x0  }
0x31: {  	[sflag:s29] =	ssyncadd.s32 $0xFFFFD800  }
0x32: {  	_ =	swait.ge [sflag:s30], $0x2800  }
0x33: {  	[sflag:s30] =	ssyncset.done $0x0  }
0x34: {  	s6 =	simm.s32 $0x10;
	[sflag:s30] =	ssyncadd.s32 $0xFFFFD800  }
0x35: {  	v0 =	vld [tilespmem:s6+$0x96F0]  }
0x36: {  	v1 =	vld [tilespmem:s6+$0x6EF0];
	_ =	sdelay $0x2  }
0x37: {  	s0 =	simm.s32 $0x30  }
0x38: {  	v2 =	vld [tilespmem:s0+$0x96F0]  }
0x39: {  	v0 =	vadd.f32 v0, v1;
	v1 =	vld [tilespmem:s0+$0x6EF0]  }
0x3a: {  	v3 =	vld [tilespmem:s6+$0x9700]  }
0x3b: {  	v4 =	vld [tilespmem:s6+$0x6F00];
	v0 =	vadd.f32 $1.000000000e+00, v0;
	_ =	sdelay $0x1  }
0x3c: {  	s22 =	simm.s32 $0x50;
	v5 =	vld [tilespmem:s0+$0x9700];
	v6 =	vshrl.u32 v0, $0x1;
	v8 =	vmul.f32 $5.000000000e-01, v0  }
0x3d: {  	v7 =	vld [tilespmem:s22+$0x96F0];
	v0 =	vsub.s32 $0x5F3759DF, v6;
	v1 =	vadd.f32 v2, v1  }
0x3e: {  	v6 =	vld [tilespmem:s0+$0x6F00];
	v2 =	vmul.f32 v0, v8  }
0x3f: {  	v9 =	vld [tilespmem:s22+$0x6EF0];
	v3 =	vadd.f32 v3, v4;
	v1 =	vadd.f32 $1.000000000e+00, v1  }
0x40: {  	v2 =	vmul.f32 v0, v2  }
0x41: {  	v4 =	vshrl.u32 v1, $0x1;
	v10 =	vmul.f32 $5.000000000e-01, v1;
	v1 =	vadd.f32 $1.000000000e+00, v3  }
0x42: {  	v12 =	vld [tilespmem:s22+$0x6F00];
	v2 =	vsub.f32 $1.500000000e+00, v2;
	v3 =	vsub.s32 $0x5F3759DF, v4  }
0x43: {  	v4 =	vadd.f32 v5, v6;
	v5 =	vld [tilespmem:s22+$0x9700];
	v6 =	vmul.f32 v3, v10;
	v11 =	vmul.f32 $5.000000000e-01, v1  }
0x44: {  	v1 =	vshrl.u32 v1, $0x1;
	v0 =	vmul.f32 v0, v2;
	v2 =	vadd.f32 v7, v9  }
0x45: {  	v7 =	vadd.f32 $1.000000000e+00, v4;
	v1 =	vsub.s32 $0x5F3759DF, v1;
	v4 =	vmul.f32 v3, v6  }
0x46: {  	v13 =	vmul.f32 v1, v11;
	v6 =	vmul.f32 v0, v8;
	v9 =	vadd.f32 $1.000000000e+00, v2  }
0x47: {  	s19 =	simm.s32 $0x70;
	v2 =	vmul.f32 $5.000000000e-01, v7;
	v7 =	vshrl.u32 v7, $0x1;
	v14 =	vsub.f32 $1.500000000e+00, v4  }
0x48: {  	v15 =	vld [tilespmem:s19+$0x9700];
	v5 =	vadd.f32 v5, v12;
	v13 =	vmul.f32 v1, v13;
	v6 =	vmul.f32 v6, v0  }
0x49: {  	v16 =	vshrl.u32 v9, $0x1;
	v4 =	vmul.f32 $5.000000000e-01, v9;
	v9 =	vld [tilespmem:s19+$0x96F0];
	v3 =	vmul.f32 v3, v14  }
0x4a: {  	v12 =	vsub.s32 $0x5F3759DF, v16;
	v16 =	vld [tilespmem:s19+$0x6EF0];
	v13 =	vsub.f32 $1.500000000e+00, v13;
	v6 =	vsub.f32 $1.500000000e+00, v6  }
0x4b: {  	v18 =	vld [tilespmem:s19+$0x6F00];
	v5 =	vadd.f32 $1.000000000e+00, v5;
	v14 =	vmul.f32 v12, v4;
	v17 =	vmul.f32 v3, v10  }
0x4c: {  	v19 =	vsub.s32 $0x5F3759DF, v7;
	v13 =	vmul.f32 v1, v13;
	v7 =	vmul.f32 v6, v0  }
0x4d: {  	v6 =	vmul.f32 v12, v14;
	v0 =	vmul.f32 $5.000000000e-01, v5  }
0x4e: {  	v5 =	vshrl.u32 v5, $0x1;
	v14 =	vmul.f32 v17, v3;
	v17 =	vmul.f32 v19, v2  }
0x4f: {  	v8 =	vmul.f32 v7, v8;
	v6 =	vsub.f32 $1.500000000e+00, v6;
	v1 =	vadd.f32 v9, v16  }
0x50: {  	v9 =	vadd.f32 v15, v18;
	v14 =	vsub.f32 $1.500000000e+00, v14;
	v16 =	vmul.f32 v19, v17  }
0x51: {  	s7 =	simm.s32 $0x90;
	v22 =	vmul.f32 v12, v6;
	v6 =	vmul.f32 v13, v11;
	v1 =	vadd.f32 $1.000000000e+00, v1  }
0x52: {  	v21 =	vld [tilespmem:s7+$0x6F00];
	v15 =	vadd.f32 $1.000000000e+00, v9;
	v9 =	vsub.s32 $0x5F3759DF, v5;
	v8 =	vmul.f32 v8, v7  }
0x53: {  	v24 =	vld [tilespmem:s7+$0x6EF0];
	v5 =	vmul.f32 v14, v3;
	v17 =	vshrl.u32 v1, $0x1;
	v3 =	vmul.f32 $5.000000000e-01, v1  }
0x54: {  	v14 =	vld [tilespmem:s7+$0x9700];
	v12 =	vmul.f32 v22, v4;
	v1 =	vmul.f32 $5.000000000e-01, v15;
	v20 =	vsub.s32 $0x5F3759DF, v17  }
0x55: {  	v18 =	vld [tilespmem:s7+$0x96F0];
	v6 =	vmul.f32 v6, v13;
	v23 =	vmul.f32 v20, v3  }
0x56: {  	v26 =	vsub.f32 $1.500000000e+00, v16;
	v17 =	vmul.f32 v9, v0;
	v25 =	vmul.f32 v12, v22  }
0x57: {  	v16 =	vsub.f32 $1.500000000e+00, v8;
	v6 =	vsub.f32 $1.500000000e+00, v6;
	v23 =	vmul.f32 v20, v23  }
0x58: {  	v10 =	vmul.f32 v5, v10;
	v17 =	vmul.f32 v9, v17;
	v25 =	vsub.f32 $1.500000000e+00, v25  }
0x59: {  	v12 =	vmul.f32 v6, v13;
	v8 =	vadd.f32 v14, v21;
	v6 =	vsub.f32 $1.500000000e+00, v23  }
0x5a: {  	v13 =	vmul.f32 v19, v26;
	v14 =	vshrl.u32 v15, $0x1;
	v21 =	vadd.f32 v18, v24  }
0x5b: {  	v15 =	vld [tilespmem:s6+$0xBEF0];
	v19 =	vmul.f32 v12, v11;
	v11 =	vadd.f32 $1.000000000e+00, v8;
	v6 =	vmul.f32 v20, v6  }
0x5c: {  	v8 =	vsub.s32 $0x5F3759DF, v14;
	v14 =	vmul.f32 v25, v22;
	v20 =	vmul.f32 v13, v2  }
0x5d: {  	s8 =	simm.s32 $0x2C0;
	v21 =	vadd.f32 $1.000000000e+00, v21;
	v18 =	vmul.f32 v19, v12;
	v19 =	vmul.f32 v6, v3  }
.LBB2_2:
0x5e: {  	s10 =	sshra.s32 s8, $0x2;
	p1 =	sne.s32 s8, $0x9FC0;
	s8 =	sadd.s32 $0x80, s8;
	v22 =	vmul.f32 $5.000000000e-01, v11;
	v23 =	vsub.f32 $1.500000000e+00, v17;
	v16 =	vmul.f32 v16, v7;
	v24 =	vld [tilespmem:s6+$0xBF00];
	v7 =	vmovc v5  }
0x5f: {  	v20 =	vmul.f32 v20, v13;
	v25 =	vld [tilespmem:s10+$0x9700];
	v17 =	vshrl.u32 v21, $0x1;
	v21 =	vmul.f32 $5.000000000e-01, v21;
	v5 =	vmovc v14  }
0x60: {  	v14 =	vld [tilespmem:s10+$0x96F0];
	v26 =	vsub.s32 $0x5F3759DF, v17;
	v17 =	vmul.f32 v8, v1;
	[tilespmem:s6+$0xE6F0] =	vst v16;
	v15 =	vmul.f32 v16, v15  }
0x61: {  	v28 =	vmul.f32 v10, v7;
	v20 =	vsub.f32 $1.500000000e+00, v20;
	v27 =	vld [tilespmem:s10+$0x6F00];
	v16 =	vmul.f32 v26, v21  }
0x62: {  	v18 =	vsub.f32 $1.500000000e+00, v18;
	v19 =	vmul.f32 v19, v6;
	v10 =	vmul.f32 v5, v4;
	v4 =	vmovc v3;
	v29 =	vld [tilespmem:s10+$0x6EF0];
	[tilespmem:s6+$0xBEF0] =	vst v15  }
0x63: {  	v3 =	vmovc v21;
	v30 =	vmul.f32 v26, v16;
	v16 =	vsub.f32 $1.500000000e+00, v28;
	v15 =	vld [tilespmem:s0+$0xBEF0];
	v28 =	vmul.f32 v20, v13  }
0x64: {  	v32 =	vmul.f32 v18, v12;
	v31 =	vsub.f32 $1.500000000e+00, v19;
	v17 =	vmul.f32 v8, v17  }
.Ltmp0:
0x65: {  	v13 =	vmul.f32 v9, v23;
	v18 =	vsub.f32 $1.500000000e+00, v30;
	v30 =	vmul.f32 v28, v2;
	v2 =	vmovc v0;
	v0 =	vmovc v1;
	(pc) =	sbr.rel @p1 .LBB2_2-.Ltmp0, $4  }
0x66: {  	v21 =	vshrl.u32 v11, $0x1;
	v23 =	vmul.f32 v32, v24;
	v1 =	vmovc v22;
	v19 =	vadd.f32 v25, v27;
	[tilespmem:s6+$0xE700] =	vst v32  }
0x67: {  	v12 =	vmovc v28;
	v20 =	vmul.f32 v13, v2;
	v14 =	vadd.f32 v14, v29;
	v22 =	vmul.f32 v26, v18  }
0x68: {  	v9 =	vmovc v8;
	v8 =	vsub.s32 $0x5F3759DF, v21;
	v18 =	vmul.f32 v30, v12;
	v11 =	vadd.f32 $1.000000000e+00, v19;
	[tilespmem:s6+$0xBF00] =	vst v23;
	s6 =	smov.u32 s0;
	s0 =	smov.u32 s22;
	s22 =	smov.u32 s19  }
0x69: {  	s19 =	smov.u32 s7;
	s7 =	smov.u32 s10;
	v21 =	vadd.f32 $1.000000000e+00, v14;
	v19 =	vmul.f32 v22, v3;
	v14 =	vmul.f32 v31, v6;
	v6 =	vmovc v22  }
0x6a: {  	v20 =	vmul.f32 v20, v13;
	v22 =	vmul.f32 $5.000000000e-01, v11  }
0x6b: {  	v7 =	vmul.f32 v16, v7;
	v63 =	vmul.f32 v8, v1;
	v17 =	vsub.f32 $1.500000000e+00, v17  }
0x6c: {  	v24 =	vld [tilespmem:s6+$0xBF00];
	v10 =	vmul.f32 v10, v5;
	v18 =	vsub.f32 $1.500000000e+00, v18;
	v61 =	vmul.f32 $5.000000000e-01, v21  }
0x6d: {  	v19 =	vmul.f32 v19, v6;
	v4 =	vmul.f32 v14, v4;
	v20 =	vsub.f32 $1.500000000e+00, v20  }
0x6e: {  	v32 =	vshrl.u32 v11, $0x1;
	v15 =	vmul.f32 v7, v15;
	v9 =	vmul.f32 v9, v17  }
0x6f: {  	v23 =	vshrl.u32 v21, $0x1;
	[tilespmem:s6+$0xE6F0] =	vst v7;
	v27 =	vmul.f32 v18, v12;
	v25 =	vmul.f32 v20, v13  }
0x70: {  	v11 =	vsub.s32 $0x5F3759DF, v32;
	v31 =	vmul.f32 v8, v63;
	[tilespmem:s6+$0xBEF0] =	vst v15;
	v30 =	vmul.f32 v9, v0  }
0x71: {  	v62 =	vsub.s32 $0x5F3759DF, v23;
	v15 =	vld [tilespmem:s0+$0xBEF0];
	v29 =	vmul.f32 v27, v24;
	v2 =	vmul.f32 v25, v2  }
0x72: {  	v10 =	vsub.f32 $1.500000000e+00, v10;
	v38 =	vmul.f32 v11, v22;
	v26 =	vmul.f32 v62, v61;
	[tilespmem:s6+$0xE700] =	vst v27  }
0x73: {  	v34 =	vmul.f32 v30, v9;
	[tilespmem:s6+$0xBF00] =	vst v29;
	v2 =	vmul.f32 v2, v25  }
0x74: {  	v4 =	vmul.f32 v4, v14;
	v35 =	vsub.f32 $1.500000000e+00, v31;
	v36 =	vmul.f32 v10, v5;
	v37 =	vld [tilespmem:s0+$0xBF00]  }
0x75: {  	v20 =	vmul.f32 v62, v26;
	v12 =	vsub.f32 $1.500000000e+00, v34;
	v2 =	vsub.f32 $1.500000000e+00, v2  }
0x76: {  	v41 =	vsub.f32 $1.500000000e+00, v19;
	v39 =	vmul.f32 v8, v35;
	v15 =	vmul.f32 v36, v15  }
0x77: {  	v40 =	vmul.f32 v12, v9;
	v2 =	vmul.f32 v2, v25  }
0x78: {  	v45 =	vmul.f32 v41, v6;
	[tilespmem:s0+$0xE6F0] =	vst v36;
	v42 =	vmul.f32 v39, v1  }
0x79: {  	[tilespmem:s0+$0xBEF0] =	vst v15;
	v44 =	vmul.f32 v40, v0;
	v10 =	vmul.f32 v2, v37  }
0x7a: {  	v47 =	vmul.f32 v11, v38;
	v4 =	vsub.f32 $1.500000000e+00, v4;
	v46 =	vmul.f32 v42, v39;
	v43 =	vld [tilespmem:s22+$0xBEF0];
	[tilespmem:s0+$0xE700] =	vst v2  }
0x7b: {  	v28 =	vsub.f32 $1.500000000e+00, v20;
	v3 =	vmul.f32 v45, v3;
	v0 =	vmul.f32 v44, v40;
	[tilespmem:s0+$0xBF00] =	vst v10  }
0x7c: {  	v4 =	vmul.f32 v4, v14;
	v9 =	vsub.f32 $1.500000000e+00, v47;
	v2 =	vsub.f32 $1.500000000e+00, v46;
	v49 =	vld [tilespmem:s22+$0xBF00]  }
0x7d: {  	v33 =	vmul.f32 v62, v28;
	v3 =	vmul.f32 v3, v45;
	v0 =	vsub.f32 $1.500000000e+00, v0  }
0x7e: {  	v50 =	vmul.f32 v11, v9;
	v2 =	vmul.f32 v2, v39  }
0x7f: {  	v13 =	vmul.f32 v4, v43;
	v0 =	vmul.f32 v0, v40  }
0x80: {  	v16 =	vmul.f32 v33, v61;
	v9 =	vmul.f32 v50, v22;
	[tilespmem:s22+$0xE6F0] =	vst v4  }
0x81: {  	v51 =	vmul.f32 v2, v1;
	[tilespmem:s22+$0xBEF0] =	vst v13;
	v53 =	vmul.f32 v0, v49  }
0x82: {  	v48 =	vmul.f32 v16, v33;
	v55 =	vmul.f32 v9, v50;
	v52 =	vld [tilespmem:s19+$0xBEF0];
	[tilespmem:s22+$0xE700] =	vst v0  }
0x83: {  	v3 =	vsub.f32 $1.500000000e+00, v3;
	v54 =	vmul.f32 v51, v2;
	[tilespmem:s22+$0xBF00] =	vst v53  }
0x84: {  	v10 =	vsub.f32 $1.500000000e+00, v48;
	v1 =	vsub.f32 $1.500000000e+00, v55;
	v56 =	vld [tilespmem:s19+$0xBF00]  }
0x85: {  	v3 =	vmul.f32 v3, v45;
	v0 =	vsub.f32 $1.500000000e+00, v54  }
0x86: {  	v7 =	vmul.f32 v10, v33;
	v1 =	vmul.f32 v1, v50  }
0x87: {  	v0 =	vmul.f32 v0, v2;
	v5 =	vmul.f32 v3, v52  }
0x88: {  	v57 =	vmul.f32 v7, v61;
	[tilespmem:s19+$0xE6F0] =	vst v3  }
0x89: {  	v4 =	vmul.f32 v1, v22;
	[tilespmem:s19+$0xBEF0] =	vst v5;
	v59 =	vmul.f32 v0, v56  }
0x8a: {  	v58 =	vmul.f32 v57, v7;
	v3 =	vld [tilespmem:s7+$0xBEF0];
	[tilespmem:s19+$0xE700] =	vst v0  }
0x8b: {  	v61 =	vmul.f32 v4, v1;
	[tilespmem:s19+$0xBF00] =	vst v59  }
0x8c: {  	v60 =	vsub.f32 $1.500000000e+00, v58;
	v62 =	vld [tilespmem:s7+$0xBF00]  }
0x8d: {  	v2 =	vsub.f32 $1.500000000e+00, v61  }
0x8e: {  	v0 =	vmul.f32 v60, v7  }
0x8f: {  	v1 =	vmul.f32 v2, v1  }
0x90: {  	[tilespmem:s7+$0xE6F0] =	vst v0;
	v3 =	vmul.f32 v0, v3  }
0x91: {  	[tilespmem:s7+$0xE700] =	vst v1;
	v63 =	vmul.f32 v1, v62  }
0x92: {  	[tilespmem:s7+$0xBEF0] =	vst v3  }
0x93: {  	[tilespmem:s7+$0xBF00] =	vst v63  }
0x94: {  	[spmem:s14] =	stream.linear.scatter [tilespmem:s23], [sflag:$0x7], $0x2800, $0x38;
	[tilespmem:$0x15F00] =	vst v63  }
0x95: {  	_ =	swait.ge [sflag:s31], $0x2800  }
0x96: {  	[sflag:s31] =	ssyncset.done $0x0  }
0x97: {  	s6 =	simm.s32 @!p0 $0xBF00;
	s0 =	simm.s32 @!p0 $0x0;
	[sflag:s31] =	ssyncadd.s32 $0xFFFFD800  }
0x98: {  	[hbm4b:s15+s0] =	stream.linear.scatter @!p0 [tilespmem:s6], [sflag:$0x7], $0x2800, $0x38;
	[tilespmem:$0x15F00] =	vst v63  }
0x99: {  	s6 =	simm.s32 @!p0 $0x7  }
0x9a: {  	_ =	swait.ge @!p0 [sflag:s6], $0x2800  }
0x9b: {  	[sflag:s6] =	ssyncset.done @!p0 $0x0  }
0x9c: {  	s7 =	simm.s32 @!p0 $0xE700;
	[sflag:s6] =	ssyncadd.s32 @!p0 $0xFFFFD800  }
0x9d: {  	[hbm4b:s16+s0] =	stream.linear.scatter @!p0 [tilespmem:s7], [sflag:$0x7], $0x2800, $0x38;
	[tilespmem:$0x15F00] =	vst v63  }
0x9e: {  	_ =	swait.ge @!p0 [sflag:s6], $0x2800  }
0x9f: {  	[sflag:s6] =	ssyncset.done @!p0 $0x0  }
0xa0: {  	[sflag:s6] =	ssyncadd.s32 @!p0 $0xFFFFD800  }
0xa1: {  	s10 =	simm.s32 $0x4F00;
	s0 =	simm.s32 $0x0;
	[bflag:$0x0] =	sbarrier.arrive $0xFFFF  }
0xa2: {  	[tilespmem:s10], [sflag:$0x1] =	stream.indirect.gather [spmem:s3], $0x10, s0, s1, $0xb8;
	[tilespmem:$0x15F00] =	vst v63  }
0xa3: {  	s11 =	simm.s32 $0x5700  }
0xa4: {  	[tilespmem:s11], [sflag:$0x2] =	stream.indirect.gather [spmem:s3], $0x10, s1, s1, $0xb8;
	[tilespmem:$0x15F00] =	vst v63  }
0xa5: {  	s12 =	simm.s32 $0x100;
	s13 =	simm.s32 $0x5F00;
	p1 =	sle.s32 s5, $0x0  }
0xa6: {  	[tilespmem:s13], [sflag:$0x3] =	stream.indirect.gather [spmem:s3], $0x10, s12, s1, $0xb8;
	[tilespmem:$0x15F00] =	vst v63  }
0xa7: {  	s22 =	simm.s32 $0x6700;
	s19 =	simm.s32 $0x180;
	s6 =	simm.s32 @!p1 $0x1  }
0xa8: {  	[tilespmem:s22], [sflag:$0x4] =	stream.indirect.gather [spmem:s3], $0x10, s19, s1, $0xb8;
	[tilespmem:$0x15F00] =	vst v63  }
0xa9: {  	_ =	swait.ge @!p1 [sflag:s6], $0x800  }
0xaa: {  	s8 =	simm.s32 @!p1 $0x7;
	s7 =	simm.s32 @!p1 $0x2780;
	[sflag:s6] =	ssyncset.done @!p1 $0x0  }
0xab: {  	s10 =	simm.s32 @!p1 $0x4F00;
	[sflag:s6] =	ssyncadd.s32 @!p1 $0xFFFFF800;
	s6 =	simm.s32 @!p1 $0x80  }
0xac: {  	[spmem:s2] =	stream.indirect.scatter.add.f32 @!p1 [tilespmem:s10], [sflag:$0x7], $0x10, s7, s6, $0xb8;
	[tilespmem:$0x15F00] =	vst v63  }
0xad: {  	_ =	swait.ge @!p1 [sflag:s8], $0x800  }
0xae: {  	p2 =	sle.s32 s5, $0x4;
	[sflag:s8] =	ssyncset.done @!p1 $0x0  }
0xaf: {  	s6 =	simm.s32 @!p2 $0x80;
	[sflag:s8] =	ssyncadd.s32 @!p1 $0xFFFFF800;
	p1 =	sle.s32 s5, $0x1  }
0xb0: {  	s7 =	simm.s32 @!p2 $0x200;
	s8 =	simm.s32 @!p2 $0x4F00;
	s10 =	simm.s32 @!p1 $0x2  }
0xb1: {  	[tilespmem:s8], [sflag:$0x1] =	stream.indirect.gather @!p2 [spmem:s3], $0x10, s7, s6, $0xb8;
	[tilespmem:$0x15F00] =	vst v63  }
0xb2: {  	_ =	swait.ge @!p1 [sflag:s10], $0x800  }
0xb3: {  	s6 =	simm.s32 @!p1 $0x2800;
	s7 =	simm.s32 @!p1 $0x80;
	[sflag:s10] =	ssyncset.done @!p1 $0x0  }
0xb4: {  	s8 =	simm.s32 @!p1 $0x5700;
	[sflag:s10] =	ssyncadd.s32 @!p1 $0xFFFFF800;
	s10 =	simm.s32 @!p1 $0x7  }
0xb5: {  	[spmem:s2] =	stream.indirect.scatter.add.f32 @!p1 [tilespmem:s8], [sflag:$0x7], $0x10, s6, s7, $0xb8;
	[tilespmem:$0x15F00] =	vst v63  }
0xb6: {  	_ =	swait.ge @!p1 [sflag:s10], $0x800  }
0xb7: {  	p2 =	sle.s32 s5, $0x5;
	[sflag:s10] =	ssyncset.done @!p1 $0x0  }
0xb8: {  	s6 =	simm.s32 @!p2 $0x80;
	[sflag:s10] =	ssyncadd.s32 @!p1 $0xFFFFF800;
	p1 =	sle.s32 s5, $0x2  }
0xb9: {  	s7 =	simm.s32 @!p2 $0x280;
	s8 =	simm.s32 @!p2 $0x5700;
	s10 =	simm.s32 @!p1 $0x3  }
0xba: {  	[tilespmem:s8], [sflag:$0x2] =	stream.indirect.gather @!p2 [spmem:s3], $0x10, s7, s6, $0xb8;
	[tilespmem:$0x15F00] =	vst v63  }
0xbb: {  	_ =	swait.ge @!p1 [sflag:s10], $0x800  }
0xbc: {  	s6 =	simm.s32 @!p1 $0x2880;
	s7 =	simm.s32 @!p1 $0x80;
	[sflag:s10] =	ssyncset.done @!p1 $0x0  }
0xbd: {  	s8 =	simm.s32 @!p1 $0x5F00;
	[sflag:s10] =	ssyncadd.s32 @!p1 $0xFFFFF800;
	s10 =	simm.s32 @!p1 $0x7  }
0xbe: {  	[spmem:s2] =	stream.indirect.scatter.add.f32 @!p1 [tilespmem:s8], [sflag:$0x7], $0x10, s6, s7, $0xb8;
	[tilespmem:$0x15F00] =	vst v63  }
0xbf: {  	p3 =	sle.s32 s5, $0x6;
	p2 =	sle.s32 s5, $0x3;
	_ =	swait.ge @!p1 [sflag:s10], $0x800  }
0xc0: {  	s6 =	simm.s32 @!p3 $0x80;
	s7 =	simm.s32 @!p3 $0x300;
	[sflag:s10] =	ssyncset.done @!p1 $0x0  }
0xc1: {  	s8 =	simm.s32 @!p3 $0x5F00;
	[sflag:s10] =	ssyncadd.s32 @!p1 $0xFFFFF800;
	s10 =	simm.s32 @!p2 $0x4  }
0xc2: {  	[tilespmem:s8], [sflag:$0x3] =	stream.indirect.gather @!p3 [spmem:s3], $0x10, s7, s6, $0xb8;
	[tilespmem:$0x15F00] =	vst v63  }
0xc3: {  	_ =	swait.ge @!p2 [sflag:s10], $0x800  }
0xc4: {  	s6 =	simm.s32 @!p2 $0x2900;
	s7 =	simm.s32 @!p2 $0x80;
	[sflag:s10] =	ssyncset.done @!p2 $0x0  }
0xc5: {  	s8 =	simm.s32 @!p2 $0x6700;
	[sflag:s10] =	ssyncadd.s32 @!p2 $0xFFFFF800;
	s10 =	simm.s32 $0x7  }
0xc6: {  	[spmem:s2] =	stream.indirect.scatter.add.f32 @!p2 [tilespmem:s8], [sflag:$0x7], $0x10, s6, s7, $0xb8;
	[tilespmem:$0x15F00] =	vst v63  }
0xc7: {  	s6 =	simm.s32 $0x4;
	s7 =	simm.s32 $0x800;
	s8 =	simm.s32 @!p2 $0x7  }
.LBB2_4:
0xc8: {  	_ =	swait.ge @!p2 [sflag:s8], $0x800  }
0xc9: {  	p1 =	sge.s32 s10, s5;
	s19 =	smov.u32 s6;
	s6 =	sadd.s32 $0x4, s6  }
0xca: {  	[sflag:s8] =	ssyncset.done @!p2 $0x0;
	s0 =	sshra.s32 @!p1 s0, $0x2;
	s10 =	simm.s32 @!p1 $0x6700  }
0xcb: {  	[sflag:s8] =	ssyncadd.s32 @!p2 $0xFFFFF800;
	s0 =	sadd.s32 @!p1 $0x380, s0;
	s8 =	simm.s32 @!p1 $0x80  }
0xcc: {  	[tilespmem:s10], [sflag:$0x4] =	stream.indirect.gather @!p1 [spmem:s3], $0x10, s0, s8, $0xb8;
	[tilespmem:$0x15F00] =	vst v63  }
0xcd: {  	p2 =	sge.s32 s19, s5;
	p1 =	sne.s32 s6, $0x50;
	s0 =	smov.u32 s7  }
0xce: {  	s8 =	simm.s32 @!p2 $0x1;
	s10 =	sshra.s32 @!p2 s7, $0x2  }
0xcf: {  	s10 =	sadd.s32 @!p2 $0x2780, s10;
	_ =	swait.ge @!p2 [sflag:s8], $0x800  }
0xd0: {  	s22 =	simm.s32 @!p2 $0x7;
	[sflag:s8] =	ssyncset.done @!p2 $0x0  }
0xd1: {  	s11 =	simm.s32 @!p2 $0x4F00;
	[sflag:s8] =	ssyncadd.s32 @!p2 $0xFFFFF800;
	s8 =	simm.s32 @!p2 $0x80  }
0xd2: {  	[spmem:s2] =	stream.indirect.scatter.add.f32 @!p2 [tilespmem:s11], [sflag:$0x7], $0x10, s10, s8, $0xb8;
	[tilespmem:$0x15F00] =	vst v63  }
0xd3: {  	p3 =	sge.s32 s6, s5;
	s8 =	sadd.s32 $0x1, s19;
	_ =	swait.ge @!p2 [sflag:s22], $0x800  }
0xd4: {  	s10 =	sshra.s32 @!p3 s7, $0x2;
	s11 =	simm.s32 @!p3 $0x80;
	[sflag:s22] =	ssyncset.done @!p2 $0x0  }
0xd5: {  	s10 =	sadd.s32 @!p3 $0x200, s10;
	[sflag:s22] =	ssyncadd.s32 @!p2 $0xFFFFF800;
	p2 =	sge.s32 s8, s5  }
0xd6: {  	s8 =	simm.s32 @!p3 $0x4F00;
	s22 =	simm.s32 @!p2 $0x2;
	s12 =	sshra.s32 @!p2 s7, $0x2  }
0xd7: {  	[tilespmem:s8], [sflag:$0x1] =	stream.indirect.gather @!p3 [spmem:s3], $0x10, s10, s11, $0xb8;
	[tilespmem:$0x15F00] =	vst v63  }
0xd8: {  	s8 =	sadd.s32 @!p2 $0x2800, s12;
	_ =	swait.ge @!p2 [sflag:s22], $0x800  }
0xd9: {  	s10 =	simm.s32 @!p2 $0x80;
	s11 =	simm.s32 @!p2 $0x5700;
	[sflag:s22] =	ssyncset.done @!p2 $0x0  }
0xda: {  	s12 =	simm.s32 @!p2 $0x7;
	[sflag:s22] =	ssyncadd.s32 @!p2 $0xFFFFF800;
	s22 =	sadd.s32 $0x5, s19  }
0xdb: {  	[spmem:s2] =	stream.indirect.scatter.add.f32 @!p2 [tilespmem:s11], [sflag:$0x7], $0x10, s8, s10, $0xb8;
	[tilespmem:$0x15F00] =	vst v63  }
0xdc: {  	p3 =	sge.s32 s22, s5;
	s8 =	sadd.s32 $0x2, s19;
	_ =	swait.ge @!p2 [sflag:s12], $0x800  }
0xdd: {  	s10 =	sshra.s32 @!p3 s7, $0x2;
	s11 =	simm.s32 @!p3 $0x80;
	[sflag:s12] =	ssyncset.done @!p2 $0x0  }
0xde: {  	s10 =	sadd.s32 @!p3 $0x280, s10;
	[sflag:s12] =	ssyncadd.s32 @!p2 $0xFFFFF800;
	p2 =	sge.s32 s8, s5  }
0xdf: {  	s8 =	simm.s32 @!p3 $0x5700;
	s12 =	simm.s32 @!p2 $0x3;
	s22 =	sshra.s32 @!p2 s7, $0x2  }
0xe0: {  	[tilespmem:s8], [sflag:$0x2] =	stream.indirect.gather @!p3 [spmem:s3], $0x10, s10, s11, $0xb8;
	[tilespmem:$0x15F00] =	vst v63  }
0xe1: {  	s8 =	sadd.s32 @!p2 $0x2880, s22;
	_ =	swait.ge @!p2 [sflag:s12], $0x800  }
0xe2: {  	s10 =	simm.s32 @!p2 $0x80;
	s11 =	simm.s32 @!p2 $0x5F00;
	[sflag:s12] =	ssyncset.done @!p2 $0x0  }
0xe3: {  	s22 =	sadd.s32 $0x6, s19;
	[sflag:s12] =	ssyncadd.s32 @!p2 $0xFFFFF800;
	s12 =	simm.s32 @!p2 $0x7  }
0xe4: {  	[spmem:s2] =	stream.indirect.scatter.add.f32 @!p2 [tilespmem:s11], [sflag:$0x7], $0x10, s8, s10, $0xb8;
	[tilespmem:$0x15F00] =	vst v63  }
0xe5: {  	p3 =	sge.s32 s22, s5;
	s8 =	sadd.s32 $0x3, s19;
	_ =	swait.ge @!p2 [sflag:s12], $0x800  }
0xe6: {  	s10 =	sshra.s32 @!p3 s7, $0x2;
	s11 =	simm.s32 @!p3 $0x80;
	[sflag:s12] =	ssyncset.done @!p2 $0x0  }
0xe7: {  	s10 =	sadd.s32 @!p3 $0x300, s10;
	[sflag:s12] =	ssyncadd.s32 @!p2 $0xFFFFF800;
	p2 =	sge.s32 s8, s5  }
0xe8: {  	s8 =	simm.s32 @!p3 $0x5F00;
	s12 =	simm.s32 @!p2 $0x4;
	s22 =	sshra.s32 @!p2 s7, $0x2  }
0xe9: {  	[tilespmem:s8], [sflag:$0x3] =	stream.indirect.gather @!p3 [spmem:s3], $0x10, s10, s11, $0xb8;
	[tilespmem:$0x15F00] =	vst v63  }
.Ltmp1:
0xea: {  	_ = 	snop;
	(pc) =	sbr.rel @p1 .LBB2_4-.Ltmp1, $4  }
0xeb: {  	s7 =	sadd.s32 $0x800, s7;
	s11 =	sadd.s32 @!p2 $0x2900, s22;
	_ =	swait.ge @!p2 [sflag:s12], $0x800  }
0xec: {  	s13 =	simm.s32 @!p2 $0x6700;
	s22 =	simm.s32 @!p2 $0x80;
	[sflag:s12] =	ssyncset.done @!p2 $0x0  }
0xed: {  	s8 =	simm.s32 @!p2 $0x7;
	s10 =	sadd.s32 $0x7, s19;
	[sflag:s12] =	ssyncadd.s32 @!p2 $0xFFFFF800  }
0xee: {  	[spmem:s2] =	stream.indirect.scatter.add.f32 @!p2 [tilespmem:s13], [sflag:$0x7], $0x10, s11, s22, $0xb8;
	[tilespmem:$0x15F00] =	vst v63  }
0xef: {  	_ =	swait.ge @!p2 [sflag:s8], $0x800;
	p1 =	sge.s32 s10, s5;
	s21 =	sadd.s32 $0x1, s21  }
0xf0: {  	[sflag:s8] =	ssyncset.done @!p2 $0x0;
	s0 =	sshra.s32 @!p1 s0, $0x2;
	s6 =	simm.s32 @!p1 $0x6700  }
0xf1: {  	s7 =	simm.s32 @!p1 $0x80;
	[sflag:s8] =	ssyncadd.s32 @!p2 $0xFFFFF800;
	s0 =	sadd.s32 @!p1 $0x380, s0  }
0xf2: {  	[tilespmem:s6], [sflag:$0x4] =	stream.indirect.gather @!p1 [spmem:s3], $0x10, s0, s7, $0xb8;
	[tilespmem:$0x15F00] =	vst v63  }
0xf3: {  	p1 =	sne.s32 s21, s18  }
.Ltmp2:
0xf4: {  	s22 =	sor.u32 $0x1C07, s9;
	[bflag:$0x0] =	sbarrier.arrive $0xFFFF;
	(pc) =	sbr.rel @p1 .LBB2_1-.Ltmp2, $4  }
0xf5: {  	[hbm:s17], [sflag:s22] =	dma.local [spmem:s20], $0x500  }
0xf6: {  	_ =	swait.ge [sflag:s31], $0x500  }
0xf7: {  	[sflag:s31] =	ssyncset.done $0x0  }
0xf8: {  	[sflag:s31] =	ssyncadd.s32 $0xFFFFFB00  }
0xf9: {  	_ =	sfence.sel $0x180000  }
0xfa: {  	[bflag:$0x0] =	sbarrier.arrive $0xFFFF  }
0xfb: {  	_ =	strace $0x9000004A  }
0xfc: {  	s0 =	stileid.u32;
	[bflag:$0x2] =	sbarrier.arrive $0xFFFF  }
0xfd: {  	p0 =	sne.s32 s0, $0x0;
	s0 =	rddreg [dreg:$0x3]  }
0xfe: {  	s0 =	sadd.s32 @!p0 $0x100000, s0  }
0xff: {  	[sflag:s0] =	ssyncadd.tile.s32 @!p0 $0x1;
	_ =	shalt  }
.Lfunc_end2:
_tile_overlayer_lowered:
.L_overlay_start_2:
0x100: {  	(tag) =	ssettag $0x2  }
0x101: {  	s0 =	rddreg [dreg:$0x0];
	s2 =	stileid.u32  }
0x102: {  	s1 =	rddreg [dreg:$0x1];
	p0 =	sne.s32 s2, $0x0  }
0x103: {  	s3 =	rddreg [dreg:$0x2];
	[bflag:$0x3] =	sbarrier.arrive $0xFFFF;
	s2 =	simm.s32 @!p0 $0x1C07  }
0x104: {  	[timem:s3], [sflag:s2] =	dma.local @!p0 [hbm:s0], s1  }
0x105: {  	s0 =	simm.s32 @!p0 $0x7  }
0x106: {  	_ =	swait.ge @!p0 [sflag:s0], s1  }
0x107: {  	s1 =	ssub.s32 @!p0 $0x0, s1;
	[sflag:s0] =	ssyncset.done @!p0 $0x0  }
0x108: {  	[sflag:s0] =	ssyncadd.s32 @!p0 s1  }
0x109: {  	[bflag:$0x3] =	sbarrier.arrive $0xFFFF  }
0x10a: {  	_ =	shalt  }

// kernel: kernel.15.cloned.1.call-start
scs
__scs_entry_jumppad:
0x0: {  	(pc) =	sbr.rel $0x88, $3  }
0x1: {  	(tag) =	ssettag $0x0;
	lr =	simm.s32 $0x1  }
0x2: {  	[smem:$0x3F97] =	sst lr;
	_ =	strace $0xD0000000  }
0x3: {  	_ = 	snop  }
0x4: {  	_ = 	snop  }
0x5: {  	_ = 	snop  }
0x6: {  	_ = 	snop  }
0x7: {  	_ = 	snop  }
__scs_overlays_trampoline_lowered:
0x8: {  	[smem:$0x3FA6] =	sst s0  }
0x9: {  	[smem:$0x3FA7] =	sst s1  }
0xa: {  	[smem:$0x3FA8] =	sst s2  }
0xb: {  	[smem:$0x3FA9] =	sst s3  }
0xc: {  	[smem:$0x3FAA] =	sst s4  }
0xd: {  	[smem:$0x3FAB] =	sst s5  }
0xe: {  	[smem:$0x3FAC] =	sst s6  }
0xf: {  	[smem:$0x3FAD] =	sst s7  }
0x10: {  	[smem:$0x3FAE] =	sst s8  }
0x11: {  	[smem:$0x3FAF] =	sst s9;
	s0 =	simm.s32 @!p0 $0x0  }
0x12: {  	s1 =	sld [smem:$0x3F95];
	s0 =	simm.s32 @p0 $0x1  }
0x13: {  	[smem:$0x3FB0] =	sst s0;
	s0 =	simm.s32 @!p1 $0x0  }
0x14: {  	s2 =	sld [smem:$0x3F94];
	s0 =	simm.s32 @p1 $0x1  }
0x15: {  	[smem:$0x3FB1] =	sst s0;
	s0 =	simm.s32 @!p2 $0x0  }
0x16: {  	s3 =	sld [smem:$0x3FDB];
	s0 =	simm.s32 @p2 $0x1  }
0x17: {  	s4 =	simm.s32 $0x1BF5;
	[smem:$0x3FB3] =	sst s0  }
0x18: {  	s0 =	sld [smem:$0x3F96];
	_ =	swait.ge [sflag:s4], $0x0  }
0x19: {  	s7 =	sld [smem:$0x3F97]  }
0x1a: {  	s8 =	sadd.s32 $0xFFFFE003, lr  }
0x1b: {  	s9 =	sadd.s32 $0xFFFFFEF7, lr;
	s5 =	simm.s32 $0xFFFFFFFF;
	p2 =	slt.u32 s8, $0xFFFFF086  }
0x1c: {  	p1 =	slt.u32 s9, $0xF7A;
	s5 =	simm.s32 @!p2 $0x0  }
0x1d: {  	s5 =	simm.s32 @p1 $0x1;
	p0 =	seq.s32 s7, s2  }
0x1e: {  	s7 =	smul.u32 @!p0 $0xF7A, s2;
	p2 =	seq.s32 @!p0 s5, $0x0  }
0x1f: {  	s9 =	smul.u32 $0xF7A, s1;
	s8 =	simm.s32 @!p0 $0x1BF5;
	p2 =	por !p2, p0  }
0x20: {  	[sflag:s8] =	ssyncset.s32 @!p0 $0xFFFFF086;
	s6 =	sadd.s32 @!p0 s3, s7;
	s7 =	simm.s32 @!p0 $0x108  }
0x21: {  	s3 =	sadd.s32 s3, s9;
	s6 =	sadd.s32 @!p0 $0x88, s6;
	s7 =	simm.s32 @p2 $0x1082  }
0x22: {  	[simem:s7], [sflag:s8] =	dma.local @!p0 [hbm:s6], $0xF7A  }
0x23: {  	s9 =	sor.u32 $0xD0000000, s2;
	s6 =	simm.s32 $0x108;
	_ =	swait.ge @!p0 [sflag:s8], $0x0  }
0x24: {  	s3 =	sadd.s32 $0x88, s3;
	s6 =	simm.s32 @!p1 $0x1082;
	[sflag:s4] =	ssyncset.s32 $0xFFFFF086  }
0x25: {  	[simem:s6], [sflag:s4] =	dma.local [hbm:s3], $0xF7A  }
0x26: {  	[smem:$0x3F97] =	sst s1;
	(tag) =	ssettag s2;
	_ =	strace s9  }
0x27: {  	s1 =	sld [smem:$0x3FA7]  }
0x28: {  	s2 =	sld [smem:$0x3FA8]  }
0x29: {  	s4 =	sld [smem:$0x3FAA]  }
0x2a: {  	p0 =	seq.s32 s5, $0x0;
	s5 =	sld [smem:$0x3FAB]  }
0x2b: {  	s6 =	sld [smem:$0x3FAC]  }
0x2c: {  	s7 =	sld [smem:$0x3FAD]  }
0x2d: {  	s3 =	simm.s32 $0x108;
	s8 =	sld [smem:$0x3FAE]  }
0x2e: {  	s3 =	simm.s32 @!p0 $0x1082;
	s9 =	sld [smem:$0x3FAF]  }
0x2f: {  	lr =	sadd.s32 s0, s3;
	s0 =	sld [smem:$0x3FA6]  }
0x30: {  	s3 =	sld [smem:$0x3FA9]  }
0x31: {  	[smem:$0x3FB2] =	sst s10  }
0x32: {  	s10 =	sld [smem:$0x3FB0];
	_ =	sdelay $0x3  }
0x33: {  	p0 =	seq.s32 s10, $0x1;
	s10 =	sld [smem:$0x3FB2];
	_ =	sdelay $0x3  }
0x34: {  	[smem:$0x3FB2] =	sst s10  }
0x35: {  	s10 =	sld [smem:$0x3FB1];
	_ =	sdelay $0x3  }
0x36: {  	p1 =	seq.s32 s10, $0x1;
	s10 =	sld [smem:$0x3FB2];
	_ =	sdelay $0x3  }
0x37: {  	[smem:$0x3FB2] =	sst s10  }
0x38: {  	s10 =	sld [smem:$0x3FB3]  }
0x39: {  	_ = 	snop;
	(pc) =	sbr.ind lr, $3  }
0x3a: {  	_ = 	snop  }
0x3b: {  	_ = 	snop  }
0x3c: {  	p2 =	seq.s32 s10, $0x1;
	s10 =	sld [smem:$0x3FB2]  }
0x3d: {  	_ =	shalt  }
0x3e: {  	_ =	shalt  }
0x3f: {  	_ =	shalt  }
0x40: {  	_ =	shalt  }
0x41: {  	_ =	shalt  }
0x42: {  	_ =	shalt  }
0x43: {  	_ =	shalt  }
0x44: {  	_ =	shalt  }
0x45: {  	_ =	shalt  }
0x46: {  	_ =	shalt  }
0x47: {  	_ =	shalt  }
0x48: {  	_ =	shalt  }
0x49: {  	_ =	shalt  }
0x4a: {  	_ =	shalt  }
0x4b: {  	_ =	shalt  }
0x4c: {  	_ =	shalt  }
0x4d: {  	_ =	shalt  }
0x4e: {  	_ =	shalt  }
0x4f: {  	_ =	shalt  }
0x50: {  	_ =	shalt  }
0x51: {  	_ =	shalt  }
0x52: {  	_ =	shalt  }
0x53: {  	_ =	shalt  }
0x54: {  	_ =	shalt  }
0x55: {  	_ =	shalt  }
0x56: {  	_ =	shalt  }
0x57: {  	_ =	shalt  }
0x58: {  	_ =	shalt  }
0x59: {  	_ =	shalt  }
0x5a: {  	_ =	shalt  }
0x5b: {  	_ =	shalt  }
0x5c: {  	_ =	shalt  }
0x5d: {  	_ =	shalt  }
0x5e: {  	_ =	shalt  }
0x5f: {  	_ =	shalt  }
0x60: {  	_ =	shalt  }
0x61: {  	_ =	shalt  }
0x62: {  	_ =	shalt  }
0x63: {  	_ =	shalt  }
0x64: {  	_ =	shalt  }
0x65: {  	_ =	shalt  }
0x66: {  	_ =	shalt  }
0x67: {  	_ =	shalt  }
0x68: {  	_ =	shalt  }
0x69: {  	_ =	shalt  }
0x6a: {  	_ =	shalt  }
0x6b: {  	_ =	shalt  }
0x6c: {  	_ =	shalt  }
0x6d: {  	_ =	shalt  }
0x6e: {  	_ =	shalt  }
0x6f: {  	_ =	shalt  }
0x70: {  	_ =	shalt  }
0x71: {  	_ =	shalt  }
0x72: {  	_ =	shalt  }
0x73: {  	_ =	shalt  }
0x74: {  	_ =	shalt  }
0x75: {  	_ =	shalt  }
0x76: {  	_ =	shalt  }
0x77: {  	_ =	shalt  }
0x78: {  	_ =	shalt  }
0x79: {  	_ =	shalt  }
0x7a: {  	_ =	shalt  }
0x7b: {  	_ =	shalt  }
0x7c: {  	_ =	shalt  }
0x7d: {  	_ =	shalt  }
0x7e: {  	_ =	shalt  }
0x7f: {  	_ =	shalt  }
0x80: {  	_ =	shalt  }
0x81: {  	_ =	shalt  }
0x82: {  	_ =	shalt  }
0x83: {  	_ =	shalt  }
0x84: {  	_ =	shalt  }
0x85: {  	_ =	shalt  }
0x86: {  	_ =	shalt  }
0x87: {  	_ =	shalt  }
.Lfunc_end0:
.L_simem_size_0:
called_computation.2_lowered:
.L_overlay_start_0:
0x88: {  	s2 =	sld [smem:$0x3FD9]  }
0x89: {  	s3 =	sld [smem:$0x3FFE];
	_ =	sdelay $0x1  }
0x8a: {  	s1 =	srdreg.scid  }
0x8b: {  	s0 =	sand.u32 $0x1, s1  }
0x8c: {  	s17 =	sshll.u32 s0, $0xA;
	s2 =	sadd.s32 s3, s2  }
0x8d: {  	s2 =	sadd.s32 s2, s17  }
0x8e: {  	[smem:$0x3FBE] =	sst s2  }
0x8f: {  	_ = 	snop  }
0x90: {  	s2 =	sld [smem:$0x3FC6];
	(tm) =	ssettm $0x1  }
0x91: {  	s18 =	sld [smem:$0x3FFB];
	_ =	sdelay $0x3  }
0x92: {  	_ =	strace s18  }
0x93: {  	s3 =	sld [smem:$0x3FFC];
	_ =	sdelay $0x3  }
0x94: {  	_ =	strace s3  }
0x95: {  	s3 =	sld [smem:$0x3FFD];
	_ =	sdelay $0x3  }
0x96: {  	_ =	strace s3  }
0x97: {  	_ =	strace $0x8FFFFFFF  }
0x98: {  	s19 =	sld [smem:$0x3FDB];
	_ =	sdelay $0x1  }
0x99: {  	s4 =	simm.s32 $_scs_section_size  }
0x9a: {  	s5 =	simm.s32 $_size__tile_overlayer_lowered;
	s6 =	simm.s32 $_tile_overlayer_lowered  }
0x9b: {  	s22 =	simm.s32 $0x1BFF;
	s21 =	sshll.u32 s6, $0x1;
	s3 =	sadd.s32 s4, s19  }
0x9c: {  	s7 =	simm.s32 $0x0;
	s20 =	sshll.u32 s5, $0x1;
	s5 =	sadd.s32 s21, s3  }
0x9d: {  	[timem:s7], [sflag:s22] =	dma.local [hbm:s5], s20  }
0x9e: {  	_ =	swait.ge [sflag:s22], s20  }
0x9f: {  	s4 =	ssub.s32 $0x0, s20;
	[sflag:s22] =	ssyncset.done $0x0  }
0xa0: {  	[sflag:s22] =	ssyncadd.s32 s4;
	_ =	sdelay $0x1  }
0xa1: {  	s23 =	simm.s32 $0x1B8B  }
0xa2: {  	_ =	swait.ge [sflag:s23], $0x1  }
0xa3: {  	[sflag:s23] =	ssyncset.done $0x0  }
0xa4: {  	s25 =	simm.s32 $0x1B8E;
	s24 =	sld [smem:$0x3FFE];
	[sflag:s23] =	ssyncadd.s32 $0xFFFFFFFF  }
0xa5: {  	s26 =	simm.s32 $execute0_lowered;
	[smem:$0x3FD2] =	sst s25  }
0xa6: {  	s5 =	sshll.u32 s26, $0x1;
	_ =	strace $0x8000004C;
	[dreg:$0x1] =	wrdreg $0xFFFFFFFF  }
0xa7: {  	s28 =	simm.s32 $_size_execute0_lowered;
	s3 =	sadd.s32 s3, s5;
	[dreg:$0x0] =	wrdreg $0x0  }
0xa8: {  	s5 =	sshll.u32 s28, $0x1;
	[dreg:$0x2] =	wrdreg s3  }
0xa9: {  	[dreg:$0x3] =	wrdreg s5  }
0xaa: {  	[dreg:$0x4] =	wrdreg $0xC0  }
0xab: {  	_ =	task [dreg:s7], $0x5FFFF  }
0xac: {  	[dreg:$0x1] =	wrdreg $0xFFFFFFFF  }
0xad: {  	[dreg:$0x0] =	wrdreg $0x60  }
0xae: {  	[dreg:$0x2] =	wrdreg s24  }
0xaf: {  	[dreg:$0x3] =	wrdreg s2  }
0xb0: {  	[dreg:$0x4] =	wrdreg $0x10F100  }
0xb1: {  	[dreg:$0x5] =	wrdreg $0x137100  }
0xb2: {  	[dreg:$0x6] =	wrdreg $0x9  }
0xb3: {  	_ =	task.clear_ibuf [dreg:s7], $0x7FFFF;
	_ =	strace $0x9000004C  }
0xb4: {  	s29 =	simm.s32 $0x9;
	_ =	strace $0x8000004E  }
0xb5: {  	_ =	swait.ge [sflag:s29], $0x1  }
0xb6: {  	[sflag:s29] =	ssyncadd.s32 $0xFFFFFFFF  }
0xb7: {  	_ =	strace $0x9000004E  }
0xb8: {  	_ =	sfence  }
0xb9: {  	s30 =	sld [smem:$0x0];
	_ =	sdelay $0x2  }
0xba: {  	s31 =	sshll.u32 s1, $0xD;
	s1 =	sshrl.u32 s1, $0x2  }
0xbb: {  	s3 =	sand.u32 $0x4000, s31;
	s1 =	sadd.s32 s1, s30  }
0xbc: {  	s0 =	sor.u32 s3, s0;
	s1 =	sshll.u32 s1, $0x11  }
0xbd: {  	s0 =	sor.u32 s1, s0  }
0xbe: {  	s0 =	sadd.s32 $0x8F2B, s0  }
0xbf: {  	[sflag:s0] =	ssyncadd.remote.s32 $0x1  }
0xc0: {  	_ =	sfence.sel $0xFFFF  }
0xc1: {  	[dreg:$0x0] =	wrdreg $0xFFFFFFFF;
	(pc) =	sbr.abs _section_cstart, $3  }
0xc2: {  	[dreg:$0x1] =	wrdreg $0xFFFFFFFF  }
0xc3: {  	_ =	task.clear_ibuf [dreg:s7], $0x2FFFF;
	_ =	strace $0x9FFFFFFF  }
0xc4: {  	(tm) =	ssettm $0x7FFFFFFF  }
0xc5: {  	_ =	shalt  }
tec
execute0_lowered:
.L_overlay_start_1:
0x0: {  	(tag) =	ssettag $0x1  }
0x1: {  	s0 =	srdreg.scid;
	s2 =	rddreg [dreg:$0x0]  }
0x2: {  	s13 =	stileid.u32;
	s3 =	rddreg [dreg:$0x2]  }
0x3: {  	s4 =	rddreg [dreg:$0x3];
	s5 =	simm.s32 $0x0;
	s28 =	simm.s32 $0x1  }
0x4: {  	s29 =	simm.s32 $0x2;
	s30 =	simm.s32 $0x3;
	s0 =	sand.u32 $0x1, s0  }
0x5: {  	s31 =	simm.s32 $0x4;
	s7 =	smul.u32 $0x2800, s13;
	s1 =	sshll.u32 s0, $0x4  }
0x6: {  	[smem:$0x7FF] =	sst s5;
	s6 =	smul.u32 $0x28000, s0;
	s1 =	sor.u32 s13, s1  }
0x7: {  	_ =	strace $0x8000004D;
	s14 =	ssub.s32 $0x2, s0;
	s1 =	smul.u32 $0x9C4, s1  }
0x8: {  	p0 =	sne.s32 s0, $0x0;
	s0 =	simm.s32 $0x6;
	s11 =	sshrl.u32 s7, $0x3  }
0x9: {  	s12 =	sshrl.u32 s14, $0x1;
	s20 =	sadd.s32 s7, s3;
	s8 =	sshrl.u32 s1, $0x5  }
0xa: {  	s16 =	sadd.s32 s7, s4;
	s6 =	sadd.s32 s7, s6;
	s9 =	sshll.u32 s8, $0x4  }
0xb: {  	s15 =	ssub.s32 s14, s12;
	s6 =	sshrl.u32 s6, $0x3;
	s9 =	sadd.s32 s9, s2  }
0xc: {  	s10 =	sadd.s32 s6, s2;
	s1 =	sadd.s32 $0x9C4, s1;
	s18 =	sadd.s32 $0x3C00, s9  }
0xd: {  	s2 =	sadd.s32 s11, s2;
	s19 =	sadd.s32 $0xD840, s9;
	[dreg:$0x5] =	wrdreg s18  }
0xe: {  	s1 =	sshrl.u32 s1, $0x5;
	s21 =	sadd.s32 $0x17600, s2;
	[dreg:$0x6] =	wrdreg s19  }
0xf: {  	s6 =	ssub.s32 s1, s8;
	s23 =	sadd.s32 $0x2B600, s2;
	[dreg:$0x7] =	wrdreg s21  }
0x10: {  	s1 =	simm.s32 $0x5;
	s24 =	sadd.s32 $0x30600, s2;
	[dreg:$0x9] =	wrdreg s23  }
0x11: {  	s9 =	sshll.u32 s13, $0x6;
	s25 =	sadd.s32 $0x35600, s2;
	[dreg:$0xa] =	wrdreg s24  }
0x12: {  	s26 =	sadd.s32 $0x3A600, s2;
	s17 =	sadd.s32 $0x26600, s2;
	[dreg:$0xb] =	wrdreg s25  }
0x13: {  	s2 =	simm.s32 $0x7;
	s22 =	sor.u32 $0x1C03, s9;
	[dreg:$0xc] =	wrdreg s26  }
0x14: {  	s18 =	sadd.s32 $0x1C600, s10;
	s19 =	smax.u32 s15, $0x1;
	s21 =	sshrl.u32 s20, $0x3  }
0x15: {  	s24 =	simm.s32 $0xBF00;
	s20 =	simm.s32 $0x8;
	s23 =	simm.s32 $0x80  }
0x16: {  	s25 =	simm.s32 $0x0;
	[dreg:$0x8] =	wrdreg s22;
	s22 =	simm.s32 $0x9  }
.LBB2_1:
0x17: {  	s7 =	rddreg [dreg:$0x5]  }
0x18: {  	s13 =	rddreg [dreg:$0x6]  }
0x19: {  	s14 =	rddreg [dreg:$0x7]  }
0x1a: {  	[tilespmem:s5], [sflag:$0x1] =	stream.linear.gather [hbm4b:s7+s5], $0x2780, $0x38;
	[tilespmem:$0x15F10] =	vst v63  }
0x1b: {  	s8 =	simm.s32 $0x2780;
	s15 =	rddreg [dreg:$0x8]  }
0x1c: {  	[tilespmem:s8], [sflag:$0x2] =	stream.linear.gather [hbm4b:s13+s5], $0x2780, $0x38;
	[tilespmem:$0x15F10] =	vst v63  }
0x1d: {  	[spmem:s21], [sflag:s15] =	dma.local [hbm:s14], $0x500  }
0x1e: {  	s26 =	simm.s32 $0x6F00;
	s7 =	rddreg [dreg:$0x9]  }
0x1f: {  	[tilespmem:s26], [sflag:$0x4] =	stream.linear.gather [hbm4b:s7+s5], $0x2800, $0x38;
	[tilespmem:$0x15F10] =	vst v63  }
0x20: {  	s11 =	simm.s32 $0x9700;
	s10 =	rddreg [dreg:$0xa]  }
0x21: {  	[tilespmem:s11], [sflag:$0x5] =	stream.linear.gather [hbm4b:s10+s5], $0x2800, $0x38;
	[tilespmem:$0x15F10] =	vst v63  }
0x22: {  	s12 =	rddreg [dreg:$0xb]  }
0x23: {  	[tilespmem:s24], [sflag:$0x6] =	stream.linear.gather [hbm4b:s12+s5], $0x2800, $0x38;
	[tilespmem:$0x15F10] =	vst v63  }
0x24: {  	s14 =	simm.s32 $0xE700;
	s13 =	rddreg [dreg:$0xc]  }
0x25: {  	[tilespmem:s14], [sflag:$0x7] =	stream.linear.gather [hbm4b:s13+s5], $0x2800, $0x38;
	[tilespmem:$0x15F10] =	vst v63  }
0x26: {  	s15 =	rddreg [dreg:$0x1];
	s26 =	simm.s32 $0x10F00  }
0x27: {  	[tilespmem:s26], [sflag:$0x8] =	stream.linear.gather [hbm4b:s15+s5], $0x10, $0x38;
	[tilespmem:$0x15F10] =	vst v63  }
0x28: {  	_ =	swait.ge [sflag:s28], $0x2780  }
0x29: {  	[sflag:s28] =	ssyncset.done $0x0  }
0x2a: {  	[sflag:s28] =	ssyncadd.s32 $0xFFFFD880  }
0x2b: {  	_ =	swait.ge [sflag:s29], $0x2780  }
0x2c: {  	[sflag:s29] =	ssyncset.done $0x0  }
0x2d: {  	[sflag:s29] =	ssyncadd.s32 $0xFFFFD880  }
0x2e: {  	_ =	swait.ge [sflag:s30], $0x500  }
0x2f: {  	[sflag:s30] =	ssyncset.done $0x0  }
0x30: {  	[sflag:s30] =	ssyncadd.s32 $0xFFFFFB00  }
0x31: {  	_ =	swait.ge [sflag:s31], $0x2800  }
0x32: {  	[sflag:s31] =	ssyncset.done $0x0  }
0x33: {  	[sflag:s31] =	ssyncadd.s32 $0xFFFFD800  }
0x34: {  	_ =	swait.ge [sflag:s1], $0x2800  }
0x35: {  	[sflag:s1] =	ssyncset.done $0x0  }
0x36: {  	[sflag:s1] =	ssyncadd.s32 $0xFFFFD800  }
0x37: {  	_ =	swait.ge [sflag:s0], $0x2800  }
0x38: {  	[sflag:s0] =	ssyncset.done $0x0  }
0x39: {  	[sflag:s0] =	ssyncadd.s32 $0xFFFFD800  }
0x3a: {  	_ =	swait.ge [sflag:s2], $0x2800  }
0x3b: {  	[sflag:s2] =	ssyncset.done $0x0  }
0x3c: {  	[sflag:s2] =	ssyncadd.s32 $0xFFFFD800  }
0x3d: {  	_ =	swait.ge [sflag:s20], $0x10  }
0x3e: {  	[sflag:s20] =	ssyncset.done $0x0  }
0x3f: {  	s7 =	simm.s32 $0x10;
	[sflag:s20] =	ssyncadd.s32 $0xFFFFFFF0  }
0x40: {  	v0 =	vld [tilespmem:s7+$0x6EF0]  }
0x41: {  	v1 =	vld [tilespmem:s7+$0x96F0]  }
0x42: {  	v2 =	vld [tilespmem:s7+$0x6F00]  }
0x43: {  	v3 =	vld [tilespmem:s7+$0x9700]  }
0x44: {  	v4 =	vld [tilespmem:s7+$0xBEF0]  }
0x45: {  	v5 =	vld [tilespmem:s7+$0xBF00]  }
0x46: {  	v6 =	vld [tilespmem:s7+$0xE6F0]  }
0x47: {  	v7 =	vld [tilespmem:s7+$0xE700];
	v1 =	vadd.f32 v1, v0  }
0x48: {  	v2 =	vadd.f32 v3, v2;
	v0 =	vld [tilespmem:$0x10F00]  }
0x49: {  	v1 =	vadd.f32 v4, v1  }
0x4a: {  	v2 =	vadd.f32 v5, v2  }
0x4b: {  	v1 =	vmul.f32 v1, v6  }
0x4c: {  	v2 =	vmul.f32 v2, v7  }
0x4d: {  	v3 =	vadd.f32 v1, v0  }
0x4e: {  	s8 =	simm.s32 $0x30;
	v4 =	vadd.f32 v2, v0  }
0x4f: {  	v1 =	vld [tilespmem:s8+$0x6EF0];
	v3 =	vmax.f32 v3, $0.0e+00  }
0x50: {  	v2 =	vld [tilespmem:s8+$0x96F0];
	v5 =	vmax.f32 v4, $0.0e+00;
	v4 =	vmul.f32 v3, v6  }
0x51: {  	s10 =	simm.s32 $0x140;
	v3 =	vld [tilespmem:s8+$0x6F00];
	v5 =	vmul.f32 v5, v7  }
.LBB2_2:
0x52: {  	p1 =	sne.s32 s10, $0x9FC0;
	v6 =	vld [tilespmem:s8+$0x9700];
	[tilespmem:s7+$0xBEF0] =	vst v4  }
0x53: {  	v4 =	vld [tilespmem:s8+$0xBEF0];
	[tilespmem:s7+$0xBF00] =	vst v5;
	s7 =	smov.u32 s8  }
0x54: {  	v5 =	vld [tilespmem:s7+$0xBF00]  }
0x55: {  	v7 =	vld [tilespmem:s7+$0xE6F0]  }
0x56: {  	v1 =	vadd.f32 v2, v1;
	v8 =	vld [tilespmem:s7+$0xE700]  }
0x57: {  	v2 =	vadd.f32 v6, v3  }
0x58: {  	v1 =	vadd.f32 v4, v1  }
0x59: {  	v2 =	vadd.f32 v5, v2  }
0x5a: {  	v1 =	vmul.f32 v1, v7  }
0x5b: {  	v2 =	vmul.f32 v2, v8  }
.Ltmp0:
0x5c: {  	v3 =	vadd.f32 v1, v0;
	(pc) =	sbr.rel @p1 .LBB2_2-.Ltmp0, $4  }
0x5d: {  	s8 =	sshra.s32 s10, $0x2;
	v5 =	vadd.f32 v2, v0  }
0x5e: {  	v1 =	vld [tilespmem:s8+$0x6EF0];
	v3 =	vmax.f32 v3, $0.0e+00  }
0x5f: {  	v2 =	vld [tilespmem:s8+$0x96F0];
	v4 =	vmul.f32 v3, v7;
	v5 =	vmax.f32 v5, $0.0e+00  }
0x60: {  	s10 =	sadd.s32 $0x80, s10;
	v3 =	vld [tilespmem:s8+$0x6F00];
	v5 =	vmul.f32 v5, v8  }
0x61: {  	v6 =	vld [tilespmem:s8+$0x9700];
	[tilespmem:s7+$0xBEF0] =	vst v4  }
0x62: {  	v4 =	vld [tilespmem:s8+$0xBEF0];
	[tilespmem:s7+$0xBF00] =	vst v5  }
0x63: {  	v5 =	vld [tilespmem:s8+$0xBF00]  }
0x64: {  	v7 =	vld [tilespmem:s8+$0xE6F0]  }
0x65: {  	v62 =	vld [tilespmem:s8+$0xE700];
	v1 =	vadd.f32 v2, v1  }
0x66: {  	v3 =	vadd.f32 v6, v3  }
0x67: {  	v1 =	vadd.f32 v4, v1  }
0x68: {  	v3 =	vadd.f32 v5, v3  }
0x69: {  	v1 =	vmul.f32 v1, v7  }
0x6a: {  	v3 =	vmul.f32 v3, v62  }
0x6b: {  	v1 =	vadd.f32 v1, v0  }
0x6c: {  	v63 =	vadd.f32 v3, v0  }
0x6d: {  	v1 =	vmax.f32 v1, $0.0e+00  }
0x6e: {  	v1 =	vmul.f32 v1, v7;
	v0 =	vmax.f32 v63, $0.0e+00  }
0x6f: {  	v0 =	vmul.f32 v0, v62  }
0x70: {  	[tilespmem:s8+$0xBEF0] =	vst v1  }
0x71: {  	[tilespmem:s8+$0xBF00] =	vst v0  }
0x72: {  	[spmem:s16] =	stream.linear.scatter [tilespmem:s24], [sflag:$0x9], $0x2800, $0x38;
	[tilespmem:$0x15F10] =	vst v63  }
0x73: {  	_ =	swait.ge [sflag:s22], $0x2800  }
0x74: {  	[sflag:s22] =	ssyncset.done $0x0  }
0x75: {  	s7 =	simm.s32 @!p0 $0x0;
	s8 =	simm.s32 @!p0 $0xBF00;
	[sflag:s22] =	ssyncadd.s32 $0xFFFFD800  }
0x76: {  	[hbm4b:s17+s7] =	stream.linear.scatter @!p0 [tilespmem:s8], [sflag:$0x9], $0x2800, $0x38;
	[tilespmem:$0x15F10] =	vst v63  }
0x77: {  	s7 =	simm.s32 @!p0 $0x9  }
0x78: {  	_ =	swait.ge @!p0 [sflag:s7], $0x2800  }
0x79: {  	[sflag:s7] =	ssyncset.done @!p0 $0x0  }
0x7a: {  	[sflag:s7] =	ssyncadd.s32 @!p0 $0xFFFFD800  }
0x7b: {  	s26 =	simm.s32 $0x0;
	s10 =	simm.s32 $0x4F00;
	[bflag:$0x0] =	sbarrier.arrive $0xFFFF  }
0x7c: {  	[tilespmem:s10], [sflag:$0x1] =	stream.indirect.gather [spmem:s4], $0x10, s26, s23, $0xb8;
	[tilespmem:$0x15F10] =	vst v63  }
0x7d: {  	s11 =	simm.s32 $0x5700  }
0x7e: {  	[tilespmem:s11], [sflag:$0x2] =	stream.indirect.gather [spmem:s4], $0x10, s23, s23, $0xb8;
	[tilespmem:$0x15F10] =	vst v63  }
0x7f: {  	s12 =	simm.s32 $0x100;
	s13 =	simm.s32 $0x5F00;
	p1 =	sle.s32 s6, $0x0  }
0x80: {  	[tilespmem:s13], [sflag:$0x3] =	stream.indirect.gather [spmem:s4], $0x10, s12, s23, $0xb8;
	[tilespmem:$0x15F10] =	vst v63  }
0x81: {  	s14 =	simm.s32 $0x180;
	s15 =	simm.s32 $0x6700;
	s7 =	simm.s32 @!p1 $0x1  }
0x82: {  	[tilespmem:s15], [sflag:$0x4] =	stream.indirect.gather [spmem:s4], $0x10, s14, s23, $0xb8;
	[tilespmem:$0x15F10] =	vst v63  }
0x83: {  	_ =	swait.ge @!p1 [sflag:s7], $0x800  }
0x84: {  	s8 =	simm.s32 @!p1 $0x2780;
	s10 =	simm.s32 @!p1 $0x9;
	[sflag:s7] =	ssyncset.done @!p1 $0x0  }
0x85: {  	s11 =	simm.s32 @!p1 $0x4F00;
	[sflag:s7] =	ssyncadd.s32 @!p1 $0xFFFFF800;
	s7 =	simm.s32 @!p1 $0x80  }
0x86: {  	[spmem:s3] =	stream.indirect.scatter.add.f32 @!p1 [tilespmem:s11], [sflag:$0x9], $0x10, s8, s7, $0xb8;
	[tilespmem:$0x15F10] =	vst v63  }
0x87: {  	_ =	swait.ge @!p1 [sflag:s10], $0x800  }
0x88: {  	p2 =	sle.s32 s6, $0x4;
	[sflag:s10] =	ssyncset.done @!p1 $0x0  }
0x89: {  	s7 =	simm.s32 @!p2 $0x80;
	[sflag:s10] =	ssyncadd.s32 @!p1 $0xFFFFF800;
	p1 =	sle.s32 s6, $0x1  }
0x8a: {  	s8 =	simm.s32 @!p2 $0x200;
	s10 =	simm.s32 @!p2 $0x4F00;
	s11 =	simm.s32 @!p1 $0x2  }
0x8b: {  	[tilespmem:s10], [sflag:$0x1] =	stream.indirect.gather @!p2 [spmem:s4], $0x10, s8, s7, $0xb8;
	[tilespmem:$0x15F10] =	vst v63  }
0x8c: {  	_ =	swait.ge @!p1 [sflag:s11], $0x800  }
0x8d: {  	s7 =	simm.s32 @!p1 $0x2800;
	s8 =	simm.s32 @!p1 $0x80;
	[sflag:s11] =	ssyncset.done @!p1 $0x0  }
0x8e: {  	s10 =	simm.s32 @!p1 $0x5700;
	[sflag:s11] =	ssyncadd.s32 @!p1 $0xFFFFF800;
	s11 =	simm.s32 @!p1 $0x9  }
0x8f: {  	[spmem:s3] =	stream.indirect.scatter.add.f32 @!p1 [tilespmem:s10], [sflag:$0x9], $0x10, s7, s8, $0xb8;
	[tilespmem:$0x15F10] =	vst v63  }
0x90: {  	_ =	swait.ge @!p1 [sflag:s11], $0x800  }
0x91: {  	p2 =	sle.s32 s6, $0x5;
	[sflag:s11] =	ssyncset.done @!p1 $0x0  }
0x92: {  	s7 =	simm.s32 @!p2 $0x80;
	[sflag:s11] =	ssyncadd.s32 @!p1 $0xFFFFF800;
	p1 =	sle.s32 s6, $0x2  }
0x93: {  	s8 =	simm.s32 @!p2 $0x280;
	s10 =	simm.s32 @!p2 $0x5700;
	s11 =	simm.s32 @!p1 $0x3  }
0x94: {  	[tilespmem:s10], [sflag:$0x2] =	stream.indirect.gather @!p2 [spmem:s4], $0x10, s8, s7, $0xb8;
	[tilespmem:$0x15F10] =	vst v63  }
0x95: {  	_ =	swait.ge @!p1 [sflag:s11], $0x800  }
0x96: {  	s7 =	simm.s32 @!p1 $0x2880;
	s8 =	simm.s32 @!p1 $0x80;
	[sflag:s11] =	ssyncset.done @!p1 $0x0  }
0x97: {  	s10 =	simm.s32 @!p1 $0x5F00;
	[sflag:s11] =	ssyncadd.s32 @!p1 $0xFFFFF800;
	s11 =	simm.s32 @!p1 $0x9  }
0x98: {  	[spmem:s3] =	stream.indirect.scatter.add.f32 @!p1 [tilespmem:s10], [sflag:$0x9], $0x10, s7, s8, $0xb8;
	[tilespmem:$0x15F10] =	vst v63  }
0x99: {  	p3 =	sle.s32 s6, $0x6;
	p2 =	sle.s32 s6, $0x3;
	_ =	swait.ge @!p1 [sflag:s11], $0x800  }
0x9a: {  	s7 =	simm.s32 @!p3 $0x80;
	s8 =	simm.s32 @!p3 $0x300;
	[sflag:s11] =	ssyncset.done @!p1 $0x0  }
0x9b: {  	s10 =	simm.s32 @!p3 $0x5F00;
	[sflag:s11] =	ssyncadd.s32 @!p1 $0xFFFFF800;
	s11 =	simm.s32 @!p2 $0x4  }
0x9c: {  	[tilespmem:s10], [sflag:$0x3] =	stream.indirect.gather @!p3 [spmem:s4], $0x10, s8, s7, $0xb8;
	[tilespmem:$0x15F10] =	vst v63  }
0x9d: {  	_ =	swait.ge @!p2 [sflag:s11], $0x800  }
0x9e: {  	s7 =	simm.s32 @!p2 $0x2900;
	s8 =	simm.s32 @!p2 $0x80;
	[sflag:s11] =	ssyncset.done @!p2 $0x0  }
0x9f: {  	s10 =	simm.s32 @!p2 $0x6700;
	[sflag:s11] =	ssyncadd.s32 @!p2 $0xFFFFF800;
	s11 =	simm.s32 @!p2 $0x9  }
0xa0: {  	[spmem:s3] =	stream.indirect.scatter.add.f32 @!p2 [tilespmem:s10], [sflag:$0x9], $0x10, s7, s8, $0xb8;
	[tilespmem:$0x15F10] =	vst v63  }
0xa1: {  	s7 =	simm.s32 $0x4;
	s8 =	simm.s32 $0x800;
	s10 =	simm.s32 $0x7  }
.LBB2_4:
0xa2: {  	_ =	swait.ge @!p2 [sflag:s11], $0x800  }
0xa3: {  	p1 =	sge.s32 s10, s6;
	s10 =	smov.u32 s7;
	s7 =	sadd.s32 $0x4, s7  }
0xa4: {  	[sflag:s11] =	ssyncset.done @!p2 $0x0;
	s26 =	sshra.s32 @!p1 s26, $0x2;
	s12 =	simm.s32 @!p1 $0x6700  }
0xa5: {  	[sflag:s11] =	ssyncadd.s32 @!p2 $0xFFFFF800;
	s11 =	sadd.s32 @!p1 $0x380, s26;
	s26 =	simm.s32 @!p1 $0x80  }
0xa6: {  	[tilespmem:s12], [sflag:$0x4] =	stream.indirect.gather @!p1 [spmem:s4], $0x10, s11, s26, $0xb8;
	[tilespmem:$0x15F10] =	vst v63  }
0xa7: {  	p2 =	sge.s32 s10, s6;
	p1 =	sne.s32 s7, $0x50;
	s26 =	smov.u32 s8  }
0xa8: {  	s11 =	simm.s32 @!p2 $0x1;
	s12 =	sshra.s32 @!p2 s8, $0x2  }
0xa9: {  	s12 =	sadd.s32 @!p2 $0x2780, s12;
	_ =	swait.ge @!p2 [sflag:s11], $0x800  }
0xaa: {  	s13 =	simm.s32 @!p2 $0x9;
	[sflag:s11] =	ssyncset.done @!p2 $0x0  }
0xab: {  	s14 =	simm.s32 @!p2 $0x4F00;
	[sflag:s11] =	ssyncadd.s32 @!p2 $0xFFFFF800;
	s11 =	simm.s32 @!p2 $0x80  }
0xac: {  	[spmem:s3] =	stream.indirect.scatter.add.f32 @!p2 [tilespmem:s14], [sflag:$0x9], $0x10, s12, s11, $0xb8;
	[tilespmem:$0x15F10] =	vst v63  }
0xad: {  	p3 =	sge.s32 s7, s6;
	s11 =	sadd.s32 $0x1, s10;
	_ =	swait.ge @!p2 [sflag:s13], $0x800  }
0xae: {  	s12 =	sshra.s32 @!p3 s8, $0x2;
	s14 =	simm.s32 @!p3 $0x80;
	[sflag:s13] =	ssyncset.done @!p2 $0x0  }
0xaf: {  	s12 =	sadd.s32 @!p3 $0x200, s12;
	[sflag:s13] =	ssyncadd.s32 @!p2 $0xFFFFF800;
	p2 =	sge.s32 s11, s6  }
0xb0: {  	s11 =	simm.s32 @!p3 $0x4F00;
	s13 =	simm.s32 @!p2 $0x2;
	s15 =	sshra.s32 @!p2 s8, $0x2  }
0xb1: {  	[tilespmem:s11], [sflag:$0x1] =	stream.indirect.gather @!p3 [spmem:s4], $0x10, s12, s14, $0xb8;
	[tilespmem:$0x15F10] =	vst v63  }
0xb2: {  	s11 =	sadd.s32 @!p2 $0x2800, s15;
	_ =	swait.ge @!p2 [sflag:s13], $0x800  }
0xb3: {  	s12 =	simm.s32 @!p2 $0x80;
	s14 =	simm.s32 @!p2 $0x5700;
	[sflag:s13] =	ssyncset.done @!p2 $0x0  }
0xb4: {  	s15 =	sadd.s32 $0x5, s10;
	[sflag:s13] =	ssyncadd.s32 @!p2 $0xFFFFF800;
	s13 =	simm.s32 @!p2 $0x9  }
0xb5: {  	[spmem:s3] =	stream.indirect.scatter.add.f32 @!p2 [tilespmem:s14], [sflag:$0x9], $0x10, s11, s12, $0xb8;
	[tilespmem:$0x15F10] =	vst v63  }
0xb6: {  	p3 =	sge.s32 s15, s6;
	s11 =	sadd.s32 $0x2, s10;
	_ =	swait.ge @!p2 [sflag:s13], $0x800  }
0xb7: {  	s12 =	sshra.s32 @!p3 s8, $0x2;
	s14 =	simm.s32 @!p3 $0x80;
	[sflag:s13] =	ssyncset.done @!p2 $0x0  }
0xb8: {  	s12 =	sadd.s32 @!p3 $0x280, s12;
	[sflag:s13] =	ssyncadd.s32 @!p2 $0xFFFFF800;
	p2 =	sge.s32 s11, s6  }
0xb9: {  	s11 =	simm.s32 @!p3 $0x5700;
	s13 =	simm.s32 @!p2 $0x3;
	s15 =	sshra.s32 @!p2 s8, $0x2  }
0xba: {  	[tilespmem:s11], [sflag:$0x2] =	stream.indirect.gather @!p3 [spmem:s4], $0x10, s12, s14, $0xb8;
	[tilespmem:$0x15F10] =	vst v63  }
0xbb: {  	s11 =	sadd.s32 @!p2 $0x2880, s15;
	_ =	swait.ge @!p2 [sflag:s13], $0x800  }
0xbc: {  	s12 =	simm.s32 @!p2 $0x80;
	s14 =	simm.s32 @!p2 $0x5F00;
	[sflag:s13] =	ssyncset.done @!p2 $0x0  }
0xbd: {  	s15 =	sadd.s32 $0x6, s10;
	[sflag:s13] =	ssyncadd.s32 @!p2 $0xFFFFF800;
	s13 =	simm.s32 @!p2 $0x9  }
0xbe: {  	[spmem:s3] =	stream.indirect.scatter.add.f32 @!p2 [tilespmem:s14], [sflag:$0x9], $0x10, s11, s12, $0xb8;
	[tilespmem:$0x15F10] =	vst v63  }
0xbf: {  	p3 =	sge.s32 s15, s6;
	s11 =	sadd.s32 $0x3, s10;
	_ =	swait.ge @!p2 [sflag:s13], $0x800  }
0xc0: {  	s12 =	sshra.s32 @!p3 s8, $0x2;
	s14 =	simm.s32 @!p3 $0x80;
	[sflag:s13] =	ssyncset.done @!p2 $0x0  }
0xc1: {  	s12 =	sadd.s32 @!p3 $0x300, s12;
	[sflag:s13] =	ssyncadd.s32 @!p2 $0xFFFFF800;
	p2 =	sge.s32 s11, s6  }
0xc2: {  	s11 =	simm.s32 @!p3 $0x5F00;
	s13 =	simm.s32 @!p2 $0x4;
	s15 =	sshra.s32 @!p2 s8, $0x2  }
0xc3: {  	[tilespmem:s11], [sflag:$0x3] =	stream.indirect.gather @!p3 [spmem:s4], $0x10, s12, s14, $0xb8;
	[tilespmem:$0x15F10] =	vst v63  }
.Ltmp1:
0xc4: {  	_ = 	snop;
	(pc) =	sbr.rel @p1 .LBB2_4-.Ltmp1, $4  }
0xc5: {  	s8 =	sadd.s32 $0x800, s8;
	s12 =	sadd.s32 @!p2 $0x2900, s15;
	_ =	swait.ge @!p2 [sflag:s13], $0x800  }
0xc6: {  	s14 =	simm.s32 @!p2 $0x80;
	s15 =	simm.s32 @!p2 $0x6700;
	[sflag:s13] =	ssyncset.done @!p2 $0x0  }
0xc7: {  	s10 =	sadd.s32 $0x7, s10;
	s11 =	simm.s32 @!p2 $0x9;
	[sflag:s13] =	ssyncadd.s32 @!p2 $0xFFFFF800  }
0xc8: {  	[spmem:s3] =	stream.indirect.scatter.add.f32 @!p2 [tilespmem:s15], [sflag:$0x9], $0x10, s12, s14, $0xb8;
	[tilespmem:$0x15F10] =	vst v63  }
0xc9: {  	_ =	swait.ge @!p2 [sflag:s11], $0x800;
	p1 =	sge.s32 s10, s6;
	s25 =	sadd.s32 $0x1, s25  }
0xca: {  	[sflag:s11] =	ssyncset.done @!p2 $0x0;
	s7 =	sshra.s32 @!p1 s26, $0x2;
	s8 =	simm.s32 @!p1 $0x6700  }
0xcb: {  	s10 =	simm.s32 @!p1 $0x80;
	[sflag:s11] =	ssyncadd.s32 @!p2 $0xFFFFF800;
	s7 =	sadd.s32 @!p1 $0x380, s7  }
0xcc: {  	[tilespmem:s8], [sflag:$0x4] =	stream.indirect.gather @!p1 [spmem:s4], $0x10, s7, s10, $0xb8;
	[tilespmem:$0x15F10] =	vst v63  }
0xcd: {  	p1 =	sne.s32 s25, s19  }
.Ltmp2:
0xce: {  	s26 =	sor.u32 $0x1C09, s9;
	[bflag:$0x0] =	sbarrier.arrive $0xFFFF;
	(pc) =	sbr.rel @p1 .LBB2_1-.Ltmp2, $4  }
0xcf: {  	[hbm:s18], [sflag:s26] =	dma.local [spmem:s21], $0x500  }
0xd0: {  	_ =	swait.ge [sflag:s22], $0x500  }
0xd1: {  	[sflag:s22] =	ssyncset.done $0x0  }
0xd2: {  	[sflag:s22] =	ssyncadd.s32 $0xFFFFFB00  }
0xd3: {  	_ =	sfence.sel $0x180000  }
0xd4: {  	[bflag:$0x0] =	sbarrier.arrive $0xFFFF  }
0xd5: {  	_ =	strace $0x9000004D  }
0xd6: {  	s0 =	stileid.u32;
	[bflag:$0x2] =	sbarrier.arrive $0xFFFF  }
0xd7: {  	p0 =	sne.s32 s0, $0x0;
	s0 =	rddreg [dreg:$0x4]  }
0xd8: {  	s0 =	sadd.s32 @!p0 $0x100000, s0  }
0xd9: {  	[sflag:s0] =	ssyncadd.tile.s32 @!p0 $0x1;
	_ =	shalt  }
.Lfunc_end2:
_tile_overlayer_lowered:
.L_overlay_start_2:
0xda: {  	(tag) =	ssettag $0x2  }
0xdb: {  	s0 =	rddreg [dreg:$0x0];
	s2 =	stileid.u32  }
0xdc: {  	s1 =	rddreg [dreg:$0x1];
	p0 =	sne.s32 s2, $0x0  }
0xdd: {  	s3 =	rddreg [dreg:$0x2];
	[bflag:$0x3] =	sbarrier.arrive $0xFFFF;
	s2 =	simm.s32 @!p0 $0x1C09  }
0xde: {  	[timem:s3], [sflag:s2] =	dma.local @!p0 [hbm:s0], s1  }
0xdf: {  	s0 =	simm.s32 @!p0 $0x9  }
0xe0: {  	_ =	swait.ge @!p0 [sflag:s0], s1  }
0xe1: {  	s1 =	ssub.s32 @!p0 $0x0, s1;
	[sflag:s0] =	ssyncset.done @!p0 $0x0  }
0xe2: {  	[sflag:s0] =	ssyncadd.s32 @!p0 s1  }
0xe3: {  	[bflag:$0x3] =	sbarrier.arrive $0xFFFF  }
0xe4: {  	_ =	shalt  }

// kernel: kernel.18.cloned.1.call-start
scs
__scs_entry_jumppad:
0x0: {  	(pc) =	sbr.rel $0x88, $3  }
0x1: {  	(tag) =	ssettag $0x0;
	lr =	simm.s32 $0x1  }
0x2: {  	[smem:$0x3F97] =	sst lr;
	_ =	strace $0xD0000000  }
0x3: {  	_ = 	snop  }
0x4: {  	_ = 	snop  }
0x5: {  	_ = 	snop  }
0x6: {  	_ = 	snop  }
0x7: {  	_ = 	snop  }
__scs_overlays_trampoline_lowered:
0x8: {  	[smem:$0x3FA6] =	sst s0  }
0x9: {  	[smem:$0x3FA7] =	sst s1  }
0xa: {  	[smem:$0x3FA8] =	sst s2  }
0xb: {  	[smem:$0x3FA9] =	sst s3  }
0xc: {  	[smem:$0x3FAA] =	sst s4  }
0xd: {  	[smem:$0x3FAB] =	sst s5  }
0xe: {  	[smem:$0x3FAC] =	sst s6  }
0xf: {  	[smem:$0x3FAD] =	sst s7  }
0x10: {  	[smem:$0x3FAE] =	sst s8  }
0x11: {  	[smem:$0x3FAF] =	sst s9;
	s0 =	simm.s32 @!p0 $0x0  }
0x12: {  	s1 =	sld [smem:$0x3F95];
	s0 =	simm.s32 @p0 $0x1  }
0x13: {  	[smem:$0x3FB0] =	sst s0;
	s0 =	simm.s32 @!p1 $0x0  }
0x14: {  	s2 =	sld [smem:$0x3F94];
	s0 =	simm.s32 @p1 $0x1  }
0x15: {  	[smem:$0x3FB1] =	sst s0;
	s0 =	simm.s32 @!p2 $0x0  }
0x16: {  	s3 =	sld [smem:$0x3FDB];
	s0 =	simm.s32 @p2 $0x1  }
0x17: {  	s4 =	simm.s32 $0x1BF5;
	[smem:$0x3FB3] =	sst s0  }
0x18: {  	s0 =	sld [smem:$0x3F96];
	_ =	swait.ge [sflag:s4], $0x0  }
0x19: {  	s7 =	sld [smem:$0x3F97]  }
0x1a: {  	s8 =	sadd.s32 $0xFFFFE003, lr  }
0x1b: {  	s9 =	sadd.s32 $0xFFFFFEF7, lr;
	s5 =	simm.s32 $0xFFFFFFFF;
	p2 =	slt.u32 s8, $0xFFFFF086  }
0x1c: {  	p1 =	slt.u32 s9, $0xF7A;
	s5 =	simm.s32 @!p2 $0x0  }
0x1d: {  	s5 =	simm.s32 @p1 $0x1;
	p0 =	seq.s32 s7, s2  }
0x1e: {  	s7 =	smul.u32 @!p0 $0xF7A, s2;
	p2 =	seq.s32 @!p0 s5, $0x0  }
0x1f: {  	s9 =	smul.u32 $0xF7A, s1;
	s8 =	simm.s32 @!p0 $0x1BF5;
	p2 =	por !p2, p0  }
0x20: {  	[sflag:s8] =	ssyncset.s32 @!p0 $0xFFFFF086;
	s6 =	sadd.s32 @!p0 s3, s7;
	s7 =	simm.s32 @!p0 $0x108  }
0x21: {  	s3 =	sadd.s32 s3, s9;
	s6 =	sadd.s32 @!p0 $0x88, s6;
	s7 =	simm.s32 @p2 $0x1082  }
0x22: {  	[simem:s7], [sflag:s8] =	dma.local @!p0 [hbm:s6], $0xF7A  }
0x23: {  	s9 =	sor.u32 $0xD0000000, s2;
	s6 =	simm.s32 $0x108;
	_ =	swait.ge @!p0 [sflag:s8], $0x0  }
0x24: {  	s3 =	sadd.s32 $0x88, s3;
	s6 =	simm.s32 @!p1 $0x1082;
	[sflag:s4] =	ssyncset.s32 $0xFFFFF086  }
0x25: {  	[simem:s6], [sflag:s4] =	dma.local [hbm:s3], $0xF7A  }
0x26: {  	[smem:$0x3F97] =	sst s1;
	(tag) =	ssettag s2;
	_ =	strace s9  }
0x27: {  	s1 =	sld [smem:$0x3FA7]  }
0x28: {  	s2 =	sld [smem:$0x3FA8]  }
0x29: {  	s4 =	sld [smem:$0x3FAA]  }
0x2a: {  	p0 =	seq.s32 s5, $0x0;
	s5 =	sld [smem:$0x3FAB]  }
0x2b: {  	s6 =	sld [smem:$0x3FAC]  }
0x2c: {  	s7 =	sld [smem:$0x3FAD]  }
0x2d: {  	s3 =	simm.s32 $0x108;
	s8 =	sld [smem:$0x3FAE]  }
0x2e: {  	s3 =	simm.s32 @!p0 $0x1082;
	s9 =	sld [smem:$0x3FAF]  }
0x2f: {  	lr =	sadd.s32 s0, s3;
	s0 =	sld [smem:$0x3FA6]  }
0x30: {  	s3 =	sld [smem:$0x3FA9]  }
0x31: {  	[smem:$0x3FB2] =	sst s10  }
0x32: {  	s10 =	sld [smem:$0x3FB0];
	_ =	sdelay $0x3  }
0x33: {  	p0 =	seq.s32 s10, $0x1;
	s10 =	sld [smem:$0x3FB2];
	_ =	sdelay $0x3  }
0x34: {  	[smem:$0x3FB2] =	sst s10  }
0x35: {  	s10 =	sld [smem:$0x3FB1];
	_ =	sdelay $0x3  }
0x36: {  	p1 =	seq.s32 s10, $0x1;
	s10 =	sld [smem:$0x3FB2];
	_ =	sdelay $0x3  }
0x37: {  	[smem:$0x3FB2] =	sst s10  }
0x38: {  	s10 =	sld [smem:$0x3FB3]  }
0x39: {  	_ = 	snop;
	(pc) =	sbr.ind lr, $3  }
0x3a: {  	_ = 	snop  }
0x3b: {  	_ = 	snop  }
0x3c: {  	p2 =	seq.s32 s10, $0x1;
	s10 =	sld [smem:$0x3FB2]  }
0x3d: {  	_ =	shalt  }
0x3e: {  	_ =	shalt  }
0x3f: {  	_ =	shalt  }
0x40: {  	_ =	shalt  }
0x41: {  	_ =	shalt  }
0x42: {  	_ =	shalt  }
0x43: {  	_ =	shalt  }
0x44: {  	_ =	shalt  }
0x45: {  	_ =	shalt  }
0x46: {  	_ =	shalt  }
0x47: {  	_ =	shalt  }
0x48: {  	_ =	shalt  }
0x49: {  	_ =	shalt  }
0x4a: {  	_ =	shalt  }
0x4b: {  	_ =	shalt  }
0x4c: {  	_ =	shalt  }
0x4d: {  	_ =	shalt  }
0x4e: {  	_ =	shalt  }
0x4f: {  	_ =	shalt  }
0x50: {  	_ =	shalt  }
0x51: {  	_ =	shalt  }
0x52: {  	_ =	shalt  }
0x53: {  	_ =	shalt  }
0x54: {  	_ =	shalt  }
0x55: {  	_ =	shalt  }
0x56: {  	_ =	shalt  }
0x57: {  	_ =	shalt  }
0x58: {  	_ =	shalt  }
0x59: {  	_ =	shalt  }
0x5a: {  	_ =	shalt  }
0x5b: {  	_ =	shalt  }
0x5c: {  	_ =	shalt  }
0x5d: {  	_ =	shalt  }
0x5e: {  	_ =	shalt  }
0x5f: {  	_ =	shalt  }
0x60: {  	_ =	shalt  }
0x61: {  	_ =	shalt  }
0x62: {  	_ =	shalt  }
0x63: {  	_ =	shalt  }
0x64: {  	_ =	shalt  }
0x65: {  	_ =	shalt  }
0x66: {  	_ =	shalt  }
0x67: {  	_ =	shalt  }
0x68: {  	_ =	shalt  }
0x69: {  	_ =	shalt  }
0x6a: {  	_ =	shalt  }
0x6b: {  	_ =	shalt  }
0x6c: {  	_ =	shalt  }
0x6d: {  	_ =	shalt  }
0x6e: {  	_ =	shalt  }
0x6f: {  	_ =	shalt  }
0x70: {  	_ =	shalt  }
0x71: {  	_ =	shalt  }
0x72: {  	_ =	shalt  }
0x73: {  	_ =	shalt  }
0x74: {  	_ =	shalt  }
0x75: {  	_ =	shalt  }
0x76: {  	_ =	shalt  }
0x77: {  	_ =	shalt  }
0x78: {  	_ =	shalt  }
0x79: {  	_ =	shalt  }
0x7a: {  	_ =	shalt  }
0x7b: {  	_ =	shalt  }
0x7c: {  	_ =	shalt  }
0x7d: {  	_ =	shalt  }
0x7e: {  	_ =	shalt  }
0x7f: {  	_ =	shalt  }
0x80: {  	_ =	shalt  }
0x81: {  	_ =	shalt  }
0x82: {  	_ =	shalt  }
0x83: {  	_ =	shalt  }
0x84: {  	_ =	shalt  }
0x85: {  	_ =	shalt  }
0x86: {  	_ =	shalt  }
0x87: {  	_ =	shalt  }
.Lfunc_end0:
.L_simem_size_0:
called_computation.3_lowered:
.L_overlay_start_0:
0x88: {  	s2 =	sld [smem:$0x3FD9]  }
0x89: {  	s3 =	sld [smem:$0x3FFE];
	_ =	sdelay $0x1  }
0x8a: {  	s1 =	srdreg.scid  }
0x8b: {  	s0 =	sand.u32 $0x1, s1  }
0x8c: {  	s16 =	sshll.u32 s0, $0xA;
	s2 =	sadd.s32 s3, s2  }
0x8d: {  	s2 =	sadd.s32 s2, s16  }
0x8e: {  	[smem:$0x3FBE] =	sst s2  }
0x8f: {  	_ = 	snop  }
0x90: {  	(tm) =	ssettm $0x1  }
0x91: {  	s17 =	sld [smem:$0x3FFB];
	_ =	sdelay $0x3  }
0x92: {  	_ =	strace s17  }
0x93: {  	s2 =	sld [smem:$0x3FFC];
	_ =	sdelay $0x3  }
0x94: {  	_ =	strace s2  }
0x95: {  	s2 =	sld [smem:$0x3FFD];
	_ =	sdelay $0x3  }
0x96: {  	_ =	strace s2  }
0x97: {  	_ =	strace $0x8FFFFFFF  }
0x98: {  	s18 =	sld [smem:$0x3FDB];
	_ =	sdelay $0x1  }
0x99: {  	s19 =	simm.s32 $_scs_section_size  }
0x9a: {  	s4 =	simm.s32 $_size__tile_overlayer_lowered;
	s5 =	simm.s32 $_tile_overlayer_lowered  }
0x9b: {  	s22 =	simm.s32 $0x1BFF;
	s21 =	sshll.u32 s5, $0x1;
	s2 =	sadd.s32 s19, s18  }
0x9c: {  	s6 =	simm.s32 $0x0;
	s20 =	sshll.u32 s4, $0x1;
	s4 =	sadd.s32 s21, s2  }
0x9d: {  	[timem:s6], [sflag:s22] =	dma.local [hbm:s4], s20  }
0x9e: {  	_ =	swait.ge [sflag:s22], s20  }
0x9f: {  	s3 =	ssub.s32 $0x0, s20;
	[sflag:s22] =	ssyncset.done $0x0  }
0xa0: {  	[sflag:s22] =	ssyncadd.s32 s3;
	_ =	sdelay $0x1  }
0xa1: {  	s23 =	simm.s32 $0x1B8B  }
0xa2: {  	_ =	swait.ge [sflag:s23], $0x1  }
0xa3: {  	[sflag:s23] =	ssyncset.done $0x0  }
0xa4: {  	s25 =	simm.s32 $0x1B8E;
	s24 =	sld [smem:$0x3FFE];
	[sflag:s23] =	ssyncadd.s32 $0xFFFFFFFF  }
0xa5: {  	s26 =	simm.s32 $execute0_lowered;
	[smem:$0x3FD2] =	sst s25  }
0xa6: {  	s4 =	sshll.u32 s26, $0x1;
	_ =	strace $0x8000004F;
	[dreg:$0x1] =	wrdreg $0xFFFFFFFF  }
0xa7: {  	s28 =	simm.s32 $_size_execute0_lowered;
	s2 =	sadd.s32 s2, s4;
	[dreg:$0x0] =	wrdreg $0x0  }
0xa8: {  	s4 =	sshll.u32 s28, $0x1;
	[dreg:$0x2] =	wrdreg s2  }
0xa9: {  	[dreg:$0x3] =	wrdreg s4  }
0xaa: {  	[dreg:$0x4] =	wrdreg $0xC0  }
0xab: {  	_ =	task [dreg:s6], $0x5FFFF  }
0xac: {  	[dreg:$0x1] =	wrdreg $0xFFFFFFFF  }
0xad: {  	[dreg:$0x0] =	wrdreg $0x60  }
0xae: {  	[dreg:$0x2] =	wrdreg s24  }
0xaf: {  	[dreg:$0x3] =	wrdreg $0x6F000  }
0xb0: {  	[dreg:$0x4] =	wrdreg $0x97000  }
0xb1: {  	[dreg:$0x5] =	wrdreg $0x9  }
0xb2: {  	_ =	task.clear_ibuf [dreg:s6], $0x6FFFF;
	_ =	strace $0x9000004F  }
0xb3: {  	s29 =	simm.s32 $0x9;
	_ =	strace $0x80000051  }
0xb4: {  	_ =	swait.ge [sflag:s29], $0x1  }
0xb5: {  	[sflag:s29] =	ssyncadd.s32 $0xFFFFFFFF  }
0xb6: {  	_ =	strace $0x90000051  }
0xb7: {  	_ =	sfence  }
0xb8: {  	s30 =	sld [smem:$0x0];
	_ =	sdelay $0x2  }
0xb9: {  	s31 =	sshll.u32 s1, $0xD;
	s1 =	sshrl.u32 s1, $0x2  }
0xba: {  	s3 =	sand.u32 $0x4000, s31;
	s1 =	sadd.s32 s1, s30  }
0xbb: {  	s0 =	sor.u32 s3, s0;
	s1 =	sshll.u32 s1, $0x11  }
0xbc: {  	s0 =	sor.u32 s1, s0  }
0xbd: {  	s0 =	sadd.s32 $0x8F2B, s0  }
0xbe: {  	[sflag:s0] =	ssyncadd.remote.s32 $0x1  }
0xbf: {  	_ =	sfence.sel $0xFFFF  }
0xc0: {  	[dreg:$0x0] =	wrdreg $0xFFFFFFFF;
	(pc) =	sbr.abs _section_cstart, $3  }
0xc1: {  	[dreg:$0x1] =	wrdreg $0xFFFFFFFF  }
0xc2: {  	_ =	task.clear_ibuf [dreg:s6], $0x2FFFF;
	_ =	strace $0x9FFFFFFF  }
0xc3: {  	(tm) =	ssettm $0x7FFFFFFF  }
tec
execute0_lowered:
.L_overlay_start_1:
0x0: {  	(tag) =	ssettag $0x1  }
0x1: {  	s0 =	srdreg.scid  }
0x2: {  	s1 =	rddreg [dreg:$0x0];
	s10 =	stileid.u32  }
0x3: {  	s2 =	rddreg [dreg:$0x1];
	s18 =	simm.s32 $0x1;
	s19 =	simm.s32 $0x2  }
0x4: {  	s20 =	simm.s32 $0x3;
	s21 =	simm.s32 $0x4;
	s22 =	simm.s32 $0x80  }
0x5: {  	s30 =	simm.s32 $0x5;
	s0 =	sand.u32 $0x1, s0;
	s11 =	smul.u32 $0x2800, s10  }
0x6: {  	s31 =	simm.s32 $0x0;
	s3 =	sshll.u32 s0, $0x4;
	s9 =	smul.u32 $0x28000, s0  }
0x7: {  	s0 =	ssub.s32 $0x2, s0;
	s4 =	sor.u32 s10, s3;
	s3 =	rddreg [dreg:$0x2]  }
0x8: {  	s7 =	sshrl.u32 s11, $0x3;
	s29 =	sshrl.u32 s0, $0x1;
	s14 =	sadd.s32 s11, s2  }
0x9: {  	s5 =	smul.u32 $0x9C4, s4;
	s4 =	simm.s32 $0x0;
	s12 =	sadd.s32 s7, s1  }
0xa: {  	s28 =	sadd.s32 s11, s9;
	s0 =	ssub.s32 s0, s29;
	s17 =	sadd.s32 s11, s3  }
0xb: {  	s15 =	sshrl.u32 s14, $0x3;
	[smem:$0x7FF] =	sst s4;
	s9 =	sadd.s32 $0x17600, s12  }
0xc: {  	s11 =	sadd.s32 $0x1C600, s12;
	s13 =	smax.u32 s0, $0x1;
	s6 =	sshrl.u32 s5, $0x5  }
0xd: {  	s17 =	sshrl.u32 s17, $0x3;
	s5 =	sadd.s32 $0x9C4, s5;
	s8 =	sshll.u32 s6, $0x4  }
0xe: {  	s5 =	sshrl.u32 s5, $0x5;
	s26 =	sadd.s32 s8, s1;
	s8 =	sshrl.u32 s28, $0x3  }
0xf: {  	_ =	strace $0x80000050;
	s5 =	ssub.s32 s5, s6;
	s1 =	sadd.s32 s8, s1  }
0x10: {  	s6 =	sadd.s32 $0x3C00, s26;
	s7 =	sadd.s32 $0xD840, s26;
	s8 =	sshll.u32 s10, $0x6  }
0x11: {  	s10 =	sor.u32 $0x1C03, s8;
	s12 =	sadd.s32 $0x21600, s1;
	s16 =	sor.u32 $0x1C04, s8  }
.LBB2_1:
0x12: {  	[tilespmem:s4], [sflag:$0x1] =	stream.linear.gather [hbm4b:s6+s4], $0x2780, $0x38;
	[tilespmem:$0xBF00] =	vst v63  }
0x13: {  	s0 =	simm.s32 $0x2780  }
0x14: {  	[tilespmem:s0], [sflag:$0x2] =	stream.linear.gather [hbm4b:s7+s4], $0x2780, $0x38;
	[tilespmem:$0xBF00] =	vst v63  }
0x15: {  	[spmem:s15], [sflag:s10] =	dma.local [hbm:s9], $0x500  }
0x16: {  	[spmem:s17], [sflag:s16] =	dma.local [hbm:s11], $0x500  }
0x17: {  	_ =	swait.ge [sflag:s18], $0x2780  }
0x18: {  	[sflag:s18] =	ssyncset.done $0x0  }
0x19: {  	[sflag:s18] =	ssyncadd.s32 $0xFFFFD880  }
0x1a: {  	_ =	swait.ge [sflag:s19], $0x2780  }
0x1b: {  	[sflag:s19] =	ssyncset.done $0x0  }
0x1c: {  	[sflag:s19] =	ssyncadd.s32 $0xFFFFD880  }
0x1d: {  	_ =	swait.ge [sflag:s20], $0x500  }
0x1e: {  	[sflag:s20] =	ssyncset.done $0x0  }
0x1f: {  	[sflag:s20] =	ssyncadd.s32 $0xFFFFFB00  }
0x20: {  	_ =	swait.ge [sflag:s21], $0x500  }
0x21: {  	[sflag:s21] =	ssyncset.done $0x0  }
0x22: {  	[sflag:s21] =	ssyncadd.s32 $0xFFFFFB00  }
0x23: {  	s24 =	simm.s32 $0x4F00;
	[bflag:$0x0] =	sbarrier.arrive $0xFFFF  }
0x24: {  	[tilespmem:s24], [sflag:$0x1] =	stream.indirect.gather [spmem:s3], $0x10, s4, s22, $0xb8;
	[tilespmem:$0xBF00] =	vst v63  }
0x25: {  	s25 =	simm.s32 $0x5700  }
0x26: {  	[tilespmem:s25], [sflag:$0x2] =	stream.indirect.gather [spmem:s3], $0x10, s22, s22, $0xb8;
	[tilespmem:$0xBF00] =	vst v63  }
0x27: {  	s26 =	simm.s32 $0x100;
	s1 =	simm.s32 $0x5F00;
	p0 =	sle.s32 s5, $0x0  }
0x28: {  	[tilespmem:s1], [sflag:$0x3] =	stream.indirect.gather [spmem:s3], $0x10, s26, s22, $0xb8;
	[tilespmem:$0xBF00] =	vst v63  }
0x29: {  	s28 =	simm.s32 $0x180;
	s29 =	simm.s32 $0x6700;
	s0 =	simm.s32 @!p0 $0x1  }
0x2a: {  	[tilespmem:s29], [sflag:$0x4] =	stream.indirect.gather [spmem:s3], $0x10, s28, s22, $0xb8;
	[tilespmem:$0xBF00] =	vst v63  }
0x2b: {  	_ =	swait.ge @!p0 [sflag:s0], $0x800  }
0x2c: {  	s14 =	simm.s32 @!p0 $0x5;
	s23 =	simm.s32 @!p0 $0x4F00;
	[sflag:s0] =	ssyncset.done @!p0 $0x0  }
0x2d: {  	s1 =	simm.s32 @!p0 $0x2780;
	[sflag:s0] =	ssyncadd.s32 @!p0 $0xFFFFF800;
	s0 =	simm.s32 @!p0 $0x80  }
0x2e: {  	[spmem:s2] =	stream.indirect.scatter.add.f32 @!p0 [tilespmem:s23], [sflag:$0x5], $0x10, s1, s0, $0xb8;
	[tilespmem:$0xBF00] =	vst v63  }
0x2f: {  	_ =	swait.ge @!p0 [sflag:s14], $0x800  }
0x30: {  	p1 =	sle.s32 s5, $0x4;
	[sflag:s14] =	ssyncset.done @!p0 $0x0  }
0x31: {  	s0 =	simm.s32 @!p1 $0x80;
	[sflag:s14] =	ssyncadd.s32 @!p0 $0xFFFFF800;
	p0 =	sle.s32 s5, $0x1  }
0x32: {  	s1 =	simm.s32 @!p1 $0x200;
	s14 =	simm.s32 @!p1 $0x4F00;
	s23 =	simm.s32 @!p0 $0x2  }
0x33: {  	[tilespmem:s14], [sflag:$0x1] =	stream.indirect.gather @!p1 [spmem:s3], $0x10, s1, s0, $0xb8;
	[tilespmem:$0xBF00] =	vst v63  }
0x34: {  	_ =	swait.ge @!p0 [sflag:s23], $0x800  }
0x35: {  	s0 =	simm.s32 @!p0 $0x2800;
	s1 =	simm.s32 @!p0 $0x80;
	[sflag:s23] =	ssyncset.done @!p0 $0x0  }
0x36: {  	s14 =	simm.s32 @!p0 $0x5700;
	[sflag:s23] =	ssyncadd.s32 @!p0 $0xFFFFF800;
	s23 =	simm.s32 @!p0 $0x5  }
0x37: {  	[spmem:s2] =	stream.indirect.scatter.add.f32 @!p0 [tilespmem:s14], [sflag:$0x5], $0x10, s0, s1, $0xb8;
	[tilespmem:$0xBF00] =	vst v63  }
0x38: {  	_ =	swait.ge @!p0 [sflag:s23], $0x800  }
0x39: {  	p1 =	sle.s32 s5, $0x5;
	[sflag:s23] =	ssyncset.done @!p0 $0x0  }
0x3a: {  	s0 =	simm.s32 @!p1 $0x80;
	[sflag:s23] =	ssyncadd.s32 @!p0 $0xFFFFF800;
	p0 =	sle.s32 s5, $0x2  }
0x3b: {  	s1 =	simm.s32 @!p1 $0x280;
	s14 =	simm.s32 @!p1 $0x5700;
	s23 =	simm.s32 @!p0 $0x3  }
0x3c: {  	[tilespmem:s14], [sflag:$0x2] =	stream.indirect.gather @!p1 [spmem:s3], $0x10, s1, s0, $0xb8;
	[tilespmem:$0xBF00] =	vst v63  }
0x3d: {  	_ =	swait.ge @!p0 [sflag:s23], $0x800  }
0x3e: {  	s0 =	simm.s32 @!p0 $0x2880;
	s1 =	simm.s32 @!p0 $0x80;
	[sflag:s23] =	ssyncset.done @!p0 $0x0  }
0x3f: {  	s14 =	simm.s32 @!p0 $0x5F00;
	[sflag:s23] =	ssyncadd.s32 @!p0 $0xFFFFF800;
	s23 =	simm.s32 @!p0 $0x5  }
0x40: {  	[spmem:s2] =	stream.indirect.scatter.add.f32 @!p0 [tilespmem:s14], [sflag:$0x5], $0x10, s0, s1, $0xb8;
	[tilespmem:$0xBF00] =	vst v63  }
0x41: {  	p2 =	sle.s32 s5, $0x6;
	p1 =	sle.s32 s5, $0x3;
	_ =	swait.ge @!p0 [sflag:s23], $0x800  }
0x42: {  	s0 =	simm.s32 @!p2 $0x80;
	s1 =	simm.s32 @!p2 $0x300;
	[sflag:s23] =	ssyncset.done @!p0 $0x0  }
0x43: {  	s14 =	simm.s32 @!p2 $0x5F00;
	[sflag:s23] =	ssyncadd.s32 @!p0 $0xFFFFF800;
	s23 =	simm.s32 @!p1 $0x4  }
0x44: {  	[tilespmem:s14], [sflag:$0x3] =	stream.indirect.gather @!p2 [spmem:s3], $0x10, s1, s0, $0xb8;
	[tilespmem:$0xBF00] =	vst v63  }
0x45: {  	s24 =	simm.s32 @!p1 $0x5;
	_ =	swait.ge @!p1 [sflag:s23], $0x800  }
0x46: {  	s0 =	simm.s32 @!p1 $0x2900;
	s1 =	simm.s32 @!p1 $0x80;
	[sflag:s23] =	ssyncset.done @!p1 $0x0  }
0x47: {  	s14 =	simm.s32 @!p1 $0x6700;
	[sflag:s23] =	ssyncadd.s32 @!p1 $0xFFFFF800;
	s23 =	simm.s32 $0x7  }
0x48: {  	[spmem:s2] =	stream.indirect.scatter.add.f32 @!p1 [tilespmem:s14], [sflag:$0x5], $0x10, s0, s1, $0xb8;
	[tilespmem:$0xBF00] =	vst v63  }
0x49: {  	s1 =	simm.s32 $0x4;
	s0 =	simm.s32 $0x800;
	s14 =	simm.s32 $0x0  }
.LBB2_2:
0x4a: {  	_ =	swait.ge @!p1 [sflag:s24], $0x800  }
0x4b: {  	p0 =	sge.s32 s23, s5;
	s23 =	smov.u32 s1;
	s1 =	sadd.s32 $0x4, s1  }
0x4c: {  	[sflag:s24] =	ssyncset.done @!p1 $0x0;
	s14 =	sshra.s32 @!p0 s14, $0x2;
	s25 =	simm.s32 @!p0 $0x6700  }
0x4d: {  	[sflag:s24] =	ssyncadd.s32 @!p1 $0xFFFFF800;
	s14 =	sadd.s32 @!p0 $0x380, s14;
	s24 =	simm.s32 @!p0 $0x80  }
0x4e: {  	[tilespmem:s25], [sflag:$0x4] =	stream.indirect.gather @!p0 [spmem:s3], $0x10, s14, s24, $0xb8;
	[tilespmem:$0xBF00] =	vst v63  }
0x4f: {  	p1 =	sge.s32 s23, s5;
	p0 =	sne.s32 s1, $0x50;
	s14 =	smov.u32 s0  }
0x50: {  	s24 =	simm.s32 @!p1 $0x1;
	s25 =	sshra.s32 @!p1 s0, $0x2  }
0x51: {  	s25 =	sadd.s32 @!p1 $0x2780, s25;
	_ =	swait.ge @!p1 [sflag:s24], $0x800  }
0x52: {  	s26 =	simm.s32 @!p1 $0x5;
	[sflag:s24] =	ssyncset.done @!p1 $0x0  }
0x53: {  	s28 =	simm.s32 @!p1 $0x4F00;
	[sflag:s24] =	ssyncadd.s32 @!p1 $0xFFFFF800;
	s24 =	simm.s32 @!p1 $0x80  }
0x54: {  	[spmem:s2] =	stream.indirect.scatter.add.f32 @!p1 [tilespmem:s28], [sflag:$0x5], $0x10, s25, s24, $0xb8;
	[tilespmem:$0xBF00] =	vst v63  }
0x55: {  	p2 =	sge.s32 s1, s5;
	s24 =	sadd.s32 $0x1, s23;
	_ =	swait.ge @!p1 [sflag:s26], $0x800  }
0x56: {  	s25 =	sshra.s32 @!p2 s0, $0x2;
	s28 =	simm.s32 @!p2 $0x80;
	[sflag:s26] =	ssyncset.done @!p1 $0x0  }
0x57: {  	s25 =	sadd.s32 @!p2 $0x200, s25;
	[sflag:s26] =	ssyncadd.s32 @!p1 $0xFFFFF800;
	p1 =	sge.s32 s24, s5  }
0x58: {  	s24 =	simm.s32 @!p2 $0x4F00;
	s26 =	simm.s32 @!p1 $0x2;
	s29 =	sshra.s32 @!p1 s0, $0x2  }
0x59: {  	[tilespmem:s24], [sflag:$0x1] =	stream.indirect.gather @!p2 [spmem:s3], $0x10, s25, s28, $0xb8;
	[tilespmem:$0xBF00] =	vst v63  }
0x5a: {  	s24 =	sadd.s32 @!p1 $0x2800, s29;
	_ =	swait.ge @!p1 [sflag:s26], $0x800  }
0x5b: {  	s25 =	simm.s32 @!p1 $0x80;
	s28 =	simm.s32 @!p1 $0x5700;
	[sflag:s26] =	ssyncset.done @!p1 $0x0  }
0x5c: {  	s29 =	sadd.s32 $0x5, s23;
	[sflag:s26] =	ssyncadd.s32 @!p1 $0xFFFFF800;
	s26 =	simm.s32 @!p1 $0x5  }
0x5d: {  	[spmem:s2] =	stream.indirect.scatter.add.f32 @!p1 [tilespmem:s28], [sflag:$0x5], $0x10, s24, s25, $0xb8;
	[tilespmem:$0xBF00] =	vst v63  }
0x5e: {  	p2 =	sge.s32 s29, s5;
	s24 =	sadd.s32 $0x2, s23;
	_ =	swait.ge @!p1 [sflag:s26], $0x800  }
0x5f: {  	s25 =	sshra.s32 @!p2 s0, $0x2;
	s28 =	simm.s32 @!p2 $0x80;
	[sflag:s26] =	ssyncset.done @!p1 $0x0  }
0x60: {  	s25 =	sadd.s32 @!p2 $0x280, s25;
	[sflag:s26] =	ssyncadd.s32 @!p1 $0xFFFFF800;
	p1 =	sge.s32 s24, s5  }
0x61: {  	s24 =	simm.s32 @!p2 $0x5700;
	s26 =	simm.s32 @!p1 $0x3;
	s29 =	sshra.s32 @!p1 s0, $0x2  }
0x62: {  	[tilespmem:s24], [sflag:$0x2] =	stream.indirect.gather @!p2 [spmem:s3], $0x10, s25, s28, $0xb8;
	[tilespmem:$0xBF00] =	vst v63  }
0x63: {  	s24 =	sadd.s32 @!p1 $0x2880, s29;
	_ =	swait.ge @!p1 [sflag:s26], $0x800  }
0x64: {  	s25 =	simm.s32 @!p1 $0x80;
	s28 =	simm.s32 @!p1 $0x5F00;
	[sflag:s26] =	ssyncset.done @!p1 $0x0  }
0x65: {  	s29 =	sadd.s32 $0x6, s23;
	[sflag:s26] =	ssyncadd.s32 @!p1 $0xFFFFF800;
	s26 =	simm.s32 @!p1 $0x5  }
0x66: {  	[spmem:s2] =	stream.indirect.scatter.add.f32 @!p1 [tilespmem:s28], [sflag:$0x5], $0x10, s24, s25, $0xb8;
	[tilespmem:$0xBF00] =	vst v63  }
0x67: {  	p2 =	sge.s32 s29, s5;
	s24 =	sadd.s32 $0x3, s23;
	_ =	swait.ge @!p1 [sflag:s26], $0x800  }
0x68: {  	s25 =	sshra.s32 @!p2 s0, $0x2;
	s28 =	simm.s32 @!p2 $0x80;
	[sflag:s26] =	ssyncset.done @!p1 $0x0  }
0x69: {  	s25 =	sadd.s32 @!p2 $0x300, s25;
	[sflag:s26] =	ssyncadd.s32 @!p1 $0xFFFFF800;
	p1 =	sge.s32 s24, s5  }
0x6a: {  	s24 =	simm.s32 @!p2 $0x5F00;
	s26 =	simm.s32 @!p1 $0x4;
	s29 =	sshra.s32 @!p1 s0, $0x2  }
0x6b: {  	[tilespmem:s24], [sflag:$0x3] =	stream.indirect.gather @!p2 [spmem:s3], $0x10, s25, s28, $0xb8;
	[tilespmem:$0xBF00] =	vst v63  }
.Ltmp0:
0x6c: {  	_ = 	snop;
	(pc) =	sbr.rel @p0 .LBB2_2-.Ltmp0, $4  }
0x6d: {  	s0 =	sadd.s32 $0x800, s0;
	s25 =	sadd.s32 @!p1 $0x2900, s29;
	_ =	swait.ge @!p1 [sflag:s26], $0x800  }
0x6e: {  	s28 =	simm.s32 @!p1 $0x80;
	s29 =	simm.s32 @!p1 $0x6700;
	[sflag:s26] =	ssyncset.done @!p1 $0x0  }
0x6f: {  	s23 =	sadd.s32 $0x7, s23;
	s24 =	simm.s32 @!p1 $0x5;
	[sflag:s26] =	ssyncadd.s32 @!p1 $0xFFFFF800  }
0x70: {  	[spmem:s2] =	stream.indirect.scatter.add.f32 @!p1 [tilespmem:s29], [sflag:$0x5], $0x10, s25, s28, $0xb8;
	[tilespmem:$0xBF00] =	vst v63  }
0x71: {  	_ =	swait.ge @!p1 [sflag:s24], $0x800;
	p0 =	sge.s32 s23, s5;
	s31 =	sadd.s32 $0x1, s31  }
0x72: {  	[sflag:s24] =	ssyncset.done @!p1 $0x0;
	s0 =	sshra.s32 @!p0 s14, $0x2;
	s1 =	simm.s32 @!p0 $0x6700  }
0x73: {  	s14 =	simm.s32 @!p0 $0x80;
	[sflag:s24] =	ssyncadd.s32 @!p1 $0xFFFFF800;
	s0 =	sadd.s32 @!p0 $0x380, s0  }
0x74: {  	[tilespmem:s1], [sflag:$0x4] =	stream.indirect.gather @!p0 [spmem:s3], $0x10, s0, s14, $0xb8;
	[tilespmem:$0xBF00] =	vst v63  }
0x75: {  	p0 =	sne.s32 s31, s13  }
.Ltmp1:
0x76: {  	s29 =	sor.u32 $0x1C05, s8;
	[bflag:$0x0] =	sbarrier.arrive $0xFFFF;
	(pc) =	sbr.rel @p0 .LBB2_1-.Ltmp1, $4  }
0x77: {  	[hbm:s12], [sflag:s29] =	dma.local [spmem:s15], $0x500  }
0x78: {  	_ =	swait.ge [sflag:s30], $0x500  }
0x79: {  	[sflag:s30] =	ssyncset.done $0x0  }
0x7a: {  	[sflag:s30] =	ssyncadd.s32 $0xFFFFFB00  }
0x7b: {  	_ =	sfence.sel $0x180000  }
0x7c: {  	[bflag:$0x0] =	sbarrier.arrive $0xFFFF  }
0x7d: {  	_ =	strace $0x90000050  }
0x7e: {  	s0 =	stileid.u32;
	[bflag:$0x2] =	sbarrier.arrive $0xFFFF  }
0x7f: {  	p0 =	sne.s32 s0, $0x0;
	s0 =	rddreg [dreg:$0x3]  }
0x80: {  	s0 =	sadd.s32 @!p0 $0x100000, s0  }
0x81: {  	[sflag:s0] =	ssyncadd.tile.s32 @!p0 $0x1;
	_ =	shalt  }
.Lfunc_end2:
_tile_overlayer_lowered:
.L_overlay_start_2:
0x82: {  	(tag) =	ssettag $0x2  }
0x83: {  	s0 =	rddreg [dreg:$0x0];
	s2 =	stileid.u32  }
0x84: {  	s1 =	rddreg [dreg:$0x1];
	p0 =	sne.s32 s2, $0x0  }
0x85: {  	s3 =	rddreg [dreg:$0x2];
	[bflag:$0x3] =	sbarrier.arrive $0xFFFF;
	s2 =	simm.s32 @!p0 $0x1C05  }
0x86: {  	[timem:s3], [sflag:s2] =	dma.local @!p0 [hbm:s0], s1  }
0x87: {  	s0 =	simm.s32 @!p0 $0x5  }
0x88: {  	_ =	swait.ge @!p0 [sflag:s0], s1  }
0x89: {  	s1 =	ssub.s32 @!p0 $0x0, s1;
	[sflag:s0] =	ssyncset.done @!p0 $0x0  }
0x8a: {  	[sflag:s0] =	ssyncadd.s32 @!p0 s1  }
0x8b: {  	[bflag:$0x3] =	sbarrier.arrive $0xFFFF  }
0x8c: {  	_ =	shalt  }

// kernel: kernel.9.cloned.1.call-start
scs
__scs_entry_jumppad:
0x0: {  	(pc) =	sbr.rel $0x88, $3  }
0x1: {  	(tag) =	ssettag $0x0;
	lr =	simm.s32 $0x1  }
0x2: {  	[smem:$0x3F97] =	sst lr;
	_ =	strace $0xD0000000  }
0x3: {  	_ = 	snop  }
0x4: {  	_ = 	snop  }
0x5: {  	_ = 	snop  }
0x6: {  	_ = 	snop  }
0x7: {  	_ = 	snop  }
__scs_overlays_trampoline_lowered:
0x8: {  	[smem:$0x3FA6] =	sst s0  }
0x9: {  	[smem:$0x3FA7] =	sst s1  }
0xa: {  	[smem:$0x3FA8] =	sst s2  }
0xb: {  	[smem:$0x3FA9] =	sst s3  }
0xc: {  	[smem:$0x3FAA] =	sst s4  }
0xd: {  	[smem:$0x3FAB] =	sst s5  }
0xe: {  	[smem:$0x3FAC] =	sst s6  }
0xf: {  	[smem:$0x3FAD] =	sst s7  }
0x10: {  	[smem:$0x3FAE] =	sst s8  }
0x11: {  	[smem:$0x3FAF] =	sst s9;
	s0 =	simm.s32 @!p0 $0x0  }
0x12: {  	s1 =	sld [smem:$0x3F95];
	s0 =	simm.s32 @p0 $0x1  }
0x13: {  	[smem:$0x3FB0] =	sst s0;
	s0 =	simm.s32 @!p1 $0x0  }
0x14: {  	s2 =	sld [smem:$0x3F94];
	s0 =	simm.s32 @p1 $0x1  }
0x15: {  	[smem:$0x3FB1] =	sst s0;
	s0 =	simm.s32 @!p2 $0x0  }
0x16: {  	s3 =	sld [smem:$0x3FDB];
	s0 =	simm.s32 @p2 $0x1  }
0x17: {  	s4 =	simm.s32 $0x1BF5;
	[smem:$0x3FB3] =	sst s0  }
0x18: {  	s0 =	sld [smem:$0x3F96];
	_ =	swait.ge [sflag:s4], $0x0  }
0x19: {  	s7 =	sld [smem:$0x3F97]  }
0x1a: {  	s8 =	sadd.s32 $0xFFFFE003, lr  }
0x1b: {  	s9 =	sadd.s32 $0xFFFFFEF7, lr;
	s5 =	simm.s32 $0xFFFFFFFF;
	p2 =	slt.u32 s8, $0xFFFFF086  }
0x1c: {  	p1 =	slt.u32 s9, $0xF7A;
	s5 =	simm.s32 @!p2 $0x0  }
0x1d: {  	s5 =	simm.s32 @p1 $0x1;
	p0 =	seq.s32 s7, s2  }
0x1e: {  	s7 =	smul.u32 @!p0 $0xF7A, s2;
	p2 =	seq.s32 @!p0 s5, $0x0  }
0x1f: {  	s9 =	smul.u32 $0xF7A, s1;
	s8 =	simm.s32 @!p0 $0x1BF5;
	p2 =	por !p2, p0  }
0x20: {  	[sflag:s8] =	ssyncset.s32 @!p0 $0xFFFFF086;
	s6 =	sadd.s32 @!p0 s3, s7;
	s7 =	simm.s32 @!p0 $0x108  }
0x21: {  	s3 =	sadd.s32 s3, s9;
	s6 =	sadd.s32 @!p0 $0x88, s6;
	s7 =	simm.s32 @p2 $0x1082  }
0x22: {  	[simem:s7], [sflag:s8] =	dma.local @!p0 [hbm:s6], $0xF7A  }
0x23: {  	s9 =	sor.u32 $0xD0000000, s2;
	s6 =	simm.s32 $0x108;
	_ =	swait.ge @!p0 [sflag:s8], $0x0  }
0x24: {  	s3 =	sadd.s32 $0x88, s3;
	s6 =	simm.s32 @!p1 $0x1082;
	[sflag:s4] =	ssyncset.s32 $0xFFFFF086  }
0x25: {  	[simem:s6], [sflag:s4] =	dma.local [hbm:s3], $0xF7A  }
0x26: {  	[smem:$0x3F97] =	sst s1;
	(tag) =	ssettag s2;
	_ =	strace s9  }
0x27: {  	s1 =	sld [smem:$0x3FA7]  }
0x28: {  	s2 =	sld [smem:$0x3FA8]  }
0x29: {  	s4 =	sld [smem:$0x3FAA]  }
0x2a: {  	p0 =	seq.s32 s5, $0x0;
	s5 =	sld [smem:$0x3FAB]  }
0x2b: {  	s6 =	sld [smem:$0x3FAC]  }
0x2c: {  	s7 =	sld [smem:$0x3FAD]  }
0x2d: {  	s3 =	simm.s32 $0x108;
	s8 =	sld [smem:$0x3FAE]  }
0x2e: {  	s3 =	simm.s32 @!p0 $0x1082;
	s9 =	sld [smem:$0x3FAF]  }
0x2f: {  	lr =	sadd.s32 s0, s3;
	s0 =	sld [smem:$0x3FA6]  }
0x30: {  	s3 =	sld [smem:$0x3FA9]  }
0x31: {  	[smem:$0x3FB2] =	sst s10  }
0x32: {  	s10 =	sld [smem:$0x3FB0];
	_ =	sdelay $0x3  }
0x33: {  	p0 =	seq.s32 s10, $0x1;
	s10 =	sld [smem:$0x3FB2];
	_ =	sdelay $0x3  }
0x34: {  	[smem:$0x3FB2] =	sst s10  }
0x35: {  	s10 =	sld [smem:$0x3FB1];
	_ =	sdelay $0x3  }
0x36: {  	p1 =	seq.s32 s10, $0x1;
	s10 =	sld [smem:$0x3FB2];
	_ =	sdelay $0x3  }
0x37: {  	[smem:$0x3FB2] =	sst s10  }
0x38: {  	s10 =	sld [smem:$0x3FB3]  }
0x39: {  	_ = 	snop;
	(pc) =	sbr.ind lr, $3  }
0x3a: {  	_ = 	snop  }
0x3b: {  	_ = 	snop  }
0x3c: {  	p2 =	seq.s32 s10, $0x1;
	s10 =	sld [smem:$0x3FB2]  }
0x3d: {  	_ =	shalt  }
0x3e: {  	_ =	shalt  }
0x3f: {  	_ =	shalt  }
0x40: {  	_ =	shalt  }
0x41: {  	_ =	shalt  }
0x42: {  	_ =	shalt  }
0x43: {  	_ =	shalt  }
0x44: {  	_ =	shalt  }
0x45: {  	_ =	shalt  }
0x46: {  	_ =	shalt  }
0x47: {  	_ =	shalt  }
0x48: {  	_ =	shalt  }
0x49: {  	_ =	shalt  }
0x4a: {  	_ =	shalt  }
0x4b: {  	_ =	shalt  }
0x4c: {  	_ =	shalt  }
0x4d: {  	_ =	shalt  }
0x4e: {  	_ =	shalt  }
0x4f: {  	_ =	shalt  }
0x50: {  	_ =	shalt  }
0x51: {  	_ =	shalt  }
0x52: {  	_ =	shalt  }
0x53: {  	_ =	shalt  }
0x54: {  	_ =	shalt  }
0x55: {  	_ =	shalt  }
0x56: {  	_ =	shalt  }
0x57: {  	_ =	shalt  }
0x58: {  	_ =	shalt  }
0x59: {  	_ =	shalt  }
0x5a: {  	_ =	shalt  }
0x5b: {  	_ =	shalt  }
0x5c: {  	_ =	shalt  }
0x5d: {  	_ =	shalt  }
0x5e: {  	_ =	shalt  }
0x5f: {  	_ =	shalt  }
0x60: {  	_ =	shalt  }
0x61: {  	_ =	shalt  }
0x62: {  	_ =	shalt  }
0x63: {  	_ =	shalt  }
0x64: {  	_ =	shalt  }
0x65: {  	_ =	shalt  }
0x66: {  	_ =	shalt  }
0x67: {  	_ =	shalt  }
0x68: {  	_ =	shalt  }
0x69: {  	_ =	shalt  }
0x6a: {  	_ =	shalt  }
0x6b: {  	_ =	shalt  }
0x6c: {  	_ =	shalt  }
0x6d: {  	_ =	shalt  }
0x6e: {  	_ =	shalt  }
0x6f: {  	_ =	shalt  }
0x70: {  	_ =	shalt  }
0x71: {  	_ =	shalt  }
0x72: {  	_ =	shalt  }
0x73: {  	_ =	shalt  }
0x74: {  	_ =	shalt  }
0x75: {  	_ =	shalt  }
0x76: {  	_ =	shalt  }
0x77: {  	_ =	shalt  }
0x78: {  	_ =	shalt  }
0x79: {  	_ =	shalt  }
0x7a: {  	_ =	shalt  }
0x7b: {  	_ =	shalt  }
0x7c: {  	_ =	shalt  }
0x7d: {  	_ =	shalt  }
0x7e: {  	_ =	shalt  }
0x7f: {  	_ =	shalt  }
0x80: {  	_ =	shalt  }
0x81: {  	_ =	shalt  }
0x82: {  	_ =	shalt  }
0x83: {  	_ =	shalt  }
0x84: {  	_ =	shalt  }
0x85: {  	_ =	shalt  }
0x86: {  	_ =	shalt  }
0x87: {  	_ =	shalt  }
.Lfunc_end0:
.L_simem_size_0:
called_computation_lowered:
.L_overlay_start_0:
0x88: {  	s2 =	sld [smem:$0x3FD9]  }
0x89: {  	s3 =	sld [smem:$0x3FFE];
	_ =	sdelay $0x1  }
0x8a: {  	s1 =	srdreg.scid  }
0x8b: {  	s0 =	sand.u32 $0x1, s1  }
0x8c: {  	s17 =	sshll.u32 s0, $0xA;
	s2 =	sadd.s32 s3, s2  }
0x8d: {  	s2 =	sadd.s32 s2, s17  }
0x8e: {  	[smem:$0x3FBE] =	sst s2  }
0x8f: {  	_ = 	snop  }
0x90: {  	s2 =	sld [smem:$0x3FD0];
	(tm) =	ssettm $0x1  }
0x91: {  	s18 =	sld [smem:$0x3FFB];
	_ =	sdelay $0x3  }
0x92: {  	_ =	strace s18  }
0x93: {  	s3 =	sld [smem:$0x3FFC];
	_ =	sdelay $0x3  }
0x94: {  	_ =	strace s3  }
0x95: {  	s3 =	sld [smem:$0x3FFD];
	_ =	sdelay $0x3  }
0x96: {  	_ =	strace s3  }
0x97: {  	_ =	strace $0x8FFFFFFF  }
0x98: {  	s19 =	sld [smem:$0x3FDB];
	_ =	sdelay $0x1  }
0x99: {  	s4 =	simm.s32 $_scs_section_size  }
0x9a: {  	s5 =	simm.s32 $_size__tile_overlayer_lowered;
	s6 =	simm.s32 $_tile_overlayer_lowered  }
0x9b: {  	s22 =	simm.s32 $0x1BFF;
	s21 =	sshll.u32 s6, $0x1;
	s3 =	sadd.s32 s4, s19  }
0x9c: {  	s7 =	simm.s32 $0x0;
	s20 =	sshll.u32 s5, $0x1;
	s5 =	sadd.s32 s21, s3  }
0x9d: {  	[timem:s7], [sflag:s22] =	dma.local [hbm:s5], s20  }
0x9e: {  	_ =	swait.ge [sflag:s22], s20  }
0x9f: {  	s4 =	ssub.s32 $0x0, s20;
	[sflag:s22] =	ssyncset.done $0x0  }
0xa0: {  	[sflag:s22] =	ssyncadd.s32 s4;
	_ =	sdelay $0x1  }
0xa1: {  	s23 =	simm.s32 $0x1B8B  }
0xa2: {  	_ =	swait.ge [sflag:s23], $0x1  }
0xa3: {  	[sflag:s23] =	ssyncset.done $0x0  }
0xa4: {  	s25 =	simm.s32 $0x1B8E;
	s24 =	sld [smem:$0x3FFE];
	[sflag:s23] =	ssyncadd.s32 $0xFFFFFFFF  }
0xa5: {  	s26 =	simm.s32 $execute0_lowered;
	[smem:$0x3FD2] =	sst s25  }
0xa6: {  	s5 =	sshll.u32 s26, $0x1;
	_ =	strace $0x80000046;
	[dreg:$0x1] =	wrdreg $0xFFFFFFFF  }
0xa7: {  	s28 =	simm.s32 $_size_execute0_lowered;
	s3 =	sadd.s32 s3, s5;
	[dreg:$0x0] =	wrdreg $0x0  }
0xa8: {  	s5 =	sshll.u32 s28, $0x1;
	[dreg:$0x2] =	wrdreg s3  }
0xa9: {  	[dreg:$0x3] =	wrdreg s5  }
0xaa: {  	[dreg:$0x4] =	wrdreg $0xC0  }
0xab: {  	_ =	task [dreg:s7], $0x5FFFF  }
0xac: {  	[dreg:$0x1] =	wrdreg $0xFFFFFFFF  }
0xad: {  	[dreg:$0x0] =	wrdreg $0x60  }
0xae: {  	[dreg:$0x2] =	wrdreg s2  }
0xaf: {  	[dreg:$0x3] =	wrdreg s24  }
0xb0: {  	[dreg:$0x4] =	wrdreg $0x2F800  }
0xb1: {  	[dreg:$0x5] =	wrdreg $0x9  }
0xb2: {  	_ =	task.clear_ibuf [dreg:s7], $0x6FFFF;
	_ =	strace $0x90000046  }
0xb3: {  	s29 =	simm.s32 $0x9;
	_ =	strace $0x80000048  }
0xb4: {  	_ =	swait.ge [sflag:s29], $0x1  }
0xb5: {  	[sflag:s29] =	ssyncadd.s32 $0xFFFFFFFF  }
0xb6: {  	_ =	strace $0x90000048  }
0xb7: {  	_ =	sfence  }
0xb8: {  	s30 =	sld [smem:$0x0];
	_ =	sdelay $0x2  }
0xb9: {  	s31 =	sshll.u32 s1, $0xD;
	s1 =	sshrl.u32 s1, $0x2  }
0xba: {  	s3 =	sand.u32 $0x4000, s31;
	s1 =	sadd.s32 s1, s30  }
0xbb: {  	s0 =	sor.u32 s3, s0;
	s1 =	sshll.u32 s1, $0x11  }
0xbc: {  	s0 =	sor.u32 s1, s0  }
0xbd: {  	s0 =	sadd.s32 $0x8F2B, s0  }
0xbe: {  	[sflag:s0] =	ssyncadd.remote.s32 $0x1  }
0xbf: {  	_ =	sfence.sel $0xFFFF  }
0xc0: {  	[dreg:$0x0] =	wrdreg $0xFFFFFFFF;
	(pc) =	sbr.abs _section_cstart, $3  }
0xc1: {  	[dreg:$0x1] =	wrdreg $0xFFFFFFFF  }
0xc2: {  	_ =	task.clear_ibuf [dreg:s7], $0x2FFFF;
	_ =	strace $0x9FFFFFFF  }
0xc3: {  	(tm) =	ssettm $0x7FFFFFFF  }
tec
execute0_lowered:
.L_overlay_start_1:
0x0: {  	(tag) =	ssettag $0x1  }
0x1: {  	s0 =	srdreg.scid;
	s8 =	rddreg [dreg:$0x1]  }
0x2: {  	s4 =	rddreg [dreg:$0x2];
	s5 =	simm.s32 $0x0;
	s6 =	sand.u32 $0x1, s0  }
0x3: {  	s14 =	simm.s32 $0x2;
	s0 =	stileid.u32;
	s1 =	sshll.u32 s6, $0x4  }
0x4: {  	s15 =	simm.s32 $0x3;
	s9 =	smul.u32 $0x2800, s0;
	s1 =	sor.u32 s0, s1  }
0x5: {  	s18 =	simm.s32 $0x5;
	s19 =	simm.s32 $0x0;
	s1 =	smul.u32 $0x9C4, s1  }
0x6: {  	[smem:$0x7FF] =	sst s5;
	s30 =	smul.u32 $0x28000, s6;
	s6 =	ssub.s32 $0x2, s6  }
0x7: {  	s17 =	sshll.u32 s0, $0x6;
	s12 =	sshrl.u32 s6, $0x1;
	s2 =	sadd.s32 $0x9C4, s1  }
0x8: {  	s11 =	sshrl.u32 s9, $0x3;
	s7 =	sshrl.u32 s1, $0x5;
	s24 =	sshrl.u32 s2, $0x5  }
0x9: {  	s12 =	ssub.s32 s6, s12;
	s13 =	sadd.s32 s9, s4;
	s1 =	ssub.s32 s24, s7  }
0xa: {  	s11 =	sadd.s32 s11, s8;
	s7 =	sshll.u32 s7, $0x4;
	p1 =	slt.s32 s1, $0x1  }
0xb: {  	p2 =	slt.s32 s1, $0x4D;
	s7 =	sadd.s32 s7, s8;
	p4 =	slt.u32 @!p1 s1, $0x2  }
0xc: {  	p6 =	seq.s32 @!p2 s1, $0x4D;
	s2 =	simm.s32 @!p4 $0x0;
	p0 =	por p4, p1  }
0xd: {  	s6 =	sadd.s32 $0xD840, s7;
	s2 =	simm.s32 @p4 $0x1;
	p3 =	slt.u32 @!p0 s1, $0x3  }
0xe: {  	[smem:$0x7FA] =	sst s2;
	s2 =	simm.s32 @!p3 $0x0;
	p4 =	por @!p1 p3, p4  }
0xf: {  	s2 =	simm.s32 @p3 $0x1;
	p3 =	por p4, p1;
	s29 =	sld [smem:$0x7FA]  }
0x10: {  	[smem:$0x7F7] =	sst s2;
	s2 =	simm.s32 @!p6 $0x0;
	s3 =	simm.s32 @!p3 $0x0  }
0x11: {  	s3 =	simm.s32 @p3 $0x1;
	p3 =	slt.u32 @!p3 s1, $0x4;
	s25 =	sld [smem:$0x7F7]  }
0x12: {  	s2 =	simm.s32 @p6 $0x1;
	[smem:$0x7F5] =	sst s3;
	s3 =	simm.s32 @!p3 $0x0  }
0x13: {  	p4 =	por p6, p2;
	[smem:$0x7F9] =	sst s2;
	s3 =	simm.s32 @p3 $0x1  }
0x14: {  	s7 =	sadd.s32 $0x17600, s11;
	p3 =	slt.u32 @!p4 s1, $0x4F;
	[smem:$0x7F8] =	sst s3  }
0x15: {  	s11 =	simm.s32 $0x2780;
	s3 =	simm.s32 @!p3 $0x0;
	s26 =	sld [smem:$0x7F8]  }
0x16: {  	s16 =	simm.s32 @!p1 $0x0;
	s28 =	sld [smem:$0x7F9];
	s3 =	simm.s32 @p3 $0x1  }
0x17: {  	s16 =	simm.s32 @p1 $0x1;
	[smem:$0x7FB] =	sst s3;
	s3 =	simm.s32 @!p0 $0x0  }
0x18: {  	p6 =	seq.s32 s25, $0x1;
	s3 =	simm.s32 @p0 $0x1;
	p5 =	seq.s32 s26, $0x1  }
0x19: {  	p0 =	por @!p0 p5, p6;
	p6 =	seq.s32 s28, $0x1;
	p5 =	seq.s32 s29, $0x1  }
0x1a: {  	s10 =	sld [smem:$0x7FB];
	p3 =	por @!p2 p3, p6;
	p0 =	por @!p1 p0, p5  }
0x1b: {  	[smem:$0x7F6] =	sst s3;
	s3 =	simm.s32 @!p0 $0x0;
	p5 =	por p3, p2  }
0x1c: {  	s2 =	rddreg [dreg:$0x0];
	s3 =	simm.s32 @p0 $0x1;
	p3 =	seq.s32 @!p5 s1, $0x4F  }
0x1d: {  	p0 =	seq.s32 s10, $0x1;
	s10 =	sadd.s32 s9, s30;
	[smem:$0x7FD] =	sst s3  }
0x1e: {  	s3 =	rddreg [dreg:$0x3];
	p3 =	por @!p4 p3, p0;
	_ =	strace $0x80000047  }
0x1f: {  	s10 =	sshrl.u32 s10, $0x3;
	p3 =	por @!p2 p3, p6;
	s31 =	sld [smem:$0x7FD]  }
0x20: {  	s10 =	sadd.s32 s10, s8;
	s8 =	sor.u32 $0x1C03, s17;
	[smem:$0x7FC] =	sst s16  }
0x21: {  	s16 =	simm.s32 $0x4;
	s17 =	sor.u32 $0x1C05, s17;
	s9 =	sadd.s32 $0x1C600, s10  }
0x22: {  	s10 =	smax.u32 s12, $0x1;
	s12 =	sshrl.u32 s13, $0x3;
	p6 =	seq.s32 s31, $0x1  }
0x23: {  	s13 =	simm.s32 $0x1;
	p6 =	por p6, p1;
	p1 =	por p3, p2  }
.LBB2_1:
0x24: {  	[tilespmem:s5], [sflag:$0x1] =	stream.linear.gather [hbm4b:s6+s5], $0x2780, $0x38;
	[tilespmem:$0x5780] =	vst v63  }
0x25: {  	_ = 	snop  }
0x26: {  	[tilespmem:s11], [sflag:$0x2] =	stream.linear.gather [hbm4b:s2+s5], $0x800, $0x38;
	[tilespmem:$0x5780] =	vst v63  }
0x27: {  	[spmem:s12], [sflag:s8] =	dma.local [hbm:s7], $0x500  }
0x28: {  	_ =	swait.ge [sflag:s13], $0x2780  }
0x29: {  	[sflag:s13] =	ssyncset.done $0x0  }
0x2a: {  	[sflag:s13] =	ssyncadd.s32 $0xFFFFD880  }
0x2b: {  	_ =	swait.ge [sflag:s14], $0x800  }
0x2c: {  	[sflag:s14] =	ssyncset.done $0x0  }
0x2d: {  	[sflag:s14] =	ssyncadd.s32 $0xFFFFF800  }
0x2e: {  	_ =	swait.ge [sflag:s15], $0x500  }
0x2f: {  	[sflag:s15] =	ssyncset.done $0x0  }
0x30: {  	[sflag:s15] =	ssyncadd.s32 $0xFFFFFB00  }
0x31: {  	[bflag:$0x0] =	sbarrier.arrive $0xFFFF  }
0x32: {  	s20 =	sld [smem:$0x7FC];
	_ =	sdelay $0x2  }
0x33: {  	s30 =	sld [smem:$0x7F6];
	p0 =	seq.s32 s20, $0x1  }
0x34: {  	s20 =	simm.s32 @!p0 $0x80;
	s21 =	simm.s32 @!p0 $0x0;
	s22 =	simm.s32 @!p0 $0x2780  }
0x35: {  	[spmem:s4] =	stream.indirect.scatter.add.f32 @!p0 [tilespmem:s22], [sflag:$0x1], $0x10, s21, s20, $0xb8;
	[tilespmem:$0x5780] =	vst v63  }
0x36: {  	s31 =	sld [smem:$0x7F5];
	p0 =	seq.s32 s30, $0x1  }
0x37: {  	s20 =	simm.s32 @!p0 $0x80;
	s21 =	simm.s32 @!p0 $0x2780  }
0x38: {  	[spmem:s4] =	stream.indirect.scatter.add.f32 @!p0 [tilespmem:s21], [sflag:$0x2], $0x10, s20, s20, $0xb8;
	[tilespmem:$0x5780] =	vst v63  }
0x39: {  	p0 =	seq.s32 s31, $0x1  }
0x3a: {  	s20 =	simm.s32 @!p0 $0x80;
	s21 =	simm.s32 @!p0 $0x100;
	s22 =	simm.s32 @!p0 $0x2780  }
0x3b: {  	[spmem:s4] =	stream.indirect.scatter.add.f32 @!p0 [tilespmem:s22], [sflag:$0x3], $0x10, s21, s20, $0xb8;
	[tilespmem:$0x5780] =	vst v63  }
0x3c: {  	s20 =	simm.s32 @!p6 $0x80;
	s21 =	simm.s32 @!p6 $0x180;
	s22 =	simm.s32 @!p6 $0x2780  }
0x3d: {  	[spmem:s4] =	stream.indirect.scatter.add.f32 @!p6 [tilespmem:s22], [sflag:$0x4], $0x10, s21, s20, $0xb8;
	[tilespmem:$0x5780] =	vst v63  }
0x3e: {  	_ =	swait.ge [sflag:s13], $0x800  }
0x3f: {  	p0 =	sle.s32 s1, $0x4;
	s20 =	simm.s32 $0x200;
	[sflag:s13] =	ssyncset.done $0x0  }
0x40: {  	s21 =	simm.s32 @!p0 $0x80;
	s22 =	simm.s32 @!p0 $0x2780;
	[sflag:s13] =	ssyncadd.s32 $0xFFFFF800  }
0x41: {  	[spmem:s4] =	stream.indirect.scatter.add.f32 @!p0 [tilespmem:s22], [sflag:$0x1], $0x10, s20, s21, $0xb8;
	[tilespmem:$0x5780] =	vst v63  }
0x42: {  	p0 =	sle.s32 s1, $0x5;
	_ =	swait.ge [sflag:s14], $0x800  }
0x43: {  	s20 =	simm.s32 @!p0 $0x280;
	[sflag:s14] =	ssyncset.done $0x0  }
0x44: {  	s21 =	simm.s32 @!p0 $0x80;
	s22 =	simm.s32 @!p0 $0x2780;
	[sflag:s14] =	ssyncadd.s32 $0xFFFFF800  }
0x45: {  	[spmem:s4] =	stream.indirect.scatter.add.f32 @!p0 [tilespmem:s22], [sflag:$0x2], $0x10, s20, s21, $0xb8;
	[tilespmem:$0x5780] =	vst v63  }
0x46: {  	p0 =	sle.s32 s1, $0x6;
	_ =	swait.ge [sflag:s15], $0x800  }
0x47: {  	s20 =	simm.s32 $0xB;
	s21 =	simm.s32 @!p0 $0x300;
	[sflag:s15] =	ssyncset.done $0x0  }
0x48: {  	s22 =	simm.s32 @!p0 $0x2780;
	s23 =	simm.s32 @!p0 $0x80;
	[sflag:s15] =	ssyncadd.s32 $0xFFFFF800  }
0x49: {  	[spmem:s4] =	stream.indirect.scatter.add.f32 @!p0 [tilespmem:s22], [sflag:$0x3], $0x10, s21, s23, $0xb8;
	[tilespmem:$0x5780] =	vst v63  }
0x4a: {  	p0 =	sle.s32 s1, $0x7;
	s21 =	simm.s32 $0x400;
	_ =	swait.ge [sflag:s16], $0x800  }
0x4b: {  	s22 =	simm.s32 @!p0 $0x380;
	s23 =	simm.s32 @!p0 $0x2780;
	[sflag:s16] =	ssyncset.done $0x0  }
.LBB2_2:
0x4c: {  	[sflag:s16] =	ssyncadd.s32 $0xFFFFF800;
	s24 =	simm.s32 @!p0 $0x80  }
0x4d: {  	s25 =	smov.u32 s20;
	s20 =	sadd.s32 $0x4, s20;
	s26 =	smov.u32 s21  }
0x4e: {  	[spmem:s4] =	stream.indirect.scatter.add.f32 @!p0 [tilespmem:s23], [sflag:$0x4], $0x10, s22, s24, $0xb8;
	[tilespmem:$0x5780] =	vst v63  }
0x4f: {  	s22 =	sadd.s32 $0xFFFFFFFD, s25;
	p3 =	sne.s32 s20, $0x53;
	_ =	swait.ge [sflag:s13], $0x800  }
0x50: {  	p0 =	sge.s32 s22, s1;
	[sflag:s13] =	ssyncset.done $0x0  }
0x51: {  	s22 =	simm.s32 @!p0 $0x80;
	s23 =	simm.s32 @!p0 $0x2780;
	[sflag:s13] =	ssyncadd.s32 $0xFFFFF800  }
0x52: {  	[spmem:s4] =	stream.indirect.scatter.add.f32 @!p0 [tilespmem:s23], [sflag:$0x1], $0x10, s21, s22, $0xb8;
	[tilespmem:$0x5780] =	vst v63  }
0x53: {  	s22 =	sadd.s32 $0xFFFFFFFE, s25;
	_ =	swait.ge [sflag:s14], $0x800  }
0x54: {  	p0 =	sge.s32 s22, s1;
	[sflag:s14] =	ssyncset.done $0x0  }
0x55: {  	s22 =	sadd.s32 @!p0 $0x80, s21;
	s23 =	simm.s32 @!p0 $0x80;
	[sflag:s14] =	ssyncadd.s32 $0xFFFFF800  }
0x56: {  	s28 =	sadd.s32 $0xFFFFFFFF, s25;
	s24 =	simm.s32 @!p0 $0x2780  }
0x57: {  	[spmem:s4] =	stream.indirect.scatter.add.f32 @!p0 [tilespmem:s24], [sflag:$0x2], $0x10, s22, s23, $0xb8;
	[tilespmem:$0x5780] =	vst v63  }
0x58: {  	p0 =	sge.s32 s28, s1  }
0x59: {  	_ =	swait.ge [sflag:s15], $0x800;
	s22 =	sadd.s32 @!p0 $0x100, s21  }
.Ltmp0:
0x5a: {  	s23 =	simm.s32 @!p0 $0x2780;
	[sflag:s15] =	ssyncset.done $0x0;
	(pc) =	sbr.rel @p3 .LBB2_2-.Ltmp0, $4  }
0x5b: {  	s24 =	simm.s32 @!p0 $0x80;
	[sflag:s15] =	ssyncadd.s32 $0xFFFFF800  }
0x5c: {  	[spmem:s4] =	stream.indirect.scatter.add.f32 @!p0 [tilespmem:s23], [sflag:$0x3], $0x10, s22, s24, $0xb8;
	[tilespmem:$0x5780] =	vst v63  }
0x5d: {  	s21 =	sadd.s32 $0x200, s21;
	p0 =	sge.s32 s25, s1;
	_ =	swait.ge [sflag:s16], $0x800  }
0x5e: {  	s22 =	sadd.s32 @!p0 $0x180, s26;
	s23 =	simm.s32 @!p0 $0x2780;
	[sflag:s16] =	ssyncset.done $0x0  }
0x5f: {  	[sflag:s16] =	ssyncadd.s32 $0xFFFFF800;
	s20 =	simm.s32 @!p0 $0x80  }
0x60: {  	[spmem:s4] =	stream.indirect.scatter.add.f32 @!p0 [tilespmem:s23], [sflag:$0x4], $0x10, s22, s20, $0xb8;
	[tilespmem:$0x5780] =	vst v63  }
0x61: {  	s20 =	simm.s32 @!p2 $0x1  }
0x62: {  	_ =	swait.ge @!p2 [sflag:s20], $0x800  }
0x63: {  	[sflag:s20] =	ssyncset.done @!p2 $0x0  }
0x64: {  	[sflag:s20] =	ssyncadd.s32 @!p2 $0xFFFFF800;
	s20 =	simm.s32 @!p4 $0x2  }
0x65: {  	_ =	swait.ge @!p4 [sflag:s20], $0x800  }
0x66: {  	[sflag:s20] =	ssyncset.done @!p4 $0x0  }
0x67: {  	[sflag:s20] =	ssyncadd.s32 @!p4 $0xFFFFF800;
	s20 =	simm.s32 @!p5 $0x3  }
0x68: {  	_ =	swait.ge @!p5 [sflag:s20], $0x800  }
0x69: {  	[sflag:s20] =	ssyncset.done @!p5 $0x0  }
0x6a: {  	[sflag:s20] =	ssyncadd.s32 @!p5 $0xFFFFF800;
	s20 =	simm.s32 @!p1 $0x4  }
0x6b: {  	_ =	swait.ge @!p1 [sflag:s20], $0x800  }
0x6c: {  	s19 =	sadd.s32 $0x1, s19;
	[sflag:s20] =	ssyncset.done @!p1 $0x0  }
0x6d: {  	p0 =	sne.s32 s19, s10;
	[sflag:s20] =	ssyncadd.s32 @!p1 $0xFFFFF800  }
.Ltmp1:
0x6e: {  	[bflag:$0x0] =	sbarrier.arrive $0xFFFF;
	(pc) =	sbr.rel @p0 .LBB2_1-.Ltmp1, $4  }
0x6f: {  	[hbm:s9], [sflag:s17] =	dma.local [spmem:s12], $0x500  }
0x70: {  	_ =	swait.ge [sflag:s18], $0x500  }
0x71: {  	[sflag:s18] =	ssyncset.done $0x0  }
0x72: {  	[sflag:s18] =	ssyncadd.s32 $0xFFFFFB00  }
0x73: {  	_ =	sfence.sel $0x180000  }
0x74: {  	[bflag:$0x0] =	sbarrier.arrive $0xFFFF  }
0x75: {  	p0 =	sne.s32 s0, $0x0;
	_ =	strace $0x90000047  }
0x76: {  	s0 =	sadd.s32 @!p0 $0x100000, s3;
	[bflag:$0x2] =	sbarrier.arrive $0xFFFF  }
0x77: {  	[sflag:s0] =	ssyncadd.tile.s32 @!p0 $0x1;
	_ =	shalt  }
.Lfunc_end2:
_tile_overlayer_lowered:
.L_overlay_start_2:
0x78: {  	(tag) =	ssettag $0x2  }
0x79: {  	s0 =	rddreg [dreg:$0x0];
	s2 =	stileid.u32  }
0x7a: {  	s1 =	rddreg [dreg:$0x1];
	p0 =	sne.s32 s2, $0x0  }
0x7b: {  	s3 =	rddreg [dreg:$0x2];
	[bflag:$0x3] =	sbarrier.arrive $0xFFFF;
	s2 =	simm.s32 @!p0 $0x1C05  }
0x7c: {  	[timem:s3], [sflag:s2] =	dma.local @!p0 [hbm:s0], s1  }
0x7d: {  	s0 =	simm.s32 @!p0 $0x5  }
0x7e: {  	_ =	swait.ge @!p0 [sflag:s0], s1  }
0x7f: {  	s1 =	ssub.s32 @!p0 $0x0, s1;
	[sflag:s0] =	ssyncset.done @!p0 $0x0  }
0x80: {  	[sflag:s0] =	ssyncadd.s32 @!p0 s1  }
0x81: {  	[bflag:$0x3] =	sbarrier.arrive $0xFFFF  }
0x82: {  	_ =	shalt  }

</sc_bundles>
